<compile_context>
chip_gen: v7x
topology: tpu7x:2x2x1
jax: 0.10.2.dev20260603
libtpu: 0.0.44.dev20260713+nightly
codegen_flags: <defaults>
</compile_context>

<pallas_src>
import jax
import jax.numpy as jnp
from jax import lax
from jax.experimental import pallas as pl
from jax.experimental.pallas import tpu as pltpu
from jax.experimental.pallas import tpu_sc as plsc

_B = 16384
_NB = 32
_INV_B = 1.0 / _B


def _gram_body(x_ref, g_ref, ld_ref):
    x = x_ref[...].astype(jnp.bfloat16)
    g = lax.dot_general(
        x, x, (((1,), (1,)), ((), ())), preferred_element_type=jnp.float32
    )
    g_ref[...] = g
    rows = lax.broadcasted_iota(jnp.int32, (_NB, _NB), 0)
    cols = lax.broadcasted_iota(jnp.int32, (_NB, _NB), 1)
    eye = rows == cols
    diag = jnp.where(eye, g, 0.0)
    lp_c = jnp.log(0.5 + jnp.sum(diag, axis=1, keepdims=True) * (0.5 * _INV_B))
    lp_r = jnp.log(0.5 + jnp.sum(diag, axis=0, keepdims=True) * (0.5 * _INV_B))
    ld_ref[...] = lp_c + lp_r


def _gram(bits_t):
    return pl.pallas_call(
        _gram_body,
        out_shape=(
            jax.ShapeDtypeStruct((_NB, _NB), jnp.float32),
            jax.ShapeDtypeStruct((_NB, _NB), jnp.float32),
        ),
    )(bits_t)


def _fastlog(x):
    xi = lax.bitcast_convert_type(x, jnp.int32)
    e = (xi >> 23) - 127
    m = lax.bitcast_convert_type((xi & 0x007FFFFF) | 0x3F800000, jnp.float32)
    big = m > 1.41421356
    m = jnp.where(big, m * 0.5, m)
    e = e + jnp.where(big, 1, 0)
    f = m - 1.0
    z = f * f
    y = jnp.full(x.shape, 7.0376836292e-2, jnp.float32)
    for c in (
        -1.1514610310e-1,
        1.1676998740e-1,
        -1.2420140846e-1,
        1.4249322787e-1,
        -1.6668057665e-1,
        2.0000714765e-1,
        -2.4999993993e-1,
        3.3333331174e-1,
    ):
        y = y * f + c
    y = y * f * z
    y = y - 0.5 * z
    return f + y + e.astype(jnp.float32) * 0.6931471805599453


def _mi_body(g_hbm, ld_hbm, out_hbm, g_v, ld_v, out_v, sem):
    on_lead = jnp.logical_and(lax.axis_index("c") == 0, lax.axis_index("s") == 0)

    @pl.when(on_lead)
    def _():
        pltpu.sync_copy(g_hbm, g_v)
        pltpu.sync_copy(ld_hbm, ld_v)
        lane = lax.iota(jnp.int32, 16)
        mi = jnp.zeros((16,), jnp.float32)
        cnt = jnp.zeros((16,), jnp.float32)
        for k in range(_NB * _NB // 16):
            i = k >> 1
            jbase = (k & 1) * 16
            if i <= jbase:
                continue
            g = g_v[i, pl.ds(jbase, 16)]
            ld = ld_v[i, pl.ds(jbase, 16)]
            tri = (jbase + lane) < i
            valid = jnp.logical_and(tri, g > 0.0)
            p = g * _INV_B
            t = p * (_fastlog(jnp.maximum(p, 1e-30)) - ld)
            mi = mi + jnp.where(valid, t, 0.0)
            cnt = cnt + jnp.where(valid, 1.0, 0.0)
        mi_bv = jnp.broadcast_to(jnp.sum(mi), (16,))
        cnt_bv = jnp.broadcast_to(jnp.sum(cnt), (16,))
        out_v[...] = mi_bv / cnt_bv
        pltpu.sync_copy(out_v, out_hbm)


_mi_sc = pl.kernel(
    _mi_body,
    out_type=jax.ShapeDtypeStruct((16,), jnp.float32),
    mesh=plsc.VectorSubcoreMesh(core_axis_name="c", subcore_axis_name="s"),
    compiler_params=pltpu.CompilerParams(needs_layout_passes=False),
    scratch_types=[
        pltpu.VMEM((_NB, _NB), jnp.float32),
        pltpu.VMEM((_NB, _NB), jnp.float32),
        pltpu.VMEM((16,), jnp.float32),
        pltpu.SemaphoreType.DMA,
    ],
)


def kernel(bits):
    g, ld = _gram(bits.T)
    out = _mi_sc(g, ld)
    return out[0]

# --- scband reference (transcript-rebuilt; emitter-appended) ---
"""Pipeline reference for scband-mutual-information-17282948399309 (READ-ONLY COPY).

The authoritative reference and input builder live on the scoring server;
editing this copy changes nothing except your own understanding.
"""

import jax, jax.numpy as jnp
import numpy as np

BATCH = 16384
NUM_BITS = 32


def setup_inputs(seed: int = 0) -> dict:
    key = jax.random.key(seed)
    bits = jax.random.randint(key, (BATCH, NUM_BITS), 0, 2).astype(jnp.float32)
    return {"bits": bits}


def reference(bits):
    # bits: float32 [B, NB]
    bits01 = bits / 2 + 0.5
    B, NB = bits01.shape
    # approximate_joint_prob: p_ij[i,j,m,n] = mean_b [ (bits01[b,i]==m) & (bits01[b,j]==n) ]
    eq = jnp.stack([(bits01 == 0).astype(jnp.float32), (bits01 == 1).astype(jnp.float32)], axis=-1)  # [B, NB, 2]
    p_ij = jnp.einsum('bim,bjn->ijmn', eq, eq) / B  # [NB, NB, 2, 2]
    # marginals (detached in torch)
    p_i_pos = bits01.mean(0)
    p_i = jax.lax.stop_gradient(jnp.stack([1.0 - p_i_pos, p_i_pos], axis=-1))  # [NB, 2]
    denom = p_i[:, None, :, None] * p_i[None, :, None, :]  # [NB, NB, 2, 2]
    ii = jnp.arange(NB)[:, None, None, None]
    jj = jnp.arange(NB)[None, :, None, None]
    tri = ii > jj  # triangle=True skips i <= j
    mask = tri & (p_ij > 0) & (p_i[:, None, :, None] > 0) & (p_i[None, :, None, :] > 0)
    safe_p = jnp.where(mask, p_ij, 1.0)
    safe_d = jnp.where(mask, denom, 1.0)
    terms = jnp.where(mask, safe_p * jnp.log(safe_p / safe_d), 0.0)
    mi = terms.sum()
    cnt = mask.sum().astype(jnp.float32)
    return mi / cnt

if __name__ == "__main__":
    import jax
    _d = setup_inputs()
    print(jax.jit(kernel)(*tuple(_d.values())))

</pallas_src>

<mosaic_0001>
#map = affine_map<(d0, d1) -> (0, 0)>
#map1 = affine_map<(d0, d1) -> (0)>
module attributes {stable_mosaic.version = 14 : i64} {
  func.func @_mi_body(%arg0: i32, %arg1: i32, %arg2: memref<32x32xf32, #tpu.memory_space<hbm>>, %arg3: memref<32x32xf32, #tpu.memory_space<hbm>>, %arg4: memref<16xf32, #tpu.memory_space<hbm>>, %arg5: memref<32x32xf32, #tpu.memory_space<vmem>>, %arg6: memref<32x32xf32, #tpu.memory_space<vmem>>, %arg7: memref<16xf32, #tpu.memory_space<vmem>>, %arg8: memref<!tpu.dma_semaphore, #tpu.memory_space<semaphore_mem>>) attributes {dimension_semantics = [#tpu.dimension_semantics<core_parallel>, #tpu.dimension_semantics<subcore_parallel>], iteration_bounds = array<i64: 2, 16>, scalar_prefetch = 0 : i64, scratch_operands = 4 : i64, tpu.core_type = #tpu.core_type<sc_vector_subcore>, window_params = [{transform_indices = #map}, {transform_indices = #map}, {transform_indices = #map1}]} {
    %eq3A = arith.constant 0 : i32
    %eq3A_0 = arith.cmpi eq, %arg0, %eq3A : i32
    %eq3A_1 = arith.constant 0 : i32
    %eq3A_2 = arith.cmpi eq, %arg1, %eq3A_1 : i32
    %and3A = arith.andi %eq3A_0, %eq3A_2 : i1
    %convert_element_type3A = arith.extui %and3A : i1 to i32
    %cond3A = arith.constant 0 : i32
    %cond3A_3 = arith.cmpi ne, %convert_element_type3A, %cond3A : i32
    scf.if %cond3A_3 {
      "tpu.region"() ({
        %run_scoped3A = tpu.sem_alloc : memref<!tpu.dma_semaphore, #tpu.memory_space<semaphore_mem>>
        tpu.enqueue_dma source(%arg2 : memref<32x32xf32, #tpu.memory_space<hbm>>) target(%arg5 : memref<32x32xf32, #tpu.memory_space<vmem>>) target_semaphore(%run_scoped3A : memref<!tpu.dma_semaphore, #tpu.memory_space<semaphore_mem>>)
        tpu.wait_dma2 semaphore(%run_scoped3A : memref<!tpu.dma_semaphore, #tpu.memory_space<semaphore_mem>>) src(%arg2 : memref<32x32xf32, #tpu.memory_space<hbm>>) dst(%arg5 : memref<32x32xf32, #tpu.memory_space<vmem>>)
        tpu.yield
      }) : () -> ()
      "tpu.region"() ({
        %run_scoped3A = tpu.sem_alloc : memref<!tpu.dma_semaphore, #tpu.memory_space<semaphore_mem>>
        tpu.enqueue_dma source(%arg3 : memref<32x32xf32, #tpu.memory_space<hbm>>) target(%arg6 : memref<32x32xf32, #tpu.memory_space<vmem>>) target_semaphore(%run_scoped3A : memref<!tpu.dma_semaphore, #tpu.memory_space<semaphore_mem>>)
        tpu.wait_dma2 semaphore(%run_scoped3A : memref<!tpu.dma_semaphore, #tpu.memory_space<semaphore_mem>>) src(%arg3 : memref<32x32xf32, #tpu.memory_space<hbm>>) dst(%arg6 : memref<32x32xf32, #tpu.memory_space<vmem>>)
        tpu.yield
      }) : () -> ()
      %iota3A = tpu.iota {dimensions = array<i32: 0>} : vector<16xi32>
      %broadcast_in_dim3A = arith.constant 0.000000e+00 : f32
      %broadcast_in_dim3A_4 = vector.broadcast %broadcast_in_dim3A : f32 to vector<16xf32>
      %broadcast_in_dim3A_5 = arith.constant 0.000000e+00 : f32
      %broadcast_in_dim3A_6 = vector.broadcast %broadcast_in_dim3A_5 : f32 to vector<16xf32>
      %get3A = arith.constant 1 : i32
      %get3A_7 = arith.index_cast %get3A : i32 to index
      %get3A_8 = arith.constant 0 : index
      %get3A_9 = tpu.vector_load %arg5[%get3A_7, %get3A_8] {strides = array<i32>} : memref<32x32xf32, #tpu.memory_space<vmem>>, vector<16xf32>,
      %get3A_10 = arith.constant 1 : i32
      %get3A_11 = arith.index_cast %get3A_10 : i32 to index
      %get3A_12 = arith.constant 0 : index
      %get3A_13 = tpu.vector_load %arg6[%get3A_11, %get3A_12] {strides = array<i32>} : memref<32x32xf32, #tpu.memory_space<vmem>>, vector<16xf32>,
      %add3A = arith.constant 0 : i32
      %add3A_14 = vector.broadcast %add3A : i32 to vector<16xi32>
      %add3A_15 = arith.addi %add3A_14, %iota3A : vector<16xi32>
      %lt3A = arith.constant 1 : i32
      %lt3A_16 = vector.broadcast %lt3A : i32 to vector<16xi32>
      %lt3A_17 = arith.cmpi slt, %add3A_15, %lt3A_16 : vector<16xi32>
      %gt3A = arith.constant 0.000000e+00 : f32
      %gt3A_18 = vector.broadcast %gt3A : f32 to vector<16xf32>
      %gt3A_19 = arith.cmpf ogt, %get3A_9, %gt3A_18 : vector<16xf32>
      %and3A_20 = arith.andi %lt3A_17, %gt3A_19 : vector<16xi1>
      %mul3A = arith.constant 6.10351563E-5 : f32
      %mul3A_21 = vector.broadcast %mul3A : f32 to vector<16xf32>
      %mul3A_22 = arith.mulf %get3A_9, %mul3A_21 : vector<16xf32>
      %max3A = arith.constant 1.000000e-30 : f32
      %max3A_23 = vector.broadcast %max3A : f32 to vector<16xf32>
      %max3A_24 = arith.maximumf %mul3A_22, %max3A_23 : vector<16xf32>
      %bitcast_convert_type3A = tpu.bitcast %max3A_24 : vector<16xf32> -> vector<16xi32>
      %shift_right_arithmetic3A = arith.constant 23 : i32
      %shift_right_arithmetic3A_25 = vector.broadcast %shift_right_arithmetic3A : i32 to vector<16xi32>
      %shift_right_arithmetic3A_26 = arith.shrsi %bitcast_convert_type3A, %shift_right_arithmetic3A_25 : vector<16xi32>
      %sub3A = arith.constant 127 : i32
      %sub3A_27 = vector.broadcast %sub3A : i32 to vector<16xi32>
      %sub3A_28 = arith.subi %shift_right_arithmetic3A_26, %sub3A_27 : vector<16xi32>
      %and3A_29 = arith.constant 8388607 : i32
      %and3A_30 = vector.broadcast %and3A_29 : i32 to vector<16xi32>
      %and3A_31 = arith.andi %bitcast_convert_type3A, %and3A_30 : vector<16xi32>
      %or3A = arith.constant 1065353216 : i32
      %or3A_32 = vector.broadcast %or3A : i32 to vector<16xi32>
      %or3A_33 = arith.ori %and3A_31, %or3A_32 : vector<16xi32>
      %bitcast_convert_type3A_34 = tpu.bitcast %or3A_33 : vector<16xi32> -> vector<16xf32>
      %gt3A_35 = arith.constant 1.41421354 : f32
      %gt3A_36 = vector.broadcast %gt3A_35 : f32 to vector<16xf32>
      %gt3A_37 = arith.cmpf ogt, %bitcast_convert_type3A_34, %gt3A_36 : vector<16xf32>
      %mul3A_38 = arith.constant 5.000000e-01 : f32
      %mul3A_39 = vector.broadcast %mul3A_38 : f32 to vector<16xf32>
      %mul3A_40 = arith.mulf %bitcast_convert_type3A_34, %mul3A_39 : vector<16xf32>
      %select_n3A = arith.select %gt3A_37, %mul3A_40, %bitcast_convert_type3A_34 : vector<16xi1>, vector<16xf32>
      %jit3A = arith.constant 1 : i32
      %jit3A_41 = arith.constant 0 : i32
      %broadcast_in_dim3A_42 = vector.broadcast %jit3A : i32 to vector<16xi32>
      %broadcast_in_dim3A_43 = vector.broadcast %jit3A_41 : i32 to vector<16xi32>
      %select_n3A_44 = arith.select %gt3A_37, %broadcast_in_dim3A_42, %broadcast_in_dim3A_43 : vector<16xi1>, vector<16xi32>
      %add3A_45 = arith.addi %sub3A_28, %select_n3A_44 : vector<16xi32>
      %sub3A_46 = arith.constant 1.000000e+00 : f32
      %sub3A_47 = vector.broadcast %sub3A_46 : f32 to vector<16xf32>
      %sub3A_48 = arith.subf %select_n3A, %sub3A_47 : vector<16xf32>
      %mul3A_49 = arith.mulf %sub3A_48, %sub3A_48 : vector<16xf32>
      %broadcast_in_dim3A_50 = arith.constant 0.0703768358 : f32
      %broadcast_in_dim3A_51 = vector.broadcast %broadcast_in_dim3A_50 : f32 to vector<16xf32>
      %mul3A_52 = arith.mulf %broadcast_in_dim3A_51, %sub3A_48 : vector<16xf32>
      %add3A_53 = arith.constant -0.115146101 : f32
      %add3A_54 = vector.broadcast %add3A_53 : f32 to vector<16xf32>
      %add3A_55 = arith.addf %mul3A_52, %add3A_54 : vector<16xf32>
      %mul3A_56 = arith.mulf %add3A_55, %sub3A_48 : vector<16xf32>
      %add3A_57 = arith.constant 0.116769984 : f32
      %add3A_58 = vector.broadcast %add3A_57 : f32 to vector<16xf32>
      %add3A_59 = arith.addf %mul3A_56, %add3A_58 : vector<16xf32>
      %mul3A_60 = arith.mulf %add3A_59, %sub3A_48 : vector<16xf32>
      %add3A_61 = arith.constant -0.12420141 : f32
      %add3A_62 = vector.broadcast %add3A_61 : f32 to vector<16xf32>
      %add3A_63 = arith.addf %mul3A_60, %add3A_62 : vector<16xf32>
      %mul3A_64 = arith.mulf %add3A_63, %sub3A_48 : vector<16xf32>
      %add3A_65 = arith.constant 0.142493233 : f32
      %add3A_66 = vector.broadcast %add3A_65 : f32 to vector<16xf32>
      %add3A_67 = arith.addf %mul3A_64, %add3A_66 : vector<16xf32>
      %mul3A_68 = arith.mulf %add3A_67, %sub3A_48 : vector<16xf32>
      %add3A_69 = arith.constant -0.166680574 : f32
      %add3A_70 = vector.broadcast %add3A_69 : f32 to vector<16xf32>
      %add3A_71 = arith.addf %mul3A_68, %add3A_70 : vector<16xf32>
      %mul3A_72 = arith.mulf %add3A_71, %sub3A_48 : vector<16xf32>
      %add3A_73 = arith.constant 0.200007141 : f32
      %add3A_74 = vector.broadcast %add3A_73 : f32 to vector<16xf32>
      %add3A_75 = arith.addf %mul3A_72, %add3A_74 : vector<16xf32>
      %mul3A_76 = arith.mulf %add3A_75, %sub3A_48 : vector<16xf32>
      %add3A_77 = arith.constant -0.24999994 : f32
      %add3A_78 = vector.broadcast %add3A_77 : f32 to vector<16xf32>
      %add3A_79 = arith.addf %mul3A_76, %add3A_78 : vector<16xf32>
      %mul3A_80 = arith.mulf %add3A_79, %sub3A_48 : vector<16xf32>
      %add3A_81 = arith.constant 0.333333313 : f32
      %add3A_82 = vector.broadcast %add3A_81 : f32 to vector<16xf32>
      %add3A_83 = arith.addf %mul3A_80, %add3A_82 : vector<16xf32>
      %mul3A_84 = arith.mulf %add3A_83, %sub3A_48 : vector<16xf32>
      %mul3A_85 = arith.mulf %mul3A_84, %mul3A_49 : vector<16xf32>
      %mul3A_86 = arith.constant 5.000000e-01 : f32
      %mul3A_87 = vector.broadcast %mul3A_86 : f32 to vector<16xf32>
      %mul3A_88 = arith.mulf %mul3A_87, %mul3A_49 : vector<16xf32>
      %sub3A_89 = arith.subf %mul3A_85, %mul3A_88 : vector<16xf32>
      %add3A_90 = arith.addf %sub3A_48, %sub3A_89 : vector<16xf32>
      %convert_element_type3A_91 = arith.sitofp %add3A_45 : vector<16xi32> to vector<16xf32>
      %mul3A_92 = arith.constant 0.693147182 : f32
      %mul3A_93 = vector.broadcast %mul3A_92 : f32 to vector<16xf32>
      %mul3A_94 = arith.mulf %convert_element_type3A_91, %mul3A_93 : vector<16xf32>
      %add3A_95 = arith.addf %add3A_90, %mul3A_94 : vector<16xf32>
      %sub3A_96 = arith.subf %add3A_95, %get3A_13 : vector<16xf32>
      %mul3A_97 = arith.mulf %mul3A_22, %sub3A_96 : vector<16xf32>
      %jit3A_98 = arith.constant 0.000000e+00 : f32
      %broadcast_in_dim3A_99 = vector.broadcast %jit3A_98 : f32 to vector<16xf32>
      %select_n3A_100 = arith.select %and3A_20, %mul3A_97, %broadcast_in_dim3A_99 : vector<16xi1>, vector<16xf32>
      %add3A_101 = arith.addf %broadcast_in_dim3A_4, %select_n3A_100 : vector<16xf32>
      %jit3A_102 = arith.constant 1.000000e+00 : f32
      %jit3A_103 = arith.constant 0.000000e+00 : f32
      %broadcast_in_dim3A_104 = vector.broadcast %jit3A_102 : f32 to vector<16xf32>
      %broadcast_in_dim3A_105 = vector.broadcast %jit3A_103 : f32 to vector<16xf32>
      %select_n3A_106 = arith.select %and3A_20, %broadcast_in_dim3A_104, %broadcast_in_dim3A_105 : vector<16xi1>, vector<16xf32>
      %add3A_107 = arith.addf %broadcast_in_dim3A_6, %select_n3A_106 : vector<16xf32>
      %get3A_108 = arith.constant 2 : i32
      %get3A_109 = arith.index_cast %get3A_108 : i32 to index
      %get3A_110 = arith.constant 0 : index
      %get3A_111 = tpu.vector_load %arg5[%get3A_109, %get3A_110] {strides = array<i32>} : memref<32x32xf32, #tpu.memory_space<vmem>>, vector<16xf32>,
      %get3A_112 = arith.constant 2 : i32
      %get3A_113 = arith.index_cast %get3A_112 : i32 to index
      %get3A_114 = arith.constant 0 : index
      %get3A_115 = tpu.vector_load %arg6[%get3A_113, %get3A_114] {strides = array<i32>} : memref<32x32xf32, #tpu.memory_space<vmem>>, vector<16xf32>,
      %add3A_116 = arith.constant 0 : i32
      %add3A_117 = vector.broadcast %add3A_116 : i32 to vector<16xi32>
      %add3A_118 = arith.addi %add3A_117, %iota3A : vector<16xi32>
      %lt3A_119 = arith.constant 2 : i32
      %lt3A_120 = vector.broadcast %lt3A_119 : i32 to vector<16xi32>
      %lt3A_121 = arith.cmpi slt, %add3A_118, %lt3A_120 : vector<16xi32>
      %gt3A_122 = arith.constant 0.000000e+00 : f32
      %gt3A_123 = vector.broadcast %gt3A_122 : f32 to vector<16xf32>
      %gt3A_124 = arith.cmpf ogt, %get3A_111, %gt3A_123 : vector<16xf32>
      %and3A_125 = arith.andi %lt3A_121, %gt3A_124 : vector<16xi1>
      %mul3A_126 = arith.constant 6.10351563E-5 : f32
      %mul3A_127 = vector.broadcast %mul3A_126 : f32 to vector<16xf32>
      %mul3A_128 = arith.mulf %get3A_111, %mul3A_127 : vector<16xf32>
      %max3A_129 = arith.constant 1.000000e-30 : f32
      %max3A_130 = vector.broadcast %max3A_129 : f32 to vector<16xf32>
      %max3A_131 = arith.maximumf %mul3A_128, %max3A_130 : vector<16xf32>
      %bitcast_convert_type3A_132 = tpu.bitcast %max3A_131 : vector<16xf32> -> vector<16xi32>
      %shift_right_arithmetic3A_133 = arith.constant 23 : i32
      %shift_right_arithmetic3A_134 = vector.broadcast %shift_right_arithmetic3A_133 : i32 to vector<16xi32>
      %shift_right_arithmetic3A_135 = arith.shrsi %bitcast_convert_type3A_132, %shift_right_arithmetic3A_134 : vector<16xi32>
      %sub3A_136 = arith.constant 127 : i32
      %sub3A_137 = vector.broadcast %sub3A_136 : i32 to vector<16xi32>
      %sub3A_138 = arith.subi %shift_right_arithmetic3A_135, %sub3A_137 : vector<16xi32>
      %and3A_139 = arith.constant 8388607 : i32
      %and3A_140 = vector.broadcast %and3A_139 : i32 to vector<16xi32>
      %and3A_141 = arith.andi %bitcast_convert_type3A_132, %and3A_140 : vector<16xi32>
      %or3A_142 = arith.constant 1065353216 : i32
      %or3A_143 = vector.broadcast %or3A_142 : i32 to vector<16xi32>
      %or3A_144 = arith.ori %and3A_141, %or3A_143 : vector<16xi32>
      %bitcast_convert_type3A_145 = tpu.bitcast %or3A_144 : vector<16xi32> -> vector<16xf32>
      %gt3A_146 = arith.constant 1.41421354 : f32
      %gt3A_147 = vector.broadcast %gt3A_146 : f32 to vector<16xf32>
      %gt3A_148 = arith.cmpf ogt, %bitcast_convert_type3A_145, %gt3A_147 : vector<16xf32>
      %mul3A_149 = arith.constant 5.000000e-01 : f32
      %mul3A_150 = vector.broadcast %mul3A_149 : f32 to vector<16xf32>
      %mul3A_151 = arith.mulf %bitcast_convert_type3A_145, %mul3A_150 : vector<16xf32>
      %select_n3A_152 = arith.select %gt3A_148, %mul3A_151, %bitcast_convert_type3A_145 : vector<16xi1>, vector<16xf32>
      %jit3A_153 = arith.constant 1 : i32
      %jit3A_154 = arith.constant 0 : i32
      %broadcast_in_dim3A_155 = vector.broadcast %jit3A_153 : i32 to vector<16xi32>
      %broadcast_in_dim3A_156 = vector.broadcast %jit3A_154 : i32 to vector<16xi32>
      %select_n3A_157 = arith.select %gt3A_148, %broadcast_in_dim3A_155, %broadcast_in_dim3A_156 : vector<16xi1>, vector<16xi32>
      %add3A_158 = arith.addi %sub3A_138, %select_n3A_157 : vector<16xi32>
      %sub3A_159 = arith.constant 1.000000e+00 : f32
      %sub3A_160 = vector.broadcast %sub3A_159 : f32 to vector<16xf32>
      %sub3A_161 = arith.subf %select_n3A_152, %sub3A_160 : vector<16xf32>
      %mul3A_162 = arith.mulf %sub3A_161, %sub3A_161 : vector<16xf32>
      %broadcast_in_dim3A_163 = arith.constant 0.0703768358 : f32
      %broadcast_in_dim3A_164 = vector.broadcast %broadcast_in_dim3A_163 : f32 to vector<16xf32>
      %mul3A_165 = arith.mulf %broadcast_in_dim3A_164, %sub3A_161 : vector<16xf32>
      %add3A_166 = arith.constant -0.115146101 : f32
      %add3A_167 = vector.broadcast %add3A_166 : f32 to vector<16xf32>
      %add3A_168 = arith.addf %mul3A_165, %add3A_167 : vector<16xf32>
      %mul3A_169 = arith.mulf %add3A_168, %sub3A_161 : vector<16xf32>
      %add3A_170 = arith.constant 0.116769984 : f32
      %add3A_171 = vector.broadcast %add3A_170 : f32 to vector<16xf32>
      %add3A_172 = arith.addf %mul3A_169, %add3A_171 : vector<16xf32>
      %mul3A_173 = arith.mulf %add3A_172, %sub3A_161 : vector<16xf32>
      %add3A_174 = arith.constant -0.12420141 : f32
      %add3A_175 = vector.broadcast %add3A_174 : f32 to vector<16xf32>
      %add3A_176 = arith.addf %mul3A_173, %add3A_175 : vector<16xf32>
      %mul3A_177 = arith.mulf %add3A_176, %sub3A_161 : vector<16xf32>
      %add3A_178 = arith.constant 0.142493233 : f32
      %add3A_179 = vector.broadcast %add3A_178 : f32 to vector<16xf32>
      %add3A_180 = arith.addf %mul3A_177, %add3A_179 : vector<16xf32>
      %mul3A_181 = arith.mulf %add3A_180, %sub3A_161 : vector<16xf32>
      %add3A_182 = arith.constant -0.166680574 : f32
      %add3A_183 = vector.broadcast %add3A_182 : f32 to vector<16xf32>
      %add3A_184 = arith.addf %mul3A_181, %add3A_183 : vector<16xf32>
      %mul3A_185 = arith.mulf %add3A_184, %sub3A_161 : vector<16xf32>
      %add3A_186 = arith.constant 0.200007141 : f32
      %add3A_187 = vector.broadcast %add3A_186 : f32 to vector<16xf32>
      %add3A_188 = arith.addf %mul3A_185, %add3A_187 : vector<16xf32>
      %mul3A_189 = arith.mulf %add3A_188, %sub3A_161 : vector<16xf32>
      %add3A_190 = arith.constant -0.24999994 : f32
      %add3A_191 = vector.broadcast %add3A_190 : f32 to vector<16xf32>
      %add3A_192 = arith.addf %mul3A_189, %add3A_191 : vector<16xf32>
      %mul3A_193 = arith.mulf %add3A_192, %sub3A_161 : vector<16xf32>
      %add3A_194 = arith.constant 0.333333313 : f32
      %add3A_195 = vector.broadcast %add3A_194 : f32 to vector<16xf32>
      %add3A_196 = arith.addf %mul3A_193, %add3A_195 : vector<16xf32>
      %mul3A_197 = arith.mulf %add3A_196, %sub3A_161 : vector<16xf32>
      %mul3A_198 = arith.mulf %mul3A_197, %mul3A_162 : vector<16xf32>
      %mul3A_199 = arith.constant 5.000000e-01 : f32
      %mul3A_200 = vector.broadcast %mul3A_199 : f32 to vector<16xf32>
      %mul3A_201 = arith.mulf %mul3A_200, %mul3A_162 : vector<16xf32>
      %sub3A_202 = arith.subf %mul3A_198, %mul3A_201 : vector<16xf32>
      %add3A_203 = arith.addf %sub3A_161, %sub3A_202 : vector<16xf32>
      %convert_element_type3A_204 = arith.sitofp %add3A_158 : vector<16xi32> to vector<16xf32>
      %mul3A_205 = arith.constant 0.693147182 : f32
      %mul3A_206 = vector.broadcast %mul3A_205 : f32 to vector<16xf32>
      %mul3A_207 = arith.mulf %convert_element_type3A_204, %mul3A_206 : vector<16xf32>
      %add3A_208 = arith.addf %add3A_203, %mul3A_207 : vector<16xf32>
      %sub3A_209 = arith.subf %add3A_208, %get3A_115 : vector<16xf32>
      %mul3A_210 = arith.mulf %mul3A_128, %sub3A_209 : vector<16xf32>
      %jit3A_211 = arith.constant 0.000000e+00 : f32
      %broadcast_in_dim3A_212 = vector.broadcast %jit3A_211 : f32 to vector<16xf32>
      %select_n3A_213 = arith.select %and3A_125, %mul3A_210, %broadcast_in_dim3A_212 : vector<16xi1>, vector<16xf32>
      %add3A_214 = arith.addf %add3A_101, %select_n3A_213 : vector<16xf32>
      %jit3A_215 = arith.constant 1.000000e+00 : f32
      %jit3A_216 = arith.constant 0.000000e+00 : f32
      %broadcast_in_dim3A_217 = vector.broadcast %jit3A_215 : f32 to vector<16xf32>
      %broadcast_in_dim3A_218 = vector.broadcast %jit3A_216 : f32 to vector<16xf32>
      %select_n3A_219 = arith.select %and3A_125, %broadcast_in_dim3A_217, %broadcast_in_dim3A_218 : vector<16xi1>, vector<16xf32>
      %add3A_220 = arith.addf %add3A_107, %select_n3A_219 : vector<16xf32>
      %get3A_221 = arith.constant 3 : i32
      %get3A_222 = arith.index_cast %get3A_221 : i32 to index
      %get3A_223 = arith.constant 0 : index
      %get3A_224 = tpu.vector_load %arg5[%get3A_222, %get3A_223] {strides = array<i32>} : memref<32x32xf32, #tpu.memory_space<vmem>>, vector<16xf32>,
      %get3A_225 = arith.constant 3 : i32
      %get3A_226 = arith.index_cast %get3A_225 : i32 to index
      %get3A_227 = arith.constant 0 : index
      %get3A_228 = tpu.vector_load %arg6[%get3A_226, %get3A_227] {strides = array<i32>} : memref<32x32xf32, #tpu.memory_space<vmem>>, vector<16xf32>,
      %add3A_229 = arith.constant 0 : i32
      %add3A_230 = vector.broadcast %add3A_229 : i32 to vector<16xi32>
      %add3A_231 = arith.addi %add3A_230, %iota3A : vector<16xi32>
      %lt3A_232 = arith.constant 3 : i32
      %lt3A_233 = vector.broadcast %lt3A_232 : i32 to vector<16xi32>
      %lt3A_234 = arith.cmpi slt, %add3A_231, %lt3A_233 : vector<16xi32>
      %gt3A_235 = arith.constant 0.000000e+00 : f32
      %gt3A_236 = vector.broadcast %gt3A_235 : f32 to vector<16xf32>
      %gt3A_237 = arith.cmpf ogt, %get3A_224, %gt3A_236 : vector<16xf32>
      %and3A_238 = arith.andi %lt3A_234, %gt3A_237 : vector<16xi1>
      %mul3A_239 = arith.constant 6.10351563E-5 : f32
      %mul3A_240 = vector.broadcast %mul3A_239 : f32 to vector<16xf32>
      %mul3A_241 = arith.mulf %get3A_224, %mul3A_240 : vector<16xf32>
      %max3A_242 = arith.constant 1.000000e-30 : f32
      %max3A_243 = vector.broadcast %max3A_242 : f32 to vector<16xf32>
      %max3A_244 = arith.maximumf %mul3A_241, %max3A_243 : vector<16xf32>
      %bitcast_convert_type3A_245 = tpu.bitcast %max3A_244 : vector<16xf32> -> vector<16xi32>
      %shift_right_arithmetic3A_246 = arith.constant 23 : i32
      %shift_right_arithmetic3A_247 = vector.broadcast %shift_right_arithmetic3A_246 : i32 to vector<16xi32>
      %shift_right_arithmetic3A_248 = arith.shrsi %bitcast_convert_type3A_245, %shift_right_arithmetic3A_247 : vector<16xi32>
      %sub3A_249 = arith.constant 127 : i32
      %sub3A_250 = vector.broadcast %sub3A_249 : i32 to vector<16xi32>
      %sub3A_251 = arith.subi %shift_right_arithmetic3A_248, %sub3A_250 : vector<16xi32>
      %and3A_252 = arith.constant 8388607 : i32
      %and3A_253 = vector.broadcast %and3A_252 : i32 to vector<16xi32>
      %and3A_254 = arith.andi %bitcast_convert_type3A_245, %and3A_253 : vector<16xi32>
      %or3A_255 = arith.constant 1065353216 : i32
      %or3A_256 = vector.broadcast %or3A_255 : i32 to vector<16xi32>
      %or3A_257 = arith.ori %and3A_254, %or3A_256 : vector<16xi32>
      %bitcast_convert_type3A_258 = tpu.bitcast %or3A_257 : vector<16xi32> -> vector<16xf32>
      %gt3A_259 = arith.constant 1.41421354 : f32
      %gt3A_260 = vector.broadcast %gt3A_259 : f32 to vector<16xf32>
      %gt3A_261 = arith.cmpf ogt, %bitcast_convert_type3A_258, %gt3A_260 : vector<16xf32>
      %mul3A_262 = arith.constant 5.000000e-01 : f32
      %mul3A_263 = vector.broadcast %mul3A_262 : f32 to vector<16xf32>
      %mul3A_264 = arith.mulf %bitcast_convert_type3A_258, %mul3A_263 : vector<16xf32>
      %select_n3A_265 = arith.select %gt3A_261, %mul3A_264, %bitcast_convert_type3A_258 : vector<16xi1>, vector<16xf32>
      %jit3A_266 = arith.constant 1 : i32
      %jit3A_267 = arith.constant 0 : i32
      %broadcast_in_dim3A_268 = vector.broadcast %jit3A_266 : i32 to vector<16xi32>
      %broadcast_in_dim3A_269 = vector.broadcast %jit3A_267 : i32 to vector<16xi32>
      %select_n3A_270 = arith.select %gt3A_261, %broadcast_in_dim3A_268, %broadcast_in_dim3A_269 : vector<16xi1>, vector<16xi32>
      %add3A_271 = arith.addi %sub3A_251, %select_n3A_270 : vector<16xi32>
      %sub3A_272 = arith.constant 1.000000e+00 : f32
      %sub3A_273 = vector.broadcast %sub3A_272 : f32 to vector<16xf32>
      %sub3A_274 = arith.subf %select_n3A_265, %sub3A_273 : vector<16xf32>
      %mul3A_275 = arith.mulf %sub3A_274, %sub3A_274 : vector<16xf32>
      %broadcast_in_dim3A_276 = arith.constant 0.0703768358 : f32
      %broadcast_in_dim3A_277 = vector.broadcast %broadcast_in_dim3A_276 : f32 to vector<16xf32>
      %mul3A_278 = arith.mulf %broadcast_in_dim3A_277, %sub3A_274 : vector<16xf32>
      %add3A_279 = arith.constant -0.115146101 : f32
      %add3A_280 = vector.broadcast %add3A_279 : f32 to vector<16xf32>
      %add3A_281 = arith.addf %mul3A_278, %add3A_280 : vector<16xf32>
      %mul3A_282 = arith.mulf %add3A_281, %sub3A_274 : vector<16xf32>
      %add3A_283 = arith.constant 0.116769984 : f32
      %add3A_284 = vector.broadcast %add3A_283 : f32 to vector<16xf32>
      %add3A_285 = arith.addf %mul3A_282, %add3A_284 : vector<16xf32>
      %mul3A_286 = arith.mulf %add3A_285, %sub3A_274 : vector<16xf32>
      %add3A_287 = arith.constant -0.12420141 : f32
      %add3A_288 = vector.broadcast %add3A_287 : f32 to vector<16xf32>
      %add3A_289 = arith.addf %mul3A_286, %add3A_288 : vector<16xf32>
      %mul3A_290 = arith.mulf %add3A_289, %sub3A_274 : vector<16xf32>
      %add3A_291 = arith.constant 0.142493233 : f32
      %add3A_292 = vector.broadcast %add3A_291 : f32 to vector<16xf32>
      %add3A_293 = arith.addf %mul3A_290, %add3A_292 : vector<16xf32>
      %mul3A_294 = arith.mulf %add3A_293, %sub3A_274 : vector<16xf32>
      %add3A_295 = arith.constant -0.166680574 : f32
      %add3A_296 = vector.broadcast %add3A_295 : f32 to vector<16xf32>
      %add3A_297 = arith.addf %mul3A_294, %add3A_296 : vector<16xf32>
      %mul3A_298 = arith.mulf %add3A_297, %sub3A_274 : vector<16xf32>
      %add3A_299 = arith.constant 0.200007141 : f32
      %add3A_300 = vector.broadcast %add3A_299 : f32 to vector<16xf32>
      %add3A_301 = arith.addf %mul3A_298, %add3A_300 : vector<16xf32>
      %mul3A_302 = arith.mulf %add3A_301, %sub3A_274 : vector<16xf32>
      %add3A_303 = arith.constant -0.24999994 : f32
      %add3A_304 = vector.broadcast %add3A_303 : f32 to vector<16xf32>
      %add3A_305 = arith.addf %mul3A_302, %add3A_304 : vector<16xf32>
      %mul3A_306 = arith.mulf %add3A_305, %sub3A_274 : vector<16xf32>
      %add3A_307 = arith.constant 0.333333313 : f32
      %add3A_308 = vector.broadcast %add3A_307 : f32 to vector<16xf32>
      %add3A_309 = arith.addf %mul3A_306, %add3A_308 : vector<16xf32>
      %mul3A_310 = arith.mulf %add3A_309, %sub3A_274 : vector<16xf32>
      %mul3A_311 = arith.mulf %mul3A_310, %mul3A_275 : vector<16xf32>
      %mul3A_312 = arith.constant 5.000000e-01 : f32
      %mul3A_313 = vector.broadcast %mul3A_312 : f32 to vector<16xf32>
      %mul3A_314 = arith.mulf %mul3A_313, %mul3A_275 : vector<16xf32>
      %sub3A_315 = arith.subf %mul3A_311, %mul3A_314 : vector<16xf32>
      %add3A_316 = arith.addf %sub3A_274, %sub3A_315 : vector<16xf32>
      %convert_element_type3A_317 = arith.sitofp %add3A_271 : vector<16xi32> to vector<16xf32>
      %mul3A_318 = arith.constant 0.693147182 : f32
      %mul3A_319 = vector.broadcast %mul3A_318 : f32 to vector<16xf32>
      %mul3A_320 = arith.mulf %convert_element_type3A_317, %mul3A_319 : vector<16xf32>
      %add3A_321 = arith.addf %add3A_316, %mul3A_320 : vector<16xf32>
      %sub3A_322 = arith.subf %add3A_321, %get3A_228 : vector<16xf32>
      %mul3A_323 = arith.mulf %mul3A_241, %sub3A_322 : vector<16xf32>
      %jit3A_324 = arith.constant 0.000000e+00 : f32
      %broadcast_in_dim3A_325 = vector.broadcast %jit3A_324 : f32 to vector<16xf32>
      %select_n3A_326 = arith.select %and3A_238, %mul3A_323, %broadcast_in_dim3A_325 : vector<16xi1>, vector<16xf32>
      %add3A_327 = arith.addf %add3A_214, %select_n3A_326 : vector<16xf32>
      %jit3A_328 = arith.constant 1.000000e+00 : f32
      %jit3A_329 = arith.constant 0.000000e+00 : f32
      %broadcast_in_dim3A_330 = vector.broadcast %jit3A_328 : f32 to vector<16xf32>
      %broadcast_in_dim3A_331 = vector.broadcast %jit3A_329 : f32 to vector<16xf32>
      %select_n3A_332 = arith.select %and3A_238, %broadcast_in_dim3A_330, %broadcast_in_dim3A_331 : vector<16xi1>, vector<16xf32>
      %add3A_333 = arith.addf %add3A_220, %select_n3A_332 : vector<16xf32>
      %get3A_334 = arith.constant 4 : i32
      %get3A_335 = arith.index_cast %get3A_334 : i32 to index
      %get3A_336 = arith.constant 0 : index
      %get3A_337 = tpu.vector_load %arg5[%get3A_335, %get3A_336] {strides = array<i32>} : memref<32x32xf32, #tpu.memory_space<vmem>>, vector<16xf32>,
      %get3A_338 = arith.constant 4 : i32
      %get3A_339 = arith.index_cast %get3A_338 : i32 to index
      %get3A_340 = arith.constant 0 : index
      %get3A_341 = tpu.vector_load %arg6[%get3A_339, %get3A_340] {strides = array<i32>} : memref<32x32xf32, #tpu.memory_space<vmem>>, vector<16xf32>,
      %add3A_342 = arith.constant 0 : i32
      %add3A_343 = vector.broadcast %add3A_342 : i32 to vector<16xi32>
      %add3A_344 = arith.addi %add3A_343, %iota3A : vector<16xi32>
      %lt3A_345 = arith.constant 4 : i32
      %lt3A_346 = vector.broadcast %lt3A_345 : i32 to vector<16xi32>
      %lt3A_347 = arith.cmpi slt, %add3A_344, %lt3A_346 : vector<16xi32>
      %gt3A_348 = arith.constant 0.000000e+00 : f32
      %gt3A_349 = vector.broadcast %gt3A_348 : f32 to vector<16xf32>
      %gt3A_350 = arith.cmpf ogt, %get3A_337, %gt3A_349 : vector<16xf32>
      %and3A_351 = arith.andi %lt3A_347, %gt3A_350 : vector<16xi1>
      %mul3A_352 = arith.constant 6.10351563E-5 : f32
      %mul3A_353 = vector.broadcast %mul3A_352 : f32 to vector<16xf32>
      %mul3A_354 = arith.mulf %get3A_337, %mul3A_353 : vector<16xf32>
      %max3A_355 = arith.constant 1.000000e-30 : f32
      %max3A_356 = vector.broadcast %max3A_355 : f32 to vector<16xf32>
      %max3A_357 = arith.maximumf %mul3A_354, %max3A_356 : vector<16xf32>
      %bitcast_convert_type3A_358 = tpu.bitcast %max3A_357 : vector<16xf32> -> vector<16xi32>
      %shift_right_arithmetic3A_359 = arith.constant 23 : i32
      %shift_right_arithmetic3A_360 = vector.broadcast %shift_right_arithmetic3A_359 : i32 to vector<16xi32>
      %shift_right_arithmetic3A_361 = arith.shrsi %bitcast_convert_type3A_358, %shift_right_arithmetic3A_360 : vector<16xi32>
      %sub3A_362 = arith.constant 127 : i32
      %sub3A_363 = vector.broadcast %sub3A_362 : i32 to vector<16xi32>
      %sub3A_364 = arith.subi %shift_right_arithmetic3A_361, %sub3A_363 : vector<16xi32>
      %and3A_365 = arith.constant 8388607 : i32
      %and3A_366 = vector.broadcast %and3A_365 : i32 to vector<16xi32>
      %and3A_367 = arith.andi %bitcast_convert_type3A_358, %and3A_366 : vector<16xi32>
      %or3A_368 = arith.constant 1065353216 : i32
      %or3A_369 = vector.broadcast %or3A_368 : i32 to vector<16xi32>
      %or3A_370 = arith.ori %and3A_367, %or3A_369 : vector<16xi32>
      %bitcast_convert_type3A_371 = tpu.bitcast %or3A_370 : vector<16xi32> -> vector<16xf32>
      %gt3A_372 = arith.constant 1.41421354 : f32
      %gt3A_373 = vector.broadcast %gt3A_372 : f32 to vector<16xf32>
      %gt3A_374 = arith.cmpf ogt, %bitcast_convert_type3A_371, %gt3A_373 : vector<16xf32>
      %mul3A_375 = arith.constant 5.000000e-01 : f32
      %mul3A_376 = vector.broadcast %mul3A_375 : f32 to vector<16xf32>
      %mul3A_377 = arith.mulf %bitcast_convert_type3A_371, %mul3A_376 : vector<16xf32>
      %select_n3A_378 = arith.select %gt3A_374, %mul3A_377, %bitcast_convert_type3A_371 : vector<16xi1>, vector<16xf32>
      %jit3A_379 = arith.constant 1 : i32
      %jit3A_380 = arith.constant 0 : i32
      %broadcast_in_dim3A_381 = vector.broadcast %jit3A_379 : i32 to vector<16xi32>
      %broadcast_in_dim3A_382 = vector.broadcast %jit3A_380 : i32 to vector<16xi32>
      %select_n3A_383 = arith.select %gt3A_374, %broadcast_in_dim3A_381, %broadcast_in_dim3A_382 : vector<16xi1>, vector<16xi32>
      %add3A_384 = arith.addi %sub3A_364, %select_n3A_383 : vector<16xi32>
      %sub3A_385 = arith.constant 1.000000e+00 : f32
      %sub3A_386 = vector.broadcast %sub3A_385 : f32 to vector<16xf32>
      %sub3A_387 = arith.subf %select_n3A_378, %sub3A_386 : vector<16xf32>
      %mul3A_388 = arith.mulf %sub3A_387, %sub3A_387 : vector<16xf32>
      %broadcast_in_dim3A_389 = arith.constant 0.0703768358 : f32
      %broadcast_in_dim3A_390 = vector.broadcast %broadcast_in_dim3A_389 : f32 to vector<16xf32>
      %mul3A_391 = arith.mulf %broadcast_in_dim3A_390, %sub3A_387 : vector<16xf32>
      %add3A_392 = arith.constant -0.115146101 : f32
      %add3A_393 = vector.broadcast %add3A_392 : f32 to vector<16xf32>
      %add3A_394 = arith.addf %mul3A_391, %add3A_393 : vector<16xf32>
      %mul3A_395 = arith.mulf %add3A_394, %sub3A_387 : vector<16xf32>
      %add3A_396 = arith.constant 0.116769984 : f32
      %add3A_397 = vector.broadcast %add3A_396 : f32 to vector<16xf32>
      %add3A_398 = arith.addf %mul3A_395, %add3A_397 : vector<16xf32>
      %mul3A_399 = arith.mulf %add3A_398, %sub3A_387 : vector<16xf32>
      %add3A_400 = arith.constant -0.12420141 : f32
      %add3A_401 = vector.broadcast %add3A_400 : f32 to vector<16xf32>
      %add3A_402 = arith.addf %mul3A_399, %add3A_401 : vector<16xf32>
      %mul3A_403 = arith.mulf %add3A_402, %sub3A_387 : vector<16xf32>
      %add3A_404 = arith.constant 0.142493233 : f32
      %add3A_405 = vector.broadcast %add3A_404 : f32 to vector<16xf32>
      %add3A_406 = arith.addf %mul3A_403, %add3A_405 : vector<16xf32>
      %mul3A_407 = arith.mulf %add3A_406, %sub3A_387 : vector<16xf32>
      %add3A_408 = arith.constant -0.166680574 : f32
      %add3A_409 = vector.broadcast %add3A_408 : f32 to vector<16xf32>
      %add3A_410 = arith.addf %mul3A_407, %add3A_409 : vector<16xf32>
      %mul3A_411 = arith.mulf %add3A_410, %sub3A_387 : vector<16xf32>
      %add3A_412 = arith.constant 0.200007141 : f32
      %add3A_413 = vector.broadcast %add3A_412 : f32 to vector<16xf32>
      %add3A_414 = arith.addf %mul3A_411, %add3A_413 : vector<16xf32>
      %mul3A_415 = arith.mulf %add3A_414, %sub3A_387 : vector<16xf32>
      %add3A_416 = arith.constant -0.24999994 : f32
      %add3A_417 = vector.broadcast %add3A_416 : f32 to vector<16xf32>
      %add3A_418 = arith.addf %mul3A_415, %add3A_417 : vector<16xf32>
      %mul3A_419 = arith.mulf %add3A_418, %sub3A_387 : vector<16xf32>
      %add3A_420 = arith.constant 0.333333313 : f32
      %add3A_421 = vector.broadcast %add3A_420 : f32 to vector<16xf32>
      %add3A_422 = arith.addf %mul3A_419, %add3A_421 : vector<16xf32>
      %mul3A_423 = arith.mulf %add3A_422, %sub3A_387 : vector<16xf32>
      %mul3A_424 = arith.mulf %mul3A_423, %mul3A_388 : vector<16xf32>
      %mul3A_425 = arith.constant 5.000000e-01 : f32
      %mul3A_426 = vector.broadcast %mul3A_425 : f32 to vector<16xf32>
      %mul3A_427 = arith.mulf %mul3A_426, %mul3A_388 : vector<16xf32>
      %sub3A_428 = arith.subf %mul3A_424, %mul3A_427 : vector<16xf32>
      %add3A_429 = arith.addf %sub3A_387, %sub3A_428 : vector<16xf32>
      %convert_element_type3A_430 = arith.sitofp %add3A_384 : vector<16xi32> to vector<16xf32>
      %mul3A_431 = arith.constant 0.693147182 : f32
      %mul3A_432 = vector.broadcast %mul3A_431 : f32 to vector<16xf32>
      %mul3A_433 = arith.mulf %convert_element_type3A_430, %mul3A_432 : vector<16xf32>
      %add3A_434 = arith.addf %add3A_429, %mul3A_433 : vector<16xf32>
      %sub3A_435 = arith.subf %add3A_434, %get3A_341 : vector<16xf32>
      %mul3A_436 = arith.mulf %mul3A_354, %sub3A_435 : vector<16xf32>
      %jit3A_437 = arith.constant 0.000000e+00 : f32
      %broadcast_in_dim3A_438 = vector.broadcast %jit3A_437 : f32 to vector<16xf32>
      %select_n3A_439 = arith.select %and3A_351, %mul3A_436, %broadcast_in_dim3A_438 : vector<16xi1>, vector<16xf32>
      %add3A_440 = arith.addf %add3A_327, %select_n3A_439 : vector<16xf32>
      %jit3A_441 = arith.constant 1.000000e+00 : f32
      %jit3A_442 = arith.constant 0.000000e+00 : f32
      %broadcast_in_dim3A_443 = vector.broadcast %jit3A_441 : f32 to vector<16xf32>
      %broadcast_in_dim3A_444 = vector.broadcast %jit3A_442 : f32 to vector<16xf32>
      %select_n3A_445 = arith.select %and3A_351, %broadcast_in_dim3A_443, %broadcast_in_dim3A_444 : vector<16xi1>, vector<16xf32>
      %add3A_446 = arith.addf %add3A_333, %select_n3A_445 : vector<16xf32>
      %get3A_447 = arith.constant 5 : i32
      %get3A_448 = arith.index_cast %get3A_447 : i32 to index
      %get3A_449 = arith.constant 0 : index
      %get3A_450 = tpu.vector_load %arg5[%get3A_448, %get3A_449] {strides = array<i32>} : memref<32x32xf32, #tpu.memory_space<vmem>>, vector<16xf32>,
      %get3A_451 = arith.constant 5 : i32
      %get3A_452 = arith.index_cast %get3A_451 : i32 to index
      %get3A_453 = arith.constant 0 : index
      %get3A_454 = tpu.vector_load %arg6[%get3A_452, %get3A_453] {strides = array<i32>} : memref<32x32xf32, #tpu.memory_space<vmem>>, vector<16xf32>,
      %add3A_455 = arith.constant 0 : i32
      %add3A_456 = vector.broadcast %add3A_455 : i32 to vector<16xi32>
      %add3A_457 = arith.addi %add3A_456, %iota3A : vector<16xi32>
      %lt3A_458 = arith.constant 5 : i32
      %lt3A_459 = vector.broadcast %lt3A_458 : i32 to vector<16xi32>
      %lt3A_460 = arith.cmpi slt, %add3A_457, %lt3A_459 : vector<16xi32>
      %gt3A_461 = arith.constant 0.000000e+00 : f32
      %gt3A_462 = vector.broadcast %gt3A_461 : f32 to vector<16xf32>
      %gt3A_463 = arith.cmpf ogt, %get3A_450, %gt3A_462 : vector<16xf32>
      %and3A_464 = arith.andi %lt3A_460, %gt3A_463 : vector<16xi1>
      %mul3A_465 = arith.constant 6.10351563E-5 : f32
      %mul3A_466 = vector.broadcast %mul3A_465 : f32 to vector<16xf32>
      %mul3A_467 = arith.mulf %get3A_450, %mul3A_466 : vector<16xf32>
      %max3A_468 = arith.constant 1.000000e-30 : f32
      %max3A_469 = vector.broadcast %max3A_468 : f32 to vector<16xf32>
      %max3A_470 = arith.maximumf %mul3A_467, %max3A_469 : vector<16xf32>
      %bitcast_convert_type3A_471 = tpu.bitcast %max3A_470 : vector<16xf32> -> vector<16xi32>
      %shift_right_arithmetic3A_472 = arith.constant 23 : i32
      %shift_right_arithmetic3A_473 = vector.broadcast %shift_right_arithmetic3A_472 : i32 to vector<16xi32>
      %shift_right_arithmetic3A_474 = arith.shrsi %bitcast_convert_type3A_471, %shift_right_arithmetic3A_473 : vector<16xi32>
      %sub3A_475 = arith.constant 127 : i32
      %sub3A_476 = vector.broadcast %sub3A_475 : i32 to vector<16xi32>
      %sub3A_477 = arith.subi %shift_right_arithmetic3A_474, %sub3A_476 : vector<16xi32>
      %and3A_478 = arith.constant 8388607 : i32
      %and3A_479 = vector.broadcast %and3A_478 : i32 to vector<16xi32>
      %and3A_480 = arith.andi %bitcast_convert_type3A_471, %and3A_479 : vector<16xi32>
      %or3A_481 = arith.constant 1065353216 : i32
      %or3A_482 = vector.broadcast %or3A_481 : i32 to vector<16xi32>
      %or3A_483 = arith.ori %and3A_480, %or3A_482 : vector<16xi32>
      %bitcast_convert_type3A_484 = tpu.bitcast %or3A_483 : vector<16xi32> -> vector<16xf32>
      %gt3A_485 = arith.constant 1.41421354 : f32
      %gt3A_486 = vector.broadcast %gt3A_485 : f32 to vector<16xf32>
      %gt3A_487 = arith.cmpf ogt, %bitcast_convert_type3A_484, %gt3A_486 : vector<16xf32>
      %mul3A_488 = arith.constant 5.000000e-01 : f32
      %mul3A_489 = vector.broadcast %mul3A_488 : f32 to vector<16xf32>
      %mul3A_490 = arith.mulf %bitcast_convert_type3A_484, %mul3A_489 : vector<16xf32>
      %select_n3A_491 = arith.select %gt3A_487, %mul3A_490, %bitcast_convert_type3A_484 : vector<16xi1>, vector<16xf32>
      %jit3A_492 = arith.constant 1 : i32
      %jit3A_493 = arith.constant 0 : i32
      %broadcast_in_dim3A_494 = vector.broadcast %jit3A_492 : i32 to vector<16xi32>
      %broadcast_in_dim3A_495 = vector.broadcast %jit3A_493 : i32 to vector<16xi32>
      %select_n3A_496 = arith.select %gt3A_487, %broadcast_in_dim3A_494, %broadcast_in_dim3A_495 : vector<16xi1>, vector<16xi32>
      %add3A_497 = arith.addi %sub3A_477, %select_n3A_496 : vector<16xi32>
      %sub3A_498 = arith.constant 1.000000e+00 : f32
      %sub3A_499 = vector.broadcast %sub3A_498 : f32 to vector<16xf32>
      %sub3A_500 = arith.subf %select_n3A_491, %sub3A_499 : vector<16xf32>
      %mul3A_501 = arith.mulf %sub3A_500, %sub3A_500 : vector<16xf32>
      %broadcast_in_dim3A_502 = arith.constant 0.0703768358 : f32
      %broadcast_in_dim3A_503 = vector.broadcast %broadcast_in_dim3A_502 : f32 to vector<16xf32>
      %mul3A_504 = arith.mulf %broadcast_in_dim3A_503, %sub3A_500 : vector<16xf32>
      %add3A_505 = arith.constant -0.115146101 : f32
      %add3A_506 = vector.broadcast %add3A_505 : f32 to vector<16xf32>
      %add3A_507 = arith.addf %mul3A_504, %add3A_506 : vector<16xf32>
      %mul3A_508 = arith.mulf %add3A_507, %sub3A_500 : vector<16xf32>
      %add3A_509 = arith.constant 0.116769984 : f32
      %add3A_510 = vector.broadcast %add3A_509 : f32 to vector<16xf32>
      %add3A_511 = arith.addf %mul3A_508, %add3A_510 : vector<16xf32>
      %mul3A_512 = arith.mulf %add3A_511, %sub3A_500 : vector<16xf32>
      %add3A_513 = arith.constant -0.12420141 : f32
      %add3A_514 = vector.broadcast %add3A_513 : f32 to vector<16xf32>
      %add3A_515 = arith.addf %mul3A_512, %add3A_514 : vector<16xf32>
      %mul3A_516 = arith.mulf %add3A_515, %sub3A_500 : vector<16xf32>
      %add3A_517 = arith.constant 0.142493233 : f32
      %add3A_518 = vector.broadcast %add3A_517 : f32 to vector<16xf32>
      %add3A_519 = arith.addf %mul3A_516, %add3A_518 : vector<16xf32>
      %mul3A_520 = arith.mulf %add3A_519, %sub3A_500 : vector<16xf32>
      %add3A_521 = arith.constant -0.166680574 : f32
      %add3A_522 = vector.broadcast %add3A_521 : f32 to vector<16xf32>
      %add3A_523 = arith.addf %mul3A_520, %add3A_522 : vector<16xf32>
      %mul3A_524 = arith.mulf %add3A_523, %sub3A_500 : vector<16xf32>
      %add3A_525 = arith.constant 0.200007141 : f32
      %add3A_526 = vector.broadcast %add3A_525 : f32 to vector<16xf32>
      %add3A_527 = arith.addf %mul3A_524, %add3A_526 : vector<16xf32>
      %mul3A_528 = arith.mulf %add3A_527, %sub3A_500 : vector<16xf32>
      %add3A_529 = arith.constant -0.24999994 : f32
      %add3A_530 = vector.broadcast %add3A_529 : f32 to vector<16xf32>
      %add3A_531 = arith.addf %mul3A_528, %add3A_530 : vector<16xf32>
      %mul3A_532 = arith.mulf %add3A_531, %sub3A_500 : vector<16xf32>
      %add3A_533 = arith.constant 0.333333313 : f32
      %add3A_534 = vector.broadcast %add3A_533 : f32 to vector<16xf32>
      %add3A_535 = arith.addf %mul3A_532, %add3A_534 : vector<16xf32>
      %mul3A_536 = arith.mulf %add3A_535, %sub3A_500 : vector<16xf32>
      %mul3A_537 = arith.mulf %mul3A_536, %mul3A_501 : vector<16xf32>
      %mul3A_538 = arith.constant 5.000000e-01 : f32
      %mul3A_539 = vector.broadcast %mul3A_538 : f32 to vector<16xf32>
      %mul3A_540 = arith.mulf %mul3A_539, %mul3A_501 : vector<16xf32>
      %sub3A_541 = arith.subf %mul3A_537, %mul3A_540 : vector<16xf32>
      %add3A_542 = arith.addf %sub3A_500, %sub3A_541 : vector<16xf32>
      %convert_element_type3A_543 = arith.sitofp %add3A_497 : vector<16xi32> to vector<16xf32>
      %mul3A_544 = arith.constant 0.693147182 : f32
      %mul3A_545 = vector.broadcast %mul3A_544 : f32 to vector<16xf32>
      %mul3A_546 = arith.mulf %convert_element_type3A_543, %mul3A_545 : vector<16xf32>
      %add3A_547 = arith.addf %add3A_542, %mul3A_546 : vector<16xf32>
      %sub3A_548 = arith.subf %add3A_547, %get3A_454 : vector<16xf32>
      %mul3A_549 = arith.mulf %mul3A_467, %sub3A_548 : vector<16xf32>
      %jit3A_550 = arith.constant 0.000000e+00 : f32
      %broadcast_in_dim3A_551 = vector.broadcast %jit3A_550 : f32 to vector<16xf32>
      %select_n3A_552 = arith.select %and3A_464, %mul3A_549, %broadcast_in_dim3A_551 : vector<16xi1>, vector<16xf32>
      %add3A_553 = arith.addf %add3A_440, %select_n3A_552 : vector<16xf32>
      %jit3A_554 = arith.constant 1.000000e+00 : f32
      %jit3A_555 = arith.constant 0.000000e+00 : f32
      %broadcast_in_dim3A_556 = vector.broadcast %jit3A_554 : f32 to vector<16xf32>
      %broadcast_in_dim3A_557 = vector.broadcast %jit3A_555 : f32 to vector<16xf32>
      %select_n3A_558 = arith.select %and3A_464, %broadcast_in_dim3A_556, %broadcast_in_dim3A_557 : vector<16xi1>, vector<16xf32>
      %add3A_559 = arith.addf %add3A_446, %select_n3A_558 : vector<16xf32>
      %get3A_560 = arith.constant 6 : i32
      %get3A_561 = arith.index_cast %get3A_560 : i32 to index
      %get3A_562 = arith.constant 0 : index
      %get3A_563 = tpu.vector_load %arg5[%get3A_561, %get3A_562] {strides = array<i32>} : memref<32x32xf32, #tpu.memory_space<vmem>>, vector<16xf32>,
      %get3A_564 = arith.constant 6 : i32
      %get3A_565 = arith.index_cast %get3A_564 : i32 to index
      %get3A_566 = arith.constant 0 : index
      %get3A_567 = tpu.vector_load %arg6[%get3A_565, %get3A_566] {strides = array<i32>} : memref<32x32xf32, #tpu.memory_space<vmem>>, vector<16xf32>,
      %add3A_568 = arith.constant 0 : i32
      %add3A_569 = vector.broadcast %add3A_568 : i32 to vector<16xi32>
      %add3A_570 = arith.addi %add3A_569, %iota3A : vector<16xi32>
      %lt3A_571 = arith.constant 6 : i32
      %lt3A_572 = vector.broadcast %lt3A_571 : i32 to vector<16xi32>
      %lt3A_573 = arith.cmpi slt, %add3A_570, %lt3A_572 : vector<16xi32>
      %gt3A_574 = arith.constant 0.000000e+00 : f32
      %gt3A_575 = vector.broadcast %gt3A_574 : f32 to vector<16xf32>
      %gt3A_576 = arith.cmpf ogt, %get3A_563, %gt3A_575 : vector<16xf32>
      %and3A_577 = arith.andi %lt3A_573, %gt3A_576 : vector<16xi1>
      %mul3A_578 = arith.constant 6.10351563E-5 : f32
      %mul3A_579 = vector.broadcast %mul3A_578 : f32 to vector<16xf32>
      %mul3A_580 = arith.mulf %get3A_563, %mul3A_579 : vector<16xf32>
      %max3A_581 = arith.constant 1.000000e-30 : f32
      %max3A_582 = vector.broadcast %max3A_581 : f32 to vector<16xf32>
      %max3A_583 = arith.maximumf %mul3A_580, %max3A_582 : vector<16xf32>
      %bitcast_convert_type3A_584 = tpu.bitcast %max3A_583 : vector<16xf32> -> vector<16xi32>
      %shift_right_arithmetic3A_585 = arith.constant 23 : i32
      %shift_right_arithmetic3A_586 = vector.broadcast %shift_right_arithmetic3A_585 : i32 to vector<16xi32>
      %shift_right_arithmetic3A_587 = arith.shrsi %bitcast_convert_type3A_584, %shift_right_arithmetic3A_586 : vector<16xi32>
      %sub3A_588 = arith.constant 127 : i32
      %sub3A_589 = vector.broadcast %sub3A_588 : i32 to vector<16xi32>
      %sub3A_590 = arith.subi %shift_right_arithmetic3A_587, %sub3A_589 : vector<16xi32>
      %and3A_591 = arith.constant 8388607 : i32
      %and3A_592 = vector.broadcast %and3A_591 : i32 to vector<16xi32>
      %and3A_593 = arith.andi %bitcast_convert_type3A_584, %and3A_592 : vector<16xi32>
      %or3A_594 = arith.constant 1065353216 : i32
      %or3A_595 = vector.broadcast %or3A_594 : i32 to vector<16xi32>
      %or3A_596 = arith.ori %and3A_593, %or3A_595 : vector<16xi32>
      %bitcast_convert_type3A_597 = tpu.bitcast %or3A_596 : vector<16xi32> -> vector<16xf32>
      %gt3A_598 = arith.constant 1.41421354 : f32
      %gt3A_599 = vector.broadcast %gt3A_598 : f32 to vector<16xf32>
      %gt3A_600 = arith.cmpf ogt, %bitcast_convert_type3A_597, %gt3A_599 : vector<16xf32>
      %mul3A_601 = arith.constant 5.000000e-01 : f32
      %mul3A_602 = vector.broadcast %mul3A_601 : f32 to vector<16xf32>
      %mul3A_603 = arith.mulf %bitcast_convert_type3A_597, %mul3A_602 : vector<16xf32>
      %select_n3A_604 = arith.select %gt3A_600, %mul3A_603, %bitcast_convert_type3A_597 : vector<16xi1>, vector<16xf32>
      %jit3A_605 = arith.constant 1 : i32
      %jit3A_606 = arith.constant 0 : i32
      %broadcast_in_dim3A_607 = vector.broadcast %jit3A_605 : i32 to vector<16xi32>
      %broadcast_in_dim3A_608 = vector.broadcast %jit3A_606 : i32 to vector<16xi32>
      %select_n3A_609 = arith.select %gt3A_600, %broadcast_in_dim3A_607, %broadcast_in_dim3A_608 : vector<16xi1>, vector<16xi32>
      %add3A_610 = arith.addi %sub3A_590, %select_n3A_609 : vector<16xi32>
      %sub3A_611 = arith.constant 1.000000e+00 : f32
      %sub3A_612 = vector.broadcast %sub3A_611 : f32 to vector<16xf32>
      %sub3A_613 = arith.subf %select_n3A_604, %sub3A_612 : vector<16xf32>
      %mul3A_614 = arith.mulf %sub3A_613, %sub3A_613 : vector<16xf32>
      %broadcast_in_dim3A_615 = arith.constant 0.0703768358 : f32
      %broadcast_in_dim3A_616 = vector.broadcast %broadcast_in_dim3A_615 : f32 to vector<16xf32>
      %mul3A_617 = arith.mulf %broadcast_in_dim3A_616, %sub3A_613 : vector<16xf32>
      %add3A_618 = arith.constant -0.115146101 : f32
      %add3A_619 = vector.broadcast %add3A_618 : f32 to vector<16xf32>
      %add3A_620 = arith.addf %mul3A_617, %add3A_619 : vector<16xf32>
      %mul3A_621 = arith.mulf %add3A_620, %sub3A_613 : vector<16xf32>
      %add3A_622 = arith.constant 0.116769984 : f32
      %add3A_623 = vector.broadcast %add3A_622 : f32 to vector<16xf32>
      %add3A_624 = arith.addf %mul3A_621, %add3A_623 : vector<16xf32>
      %mul3A_625 = arith.mulf %add3A_624, %sub3A_613 : vector<16xf32>
      %add3A_626 = arith.constant -0.12420141 : f32
      %add3A_627 = vector.broadcast %add3A_626 : f32 to vector<16xf32>
      %add3A_628 = arith.addf %mul3A_625, %add3A_627 : vector<16xf32>
      %mul3A_629 = arith.mulf %add3A_628, %sub3A_613 : vector<16xf32>
      %add3A_630 = arith.constant 0.142493233 : f32
      %add3A_631 = vector.broadcast %add3A_630 : f32 to vector<16xf32>
      %add3A_632 = arith.addf %mul3A_629, %add3A_631 : vector<16xf32>
      %mul3A_633 = arith.mulf %add3A_632, %sub3A_613 : vector<16xf32>
      %add3A_634 = arith.constant -0.166680574 : f32
      %add3A_635 = vector.broadcast %add3A_634 : f32 to vector<16xf32>
      %add3A_636 = arith.addf %mul3A_633, %add3A_635 : vector<16xf32>
      %mul3A_637 = arith.mulf %add3A_636, %sub3A_613 : vector<16xf32>
      %add3A_638 = arith.constant 0.200007141 : f32
      %add3A_639 = vector.broadcast %add3A_638 : f32 to vector<16xf32>
      %add3A_640 = arith.addf %mul3A_637, %add3A_639 : vector<16xf32>
      %mul3A_641 = arith.mulf %add3A_640, %sub3A_613 : vector<16xf32>
      %add3A_642 = arith.constant -0.24999994 : f32
      %add3A_643 = vector.broadcast %add3A_642 : f32 to vector<16xf32>
      %add3A_644 = arith.addf %mul3A_641, %add3A_643 : vector<16xf32>
      %mul3A_645 = arith.mulf %add3A_644, %sub3A_613 : vector<16xf32>
      %add3A_646 = arith.constant 0.333333313 : f32
      %add3A_647 = vector.broadcast %add3A_646 : f32 to vector<16xf32>
      %add3A_648 = arith.addf %mul3A_645, %add3A_647 : vector<16xf32>
      %mul3A_649 = arith.mulf %add3A_648, %sub3A_613 : vector<16xf32>
      %mul3A_650 = arith.mulf %mul3A_649, %mul3A_614 : vector<16xf32>
      %mul3A_651 = arith.constant 5.000000e-01 : f32
      %mul3A_652 = vector.broadcast %mul3A_651 : f32 to vector<16xf32>
      %mul3A_653 = arith.mulf %mul3A_652, %mul3A_614 : vector<16xf32>
      %sub3A_654 = arith.subf %mul3A_650, %mul3A_653 : vector<16xf32>
      %add3A_655 = arith.addf %sub3A_613, %sub3A_654 : vector<16xf32>
      %convert_element_type3A_656 = arith.sitofp %add3A_610 : vector<16xi32> to vector<16xf32>
      %mul3A_657 = arith.constant 0.693147182 : f32
      %mul3A_658 = vector.broadcast %mul3A_657 : f32 to vector<16xf32>
      %mul3A_659 = arith.mulf %convert_element_type3A_656, %mul3A_658 : vector<16xf32>
      %add3A_660 = arith.addf %add3A_655, %mul3A_659 : vector<16xf32>
      %sub3A_661 = arith.subf %add3A_660, %get3A_567 : vector<16xf32>
      %mul3A_662 = arith.mulf %mul3A_580, %sub3A_661 : vector<16xf32>
      %jit3A_663 = arith.constant 0.000000e+00 : f32
      %broadcast_in_dim3A_664 = vector.broadcast %jit3A_663 : f32 to vector<16xf32>
      %select_n3A_665 = arith.select %and3A_577, %mul3A_662, %broadcast_in_dim3A_664 : vector<16xi1>, vector<16xf32>
      %add3A_666 = arith.addf %add3A_553, %select_n3A_665 : vector<16xf32>
      %jit3A_667 = arith.constant 1.000000e+00 : f32
      %jit3A_668 = arith.constant 0.000000e+00 : f32
      %broadcast_in_dim3A_669 = vector.broadcast %jit3A_667 : f32 to vector<16xf32>
      %broadcast_in_dim3A_670 = vector.broadcast %jit3A_668 : f32 to vector<16xf32>
      %select_n3A_671 = arith.select %and3A_577, %broadcast_in_dim3A_669, %broadcast_in_dim3A_670 : vector<16xi1>, vector<16xf32>
      %add3A_672 = arith.addf %add3A_559, %select_n3A_671 : vector<16xf32>
      %get3A_673 = arith.constant 7 : i32
      %get3A_674 = arith.index_cast %get3A_673 : i32 to index
      %get3A_675 = arith.constant 0 : index
      %get3A_676 = tpu.vector_load %arg5[%get3A_674, %get3A_675] {strides = array<i32>} : memref<32x32xf32, #tpu.memory_space<vmem>>, vector<16xf32>,
      %get3A_677 = arith.constant 7 : i32
      %get3A_678 = arith.index_cast %get3A_677 : i32 to index
      %get3A_679 = arith.constant 0 : index
      %get3A_680 = tpu.vector_load %arg6[%get3A_678, %get3A_679] {strides = array<i32>} : memref<32x32xf32, #tpu.memory_space<vmem>>, vector<16xf32>,
      %add3A_681 = arith.constant 0 : i32
      %add3A_682 = vector.broadcast %add3A_681 : i32 to vector<16xi32>
      %add3A_683 = arith.addi %add3A_682, %iota3A : vector<16xi32>
      %lt3A_684 = arith.constant 7 : i32
      %lt3A_685 = vector.broadcast %lt3A_684 : i32 to vector<16xi32>
      %lt3A_686 = arith.cmpi slt, %add3A_683, %lt3A_685 : vector<16xi32>
      %gt3A_687 = arith.constant 0.000000e+00 : f32
      %gt3A_688 = vector.broadcast %gt3A_687 : f32 to vector<16xf32>
      %gt3A_689 = arith.cmpf ogt, %get3A_676, %gt3A_688 : vector<16xf32>
      %and3A_690 = arith.andi %lt3A_686, %gt3A_689 : vector<16xi1>
      %mul3A_691 = arith.constant 6.10351563E-5 : f32
      %mul3A_692 = vector.broadcast %mul3A_691 : f32 to vector<16xf32>
      %mul3A_693 = arith.mulf %get3A_676, %mul3A_692 : vector<16xf32>
      %max3A_694 = arith.constant 1.000000e-30 : f32
      %max3A_695 = vector.broadcast %max3A_694 : f32 to vector<16xf32>
      %max3A_696 = arith.maximumf %mul3A_693, %max3A_695 : vector<16xf32>
      %bitcast_convert_type3A_697 = tpu.bitcast %max3A_696 : vector<16xf32> -> vector<16xi32>
      %shift_right_arithmetic3A_698 = arith.constant 23 : i32
      %shift_right_arithmetic3A_699 = vector.broadcast %shift_right_arithmetic3A_698 : i32 to vector<16xi32>
      %shift_right_arithmetic3A_700 = arith.shrsi %bitcast_convert_type3A_697, %shift_right_arithmetic3A_699 : vector<16xi32>
      %sub3A_701 = arith.constant 127 : i32
      %sub3A_702 = vector.broadcast %sub3A_701 : i32 to vector<16xi32>
      %sub3A_703 = arith.subi %shift_right_arithmetic3A_700, %sub3A_702 : vector<16xi32>
      %and3A_704 = arith.constant 8388607 : i32
      %and3A_705 = vector.broadcast %and3A_704 : i32 to vector<16xi32>
      %and3A_706 = arith.andi %bitcast_convert_type3A_697, %and3A_705 : vector<16xi32>
      %or3A_707 = arith.constant 1065353216 : i32
      %or3A_708 = vector.broadcast %or3A_707 : i32 to vector<16xi32>
      %or3A_709 = arith.ori %and3A_706, %or3A_708 : vector<16xi32>
      %bitcast_convert_type3A_710 = tpu.bitcast %or3A_709 : vector<16xi32> -> vector<16xf32>
      %gt3A_711 = arith.constant 1.41421354 : f32
      %gt3A_712 = vector.broadcast %gt3A_711 : f32 to vector<16xf32>
      %gt3A_713 = arith.cmpf ogt, %bitcast_convert_type3A_710, %gt3A_712 : vector<16xf32>
      %mul3A_714 = arith.constant 5.000000e-01 : f32
      %mul3A_715 = vector.broadcast %mul3A_714 : f32 to vector<16xf32>
      %mul3A_716 = arith.mulf %bitcast_convert_type3A_710, %mul3A_715 : vector<16xf32>
      %select_n3A_717 = arith.select %gt3A_713, %mul3A_716, %bitcast_convert_type3A_710 : vector<16xi1>, vector<16xf32>
      %jit3A_718 = arith.constant 1 : i32
      %jit3A_719 = arith.constant 0 : i32
      %broadcast_in_dim3A_720 = vector.broadcast %jit3A_718 : i32 to vector<16xi32>
      %broadcast_in_dim3A_721 = vector.broadcast %jit3A_719 : i32 to vector<16xi32>
      %select_n3A_722 = arith.select %gt3A_713, %broadcast_in_dim3A_720, %broadcast_in_dim3A_721 : vector<16xi1>, vector<16xi32>
      %add3A_723 = arith.addi %sub3A_703, %select_n3A_722 : vector<16xi32>
      %sub3A_724 = arith.constant 1.000000e+00 : f32
      %sub3A_725 = vector.broadcast %sub3A_724 : f32 to vector<16xf32>
      %sub3A_726 = arith.subf %select_n3A_717, %sub3A_725 : vector<16xf32>
      %mul3A_727 = arith.mulf %sub3A_726, %sub3A_726 : vector<16xf32>
      %broadcast_in_dim3A_728 = arith.constant 0.0703768358 : f32
      %broadcast_in_dim3A_729 = vector.broadcast %broadcast_in_dim3A_728 : f32 to vector<16xf32>
      %mul3A_730 = arith.mulf %broadcast_in_dim3A_729, %sub3A_726 : vector<16xf32>
      %add3A_731 = arith.constant -0.115146101 : f32
      %add3A_732 = vector.broadcast %add3A_731 : f32 to vector<16xf32>
      %add3A_733 = arith.addf %mul3A_730, %add3A_732 : vector<16xf32>
      %mul3A_734 = arith.mulf %add3A_733, %sub3A_726 : vector<16xf32>
      %add3A_735 = arith.constant 0.116769984 : f32
      %add3A_736 = vector.broadcast %add3A_735 : f32 to vector<16xf32>
      %add3A_737 = arith.addf %mul3A_734, %add3A_736 : vector<16xf32>
      %mul3A_738 = arith.mulf %add3A_737, %sub3A_726 : vector<16xf32>
      %add3A_739 = arith.constant -0.12420141 : f32
      %add3A_740 = vector.broadcast %add3A_739 : f32 to vector<16xf32>
      %add3A_741 = arith.addf %mul3A_738, %add3A_740 : vector<16xf32>
      %mul3A_742 = arith.mulf %add3A_741, %sub3A_726 : vector<16xf32>
      %add3A_743 = arith.constant 0.142493233 : f32
      %add3A_744 = vector.broadcast %add3A_743 : f32 to vector<16xf32>
      %add3A_745 = arith.addf %mul3A_742, %add3A_744 : vector<16xf32>
      %mul3A_746 = arith.mulf %add3A_745, %sub3A_726 : vector<16xf32>
      %add3A_747 = arith.constant -0.166680574 : f32
      %add3A_748 = vector.broadcast %add3A_747 : f32 to vector<16xf32>
      %add3A_749 = arith.addf %mul3A_746, %add3A_748 : vector<16xf32>
      %mul3A_750 = arith.mulf %add3A_749, %sub3A_726 : vector<16xf32>
      %add3A_751 = arith.constant 0.200007141 : f32
      %add3A_752 = vector.broadcast %add3A_751 : f32 to vector<16xf32>
      %add3A_753 = arith.addf %mul3A_750, %add3A_752 : vector<16xf32>
      %mul3A_754 = arith.mulf %add3A_753, %sub3A_726 : vector<16xf32>
      %add3A_755 = arith.constant -0.24999994 : f32
      %add3A_756 = vector.broadcast %add3A_755 : f32 to vector<16xf32>
      %add3A_757 = arith.addf %mul3A_754, %add3A_756 : vector<16xf32>
      %mul3A_758 = arith.mulf %add3A_757, %sub3A_726 : vector<16xf32>
      %add3A_759 = arith.constant 0.333333313 : f32
      %add3A_760 = vector.broadcast %add3A_759 : f32 to vector<16xf32>
      %add3A_761 = arith.addf %mul3A_758, %add3A_760 : vector<16xf32>
      %mul3A_762 = arith.mulf %add3A_761, %sub3A_726 : vector<16xf32>
      %mul3A_763 = arith.mulf %mul3A_762, %mul3A_727 : vector<16xf32>
      %mul3A_764 = arith.constant 5.000000e-01 : f32
      %mul3A_765 = vector.broadcast %mul3A_764 : f32 to vector<16xf32>
      %mul3A_766 = arith.mulf %mul3A_765, %mul3A_727 : vector<16xf32>
      %sub3A_767 = arith.subf %mul3A_763, %mul3A_766 : vector<16xf32>
      %add3A_768 = arith.addf %sub3A_726, %sub3A_767 : vector<16xf32>
      %convert_element_type3A_769 = arith.sitofp %add3A_723 : vector<16xi32> to vector<16xf32>
      %mul3A_770 = arith.constant 0.693147182 : f32
      %mul3A_771 = vector.broadcast %mul3A_770 : f32 to vector<16xf32>
      %mul3A_772 = arith.mulf %convert_element_type3A_769, %mul3A_771 : vector<16xf32>
      %add3A_773 = arith.addf %add3A_768, %mul3A_772 : vector<16xf32>
      %sub3A_774 = arith.subf %add3A_773, %get3A_680 : vector<16xf32>
      %mul3A_775 = arith.mulf %mul3A_693, %sub3A_774 : vector<16xf32>
      %jit3A_776 = arith.constant 0.000000e+00 : f32
      %broadcast_in_dim3A_777 = vector.broadcast %jit3A_776 : f32 to vector<16xf32>
      %select_n3A_778 = arith.select %and3A_690, %mul3A_775, %broadcast_in_dim3A_777 : vector<16xi1>, vector<16xf32>
      %add3A_779 = arith.addf %add3A_666, %select_n3A_778 : vector<16xf32>
      %jit3A_780 = arith.constant 1.000000e+00 : f32
      %jit3A_781 = arith.constant 0.000000e+00 : f32
      %broadcast_in_dim3A_782 = vector.broadcast %jit3A_780 : f32 to vector<16xf32>
      %broadcast_in_dim3A_783 = vector.broadcast %jit3A_781 : f32 to vector<16xf32>
      %select_n3A_784 = arith.select %and3A_690, %broadcast_in_dim3A_782, %broadcast_in_dim3A_783 : vector<16xi1>, vector<16xf32>
      %add3A_785 = arith.addf %add3A_672, %select_n3A_784 : vector<16xf32>
      %get3A_786 = arith.constant 8 : i32
      %get3A_787 = arith.index_cast %get3A_786 : i32 to index
      %get3A_788 = arith.constant 0 : index
      %get3A_789 = tpu.vector_load %arg5[%get3A_787, %get3A_788] {strides = array<i32>} : memref<32x32xf32, #tpu.memory_space<vmem>>, vector<16xf32>,
      %get3A_790 = arith.constant 8 : i32
      %get3A_791 = arith.index_cast %get3A_790 : i32 to index
      %get3A_792 = arith.constant 0 : index
      %get3A_793 = tpu.vector_load %arg6[%get3A_791, %get3A_792] {strides = array<i32>} : memref<32x32xf32, #tpu.memory_space<vmem>>, vector<16xf32>,
      %add3A_794 = arith.constant 0 : i32
      %add3A_795 = vector.broadcast %add3A_794 : i32 to vector<16xi32>
      %add3A_796 = arith.addi %add3A_795, %iota3A : vector<16xi32>
      %lt3A_797 = arith.constant 8 : i32
      %lt3A_798 = vector.broadcast %lt3A_797 : i32 to vector<16xi32>
      %lt3A_799 = arith.cmpi slt, %add3A_796, %lt3A_798 : vector<16xi32>
      %gt3A_800 = arith.constant 0.000000e+00 : f32
      %gt3A_801 = vector.broadcast %gt3A_800 : f32 to vector<16xf32>
      %gt3A_802 = arith.cmpf ogt, %get3A_789, %gt3A_801 : vector<16xf32>
      %and3A_803 = arith.andi %lt3A_799, %gt3A_802 : vector<16xi1>
      %mul3A_804 = arith.constant 6.10351563E-5 : f32
      %mul3A_805 = vector.broadcast %mul3A_804 : f32 to vector<16xf32>
      %mul3A_806 = arith.mulf %get3A_789, %mul3A_805 : vector<16xf32>
      %max3A_807 = arith.constant 1.000000e-30 : f32
      %max3A_808 = vector.broadcast %max3A_807 : f32 to vector<16xf32>
      %max3A_809 = arith.maximumf %mul3A_806, %max3A_808 : vector<16xf32>
      %bitcast_convert_type3A_810 = tpu.bitcast %max3A_809 : vector<16xf32> -> vector<16xi32>
      %shift_right_arithmetic3A_811 = arith.constant 23 : i32
      %shift_right_arithmetic3A_812 = vector.broadcast %shift_right_arithmetic3A_811 : i32 to vector<16xi32>
      %shift_right_arithmetic3A_813 = arith.shrsi %bitcast_convert_type3A_810, %shift_right_arithmetic3A_812 : vector<16xi32>
      %sub3A_814 = arith.constant 127 : i32
      %sub3A_815 = vector.broadcast %sub3A_814 : i32 to vector<16xi32>
      %sub3A_816 = arith.subi %shift_right_arithmetic3A_813, %sub3A_815 : vector<16xi32>
      %and3A_817 = arith.constant 8388607 : i32
      %and3A_818 = vector.broadcast %and3A_817 : i32 to vector<16xi32>
      %and3A_819 = arith.andi %bitcast_convert_type3A_810, %and3A_818 : vector<16xi32>
      %or3A_820 = arith.constant 1065353216 : i32
      %or3A_821 = vector.broadcast %or3A_820 : i32 to vector<16xi32>
      %or3A_822 = arith.ori %and3A_819, %or3A_821 : vector<16xi32>
      %bitcast_convert_type3A_823 = tpu.bitcast %or3A_822 : vector<16xi32> -> vector<16xf32>
      %gt3A_824 = arith.constant 1.41421354 : f32
      %gt3A_825 = vector.broadcast %gt3A_824 : f32 to vector<16xf32>
      %gt3A_826 = arith.cmpf ogt, %bitcast_convert_type3A_823, %gt3A_825 : vector<16xf32>
      %mul3A_827 = arith.constant 5.000000e-01 : f32
      %mul3A_828 = vector.broadcast %mul3A_827 : f32 to vector<16xf32>
      %mul3A_829 = arith.mulf %bitcast_convert_type3A_823, %mul3A_828 : vector<16xf32>
      %select_n3A_830 = arith.select %gt3A_826, %mul3A_829, %bitcast_convert_type3A_823 : vector<16xi1>, vector<16xf32>
      %jit3A_831 = arith.constant 1 : i32
      %jit3A_832 = arith.constant 0 : i32
      %broadcast_in_dim3A_833 = vector.broadcast %jit3A_831 : i32 to vector<16xi32>
      %broadcast_in_dim3A_834 = vector.broadcast %jit3A_832 : i32 to vector<16xi32>
      %select_n3A_835 = arith.select %gt3A_826, %broadcast_in_dim3A_833, %broadcast_in_dim3A_834 : vector<16xi1>, vector<16xi32>
      %add3A_836 = arith.addi %sub3A_816, %select_n3A_835 : vector<16xi32>
      %sub3A_837 = arith.constant 1.000000e+00 : f32
      %sub3A_838 = vector.broadcast %sub3A_837 : f32 to vector<16xf32>
      %sub3A_839 = arith.subf %select_n3A_830, %sub3A_838 : vector<16xf32>
      %mul3A_840 = arith.mulf %sub3A_839, %sub3A_839 : vector<16xf32>
      %broadcast_in_dim3A_841 = arith.constant 0.0703768358 : f32
      %broadcast_in_dim3A_842 = vector.broadcast %broadcast_in_dim3A_841 : f32 to vector<16xf32>
      %mul3A_843 = arith.mulf %broadcast_in_dim3A_842, %sub3A_839 : vector<16xf32>
      %add3A_844 = arith.constant -0.115146101 : f32
      %add3A_845 = vector.broadcast %add3A_844 : f32 to vector<16xf32>
      %add3A_846 = arith.addf %mul3A_843, %add3A_845 : vector<16xf32>
      %mul3A_847 = arith.mulf %add3A_846, %sub3A_839 : vector<16xf32>
      %add3A_848 = arith.constant 0.116769984 : f32
      %add3A_849 = vector.broadcast %add3A_848 : f32 to vector<16xf32>
      %add3A_850 = arith.addf %mul3A_847, %add3A_849 : vector<16xf32>
      %mul3A_851 = arith.mulf %add3A_850, %sub3A_839 : vector<16xf32>
      %add3A_852 = arith.constant -0.12420141 : f32
      %add3A_853 = vector.broadcast %add3A_852 : f32 to vector<16xf32>
      %add3A_854 = arith.addf %mul3A_851, %add3A_853 : vector<16xf32>
      %mul3A_855 = arith.mulf %add3A_854, %sub3A_839 : vector<16xf32>
      %add3A_856 = arith.constant 0.142493233 : f32
      %add3A_857 = vector.broadcast %add3A_856 : f32 to vector<16xf32>
      %add3A_858 = arith.addf %mul3A_855, %add3A_857 : vector<16xf32>
      %mul3A_859 = arith.mulf %add3A_858, %sub3A_839 : vector<16xf32>
      %add3A_860 = arith.constant -0.166680574 : f32
      %add3A_861 = vector.broadcast %add3A_860 : f32 to vector<16xf32>
      %add3A_862 = arith.addf %mul3A_859, %add3A_861 : vector<16xf32>
      %mul3A_863 = arith.mulf %add3A_862, %sub3A_839 : vector<16xf32>
      %add3A_864 = arith.constant 0.200007141 : f32
      %add3A_865 = vector.broadcast %add3A_864 : f32 to vector<16xf32>
      %add3A_866 = arith.addf %mul3A_863, %add3A_865 : vector<16xf32>
      %mul3A_867 = arith.mulf %add3A_866, %sub3A_839 : vector<16xf32>
      %add3A_868 = arith.constant -0.24999994 : f32
      %add3A_869 = vector.broadcast %add3A_868 : f32 to vector<16xf32>
      %add3A_870 = arith.addf %mul3A_867, %add3A_869 : vector<16xf32>
      %mul3A_871 = arith.mulf %add3A_870, %sub3A_839 : vector<16xf32>
      %add3A_872 = arith.constant 0.333333313 : f32
      %add3A_873 = vector.broadcast %add3A_872 : f32 to vector<16xf32>
      %add3A_874 = arith.addf %mul3A_871, %add3A_873 : vector<16xf32>
      %mul3A_875 = arith.mulf %add3A_874, %sub3A_839 : vector<16xf32>
      %mul3A_876 = arith.mulf %mul3A_875, %mul3A_840 : vector<16xf32>
      %mul3A_877 = arith.constant 5.000000e-01 : f32
      %mul3A_878 = vector.broadcast %mul3A_877 : f32 to vector<16xf32>
      %mul3A_879 = arith.mulf %mul3A_878, %mul3A_840 : vector<16xf32>
      %sub3A_880 = arith.subf %mul3A_876, %mul3A_879 : vector<16xf32>
      %add3A_881 = arith.addf %sub3A_839, %sub3A_880 : vector<16xf32>
      %convert_element_type3A_882 = arith.sitofp %add3A_836 : vector<16xi32> to vector<16xf32>
      %mul3A_883 = arith.constant 0.693147182 : f32
      %mul3A_884 = vector.broadcast %mul3A_883 : f32 to vector<16xf32>
      %mul3A_885 = arith.mulf %convert_element_type3A_882, %mul3A_884 : vector<16xf32>
      %add3A_886 = arith.addf %add3A_881, %mul3A_885 : vector<16xf32>
      %sub3A_887 = arith.subf %add3A_886, %get3A_793 : vector<16xf32>
      %mul3A_888 = arith.mulf %mul3A_806, %sub3A_887 : vector<16xf32>
      %jit3A_889 = arith.constant 0.000000e+00 : f32
      %broadcast_in_dim3A_890 = vector.broadcast %jit3A_889 : f32 to vector<16xf32>
      %select_n3A_891 = arith.select %and3A_803, %mul3A_888, %broadcast_in_dim3A_890 : vector<16xi1>, vector<16xf32>
      %add3A_892 = arith.addf %add3A_779, %select_n3A_891 : vector<16xf32>
      %jit3A_893 = arith.constant 1.000000e+00 : f32
      %jit3A_894 = arith.constant 0.000000e+00 : f32
      %broadcast_in_dim3A_895 = vector.broadcast %jit3A_893 : f32 to vector<16xf32>
      %broadcast_in_dim3A_896 = vector.broadcast %jit3A_894 : f32 to vector<16xf32>
      %select_n3A_897 = arith.select %and3A_803, %broadcast_in_dim3A_895, %broadcast_in_dim3A_896 : vector<16xi1>, vector<16xf32>
      %add3A_898 = arith.addf %add3A_785, %select_n3A_897 : vector<16xf32>
      %get3A_899 = arith.constant 9 : i32
      %get3A_900 = arith.index_cast %get3A_899 : i32 to index
      %get3A_901 = arith.constant 0 : index
      %get3A_902 = tpu.vector_load %arg5[%get3A_900, %get3A_901] {strides = array<i32>} : memref<32x32xf32, #tpu.memory_space<vmem>>, vector<16xf32>,
      %get3A_903 = arith.constant 9 : i32
      %get3A_904 = arith.index_cast %get3A_903 : i32 to index
      %get3A_905 = arith.constant 0 : index
      %get3A_906 = tpu.vector_load %arg6[%get3A_904, %get3A_905] {strides = array<i32>} : memref<32x32xf32, #tpu.memory_space<vmem>>, vector<16xf32>,
      %add3A_907 = arith.constant 0 : i32
      %add3A_908 = vector.broadcast %add3A_907 : i32 to vector<16xi32>
      %add3A_909 = arith.addi %add3A_908, %iota3A : vector<16xi32>
      %lt3A_910 = arith.constant 9 : i32
      %lt3A_911 = vector.broadcast %lt3A_910 : i32 to vector<16xi32>
      %lt3A_912 = arith.cmpi slt, %add3A_909, %lt3A_911 : vector<16xi32>
      %gt3A_913 = arith.constant 0.000000e+00 : f32
      %gt3A_914 = vector.broadcast %gt3A_913 : f32 to vector<16xf32>
      %gt3A_915 = arith.cmpf ogt, %get3A_902, %gt3A_914 : vector<16xf32>
      %and3A_916 = arith.andi %lt3A_912, %gt3A_915 : vector<16xi1>
      %mul3A_917 = arith.constant 6.10351563E-5 : f32
      %mul3A_918 = vector.broadcast %mul3A_917 : f32 to vector<16xf32>
      %mul3A_919 = arith.mulf %get3A_902, %mul3A_918 : vector<16xf32>
      %max3A_920 = arith.constant 1.000000e-30 : f32
      %max3A_921 = vector.broadcast %max3A_920 : f32 to vector<16xf32>
      %max3A_922 = arith.maximumf %mul3A_919, %max3A_921 : vector<16xf32>
      %bitcast_convert_type3A_923 = tpu.bitcast %max3A_922 : vector<16xf32> -> vector<16xi32>
      %shift_right_arithmetic3A_924 = arith.constant 23 : i32
      %shift_right_arithmetic3A_925 = vector.broadcast %shift_right_arithmetic3A_924 : i32 to vector<16xi32>
      %shift_right_arithmetic3A_926 = arith.shrsi %bitcast_convert_type3A_923, %shift_right_arithmetic3A_925 : vector<16xi32>
      %sub3A_927 = arith.constant 127 : i32
      %sub3A_928 = vector.broadcast %sub3A_927 : i32 to vector<16xi32>
      %sub3A_929 = arith.subi %shift_right_arithmetic3A_926, %sub3A_928 : vector<16xi32>
      %and3A_930 = arith.constant 8388607 : i32
      %and3A_931 = vector.broadcast %and3A_930 : i32 to vector<16xi32>
      %and3A_932 = arith.andi %bitcast_convert_type3A_923, %and3A_931 : vector<16xi32>
      %or3A_933 = arith.constant 1065353216 : i32
      %or3A_934 = vector.broadcast %or3A_933 : i32 to vector<16xi32>
      %or3A_935 = arith.ori %and3A_932, %or3A_934 : vector<16xi32>
      %bitcast_convert_type3A_936 = tpu.bitcast %or3A_935 : vector<16xi32> -> vector<16xf32>
      %gt3A_937 = arith.constant 1.41421354 : f32
      %gt3A_938 = vector.broadcast %gt3A_937 : f32 to vector<16xf32>
      %gt3A_939 = arith.cmpf ogt, %bitcast_convert_type3A_936, %gt3A_938 : vector<16xf32>
      %mul3A_940 = arith.constant 5.000000e-01 : f32
      %mul3A_941 = vector.broadcast %mul3A_940 : f32 to vector<16xf32>
      %mul3A_942 = arith.mulf %bitcast_convert_type3A_936, %mul3A_941 : vector<16xf32>
      %select_n3A_943 = arith.select %gt3A_939, %mul3A_942, %bitcast_convert_type3A_936 : vector<16xi1>, vector<16xf32>
      %jit3A_944 = arith.constant 1 : i32
      %jit3A_945 = arith.constant 0 : i32
      %broadcast_in_dim3A_946 = vector.broadcast %jit3A_944 : i32 to vector<16xi32>
      %broadcast_in_dim3A_947 = vector.broadcast %jit3A_945 : i32 to vector<16xi32>
      %select_n3A_948 = arith.select %gt3A_939, %broadcast_in_dim3A_946, %broadcast_in_dim3A_947 : vector<16xi1>, vector<16xi32>
      %add3A_949 = arith.addi %sub3A_929, %select_n3A_948 : vector<16xi32>
      %sub3A_950 = arith.constant 1.000000e+00 : f32
      %sub3A_951 = vector.broadcast %sub3A_950 : f32 to vector<16xf32>
      %sub3A_952 = arith.subf %select_n3A_943, %sub3A_951 : vector<16xf32>
      %mul3A_953 = arith.mulf %sub3A_952, %sub3A_952 : vector<16xf32>
      %broadcast_in_dim3A_954 = arith.constant 0.0703768358 : f32
      %broadcast_in_dim3A_955 = vector.broadcast %broadcast_in_dim3A_954 : f32 to vector<16xf32>
      %mul3A_956 = arith.mulf %broadcast_in_dim3A_955, %sub3A_952 : vector<16xf32>
      %add3A_957 = arith.constant -0.115146101 : f32
      %add3A_958 = vector.broadcast %add3A_957 : f32 to vector<16xf32>
      %add3A_959 = arith.addf %mul3A_956, %add3A_958 : vector<16xf32>
      %mul3A_960 = arith.mulf %add3A_959, %sub3A_952 : vector<16xf32>
      %add3A_961 = arith.constant 0.116769984 : f32
      %add3A_962 = vector.broadcast %add3A_961 : f32 to vector<16xf32>
      %add3A_963 = arith.addf %mul3A_960, %add3A_962 : vector<16xf32>
      %mul3A_964 = arith.mulf %add3A_963, %sub3A_952 : vector<16xf32>
      %add3A_965 = arith.constant -0.12420141 : f32
      %add3A_966 = vector.broadcast %add3A_965 : f32 to vector<16xf32>
      %add3A_967 = arith.addf %mul3A_964, %add3A_966 : vector<16xf32>
      %mul3A_968 = arith.mulf %add3A_967, %sub3A_952 : vector<16xf32>
      %add3A_969 = arith.constant 0.142493233 : f32
      %add3A_970 = vector.broadcast %add3A_969 : f32 to vector<16xf32>
      %add3A_971 = arith.addf %mul3A_968, %add3A_970 : vector<16xf32>
      %mul3A_972 = arith.mulf %add3A_971, %sub3A_952 : vector<16xf32>
      %add3A_973 = arith.constant -0.166680574 : f32
      %add3A_974 = vector.broadcast %add3A_973 : f32 to vector<16xf32>
      %add3A_975 = arith.addf %mul3A_972, %add3A_974 : vector<16xf32>
      %mul3A_976 = arith.mulf %add3A_975, %sub3A_952 : vector<16xf32>
      %add3A_977 = arith.constant 0.200007141 : f32
      %add3A_978 = vector.broadcast %add3A_977 : f32 to vector<16xf32>
      %add3A_979 = arith.addf %mul3A_976, %add3A_978 : vector<16xf32>
      %mul3A_980 = arith.mulf %add3A_979, %sub3A_952 : vector<16xf32>
      %add3A_981 = arith.constant -0.24999994 : f32
      %add3A_982 = vector.broadcast %add3A_981 : f32 to vector<16xf32>
      %add3A_983 = arith.addf %mul3A_980, %add3A_982 : vector<16xf32>
      %mul3A_984 = arith.mulf %add3A_983, %sub3A_952 : vector<16xf32>
      %add3A_985 = arith.constant 0.333333313 : f32
      %add3A_986 = vector.broadcast %add3A_985 : f32 to vector<16xf32>
      %add3A_987 = arith.addf %mul3A_984, %add3A_986 : vector<16xf32>
      %mul3A_988 = arith.mulf %add3A_987, %sub3A_952 : vector<16xf32>
      %mul3A_989 = arith.mulf %mul3A_988, %mul3A_953 : vector<16xf32>
      %mul3A_990 = arith.constant 5.000000e-01 : f32
      %mul3A_991 = vector.broadcast %mul3A_990 : f32 to vector<16xf32>
      %mul3A_992 = arith.mulf %mul3A_991, %mul3A_953 : vector<16xf32>
      %sub3A_993 = arith.subf %mul3A_989, %mul3A_992 : vector<16xf32>
      %add3A_994 = arith.addf %sub3A_952, %sub3A_993 : vector<16xf32>
      %convert_element_type3A_995 = arith.sitofp %add3A_949 : vector<16xi32> to vector<16xf32>
      %mul3A_996 = arith.constant 0.693147182 : f32
      %mul3A_997 = vector.broadcast %mul3A_996 : f32 to vector<16xf32>
      %mul3A_998 = arith.mulf %convert_element_type3A_995, %mul3A_997 : vector<16xf32>
      %add3A_999 = arith.addf %add3A_994, %mul3A_998 : vector<16xf32>
      %sub3A_1000 = arith.subf %add3A_999, %get3A_906 : vector<16xf32>
      %mul3A_1001 = arith.mulf %mul3A_919, %sub3A_1000 : vector<16xf32>
      %jit3A_1002 = arith.constant 0.000000e+00 : f32
      %broadcast_in_dim3A_1003 = vector.broadcast %jit3A_1002 : f32 to vector<16xf32>
      %select_n3A_1004 = arith.select %and3A_916, %mul3A_1001, %broadcast_in_dim3A_1003 : vector<16xi1>, vector<16xf32>
      %add3A_1005 = arith.addf %add3A_892, %select_n3A_1004 : vector<16xf32>
      %jit3A_1006 = arith.constant 1.000000e+00 : f32
      %jit3A_1007 = arith.constant 0.000000e+00 : f32
      %broadcast_in_dim3A_1008 = vector.broadcast %jit3A_1006 : f32 to vector<16xf32>
      %broadcast_in_dim3A_1009 = vector.broadcast %jit3A_1007 : f32 to vector<16xf32>
      %select_n3A_1010 = arith.select %and3A_916, %broadcast_in_dim3A_1008, %broadcast_in_dim3A_1009 : vector<16xi1>, vector<16xf32>
      %add3A_1011 = arith.addf %add3A_898, %select_n3A_1010 : vector<16xf32>
      %get3A_1012 = arith.constant 10 : i32
      %get3A_1013 = arith.index_cast %get3A_1012 : i32 to index
      %get3A_1014 = arith.constant 0 : index
      %get3A_1015 = tpu.vector_load %arg5[%get3A_1013, %get3A_1014] {strides = array<i32>} : memref<32x32xf32, #tpu.memory_space<vmem>>, vector<16xf32>,
      %get3A_1016 = arith.constant 10 : i32
      %get3A_1017 = arith.index_cast %get3A_1016 : i32 to index
      %get3A_1018 = arith.constant 0 : index
      %get3A_1019 = tpu.vector_load %arg6[%get3A_1017, %get3A_1018] {strides = array<i32>} : memref<32x32xf32, #tpu.memory_space<vmem>>, vector<16xf32>,
      %add3A_1020 = arith.constant 0 : i32
      %add3A_1021 = vector.broadcast %add3A_1020 : i32 to vector<16xi32>
      %add3A_1022 = arith.addi %add3A_1021, %iota3A : vector<16xi32>
      %lt3A_1023 = arith.constant 10 : i32
      %lt3A_1024 = vector.broadcast %lt3A_1023 : i32 to vector<16xi32>
      %lt3A_1025 = arith.cmpi slt, %add3A_1022, %lt3A_1024 : vector<16xi32>
      %gt3A_1026 = arith.constant 0.000000e+00 : f32
      %gt3A_1027 = vector.broadcast %gt3A_1026 : f32 to vector<16xf32>
      %gt3A_1028 = arith.cmpf ogt, %get3A_1015, %gt3A_1027 : vector<16xf32>
      %and3A_1029 = arith.andi %lt3A_1025, %gt3A_1028 : vector<16xi1>
      %mul3A_1030 = arith.constant 6.10351563E-5 : f32
      %mul3A_1031 = vector.broadcast %mul3A_1030 : f32 to vector<16xf32>
      %mul3A_1032 = arith.mulf %get3A_1015, %mul3A_1031 : vector<16xf32>
      %max3A_1033 = arith.constant 1.000000e-30 : f32
      %max3A_1034 = vector.broadcast %max3A_1033 : f32 to vector<16xf32>
      %max3A_1035 = arith.maximumf %mul3A_1032, %max3A_1034 : vector<16xf32>
      %bitcast_convert_type3A_1036 = tpu.bitcast %max3A_1035 : vector<16xf32> -> vector<16xi32>
      %shift_right_arithmetic3A_1037 = arith.constant 23 : i32
      %shift_right_arithmetic3A_1038 = vector.broadcast %shift_right_arithmetic3A_1037 : i32 to vector<16xi32>
      %shift_right_arithmetic3A_1039 = arith.shrsi %bitcast_convert_type3A_1036, %shift_right_arithmetic3A_1038 : vector<16xi32>
      %sub3A_1040 = arith.constant 127 : i32
      %sub3A_1041 = vector.broadcast %sub3A_1040 : i32 to vector<16xi32>
      %sub3A_1042 = arith.subi %shift_right_arithmetic3A_1039, %sub3A_1041 : vector<16xi32>
      %and3A_1043 = arith.constant 8388607 : i32
      %and3A_1044 = vector.broadcast %and3A_1043 : i32 to vector<16xi32>
      %and3A_1045 = arith.andi %bitcast_convert_type3A_1036, %and3A_1044 : vector<16xi32>
      %or3A_1046 = arith.constant 1065353216 : i32
      %or3A_1047 = vector.broadcast %or3A_1046 : i32 to vector<16xi32>
      %or3A_1048 = arith.ori %and3A_1045, %or3A_1047 : vector<16xi32>
      %bitcast_convert_type3A_1049 = tpu.bitcast %or3A_1048 : vector<16xi32> -> vector<16xf32>
      %gt3A_1050 = arith.constant 1.41421354 : f32
      %gt3A_1051 = vector.broadcast %gt3A_1050 : f32 to vector<16xf32>
      %gt3A_1052 = arith.cmpf ogt, %bitcast_convert_type3A_1049, %gt3A_1051 : vector<16xf32>
      %mul3A_1053 = arith.constant 5.000000e-01 : f32
      %mul3A_1054 = vector.broadcast %mul3A_1053 : f32 to vector<16xf32>
      %mul3A_1055 = arith.mulf %bitcast_convert_type3A_1049, %mul3A_1054 : vector<16xf32>
      %select_n3A_1056 = arith.select %gt3A_1052, %mul3A_1055, %bitcast_convert_type3A_1049 : vector<16xi1>, vector<16xf32>
      %jit3A_1057 = arith.constant 1 : i32
      %jit3A_1058 = arith.constant 0 : i32
      %broadcast_in_dim3A_1059 = vector.broadcast %jit3A_1057 : i32 to vector<16xi32>
      %broadcast_in_dim3A_1060 = vector.broadcast %jit3A_1058 : i32 to vector<16xi32>
      %select_n3A_1061 = arith.select %gt3A_1052, %broadcast_in_dim3A_1059, %broadcast_in_dim3A_1060 : vector<16xi1>, vector<16xi32>
      %add3A_1062 = arith.addi %sub3A_1042, %select_n3A_1061 : vector<16xi32>
      %sub3A_1063 = arith.constant 1.000000e+00 : f32
      %sub3A_1064 = vector.broadcast %sub3A_1063 : f32 to vector<16xf32>
      %sub3A_1065 = arith.subf %select_n3A_1056, %sub3A_1064 : vector<16xf32>
      %mul3A_1066 = arith.mulf %sub3A_1065, %sub3A_1065 : vector<16xf32>
      %broadcast_in_dim3A_1067 = arith.constant 0.0703768358 : f32
      %broadcast_in_dim3A_1068 = vector.broadcast %broadcast_in_dim3A_1067 : f32 to vector<16xf32>
      %mul3A_1069 = arith.mulf %broadcast_in_dim3A_1068, %sub3A_1065 : vector<16xf32>
      %add3A_1070 = arith.constant -0.115146101 : f32
      %add3A_1071 = vector.broadcast %add3A_1070 : f32 to vector<16xf32>
      %add3A_1072 = arith.addf %mul3A_1069, %add3A_1071 : vector<16xf32>
      %mul3A_1073 = arith.mulf %add3A_1072, %sub3A_1065 : vector<16xf32>
      %add3A_1074 = arith.constant 0.116769984 : f32
      %add3A_1075 = vector.broadcast %add3A_1074 : f32 to vector<16xf32>
      %add3A_1076 = arith.addf %mul3A_1073, %add3A_1075 : vector<16xf32>
      %mul3A_1077 = arith.mulf %add3A_1076, %sub3A_1065 : vector<16xf32>
      %add3A_1078 = arith.constant -0.12420141 : f32
      %add3A_1079 = vector.broadcast %add3A_1078 : f32 to vector<16xf32>
      %add3A_1080 = arith.addf %mul3A_1077, %add3A_1079 : vector<16xf32>
      %mul3A_1081 = arith.mulf %add3A_1080, %sub3A_1065 : vector<16xf32>
      %add3A_1082 = arith.constant 0.142493233 : f32
      %add3A_1083 = vector.broadcast %add3A_1082 : f32 to vector<16xf32>
      %add3A_1084 = arith.addf %mul3A_1081, %add3A_1083 : vector<16xf32>
      %mul3A_1085 = arith.mulf %add3A_1084, %sub3A_1065 : vector<16xf32>
      %add3A_1086 = arith.constant -0.166680574 : f32
      %add3A_1087 = vector.broadcast %add3A_1086 : f32 to vector<16xf32>
      %add3A_1088 = arith.addf %mul3A_1085, %add3A_1087 : vector<16xf32>
      %mul3A_1089 = arith.mulf %add3A_1088, %sub3A_1065 : vector<16xf32>
      %add3A_1090 = arith.constant 0.200007141 : f32
      %add3A_1091 = vector.broadcast %add3A_1090 : f32 to vector<16xf32>
      %add3A_1092 = arith.addf %mul3A_1089, %add3A_1091 : vector<16xf32>
      %mul3A_1093 = arith.mulf %add3A_1092, %sub3A_1065 : vector<16xf32>
      %add3A_1094 = arith.constant -0.24999994 : f32
      %add3A_1095 = vector.broadcast %add3A_1094 : f32 to vector<16xf32>
      %add3A_1096 = arith.addf %mul3A_1093, %add3A_1095 : vector<16xf32>
      %mul3A_1097 = arith.mulf %add3A_1096, %sub3A_1065 : vector<16xf32>
      %add3A_1098 = arith.constant 0.333333313 : f32
      %add3A_1099 = vector.broadcast %add3A_1098 : f32 to vector<16xf32>
      %add3A_1100 = arith.addf %mul3A_1097, %add3A_1099 : vector<16xf32>
      %mul3A_1101 = arith.mulf %add3A_1100, %sub3A_1065 : vector<16xf32>
      %mul3A_1102 = arith.mulf %mul3A_1101, %mul3A_1066 : vector<16xf32>
      %mul3A_1103 = arith.constant 5.000000e-01 : f32
      %mul3A_1104 = vector.broadcast %mul3A_1103 : f32 to vector<16xf32>
      %mul3A_1105 = arith.mulf %mul3A_1104, %mul3A_1066 : vector<16xf32>
      %sub3A_1106 = arith.subf %mul3A_1102, %mul3A_1105 : vector<16xf32>
      %add3A_1107 = arith.addf %sub3A_1065, %sub3A_1106 : vector<16xf32>
      %convert_element_type3A_1108 = arith.sitofp %add3A_1062 : vector<16xi32> to vector<16xf32>
      %mul3A_1109 = arith.constant 0.693147182 : f32
      %mul3A_1110 = vector.broadcast %mul3A_1109 : f32 to vector<16xf32>
      %mul3A_1111 = arith.mulf %convert_element_type3A_1108, %mul3A_1110 : vector<16xf32>
      %add3A_1112 = arith.addf %add3A_1107, %mul3A_1111 : vector<16xf32>
      %sub3A_1113 = arith.subf %add3A_1112, %get3A_1019 : vector<16xf32>
      %mul3A_1114 = arith.mulf %mul3A_1032, %sub3A_1113 : vector<16xf32>
      %jit3A_1115 = arith.constant 0.000000e+00 : f32
      %broadcast_in_dim3A_1116 = vector.broadcast %jit3A_1115 : f32 to vector<16xf32>
      %select_n3A_1117 = arith.select %and3A_1029, %mul3A_1114, %broadcast_in_dim3A_1116 : vector<16xi1>, vector<16xf32>
      %add3A_1118 = arith.addf %add3A_1005, %select_n3A_1117 : vector<16xf32>
      %jit3A_1119 = arith.constant 1.000000e+00 : f32
      %jit3A_1120 = arith.constant 0.000000e+00 : f32
      %broadcast_in_dim3A_1121 = vector.broadcast %jit3A_1119 : f32 to vector<16xf32>
      %broadcast_in_dim3A_1122 = vector.broadcast %jit3A_1120 : f32 to vector<16xf32>
      %select_n3A_1123 = arith.select %and3A_1029, %broadcast_in_dim3A_1121, %broadcast_in_dim3A_1122 : vector<16xi1>, vector<16xf32>
      %add3A_1124 = arith.addf %add3A_1011, %select_n3A_1123 : vector<16xf32>
      %get3A_1125 = arith.constant 11 : i32
      %get3A_1126 = arith.index_cast %get3A_1125 : i32 to index
      %get3A_1127 = arith.constant 0 : index
      %get3A_1128 = tpu.vector_load %arg5[%get3A_1126, %get3A_1127] {strides = array<i32>} : memref<32x32xf32, #tpu.memory_space<vmem>>, vector<16xf32>,
      %get3A_1129 = arith.constant 11 : i32
      %get3A_1130 = arith.index_cast %get3A_1129 : i32 to index
      %get3A_1131 = arith.constant 0 : index
      %get3A_1132 = tpu.vector_load %arg6[%get3A_1130, %get3A_1131] {strides = array<i32>} : memref<32x32xf32, #tpu.memory_space<vmem>>, vector<16xf32>,
      %add3A_1133 = arith.constant 0 : i32
      %add3A_1134 = vector.broadcast %add3A_1133 : i32 to vector<16xi32>
      %add3A_1135 = arith.addi %add3A_1134, %iota3A : vector<16xi32>
      %lt3A_1136 = arith.constant 11 : i32
      %lt3A_1137 = vector.broadcast %lt3A_1136 : i32 to vector<16xi32>
      %lt3A_1138 = arith.cmpi slt, %add3A_1135, %lt3A_1137 : vector<16xi32>
      %gt3A_1139 = arith.constant 0.000000e+00 : f32
      %gt3A_1140 = vector.broadcast %gt3A_1139 : f32 to vector<16xf32>
      %gt3A_1141 = arith.cmpf ogt, %get3A_1128, %gt3A_1140 : vector<16xf32>
      %and3A_1142 = arith.andi %lt3A_1138, %gt3A_1141 : vector<16xi1>
      %mul3A_1143 = arith.constant 6.10351563E-5 : f32
      %mul3A_1144 = vector.broadcast %mul3A_1143 : f32 to vector<16xf32>
      %mul3A_1145 = arith.mulf %get3A_1128, %mul3A_1144 : vector<16xf32>
      %max3A_1146 = arith.constant 1.000000e-30 : f32
      %max3A_1147 = vector.broadcast %max3A_1146 : f32 to vector<16xf32>
      %max3A_1148 = arith.maximumf %mul3A_1145, %max3A_1147 : vector<16xf32>
      %bitcast_convert_type3A_1149 = tpu.bitcast %max3A_1148 : vector<16xf32> -> vector<16xi32>
      %shift_right_arithmetic3A_1150 = arith.constant 23 : i32
      %shift_right_arithmetic3A_1151 = vector.broadcast %shift_right_arithmetic3A_1150 : i32 to vector<16xi32>
      %shift_right_arithmetic3A_1152 = arith.shrsi %bitcast_convert_type3A_1149, %shift_right_arithmetic3A_1151 : vector<16xi32>
      %sub3A_1153 = arith.constant 127 : i32
      %sub3A_1154 = vector.broadcast %sub3A_1153 : i32 to vector<16xi32>
      %sub3A_1155 = arith.subi %shift_right_arithmetic3A_1152, %sub3A_1154 : vector<16xi32>
      %and3A_1156 = arith.constant 8388607 : i32
      %and3A_1157 = vector.broadcast %and3A_1156 : i32 to vector<16xi32>
      %and3A_1158 = arith.andi %bitcast_convert_type3A_1149, %and3A_1157 : vector<16xi32>
      %or3A_1159 = arith.constant 1065353216 : i32
      %or3A_1160 = vector.broadcast %or3A_1159 : i32 to vector<16xi32>
      %or3A_1161 = arith.ori %and3A_1158, %or3A_1160 : vector<16xi32>
      %bitcast_convert_type3A_1162 = tpu.bitcast %or3A_1161 : vector<16xi32> -> vector<16xf32>
      %gt3A_1163 = arith.constant 1.41421354 : f32
      %gt3A_1164 = vector.broadcast %gt3A_1163 : f32 to vector<16xf32>
      %gt3A_1165 = arith.cmpf ogt, %bitcast_convert_type3A_1162, %gt3A_1164 : vector<16xf32>
      %mul3A_1166 = arith.constant 5.000000e-01 : f32
      %mul3A_1167 = vector.broadcast %mul3A_1166 : f32 to vector<16xf32>
      %mul3A_1168 = arith.mulf %bitcast_convert_type3A_1162, %mul3A_1167 : vector<16xf32>
      %select_n3A_1169 = arith.select %gt3A_1165, %mul3A_1168, %bitcast_convert_type3A_1162 : vector<16xi1>, vector<16xf32>
      %jit3A_1170 = arith.constant 1 : i32
      %jit3A_1171 = arith.constant 0 : i32
      %broadcast_in_dim3A_1172 = vector.broadcast %jit3A_1170 : i32 to vector<16xi32>
      %broadcast_in_dim3A_1173 = vector.broadcast %jit3A_1171 : i32 to vector<16xi32>
      %select_n3A_1174 = arith.select %gt3A_1165, %broadcast_in_dim3A_1172, %broadcast_in_dim3A_1173 : vector<16xi1>, vector<16xi32>
      %add3A_1175 = arith.addi %sub3A_1155, %select_n3A_1174 : vector<16xi32>
      %sub3A_1176 = arith.constant 1.000000e+00 : f32
      %sub3A_1177 = vector.broadcast %sub3A_1176 : f32 to vector<16xf32>
      %sub3A_1178 = arith.subf %select_n3A_1169, %sub3A_1177 : vector<16xf32>
      %mul3A_1179 = arith.mulf %sub3A_1178, %sub3A_1178 : vector<16xf32>
      %broadcast_in_dim3A_1180 = arith.constant 0.0703768358 : f32
      %broadcast_in_dim3A_1181 = vector.broadcast %broadcast_in_dim3A_1180 : f32 to vector<16xf32>
      %mul3A_1182 = arith.mulf %broadcast_in_dim3A_1181, %sub3A_1178 : vector<16xf32>
      %add3A_1183 = arith.constant -0.115146101 : f32
      %add3A_1184 = vector.broadcast %add3A_1183 : f32 to vector<16xf32>
      %add3A_1185 = arith.addf %mul3A_1182, %add3A_1184 : vector<16xf32>
      %mul3A_1186 = arith.mulf %add3A_1185, %sub3A_1178 : vector<16xf32>
      %add3A_1187 = arith.constant 0.116769984 : f32
      %add3A_1188 = vector.broadcast %add3A_1187 : f32 to vector<16xf32>
      %add3A_1189 = arith.addf %mul3A_1186, %add3A_1188 : vector<16xf32>
      %mul3A_1190 = arith.mulf %add3A_1189, %sub3A_1178 : vector<16xf32>
      %add3A_1191 = arith.constant -0.12420141 : f32
      %add3A_1192 = vector.broadcast %add3A_1191 : f32 to vector<16xf32>
      %add3A_1193 = arith.addf %mul3A_1190, %add3A_1192 : vector<16xf32>
      %mul3A_1194 = arith.mulf %add3A_1193, %sub3A_1178 : vector<16xf32>
      %add3A_1195 = arith.constant 0.142493233 : f32
      %add3A_1196 = vector.broadcast %add3A_1195 : f32 to vector<16xf32>
      %add3A_1197 = arith.addf %mul3A_1194, %add3A_1196 : vector<16xf32>
      %mul3A_1198 = arith.mulf %add3A_1197, %sub3A_1178 : vector<16xf32>
      %add3A_1199 = arith.constant -0.166680574 : f32
      %add3A_1200 = vector.broadcast %add3A_1199 : f32 to vector<16xf32>
      %add3A_1201 = arith.addf %mul3A_1198, %add3A_1200 : vector<16xf32>
      %mul3A_1202 = arith.mulf %add3A_1201, %sub3A_1178 : vector<16xf32>
      %add3A_1203 = arith.constant 0.200007141 : f32
      %add3A_1204 = vector.broadcast %add3A_1203 : f32 to vector<16xf32>
      %add3A_1205 = arith.addf %mul3A_1202, %add3A_1204 : vector<16xf32>
      %mul3A_1206 = arith.mulf %add3A_1205, %sub3A_1178 : vector<16xf32>
      %add3A_1207 = arith.constant -0.24999994 : f32
      %add3A_1208 = vector.broadcast %add3A_1207 : f32 to vector<16xf32>
      %add3A_1209 = arith.addf %mul3A_1206, %add3A_1208 : vector<16xf32>
      %mul3A_1210 = arith.mulf %add3A_1209, %sub3A_1178 : vector<16xf32>
      %add3A_1211 = arith.constant 0.333333313 : f32
      %add3A_1212 = vector.broadcast %add3A_1211 : f32 to vector<16xf32>
      %add3A_1213 = arith.addf %mul3A_1210, %add3A_1212 : vector<16xf32>
      %mul3A_1214 = arith.mulf %add3A_1213, %sub3A_1178 : vector<16xf32>
      %mul3A_1215 = arith.mulf %mul3A_1214, %mul3A_1179 : vector<16xf32>
      %mul3A_1216 = arith.constant 5.000000e-01 : f32
      %mul3A_1217 = vector.broadcast %mul3A_1216 : f32 to vector<16xf32>
      %mul3A_1218 = arith.mulf %mul3A_1217, %mul3A_1179 : vector<16xf32>
      %sub3A_1219 = arith.subf %mul3A_1215, %mul3A_1218 : vector<16xf32>
      %add3A_1220 = arith.addf %sub3A_1178, %sub3A_1219 : vector<16xf32>
      %convert_element_type3A_1221 = arith.sitofp %add3A_1175 : vector<16xi32> to vector<16xf32>
      %mul3A_1222 = arith.constant 0.693147182 : f32
      %mul3A_1223 = vector.broadcast %mul3A_1222 : f32 to vector<16xf32>
      %mul3A_1224 = arith.mulf %convert_element_type3A_1221, %mul3A_1223 : vector<16xf32>
      %add3A_1225 = arith.addf %add3A_1220, %mul3A_1224 : vector<16xf32>
      %sub3A_1226 = arith.subf %add3A_1225, %get3A_1132 : vector<16xf32>
      %mul3A_1227 = arith.mulf %mul3A_1145, %sub3A_1226 : vector<16xf32>
      %jit3A_1228 = arith.constant 0.000000e+00 : f32
      %broadcast_in_dim3A_1229 = vector.broadcast %jit3A_1228 : f32 to vector<16xf32>
      %select_n3A_1230 = arith.select %and3A_1142, %mul3A_1227, %broadcast_in_dim3A_1229 : vector<16xi1>, vector<16xf32>
      %add3A_1231 = arith.addf %add3A_1118, %select_n3A_1230 : vector<16xf32>
      %jit3A_1232 = arith.constant 1.000000e+00 : f32
      %jit3A_1233 = arith.constant 0.000000e+00 : f32
      %broadcast_in_dim3A_1234 = vector.broadcast %jit3A_1232 : f32 to vector<16xf32>
      %broadcast_in_dim3A_1235 = vector.broadcast %jit3A_1233 : f32 to vector<16xf32>
      %select_n3A_1236 = arith.select %and3A_1142, %broadcast_in_dim3A_1234, %broadcast_in_dim3A_1235 : vector<16xi1>, vector<16xf32>
      %add3A_1237 = arith.addf %add3A_1124, %select_n3A_1236 : vector<16xf32>
      %get3A_1238 = arith.constant 12 : i32
      %get3A_1239 = arith.index_cast %get3A_1238 : i32 to index
      %get3A_1240 = arith.constant 0 : index
      %get3A_1241 = tpu.vector_load %arg5[%get3A_1239, %get3A_1240] {strides = array<i32>} : memref<32x32xf32, #tpu.memory_space<vmem>>, vector<16xf32>,
      %get3A_1242 = arith.constant 12 : i32
      %get3A_1243 = arith.index_cast %get3A_1242 : i32 to index
      %get3A_1244 = arith.constant 0 : index
      %get3A_1245 = tpu.vector_load %arg6[%get3A_1243, %get3A_1244] {strides = array<i32>} : memref<32x32xf32, #tpu.memory_space<vmem>>, vector<16xf32>,
      %add3A_1246 = arith.constant 0 : i32
      %add3A_1247 = vector.broadcast %add3A_1246 : i32 to vector<16xi32>
      %add3A_1248 = arith.addi %add3A_1247, %iota3A : vector<16xi32>
      %lt3A_1249 = arith.constant 12 : i32
      %lt3A_1250 = vector.broadcast %lt3A_1249 : i32 to vector<16xi32>
      %lt3A_1251 = arith.cmpi slt, %add3A_1248, %lt3A_1250 : vector<16xi32>
      %gt3A_1252 = arith.constant 0.000000e+00 : f32
      %gt3A_1253 = vector.broadcast %gt3A_1252 : f32 to vector<16xf32>
      %gt3A_1254 = arith.cmpf ogt, %get3A_1241, %gt3A_1253 : vector<16xf32>
      %and3A_1255 = arith.andi %lt3A_1251, %gt3A_1254 : vector<16xi1>
      %mul3A_1256 = arith.constant 6.10351563E-5 : f32
      %mul3A_1257 = vector.broadcast %mul3A_1256 : f32 to vector<16xf32>
      %mul3A_1258 = arith.mulf %get3A_1241, %mul3A_1257 : vector<16xf32>
      %max3A_1259 = arith.constant 1.000000e-30 : f32
      %max3A_1260 = vector.broadcast %max3A_1259 : f32 to vector<16xf32>
      %max3A_1261 = arith.maximumf %mul3A_1258, %max3A_1260 : vector<16xf32>
      %bitcast_convert_type3A_1262 = tpu.bitcast %max3A_1261 : vector<16xf32> -> vector<16xi32>
      %shift_right_arithmetic3A_1263 = arith.constant 23 : i32
      %shift_right_arithmetic3A_1264 = vector.broadcast %shift_right_arithmetic3A_1263 : i32 to vector<16xi32>
      %shift_right_arithmetic3A_1265 = arith.shrsi %bitcast_convert_type3A_1262, %shift_right_arithmetic3A_1264 : vector<16xi32>
      %sub3A_1266 = arith.constant 127 : i32
      %sub3A_1267 = vector.broadcast %sub3A_1266 : i32 to vector<16xi32>
      %sub3A_1268 = arith.subi %shift_right_arithmetic3A_1265, %sub3A_1267 : vector<16xi32>
      %and3A_1269 = arith.constant 8388607 : i32
      %and3A_1270 = vector.broadcast %and3A_1269 : i32 to vector<16xi32>
      %and3A_1271 = arith.andi %bitcast_convert_type3A_1262, %and3A_1270 : vector<16xi32>
      %or3A_1272 = arith.constant 1065353216 : i32
      %or3A_1273 = vector.broadcast %or3A_1272 : i32 to vector<16xi32>
      %or3A_1274 = arith.ori %and3A_1271, %or3A_1273 : vector<16xi32>
      %bitcast_convert_type3A_1275 = tpu.bitcast %or3A_1274 : vector<16xi32> -> vector<16xf32>
      %gt3A_1276 = arith.constant 1.41421354 : f32
      %gt3A_1277 = vector.broadcast %gt3A_1276 : f32 to vector<16xf32>
      %gt3A_1278 = arith.cmpf ogt, %bitcast_convert_type3A_1275, %gt3A_1277 : vector<16xf32>
      %mul3A_1279 = arith.constant 5.000000e-01 : f32
      %mul3A_1280 = vector.broadcast %mul3A_1279 : f32 to vector<16xf32>
      %mul3A_1281 = arith.mulf %bitcast_convert_type3A_1275, %mul3A_1280 : vector<16xf32>
      %select_n3A_1282 = arith.select %gt3A_1278, %mul3A_1281, %bitcast_convert_type3A_1275 : vector<16xi1>, vector<16xf32>
      %jit3A_1283 = arith.constant 1 : i32
      %jit3A_1284 = arith.constant 0 : i32
      %broadcast_in_dim3A_1285 = vector.broadcast %jit3A_1283 : i32 to vector<16xi32>
      %broadcast_in_dim3A_1286 = vector.broadcast %jit3A_1284 : i32 to vector<16xi32>
      %select_n3A_1287 = arith.select %gt3A_1278, %broadcast_in_dim3A_1285, %broadcast_in_dim3A_1286 : vector<16xi1>, vector<16xi32>
      %add3A_1288 = arith.addi %sub3A_1268, %select_n3A_1287 : vector<16xi32>
      %sub3A_1289 = arith.constant 1.000000e+00 : f32
      %sub3A_1290 = vector.broadcast %sub3A_1289 : f32 to vector<16xf32>
      %sub3A_1291 = arith.subf %select_n3A_1282, %sub3A_1290 : vector<16xf32>
      %mul3A_1292 = arith.mulf %sub3A_1291, %sub3A_1291 : vector<16xf32>
      %broadcast_in_dim3A_1293 = arith.constant 0.0703768358 : f32
      %broadcast_in_dim3A_1294 = vector.broadcast %broadcast_in_dim3A_1293 : f32 to vector<16xf32>
      %mul3A_1295 = arith.mulf %broadcast_in_dim3A_1294, %sub3A_1291 : vector<16xf32>
      %add3A_1296 = arith.constant -0.115146101 : f32
      %add3A_1297 = vector.broadcast %add3A_1296 : f32 to vector<16xf32>
      %add3A_1298 = arith.addf %mul3A_1295, %add3A_1297 : vector<16xf32>
      %mul3A_1299 = arith.mulf %add3A_1298, %sub3A_1291 : vector<16xf32>
      %add3A_1300 = arith.constant 0.116769984 : f32
      %add3A_1301 = vector.broadcast %add3A_1300 : f32 to vector<16xf32>
      %add3A_1302 = arith.addf %mul3A_1299, %add3A_1301 : vector<16xf32>
      %mul3A_1303 = arith.mulf %add3A_1302, %sub3A_1291 : vector<16xf32>
      %add3A_1304 = arith.constant -0.12420141 : f32
      %add3A_1305 = vector.broadcast %add3A_1304 : f32 to vector<16xf32>
      %add3A_1306 = arith.addf %mul3A_1303, %add3A_1305 : vector<16xf32>
      %mul3A_1307 = arith.mulf %add3A_1306, %sub3A_1291 : vector<16xf32>
      %add3A_1308 = arith.constant 0.142493233 : f32
      %add3A_1309 = vector.broadcast %add3A_1308 : f32 to vector<16xf32>
      %add3A_1310 = arith.addf %mul3A_1307, %add3A_1309 : vector<16xf32>
      %mul3A_1311 = arith.mulf %add3A_1310, %sub3A_1291 : vector<16xf32>
      %add3A_1312 = arith.constant -0.166680574 : f32
      %add3A_1313 = vector.broadcast %add3A_1312 : f32 to vector<16xf32>
      %add3A_1314 = arith.addf %mul3A_1311, %add3A_1313 : vector<16xf32>
      %mul3A_1315 = arith.mulf %add3A_1314, %sub3A_1291 : vector<16xf32>
      %add3A_1316 = arith.constant 0.200007141 : f32
      %add3A_1317 = vector.broadcast %add3A_1316 : f32 to vector<16xf32>
      %add3A_1318 = arith.addf %mul3A_1315, %add3A_1317 : vector<16xf32>
      %mul3A_1319 = arith.mulf %add3A_1318, %sub3A_1291 : vector<16xf32>
      %add3A_1320 = arith.constant -0.24999994 : f32
      %add3A_1321 = vector.broadcast %add3A_1320 : f32 to vector<16xf32>
      %add3A_1322 = arith.addf %mul3A_1319, %add3A_1321 : vector<16xf32>
      %mul3A_1323 = arith.mulf %add3A_1322, %sub3A_1291 : vector<16xf32>
      %add3A_1324 = arith.constant 0.333333313 : f32
      %add3A_1325 = vector.broadcast %add3A_1324 : f32 to vector<16xf32>
      %add3A_1326 = arith.addf %mul3A_1323, %add3A_1325 : vector<16xf32>
      %mul3A_1327 = arith.mulf %add3A_1326, %sub3A_1291 : vector<16xf32>
      %mul3A_1328 = arith.mulf %mul3A_1327, %mul3A_1292 : vector<16xf32>
      %mul3A_1329 = arith.constant 5.000000e-01 : f32
      %mul3A_1330 = vector.broadcast %mul3A_1329 : f32 to vector<16xf32>
      %mul3A_1331 = arith.mulf %mul3A_1330, %mul3A_1292 : vector<16xf32>
      %sub3A_1332 = arith.subf %mul3A_1328, %mul3A_1331 : vector<16xf32>
      %add3A_1333 = arith.addf %sub3A_1291, %sub3A_1332 : vector<16xf32>
      %convert_element_type3A_1334 = arith.sitofp %add3A_1288 : vector<16xi32> to vector<16xf32>
      %mul3A_1335 = arith.constant 0.693147182 : f32
      %mul3A_1336 = vector.broadcast %mul3A_1335 : f32 to vector<16xf32>
      %mul3A_1337 = arith.mulf %convert_element_type3A_1334, %mul3A_1336 : vector<16xf32>
      %add3A_1338 = arith.addf %add3A_1333, %mul3A_1337 : vector<16xf32>
      %sub3A_1339 = arith.subf %add3A_1338, %get3A_1245 : vector<16xf32>
      %mul3A_1340 = arith.mulf %mul3A_1258, %sub3A_1339 : vector<16xf32>
      %jit3A_1341 = arith.constant 0.000000e+00 : f32
      %broadcast_in_dim3A_1342 = vector.broadcast %jit3A_1341 : f32 to vector<16xf32>
      %select_n3A_1343 = arith.select %and3A_1255, %mul3A_1340, %broadcast_in_dim3A_1342 : vector<16xi1>, vector<16xf32>
      %add3A_1344 = arith.addf %add3A_1231, %select_n3A_1343 : vector<16xf32>
      %jit3A_1345 = arith.constant 1.000000e+00 : f32
      %jit3A_1346 = arith.constant 0.000000e+00 : f32
      %broadcast_in_dim3A_1347 = vector.broadcast %jit3A_1345 : f32 to vector<16xf32>
      %broadcast_in_dim3A_1348 = vector.broadcast %jit3A_1346 : f32 to vector<16xf32>
      %select_n3A_1349 = arith.select %and3A_1255, %broadcast_in_dim3A_1347, %broadcast_in_dim3A_1348 : vector<16xi1>, vector<16xf32>
      %add3A_1350 = arith.addf %add3A_1237, %select_n3A_1349 : vector<16xf32>
      %get3A_1351 = arith.constant 13 : i32
      %get3A_1352 = arith.index_cast %get3A_1351 : i32 to index
      %get3A_1353 = arith.constant 0 : index
      %get3A_1354 = tpu.vector_load %arg5[%get3A_1352, %get3A_1353] {strides = array<i32>} : memref<32x32xf32, #tpu.memory_space<vmem>>, vector<16xf32>,
      %get3A_1355 = arith.constant 13 : i32
      %get3A_1356 = arith.index_cast %get3A_1355 : i32 to index
      %get3A_1357 = arith.constant 0 : index
      %get3A_1358 = tpu.vector_load %arg6[%get3A_1356, %get3A_1357] {strides = array<i32>} : memref<32x32xf32, #tpu.memory_space<vmem>>, vector<16xf32>,
      %add3A_1359 = arith.constant 0 : i32
      %add3A_1360 = vector.broadcast %add3A_1359 : i32 to vector<16xi32>
      %add3A_1361 = arith.addi %add3A_1360, %iota3A : vector<16xi32>
      %lt3A_1362 = arith.constant 13 : i32
      %lt3A_1363 = vector.broadcast %lt3A_1362 : i32 to vector<16xi32>
      %lt3A_1364 = arith.cmpi slt, %add3A_1361, %lt3A_1363 : vector<16xi32>
      %gt3A_1365 = arith.constant 0.000000e+00 : f32
      %gt3A_1366 = vector.broadcast %gt3A_1365 : f32 to vector<16xf32>
      %gt3A_1367 = arith.cmpf ogt, %get3A_1354, %gt3A_1366 : vector<16xf32>
      %and3A_1368 = arith.andi %lt3A_1364, %gt3A_1367 : vector<16xi1>
      %mul3A_1369 = arith.constant 6.10351563E-5 : f32
      %mul3A_1370 = vector.broadcast %mul3A_1369 : f32 to vector<16xf32>
      %mul3A_1371 = arith.mulf %get3A_1354, %mul3A_1370 : vector<16xf32>
      %max3A_1372 = arith.constant 1.000000e-30 : f32
      %max3A_1373 = vector.broadcast %max3A_1372 : f32 to vector<16xf32>
      %max3A_1374 = arith.maximumf %mul3A_1371, %max3A_1373 : vector<16xf32>
      %bitcast_convert_type3A_1375 = tpu.bitcast %max3A_1374 : vector<16xf32> -> vector<16xi32>
      %shift_right_arithmetic3A_1376 = arith.constant 23 : i32
      %shift_right_arithmetic3A_1377 = vector.broadcast %shift_right_arithmetic3A_1376 : i32 to vector<16xi32>
      %shift_right_arithmetic3A_1378 = arith.shrsi %bitcast_convert_type3A_1375, %shift_right_arithmetic3A_1377 : vector<16xi32>
      %sub3A_1379 = arith.constant 127 : i32
      %sub3A_1380 = vector.broadcast %sub3A_1379 : i32 to vector<16xi32>
      %sub3A_1381 = arith.subi %shift_right_arithmetic3A_1378, %sub3A_1380 : vector<16xi32>
      %and3A_1382 = arith.constant 8388607 : i32
      %and3A_1383 = vector.broadcast %and3A_1382 : i32 to vector<16xi32>
      %and3A_1384 = arith.andi %bitcast_convert_type3A_1375, %and3A_1383 : vector<16xi32>
      %or3A_1385 = arith.constant 1065353216 : i32
      %or3A_1386 = vector.broadcast %or3A_1385 : i32 to vector<16xi32>
      %or3A_1387 = arith.ori %and3A_1384, %or3A_1386 : vector<16xi32>
      %bitcast_convert_type3A_1388 = tpu.bitcast %or3A_1387 : vector<16xi32> -> vector<16xf32>
      %gt3A_1389 = arith.constant 1.41421354 : f32
      %gt3A_1390 = vector.broadcast %gt3A_1389 : f32 to vector<16xf32>
      %gt3A_1391 = arith.cmpf ogt, %bitcast_convert_type3A_1388, %gt3A_1390 : vector<16xf32>
      %mul3A_1392 = arith.constant 5.000000e-01 : f32
      %mul3A_1393 = vector.broadcast %mul3A_1392 : f32 to vector<16xf32>
      %mul3A_1394 = arith.mulf %bitcast_convert_type3A_1388, %mul3A_1393 : vector<16xf32>
      %select_n3A_1395 = arith.select %gt3A_1391, %mul3A_1394, %bitcast_convert_type3A_1388 : vector<16xi1>, vector<16xf32>
      %jit3A_1396 = arith.constant 1 : i32
      %jit3A_1397 = arith.constant 0 : i32
      %broadcast_in_dim3A_1398 = vector.broadcast %jit3A_1396 : i32 to vector<16xi32>
      %broadcast_in_dim3A_1399 = vector.broadcast %jit3A_1397 : i32 to vector<16xi32>
      %select_n3A_1400 = arith.select %gt3A_1391, %broadcast_in_dim3A_1398, %broadcast_in_dim3A_1399 : vector<16xi1>, vector<16xi32>
      %add3A_1401 = arith.addi %sub3A_1381, %select_n3A_1400 : vector<16xi32>
      %sub3A_1402 = arith.constant 1.000000e+00 : f32
      %sub3A_1403 = vector.broadcast %sub3A_1402 : f32 to vector<16xf32>
      %sub3A_1404 = arith.subf %select_n3A_1395, %sub3A_1403 : vector<16xf32>
      %mul3A_1405 = arith.mulf %sub3A_1404, %sub3A_1404 : vector<16xf32>
      %broadcast_in_dim3A_1406 = arith.constant 0.0703768358 : f32
      %broadcast_in_dim3A_1407 = vector.broadcast %broadcast_in_dim3A_1406 : f32 to vector<16xf32>
      %mul3A_1408 = arith.mulf %broadcast_in_dim3A_1407, %sub3A_1404 : vector<16xf32>
      %add3A_1409 = arith.constant -0.115146101 : f32
      %add3A_1410 = vector.broadcast %add3A_1409 : f32 to vector<16xf32>
      %add3A_1411 = arith.addf %mul3A_1408, %add3A_1410 : vector<16xf32>
      %mul3A_1412 = arith.mulf %add3A_1411, %sub3A_1404 : vector<16xf32>
      %add3A_1413 = arith.constant 0.116769984 : f32
      %add3A_1414 = vector.broadcast %add3A_1413 : f32 to vector<16xf32>
      %add3A_1415 = arith.addf %mul3A_1412, %add3A_1414 : vector<16xf32>
      %mul3A_1416 = arith.mulf %add3A_1415, %sub3A_1404 : vector<16xf32>
      %add3A_1417 = arith.constant -0.12420141 : f32
      %add3A_1418 = vector.broadcast %add3A_1417 : f32 to vector<16xf32>
      %add3A_1419 = arith.addf %mul3A_1416, %add3A_1418 : vector<16xf32>
      %mul3A_1420 = arith.mulf %add3A_1419, %sub3A_1404 : vector<16xf32>
      %add3A_1421 = arith.constant 0.142493233 : f32
      %add3A_1422 = vector.broadcast %add3A_1421 : f32 to vector<16xf32>
      %add3A_1423 = arith.addf %mul3A_1420, %add3A_1422 : vector<16xf32>
      %mul3A_1424 = arith.mulf %add3A_1423, %sub3A_1404 : vector<16xf32>
      %add3A_1425 = arith.constant -0.166680574 : f32
      %add3A_1426 = vector.broadcast %add3A_1425 : f32 to vector<16xf32>
      %add3A_1427 = arith.addf %mul3A_1424, %add3A_1426 : vector<16xf32>
      %mul3A_1428 = arith.mulf %add3A_1427, %sub3A_1404 : vector<16xf32>
      %add3A_1429 = arith.constant 0.200007141 : f32
      %add3A_1430 = vector.broadcast %add3A_1429 : f32 to vector<16xf32>
      %add3A_1431 = arith.addf %mul3A_1428, %add3A_1430 : vector<16xf32>
      %mul3A_1432 = arith.mulf %add3A_1431, %sub3A_1404 : vector<16xf32>
      %add3A_1433 = arith.constant -0.24999994 : f32
      %add3A_1434 = vector.broadcast %add3A_1433 : f32 to vector<16xf32>
      %add3A_1435 = arith.addf %mul3A_1432, %add3A_1434 : vector<16xf32>
      %mul3A_1436 = arith.mulf %add3A_1435, %sub3A_1404 : vector<16xf32>
      %add3A_1437 = arith.constant 0.333333313 : f32
      %add3A_1438 = vector.broadcast %add3A_1437 : f32 to vector<16xf32>
      %add3A_1439 = arith.addf %mul3A_1436, %add3A_1438 : vector<16xf32>
      %mul3A_1440 = arith.mulf %add3A_1439, %sub3A_1404 : vector<16xf32>
      %mul3A_1441 = arith.mulf %mul3A_1440, %mul3A_1405 : vector<16xf32>
      %mul3A_1442 = arith.constant 5.000000e-01 : f32
      %mul3A_1443 = vector.broadcast %mul3A_1442 : f32 to vector<16xf32>
      %mul3A_1444 = arith.mulf %mul3A_1443, %mul3A_1405 : vector<16xf32>
      %sub3A_1445 = arith.subf %mul3A_1441, %mul3A_1444 : vector<16xf32>
      %add3A_1446 = arith.addf %sub3A_1404, %sub3A_1445 : vector<16xf32>
      %convert_element_type3A_1447 = arith.sitofp %add3A_1401 : vector<16xi32> to vector<16xf32>
      %mul3A_1448 = arith.constant 0.693147182 : f32
      %mul3A_1449 = vector.broadcast %mul3A_1448 : f32 to vector<16xf32>
      %mul3A_1450 = arith.mulf %convert_element_type3A_1447, %mul3A_1449 : vector<16xf32>
      %add3A_1451 = arith.addf %add3A_1446, %mul3A_1450 : vector<16xf32>
      %sub3A_1452 = arith.subf %add3A_1451, %get3A_1358 : vector<16xf32>
      %mul3A_1453 = arith.mulf %mul3A_1371, %sub3A_1452 : vector<16xf32>
      %jit3A_1454 = arith.constant 0.000000e+00 : f32
      %broadcast_in_dim3A_1455 = vector.broadcast %jit3A_1454 : f32 to vector<16xf32>
      %select_n3A_1456 = arith.select %and3A_1368, %mul3A_1453, %broadcast_in_dim3A_1455 : vector<16xi1>, vector<16xf32>
      %add3A_1457 = arith.addf %add3A_1344, %select_n3A_1456 : vector<16xf32>
      %jit3A_1458 = arith.constant 1.000000e+00 : f32
      %jit3A_1459 = arith.constant 0.000000e+00 : f32
      %broadcast_in_dim3A_1460 = vector.broadcast %jit3A_1458 : f32 to vector<16xf32>
      %broadcast_in_dim3A_1461 = vector.broadcast %jit3A_1459 : f32 to vector<16xf32>
      %select_n3A_1462 = arith.select %and3A_1368, %broadcast_in_dim3A_1460, %broadcast_in_dim3A_1461 : vector<16xi1>, vector<16xf32>
      %add3A_1463 = arith.addf %add3A_1350, %select_n3A_1462 : vector<16xf32>
      %get3A_1464 = arith.constant 14 : i32
      %get3A_1465 = arith.index_cast %get3A_1464 : i32 to index
      %get3A_1466 = arith.constant 0 : index
      %get3A_1467 = tpu.vector_load %arg5[%get3A_1465, %get3A_1466] {strides = array<i32>} : memref<32x32xf32, #tpu.memory_space<vmem>>, vector<16xf32>,
      %get3A_1468 = arith.constant 14 : i32
      %get3A_1469 = arith.index_cast %get3A_1468 : i32 to index
      %get3A_1470 = arith.constant 0 : index
      %get3A_1471 = tpu.vector_load %arg6[%get3A_1469, %get3A_1470] {strides = array<i32>} : memref<32x32xf32, #tpu.memory_space<vmem>>, vector<16xf32>,
      %add3A_1472 = arith.constant 0 : i32
      %add3A_1473 = vector.broadcast %add3A_1472 : i32 to vector<16xi32>
      %add3A_1474 = arith.addi %add3A_1473, %iota3A : vector<16xi32>
      %lt3A_1475 = arith.constant 14 : i32
      %lt3A_1476 = vector.broadcast %lt3A_1475 : i32 to vector<16xi32>
      %lt3A_1477 = arith.cmpi slt, %add3A_1474, %lt3A_1476 : vector<16xi32>
      %gt3A_1478 = arith.constant 0.000000e+00 : f32
      %gt3A_1479 = vector.broadcast %gt3A_1478 : f32 to vector<16xf32>
      %gt3A_1480 = arith.cmpf ogt, %get3A_1467, %gt3A_1479 : vector<16xf32>
      %and3A_1481 = arith.andi %lt3A_1477, %gt3A_1480 : vector<16xi1>
      %mul3A_1482 = arith.constant 6.10351563E-5 : f32
      %mul3A_1483 = vector.broadcast %mul3A_1482 : f32 to vector<16xf32>
      %mul3A_1484 = arith.mulf %get3A_1467, %mul3A_1483 : vector<16xf32>
      %max3A_1485 = arith.constant 1.000000e-30 : f32
      %max3A_1486 = vector.broadcast %max3A_1485 : f32 to vector<16xf32>
      %max3A_1487 = arith.maximumf %mul3A_1484, %max3A_1486 : vector<16xf32>
      %bitcast_convert_type3A_1488 = tpu.bitcast %max3A_1487 : vector<16xf32> -> vector<16xi32>
      %shift_right_arithmetic3A_1489 = arith.constant 23 : i32
      %shift_right_arithmetic3A_1490 = vector.broadcast %shift_right_arithmetic3A_1489 : i32 to vector<16xi32>
      %shift_right_arithmetic3A_1491 = arith.shrsi %bitcast_convert_type3A_1488, %shift_right_arithmetic3A_1490 : vector<16xi32>
      %sub3A_1492 = arith.constant 127 : i32
      %sub3A_1493 = vector.broadcast %sub3A_1492 : i32 to vector<16xi32>
      %sub3A_1494 = arith.subi %shift_right_arithmetic3A_1491, %sub3A_1493 : vector<16xi32>
      %and3A_1495 = arith.constant 8388607 : i32
      %and3A_1496 = vector.broadcast %and3A_1495 : i32 to vector<16xi32>
      %and3A_1497 = arith.andi %bitcast_convert_type3A_1488, %and3A_1496 : vector<16xi32>
      %or3A_1498 = arith.constant 1065353216 : i32
      %or3A_1499 = vector.broadcast %or3A_1498 : i32 to vector<16xi32>
      %or3A_1500 = arith.ori %and3A_1497, %or3A_1499 : vector<16xi32>
      %bitcast_convert_type3A_1501 = tpu.bitcast %or3A_1500 : vector<16xi32> -> vector<16xf32>
      %gt3A_1502 = arith.constant 1.41421354 : f32
      %gt3A_1503 = vector.broadcast %gt3A_1502 : f32 to vector<16xf32>
      %gt3A_1504 = arith.cmpf ogt, %bitcast_convert_type3A_1501, %gt3A_1503 : vector<16xf32>
      %mul3A_1505 = arith.constant 5.000000e-01 : f32
      %mul3A_1506 = vector.broadcast %mul3A_1505 : f32 to vector<16xf32>
      %mul3A_1507 = arith.mulf %bitcast_convert_type3A_1501, %mul3A_1506 : vector<16xf32>
      %select_n3A_1508 = arith.select %gt3A_1504, %mul3A_1507, %bitcast_convert_type3A_1501 : vector<16xi1>, vector<16xf32>
      %jit3A_1509 = arith.constant 1 : i32
      %jit3A_1510 = arith.constant 0 : i32
      %broadcast_in_dim3A_1511 = vector.broadcast %jit3A_1509 : i32 to vector<16xi32>
      %broadcast_in_dim3A_1512 = vector.broadcast %jit3A_1510 : i32 to vector<16xi32>
      %select_n3A_1513 = arith.select %gt3A_1504, %broadcast_in_dim3A_1511, %broadcast_in_dim3A_1512 : vector<16xi1>, vector<16xi32>
      %add3A_1514 = arith.addi %sub3A_1494, %select_n3A_1513 : vector<16xi32>
      %sub3A_1515 = arith.constant 1.000000e+00 : f32
      %sub3A_1516 = vector.broadcast %sub3A_1515 : f32 to vector<16xf32>
      %sub3A_1517 = arith.subf %select_n3A_1508, %sub3A_1516 : vector<16xf32>
      %mul3A_1518 = arith.mulf %sub3A_1517, %sub3A_1517 : vector<16xf32>
      %broadcast_in_dim3A_1519 = arith.constant 0.0703768358 : f32
      %broadcast_in_dim3A_1520 = vector.broadcast %broadcast_in_dim3A_1519 : f32 to vector<16xf32>
      %mul3A_1521 = arith.mulf %broadcast_in_dim3A_1520, %sub3A_1517 : vector<16xf32>
      %add3A_1522 = arith.constant -0.115146101 : f32
      %add3A_1523 = vector.broadcast %add3A_1522 : f32 to vector<16xf32>
      %add3A_1524 = arith.addf %mul3A_1521, %add3A_1523 : vector<16xf32>
      %mul3A_1525 = arith.mulf %add3A_1524, %sub3A_1517 : vector<16xf32>
      %add3A_1526 = arith.constant 0.116769984 : f32
      %add3A_1527 = vector.broadcast %add3A_1526 : f32 to vector<16xf32>
      %add3A_1528 = arith.addf %mul3A_1525, %add3A_1527 : vector<16xf32>
      %mul3A_1529 = arith.mulf %add3A_1528, %sub3A_1517 : vector<16xf32>
      %add3A_1530 = arith.constant -0.12420141 : f32
      %add3A_1531 = vector.broadcast %add3A_1530 : f32 to vector<16xf32>
      %add3A_1532 = arith.addf %mul3A_1529, %add3A_1531 : vector<16xf32>
      %mul3A_1533 = arith.mulf %add3A_1532, %sub3A_1517 : vector<16xf32>
      %add3A_1534 = arith.constant 0.142493233 : f32
      %add3A_1535 = vector.broadcast %add3A_1534 : f32 to vector<16xf32>
      %add3A_1536 = arith.addf %mul3A_1533, %add3A_1535 : vector<16xf32>
      %mul3A_1537 = arith.mulf %add3A_1536, %sub3A_1517 : vector<16xf32>
      %add3A_1538 = arith.constant -0.166680574 : f32
      %add3A_1539 = vector.broadcast %add3A_1538 : f32 to vector<16xf32>
      %add3A_1540 = arith.addf %mul3A_1537, %add3A_1539 : vector<16xf32>
      %mul3A_1541 = arith.mulf %add3A_1540, %sub3A_1517 : vector<16xf32>
      %add3A_1542 = arith.constant 0.200007141 : f32
      %add3A_1543 = vector.broadcast %add3A_1542 : f32 to vector<16xf32>
      %add3A_1544 = arith.addf %mul3A_1541, %add3A_1543 : vector<16xf32>
      %mul3A_1545 = arith.mulf %add3A_1544, %sub3A_1517 : vector<16xf32>
      %add3A_1546 = arith.constant -0.24999994 : f32
      %add3A_1547 = vector.broadcast %add3A_1546 : f32 to vector<16xf32>
      %add3A_1548 = arith.addf %mul3A_1545, %add3A_1547 : vector<16xf32>
      %mul3A_1549 = arith.mulf %add3A_1548, %sub3A_1517 : vector<16xf32>
      %add3A_1550 = arith.constant 0.333333313 : f32
      %add3A_1551 = vector.broadcast %add3A_1550 : f32 to vector<16xf32>
      %add3A_1552 = arith.addf %mul3A_1549, %add3A_1551 : vector<16xf32>
      %mul3A_1553 = arith.mulf %add3A_1552, %sub3A_1517 : vector<16xf32>
      %mul3A_1554 = arith.mulf %mul3A_1553, %mul3A_1518 : vector<16xf32>
      %mul3A_1555 = arith.constant 5.000000e-01 : f32
      %mul3A_1556 = vector.broadcast %mul3A_1555 : f32 to vector<16xf32>
      %mul3A_1557 = arith.mulf %mul3A_1556, %mul3A_1518 : vector<16xf32>
      %sub3A_1558 = arith.subf %mul3A_1554, %mul3A_1557 : vector<16xf32>
      %add3A_1559 = arith.addf %sub3A_1517, %sub3A_1558 : vector<16xf32>
      %convert_element_type3A_1560 = arith.sitofp %add3A_1514 : vector<16xi32> to vector<16xf32>
      %mul3A_1561 = arith.constant 0.693147182 : f32
      %mul3A_1562 = vector.broadcast %mul3A_1561 : f32 to vector<16xf32>
      %mul3A_1563 = arith.mulf %convert_element_type3A_1560, %mul3A_1562 : vector<16xf32>
      %add3A_1564 = arith.addf %add3A_1559, %mul3A_1563 : vector<16xf32>
      %sub3A_1565 = arith.subf %add3A_1564, %get3A_1471 : vector<16xf32>
      %mul3A_1566 = arith.mulf %mul3A_1484, %sub3A_1565 : vector<16xf32>
      %jit3A_1567 = arith.constant 0.000000e+00 : f32
      %broadcast_in_dim3A_1568 = vector.broadcast %jit3A_1567 : f32 to vector<16xf32>
      %select_n3A_1569 = arith.select %and3A_1481, %mul3A_1566, %broadcast_in_dim3A_1568 : vector<16xi1>, vector<16xf32>
      %add3A_1570 = arith.addf %add3A_1457, %select_n3A_1569 : vector<16xf32>
      %jit3A_1571 = arith.constant 1.000000e+00 : f32
      %jit3A_1572 = arith.constant 0.000000e+00 : f32
      %broadcast_in_dim3A_1573 = vector.broadcast %jit3A_1571 : f32 to vector<16xf32>
      %broadcast_in_dim3A_1574 = vector.broadcast %jit3A_1572 : f32 to vector<16xf32>
      %select_n3A_1575 = arith.select %and3A_1481, %broadcast_in_dim3A_1573, %broadcast_in_dim3A_1574 : vector<16xi1>, vector<16xf32>
      %add3A_1576 = arith.addf %add3A_1463, %select_n3A_1575 : vector<16xf32>
      %get3A_1577 = arith.constant 15 : i32
      %get3A_1578 = arith.index_cast %get3A_1577 : i32 to index
      %get3A_1579 = arith.constant 0 : index
      %get3A_1580 = tpu.vector_load %arg5[%get3A_1578, %get3A_1579] {strides = array<i32>} : memref<32x32xf32, #tpu.memory_space<vmem>>, vector<16xf32>,
      %get3A_1581 = arith.constant 15 : i32
      %get3A_1582 = arith.index_cast %get3A_1581 : i32 to index
      %get3A_1583 = arith.constant 0 : index
      %get3A_1584 = tpu.vector_load %arg6[%get3A_1582, %get3A_1583] {strides = array<i32>} : memref<32x32xf32, #tpu.memory_space<vmem>>, vector<16xf32>,
      %add3A_1585 = arith.constant 0 : i32
      %add3A_1586 = vector.broadcast %add3A_1585 : i32 to vector<16xi32>
      %add3A_1587 = arith.addi %add3A_1586, %iota3A : vector<16xi32>
      %lt3A_1588 = arith.constant 15 : i32
      %lt3A_1589 = vector.broadcast %lt3A_1588 : i32 to vector<16xi32>
      %lt3A_1590 = arith.cmpi slt, %add3A_1587, %lt3A_1589 : vector<16xi32>
      %gt3A_1591 = arith.constant 0.000000e+00 : f32
      %gt3A_1592 = vector.broadcast %gt3A_1591 : f32 to vector<16xf32>
      %gt3A_1593 = arith.cmpf ogt, %get3A_1580, %gt3A_1592 : vector<16xf32>
      %and3A_1594 = arith.andi %lt3A_1590, %gt3A_1593 : vector<16xi1>
      %mul3A_1595 = arith.constant 6.10351563E-5 : f32
      %mul3A_1596 = vector.broadcast %mul3A_1595 : f32 to vector<16xf32>
      %mul3A_1597 = arith.mulf %get3A_1580, %mul3A_1596 : vector<16xf32>
      %max3A_1598 = arith.constant 1.000000e-30 : f32
      %max3A_1599 = vector.broadcast %max3A_1598 : f32 to vector<16xf32>
      %max3A_1600 = arith.maximumf %mul3A_1597, %max3A_1599 : vector<16xf32>
      %bitcast_convert_type3A_1601 = tpu.bitcast %max3A_1600 : vector<16xf32> -> vector<16xi32>
      %shift_right_arithmetic3A_1602 = arith.constant 23 : i32
      %shift_right_arithmetic3A_1603 = vector.broadcast %shift_right_arithmetic3A_1602 : i32 to vector<16xi32>
      %shift_right_arithmetic3A_1604 = arith.shrsi %bitcast_convert_type3A_1601, %shift_right_arithmetic3A_1603 : vector<16xi32>
      %sub3A_1605 = arith.constant 127 : i32
      %sub3A_1606 = vector.broadcast %sub3A_1605 : i32 to vector<16xi32>
      %sub3A_1607 = arith.subi %shift_right_arithmetic3A_1604, %sub3A_1606 : vector<16xi32>
      %and3A_1608 = arith.constant 8388607 : i32
      %and3A_1609 = vector.broadcast %and3A_1608 : i32 to vector<16xi32>
      %and3A_1610 = arith.andi %bitcast_convert_type3A_1601, %and3A_1609 : vector<16xi32>
      %or3A_1611 = arith.constant 1065353216 : i32
      %or3A_1612 = vector.broadcast %or3A_1611 : i32 to vector<16xi32>
      %or3A_1613 = arith.ori %and3A_1610, %or3A_1612 : vector<16xi32>
      %bitcast_convert_type3A_1614 = tpu.bitcast %or3A_1613 : vector<16xi32> -> vector<16xf32>
      %gt3A_1615 = arith.constant 1.41421354 : f32
      %gt3A_1616 = vector.broadcast %gt3A_1615 : f32 to vector<16xf32>
      %gt3A_1617 = arith.cmpf ogt, %bitcast_convert_type3A_1614, %gt3A_1616 : vector<16xf32>
      %mul3A_1618 = arith.constant 5.000000e-01 : f32
      %mul3A_1619 = vector.broadcast %mul3A_1618 : f32 to vector<16xf32>
      %mul3A_1620 = arith.mulf %bitcast_convert_type3A_1614, %mul3A_1619 : vector<16xf32>
      %select_n3A_1621 = arith.select %gt3A_1617, %mul3A_1620, %bitcast_convert_type3A_1614 : vector<16xi1>, vector<16xf32>
      %jit3A_1622 = arith.constant 1 : i32
      %jit3A_1623 = arith.constant 0 : i32
      %broadcast_in_dim3A_1624 = vector.broadcast %jit3A_1622 : i32 to vector<16xi32>
      %broadcast_in_dim3A_1625 = vector.broadcast %jit3A_1623 : i32 to vector<16xi32>
      %select_n3A_1626 = arith.select %gt3A_1617, %broadcast_in_dim3A_1624, %broadcast_in_dim3A_1625 : vector<16xi1>, vector<16xi32>
      %add3A_1627 = arith.addi %sub3A_1607, %select_n3A_1626 : vector<16xi32>
      %sub3A_1628 = arith.constant 1.000000e+00 : f32
      %sub3A_1629 = vector.broadcast %sub3A_1628 : f32 to vector<16xf32>
      %sub3A_1630 = arith.subf %select_n3A_1621, %sub3A_1629 : vector<16xf32>
      %mul3A_1631 = arith.mulf %sub3A_1630, %sub3A_1630 : vector<16xf32>
      %broadcast_in_dim3A_1632 = arith.constant 0.0703768358 : f32
      %broadcast_in_dim3A_1633 = vector.broadcast %broadcast_in_dim3A_1632 : f32 to vector<16xf32>
      %mul3A_1634 = arith.mulf %broadcast_in_dim3A_1633, %sub3A_1630 : vector<16xf32>
      %add3A_1635 = arith.constant -0.115146101 : f32
      %add3A_1636 = vector.broadcast %add3A_1635 : f32 to vector<16xf32>
      %add3A_1637 = arith.addf %mul3A_1634, %add3A_1636 : vector<16xf32>
      %mul3A_1638 = arith.mulf %add3A_1637, %sub3A_1630 : vector<16xf32>
      %add3A_1639 = arith.constant 0.116769984 : f32
      %add3A_1640 = vector.broadcast %add3A_1639 : f32 to vector<16xf32>
      %add3A_1641 = arith.addf %mul3A_1638, %add3A_1640 : vector<16xf32>
      %mul3A_1642 = arith.mulf %add3A_1641, %sub3A_1630 : vector<16xf32>
      %add3A_1643 = arith.constant -0.12420141 : f32
      %add3A_1644 = vector.broadcast %add3A_1643 : f32 to vector<16xf32>
      %add3A_1645 = arith.addf %mul3A_1642, %add3A_1644 : vector<16xf32>
      %mul3A_1646 = arith.mulf %add3A_1645, %sub3A_1630 : vector<16xf32>
      %add3A_1647 = arith.constant 0.142493233 : f32
      %add3A_1648 = vector.broadcast %add3A_1647 : f32 to vector<16xf32>
      %add3A_1649 = arith.addf %mul3A_1646, %add3A_1648 : vector<16xf32>
      %mul3A_1650 = arith.mulf %add3A_1649, %sub3A_1630 : vector<16xf32>
      %add3A_1651 = arith.constant -0.166680574 : f32
      %add3A_1652 = vector.broadcast %add3A_1651 : f32 to vector<16xf32>
      %add3A_1653 = arith.addf %mul3A_1650, %add3A_1652 : vector<16xf32>
      %mul3A_1654 = arith.mulf %add3A_1653, %sub3A_1630 : vector<16xf32>
      %add3A_1655 = arith.constant 0.200007141 : f32
      %add3A_1656 = vector.broadcast %add3A_1655 : f32 to vector<16xf32>
      %add3A_1657 = arith.addf %mul3A_1654, %add3A_1656 : vector<16xf32>
      %mul3A_1658 = arith.mulf %add3A_1657, %sub3A_1630 : vector<16xf32>
      %add3A_1659 = arith.constant -0.24999994 : f32
      %add3A_1660 = vector.broadcast %add3A_1659 : f32 to vector<16xf32>
      %add3A_1661 = arith.addf %mul3A_1658, %add3A_1660 : vector<16xf32>
      %mul3A_1662 = arith.mulf %add3A_1661, %sub3A_1630 : vector<16xf32>
      %add3A_1663 = arith.constant 0.333333313 : f32
      %add3A_1664 = vector.broadcast %add3A_1663 : f32 to vector<16xf32>
      %add3A_1665 = arith.addf %mul3A_1662, %add3A_1664 : vector<16xf32>
      %mul3A_1666 = arith.mulf %add3A_1665, %sub3A_1630 : vector<16xf32>
      %mul3A_1667 = arith.mulf %mul3A_1666, %mul3A_1631 : vector<16xf32>
      %mul3A_1668 = arith.constant 5.000000e-01 : f32
      %mul3A_1669 = vector.broadcast %mul3A_1668 : f32 to vector<16xf32>
      %mul3A_1670 = arith.mulf %mul3A_1669, %mul3A_1631 : vector<16xf32>
      %sub3A_1671 = arith.subf %mul3A_1667, %mul3A_1670 : vector<16xf32>
      %add3A_1672 = arith.addf %sub3A_1630, %sub3A_1671 : vector<16xf32>
      %convert_element_type3A_1673 = arith.sitofp %add3A_1627 : vector<16xi32> to vector<16xf32>
      %mul3A_1674 = arith.constant 0.693147182 : f32
      %mul3A_1675 = vector.broadcast %mul3A_1674 : f32 to vector<16xf32>
      %mul3A_1676 = arith.mulf %convert_element_type3A_1673, %mul3A_1675 : vector<16xf32>
      %add3A_1677 = arith.addf %add3A_1672, %mul3A_1676 : vector<16xf32>
      %sub3A_1678 = arith.subf %add3A_1677, %get3A_1584 : vector<16xf32>
      %mul3A_1679 = arith.mulf %mul3A_1597, %sub3A_1678 : vector<16xf32>
      %jit3A_1680 = arith.constant 0.000000e+00 : f32
      %broadcast_in_dim3A_1681 = vector.broadcast %jit3A_1680 : f32 to vector<16xf32>
      %select_n3A_1682 = arith.select %and3A_1594, %mul3A_1679, %broadcast_in_dim3A_1681 : vector<16xi1>, vector<16xf32>
      %add3A_1683 = arith.addf %add3A_1570, %select_n3A_1682 : vector<16xf32>
      %jit3A_1684 = arith.constant 1.000000e+00 : f32
      %jit3A_1685 = arith.constant 0.000000e+00 : f32
      %broadcast_in_dim3A_1686 = vector.broadcast %jit3A_1684 : f32 to vector<16xf32>
      %broadcast_in_dim3A_1687 = vector.broadcast %jit3A_1685 : f32 to vector<16xf32>
      %select_n3A_1688 = arith.select %and3A_1594, %broadcast_in_dim3A_1686, %broadcast_in_dim3A_1687 : vector<16xi1>, vector<16xf32>
      %add3A_1689 = arith.addf %add3A_1576, %select_n3A_1688 : vector<16xf32>
      %get3A_1690 = arith.constant 16 : i32
      %get3A_1691 = arith.index_cast %get3A_1690 : i32 to index
      %get3A_1692 = arith.constant 0 : index
      %get3A_1693 = tpu.vector_load %arg5[%get3A_1691, %get3A_1692] {strides = array<i32>} : memref<32x32xf32, #tpu.memory_space<vmem>>, vector<16xf32>,
      %get3A_1694 = arith.constant 16 : i32
      %get3A_1695 = arith.index_cast %get3A_1694 : i32 to index
      %get3A_1696 = arith.constant 0 : index
      %get3A_1697 = tpu.vector_load %arg6[%get3A_1695, %get3A_1696] {strides = array<i32>} : memref<32x32xf32, #tpu.memory_space<vmem>>, vector<16xf32>,
      %add3A_1698 = arith.constant 0 : i32
      %add3A_1699 = vector.broadcast %add3A_1698 : i32 to vector<16xi32>
      %add3A_1700 = arith.addi %add3A_1699, %iota3A : vector<16xi32>
      %lt3A_1701 = arith.constant 16 : i32
      %lt3A_1702 = vector.broadcast %lt3A_1701 : i32 to vector<16xi32>
      %lt3A_1703 = arith.cmpi slt, %add3A_1700, %lt3A_1702 : vector<16xi32>
      %gt3A_1704 = arith.constant 0.000000e+00 : f32
      %gt3A_1705 = vector.broadcast %gt3A_1704 : f32 to vector<16xf32>
      %gt3A_1706 = arith.cmpf ogt, %get3A_1693, %gt3A_1705 : vector<16xf32>
      %and3A_1707 = arith.andi %lt3A_1703, %gt3A_1706 : vector<16xi1>
      %mul3A_1708 = arith.constant 6.10351563E-5 : f32
      %mul3A_1709 = vector.broadcast %mul3A_1708 : f32 to vector<16xf32>
      %mul3A_1710 = arith.mulf %get3A_1693, %mul3A_1709 : vector<16xf32>
      %max3A_1711 = arith.constant 1.000000e-30 : f32
      %max3A_1712 = vector.broadcast %max3A_1711 : f32 to vector<16xf32>
      %max3A_1713 = arith.maximumf %mul3A_1710, %max3A_1712 : vector<16xf32>
      %bitcast_convert_type3A_1714 = tpu.bitcast %max3A_1713 : vector<16xf32> -> vector<16xi32>
      %shift_right_arithmetic3A_1715 = arith.constant 23 : i32
      %shift_right_arithmetic3A_1716 = vector.broadcast %shift_right_arithmetic3A_1715 : i32 to vector<16xi32>
      %shift_right_arithmetic3A_1717 = arith.shrsi %bitcast_convert_type3A_1714, %shift_right_arithmetic3A_1716 : vector<16xi32>
      %sub3A_1718 = arith.constant 127 : i32
      %sub3A_1719 = vector.broadcast %sub3A_1718 : i32 to vector<16xi32>
      %sub3A_1720 = arith.subi %shift_right_arithmetic3A_1717, %sub3A_1719 : vector<16xi32>
      %and3A_1721 = arith.constant 8388607 : i32
      %and3A_1722 = vector.broadcast %and3A_1721 : i32 to vector<16xi32>
      %and3A_1723 = arith.andi %bitcast_convert_type3A_1714, %and3A_1722 : vector<16xi32>
      %or3A_1724 = arith.constant 1065353216 : i32
      %or3A_1725 = vector.broadcast %or3A_1724 : i32 to vector<16xi32>
      %or3A_1726 = arith.ori %and3A_1723, %or3A_1725 : vector<16xi32>
      %bitcast_convert_type3A_1727 = tpu.bitcast %or3A_1726 : vector<16xi32> -> vector<16xf32>
      %gt3A_1728 = arith.constant 1.41421354 : f32
      %gt3A_1729 = vector.broadcast %gt3A_1728 : f32 to vector<16xf32>
      %gt3A_1730 = arith.cmpf ogt, %bitcast_convert_type3A_1727, %gt3A_1729 : vector<16xf32>
      %mul3A_1731 = arith.constant 5.000000e-01 : f32
      %mul3A_1732 = vector.broadcast %mul3A_1731 : f32 to vector<16xf32>
      %mul3A_1733 = arith.mulf %bitcast_convert_type3A_1727, %mul3A_1732 : vector<16xf32>
      %select_n3A_1734 = arith.select %gt3A_1730, %mul3A_1733, %bitcast_convert_type3A_1727 : vector<16xi1>, vector<16xf32>
      %jit3A_1735 = arith.constant 1 : i32
      %jit3A_1736 = arith.constant 0 : i32
      %broadcast_in_dim3A_1737 = vector.broadcast %jit3A_1735 : i32 to vector<16xi32>
      %broadcast_in_dim3A_1738 = vector.broadcast %jit3A_1736 : i32 to vector<16xi32>
      %select_n3A_1739 = arith.select %gt3A_1730, %broadcast_in_dim3A_1737, %broadcast_in_dim3A_1738 : vector<16xi1>, vector<16xi32>
      %add3A_1740 = arith.addi %sub3A_1720, %select_n3A_1739 : vector<16xi32>
      %sub3A_1741 = arith.constant 1.000000e+00 : f32
      %sub3A_1742 = vector.broadcast %sub3A_1741 : f32 to vector<16xf32>
      %sub3A_1743 = arith.subf %select_n3A_1734, %sub3A_1742 : vector<16xf32>
      %mul3A_1744 = arith.mulf %sub3A_1743, %sub3A_1743 : vector<16xf32>
      %broadcast_in_dim3A_1745 = arith.constant 0.0703768358 : f32
      %broadcast_in_dim3A_1746 = vector.broadcast %broadcast_in_dim3A_1745 : f32 to vector<16xf32>
      %mul3A_1747 = arith.mulf %broadcast_in_dim3A_1746, %sub3A_1743 : vector<16xf32>
      %add3A_1748 = arith.constant -0.115146101 : f32
      %add3A_1749 = vector.broadcast %add3A_1748 : f32 to vector<16xf32>
      %add3A_1750 = arith.addf %mul3A_1747, %add3A_1749 : vector<16xf32>
      %mul3A_1751 = arith.mulf %add3A_1750, %sub3A_1743 : vector<16xf32>
      %add3A_1752 = arith.constant 0.116769984 : f32
      %add3A_1753 = vector.broadcast %add3A_1752 : f32 to vector<16xf32>
      %add3A_1754 = arith.addf %mul3A_1751, %add3A_1753 : vector<16xf32>
      %mul3A_1755 = arith.mulf %add3A_1754, %sub3A_1743 : vector<16xf32>
      %add3A_1756 = arith.constant -0.12420141 : f32
      %add3A_1757 = vector.broadcast %add3A_1756 : f32 to vector<16xf32>
      %add3A_1758 = arith.addf %mul3A_1755, %add3A_1757 : vector<16xf32>
      %mul3A_1759 = arith.mulf %add3A_1758, %sub3A_1743 : vector<16xf32>
      %add3A_1760 = arith.constant 0.142493233 : f32
      %add3A_1761 = vector.broadcast %add3A_1760 : f32 to vector<16xf32>
      %add3A_1762 = arith.addf %mul3A_1759, %add3A_1761 : vector<16xf32>
      %mul3A_1763 = arith.mulf %add3A_1762, %sub3A_1743 : vector<16xf32>
      %add3A_1764 = arith.constant -0.166680574 : f32
      %add3A_1765 = vector.broadcast %add3A_1764 : f32 to vector<16xf32>
      %add3A_1766 = arith.addf %mul3A_1763, %add3A_1765 : vector<16xf32>
      %mul3A_1767 = arith.mulf %add3A_1766, %sub3A_1743 : vector<16xf32>
      %add3A_1768 = arith.constant 0.200007141 : f32
      %add3A_1769 = vector.broadcast %add3A_1768 : f32 to vector<16xf32>
      %add3A_1770 = arith.addf %mul3A_1767, %add3A_1769 : vector<16xf32>
      %mul3A_1771 = arith.mulf %add3A_1770, %sub3A_1743 : vector<16xf32>
      %add3A_1772 = arith.constant -0.24999994 : f32
      %add3A_1773 = vector.broadcast %add3A_1772 : f32 to vector<16xf32>
      %add3A_1774 = arith.addf %mul3A_1771, %add3A_1773 : vector<16xf32>
      %mul3A_1775 = arith.mulf %add3A_1774, %sub3A_1743 : vector<16xf32>
      %add3A_1776 = arith.constant 0.333333313 : f32
      %add3A_1777 = vector.broadcast %add3A_1776 : f32 to vector<16xf32>
      %add3A_1778 = arith.addf %mul3A_1775, %add3A_1777 : vector<16xf32>
      %mul3A_1779 = arith.mulf %add3A_1778, %sub3A_1743 : vector<16xf32>
      %mul3A_1780 = arith.mulf %mul3A_1779, %mul3A_1744 : vector<16xf32>
      %mul3A_1781 = arith.constant 5.000000e-01 : f32
      %mul3A_1782 = vector.broadcast %mul3A_1781 : f32 to vector<16xf32>
      %mul3A_1783 = arith.mulf %mul3A_1782, %mul3A_1744 : vector<16xf32>
      %sub3A_1784 = arith.subf %mul3A_1780, %mul3A_1783 : vector<16xf32>
      %add3A_1785 = arith.addf %sub3A_1743, %sub3A_1784 : vector<16xf32>
      %convert_element_type3A_1786 = arith.sitofp %add3A_1740 : vector<16xi32> to vector<16xf32>
      %mul3A_1787 = arith.constant 0.693147182 : f32
      %mul3A_1788 = vector.broadcast %mul3A_1787 : f32 to vector<16xf32>
      %mul3A_1789 = arith.mulf %convert_element_type3A_1786, %mul3A_1788 : vector<16xf32>
      %add3A_1790 = arith.addf %add3A_1785, %mul3A_1789 : vector<16xf32>
      %sub3A_1791 = arith.subf %add3A_1790, %get3A_1697 : vector<16xf32>
      %mul3A_1792 = arith.mulf %mul3A_1710, %sub3A_1791 : vector<16xf32>
      %jit3A_1793 = arith.constant 0.000000e+00 : f32
      %broadcast_in_dim3A_1794 = vector.broadcast %jit3A_1793 : f32 to vector<16xf32>
      %select_n3A_1795 = arith.select %and3A_1707, %mul3A_1792, %broadcast_in_dim3A_1794 : vector<16xi1>, vector<16xf32>
      %add3A_1796 = arith.addf %add3A_1683, %select_n3A_1795 : vector<16xf32>
      %jit3A_1797 = arith.constant 1.000000e+00 : f32
      %jit3A_1798 = arith.constant 0.000000e+00 : f32
      %broadcast_in_dim3A_1799 = vector.broadcast %jit3A_1797 : f32 to vector<16xf32>
      %broadcast_in_dim3A_1800 = vector.broadcast %jit3A_1798 : f32 to vector<16xf32>
      %select_n3A_1801 = arith.select %and3A_1707, %broadcast_in_dim3A_1799, %broadcast_in_dim3A_1800 : vector<16xi1>, vector<16xf32>
      %add3A_1802 = arith.addf %add3A_1689, %select_n3A_1801 : vector<16xf32>
      %get3A_1803 = arith.constant 17 : i32
      %get3A_1804 = arith.index_cast %get3A_1803 : i32 to index
      %get3A_1805 = arith.constant 0 : index
      %get3A_1806 = tpu.vector_load %arg5[%get3A_1804, %get3A_1805] {strides = array<i32>} : memref<32x32xf32, #tpu.memory_space<vmem>>, vector<16xf32>,
      %get3A_1807 = arith.constant 17 : i32
      %get3A_1808 = arith.index_cast %get3A_1807 : i32 to index
      %get3A_1809 = arith.constant 0 : index
      %get3A_1810 = tpu.vector_load %arg6[%get3A_1808, %get3A_1809] {strides = array<i32>} : memref<32x32xf32, #tpu.memory_space<vmem>>, vector<16xf32>,
      %add3A_1811 = arith.constant 0 : i32
      %add3A_1812 = vector.broadcast %add3A_1811 : i32 to vector<16xi32>
      %add3A_1813 = arith.addi %add3A_1812, %iota3A : vector<16xi32>
      %lt3A_1814 = arith.constant 17 : i32
      %lt3A_1815 = vector.broadcast %lt3A_1814 : i32 to vector<16xi32>
      %lt3A_1816 = arith.cmpi slt, %add3A_1813, %lt3A_1815 : vector<16xi32>
      %gt3A_1817 = arith.constant 0.000000e+00 : f32
      %gt3A_1818 = vector.broadcast %gt3A_1817 : f32 to vector<16xf32>
      %gt3A_1819 = arith.cmpf ogt, %get3A_1806, %gt3A_1818 : vector<16xf32>
      %and3A_1820 = arith.andi %lt3A_1816, %gt3A_1819 : vector<16xi1>
      %mul3A_1821 = arith.constant 6.10351563E-5 : f32
      %mul3A_1822 = vector.broadcast %mul3A_1821 : f32 to vector<16xf32>
      %mul3A_1823 = arith.mulf %get3A_1806, %mul3A_1822 : vector<16xf32>
      %max3A_1824 = arith.constant 1.000000e-30 : f32
      %max3A_1825 = vector.broadcast %max3A_1824 : f32 to vector<16xf32>
      %max3A_1826 = arith.maximumf %mul3A_1823, %max3A_1825 : vector<16xf32>
      %bitcast_convert_type3A_1827 = tpu.bitcast %max3A_1826 : vector<16xf32> -> vector<16xi32>
      %shift_right_arithmetic3A_1828 = arith.constant 23 : i32
      %shift_right_arithmetic3A_1829 = vector.broadcast %shift_right_arithmetic3A_1828 : i32 to vector<16xi32>
      %shift_right_arithmetic3A_1830 = arith.shrsi %bitcast_convert_type3A_1827, %shift_right_arithmetic3A_1829 : vector<16xi32>
      %sub3A_1831 = arith.constant 127 : i32
      %sub3A_1832 = vector.broadcast %sub3A_1831 : i32 to vector<16xi32>
      %sub3A_1833 = arith.subi %shift_right_arithmetic3A_1830, %sub3A_1832 : vector<16xi32>
      %and3A_1834 = arith.constant 8388607 : i32
      %and3A_1835 = vector.broadcast %and3A_1834 : i32 to vector<16xi32>
      %and3A_1836 = arith.andi %bitcast_convert_type3A_1827, %and3A_1835 : vector<16xi32>
      %or3A_1837 = arith.constant 1065353216 : i32
      %or3A_1838 = vector.broadcast %or3A_1837 : i32 to vector<16xi32>
      %or3A_1839 = arith.ori %and3A_1836, %or3A_1838 : vector<16xi32>
      %bitcast_convert_type3A_1840 = tpu.bitcast %or3A_1839 : vector<16xi32> -> vector<16xf32>
      %gt3A_1841 = arith.constant 1.41421354 : f32
      %gt3A_1842 = vector.broadcast %gt3A_1841 : f32 to vector<16xf32>
      %gt3A_1843 = arith.cmpf ogt, %bitcast_convert_type3A_1840, %gt3A_1842 : vector<16xf32>
      %mul3A_1844 = arith.constant 5.000000e-01 : f32
      %mul3A_1845 = vector.broadcast %mul3A_1844 : f32 to vector<16xf32>
      %mul3A_1846 = arith.mulf %bitcast_convert_type3A_1840, %mul3A_1845 : vector<16xf32>
      %select_n3A_1847 = arith.select %gt3A_1843, %mul3A_1846, %bitcast_convert_type3A_1840 : vector<16xi1>, vector<16xf32>
      %jit3A_1848 = arith.constant 1 : i32
      %jit3A_1849 = arith.constant 0 : i32
      %broadcast_in_dim3A_1850 = vector.broadcast %jit3A_1848 : i32 to vector<16xi32>
      %broadcast_in_dim3A_1851 = vector.broadcast %jit3A_1849 : i32 to vector<16xi32>
      %select_n3A_1852 = arith.select %gt3A_1843, %broadcast_in_dim3A_1850, %broadcast_in_dim3A_1851 : vector<16xi1>, vector<16xi32>
      %add3A_1853 = arith.addi %sub3A_1833, %select_n3A_1852 : vector<16xi32>
      %sub3A_1854 = arith.constant 1.000000e+00 : f32
      %sub3A_1855 = vector.broadcast %sub3A_1854 : f32 to vector<16xf32>
      %sub3A_1856 = arith.subf %select_n3A_1847, %sub3A_1855 : vector<16xf32>
      %mul3A_1857 = arith.mulf %sub3A_1856, %sub3A_1856 : vector<16xf32>
      %broadcast_in_dim3A_1858 = arith.constant 0.0703768358 : f32
      %broadcast_in_dim3A_1859 = vector.broadcast %broadcast_in_dim3A_1858 : f32 to vector<16xf32>
      %mul3A_1860 = arith.mulf %broadcast_in_dim3A_1859, %sub3A_1856 : vector<16xf32>
      %add3A_1861 = arith.constant -0.115146101 : f32
      %add3A_1862 = vector.broadcast %add3A_1861 : f32 to vector<16xf32>
      %add3A_1863 = arith.addf %mul3A_1860, %add3A_1862 : vector<16xf32>
      %mul3A_1864 = arith.mulf %add3A_1863, %sub3A_1856 : vector<16xf32>
      %add3A_1865 = arith.constant 0.116769984 : f32
      %add3A_1866 = vector.broadcast %add3A_1865 : f32 to vector<16xf32>
      %add3A_1867 = arith.addf %mul3A_1864, %add3A_1866 : vector<16xf32>
      %mul3A_1868 = arith.mulf %add3A_1867, %sub3A_1856 : vector<16xf32>
      %add3A_1869 = arith.constant -0.12420141 : f32
      %add3A_1870 = vector.broadcast %add3A_1869 : f32 to vector<16xf32>
      %add3A_1871 = arith.addf %mul3A_1868, %add3A_1870 : vector<16xf32>
      %mul3A_1872 = arith.mulf %add3A_1871, %sub3A_1856 : vector<16xf32>
      %add3A_1873 = arith.constant 0.142493233 : f32
      %add3A_1874 = vector.broadcast %add3A_1873 : f32 to vector<16xf32>
      %add3A_1875 = arith.addf %mul3A_1872, %add3A_1874 : vector<16xf32>
      %mul3A_1876 = arith.mulf %add3A_1875, %sub3A_1856 : vector<16xf32>
      %add3A_1877 = arith.constant -0.166680574 : f32
      %add3A_1878 = vector.broadcast %add3A_1877 : f32 to vector<16xf32>
      %add3A_1879 = arith.addf %mul3A_1876, %add3A_1878 : vector<16xf32>
      %mul3A_1880 = arith.mulf %add3A_1879, %sub3A_1856 : vector<16xf32>
      %add3A_1881 = arith.constant 0.200007141 : f32
      %add3A_1882 = vector.broadcast %add3A_1881 : f32 to vector<16xf32>
      %add3A_1883 = arith.addf %mul3A_1880, %add3A_1882 : vector<16xf32>
      %mul3A_1884 = arith.mulf %add3A_1883, %sub3A_1856 : vector<16xf32>
      %add3A_1885 = arith.constant -0.24999994 : f32
      %add3A_1886 = vector.broadcast %add3A_1885 : f32 to vector<16xf32>
      %add3A_1887 = arith.addf %mul3A_1884, %add3A_1886 : vector<16xf32>
      %mul3A_1888 = arith.mulf %add3A_1887, %sub3A_1856 : vector<16xf32>
      %add3A_1889 = arith.constant 0.333333313 : f32
      %add3A_1890 = vector.broadcast %add3A_1889 : f32 to vector<16xf32>
      %add3A_1891 = arith.addf %mul3A_1888, %add3A_1890 : vector<16xf32>
      %mul3A_1892 = arith.mulf %add3A_1891, %sub3A_1856 : vector<16xf32>
      %mul3A_1893 = arith.mulf %mul3A_1892, %mul3A_1857 : vector<16xf32>
      %mul3A_1894 = arith.constant 5.000000e-01 : f32
      %mul3A_1895 = vector.broadcast %mul3A_1894 : f32 to vector<16xf32>
      %mul3A_1896 = arith.mulf %mul3A_1895, %mul3A_1857 : vector<16xf32>
      %sub3A_1897 = arith.subf %mul3A_1893, %mul3A_1896 : vector<16xf32>
      %add3A_1898 = arith.addf %sub3A_1856, %sub3A_1897 : vector<16xf32>
      %convert_element_type3A_1899 = arith.sitofp %add3A_1853 : vector<16xi32> to vector<16xf32>
      %mul3A_1900 = arith.constant 0.693147182 : f32
      %mul3A_1901 = vector.broadcast %mul3A_1900 : f32 to vector<16xf32>
      %mul3A_1902 = arith.mulf %convert_element_type3A_1899, %mul3A_1901 : vector<16xf32>
      %add3A_1903 = arith.addf %add3A_1898, %mul3A_1902 : vector<16xf32>
      %sub3A_1904 = arith.subf %add3A_1903, %get3A_1810 : vector<16xf32>
      %mul3A_1905 = arith.mulf %mul3A_1823, %sub3A_1904 : vector<16xf32>
      %jit3A_1906 = arith.constant 0.000000e+00 : f32
      %broadcast_in_dim3A_1907 = vector.broadcast %jit3A_1906 : f32 to vector<16xf32>
      %select_n3A_1908 = arith.select %and3A_1820, %mul3A_1905, %broadcast_in_dim3A_1907 : vector<16xi1>, vector<16xf32>
      %add3A_1909 = arith.addf %add3A_1796, %select_n3A_1908 : vector<16xf32>
      %jit3A_1910 = arith.constant 1.000000e+00 : f32
      %jit3A_1911 = arith.constant 0.000000e+00 : f32
      %broadcast_in_dim3A_1912 = vector.broadcast %jit3A_1910 : f32 to vector<16xf32>
      %broadcast_in_dim3A_1913 = vector.broadcast %jit3A_1911 : f32 to vector<16xf32>
      %select_n3A_1914 = arith.select %and3A_1820, %broadcast_in_dim3A_1912, %broadcast_in_dim3A_1913 : vector<16xi1>, vector<16xf32>
      %add3A_1915 = arith.addf %add3A_1802, %select_n3A_1914 : vector<16xf32>
      %get3A_1916 = arith.constant 17 : i32
      %get3A_1917 = arith.index_cast %get3A_1916 : i32 to index
      %get3A_1918 = arith.constant 16 : index
      %get3A_1919 = tpu.vector_load %arg5[%get3A_1917, %get3A_1918] {strides = array<i32>} : memref<32x32xf32, #tpu.memory_space<vmem>>, vector<16xf32>,
      %get3A_1920 = arith.constant 17 : i32
      %get3A_1921 = arith.index_cast %get3A_1920 : i32 to index
      %get3A_1922 = arith.constant 16 : index
      %get3A_1923 = tpu.vector_load %arg6[%get3A_1921, %get3A_1922] {strides = array<i32>} : memref<32x32xf32, #tpu.memory_space<vmem>>, vector<16xf32>,
      %add3A_1924 = arith.constant 16 : i32
      %add3A_1925 = vector.broadcast %add3A_1924 : i32 to vector<16xi32>
      %add3A_1926 = arith.addi %add3A_1925, %iota3A : vector<16xi32>
      %lt3A_1927 = arith.constant 17 : i32
      %lt3A_1928 = vector.broadcast %lt3A_1927 : i32 to vector<16xi32>
      %lt3A_1929 = arith.cmpi slt, %add3A_1926, %lt3A_1928 : vector<16xi32>
      %gt3A_1930 = arith.constant 0.000000e+00 : f32
      %gt3A_1931 = vector.broadcast %gt3A_1930 : f32 to vector<16xf32>
      %gt3A_1932 = arith.cmpf ogt, %get3A_1919, %gt3A_1931 : vector<16xf32>
      %and3A_1933 = arith.andi %lt3A_1929, %gt3A_1932 : vector<16xi1>
      %mul3A_1934 = arith.constant 6.10351563E-5 : f32
      %mul3A_1935 = vector.broadcast %mul3A_1934 : f32 to vector<16xf32>
      %mul3A_1936 = arith.mulf %get3A_1919, %mul3A_1935 : vector<16xf32>
      %max3A_1937 = arith.constant 1.000000e-30 : f32
      %max3A_1938 = vector.broadcast %max3A_1937 : f32 to vector<16xf32>
      %max3A_1939 = arith.maximumf %mul3A_1936, %max3A_1938 : vector<16xf32>
      %bitcast_convert_type3A_1940 = tpu.bitcast %max3A_1939 : vector<16xf32> -> vector<16xi32>
      %shift_right_arithmetic3A_1941 = arith.constant 23 : i32
      %shift_right_arithmetic3A_1942 = vector.broadcast %shift_right_arithmetic3A_1941 : i32 to vector<16xi32>
      %shift_right_arithmetic3A_1943 = arith.shrsi %bitcast_convert_type3A_1940, %shift_right_arithmetic3A_1942 : vector<16xi32>
      %sub3A_1944 = arith.constant 127 : i32
      %sub3A_1945 = vector.broadcast %sub3A_1944 : i32 to vector<16xi32>
      %sub3A_1946 = arith.subi %shift_right_arithmetic3A_1943, %sub3A_1945 : vector<16xi32>
      %and3A_1947 = arith.constant 8388607 : i32
      %and3A_1948 = vector.broadcast %and3A_1947 : i32 to vector<16xi32>
      %and3A_1949 = arith.andi %bitcast_convert_type3A_1940, %and3A_1948 : vector<16xi32>
      %or3A_1950 = arith.constant 1065353216 : i32
      %or3A_1951 = vector.broadcast %or3A_1950 : i32 to vector<16xi32>
      %or3A_1952 = arith.ori %and3A_1949, %or3A_1951 : vector<16xi32>
      %bitcast_convert_type3A_1953 = tpu.bitcast %or3A_1952 : vector<16xi32> -> vector<16xf32>
      %gt3A_1954 = arith.constant 1.41421354 : f32
      %gt3A_1955 = vector.broadcast %gt3A_1954 : f32 to vector<16xf32>
      %gt3A_1956 = arith.cmpf ogt, %bitcast_convert_type3A_1953, %gt3A_1955 : vector<16xf32>
      %mul3A_1957 = arith.constant 5.000000e-01 : f32
      %mul3A_1958 = vector.broadcast %mul3A_1957 : f32 to vector<16xf32>
      %mul3A_1959 = arith.mulf %bitcast_convert_type3A_1953, %mul3A_1958 : vector<16xf32>
      %select_n3A_1960 = arith.select %gt3A_1956, %mul3A_1959, %bitcast_convert_type3A_1953 : vector<16xi1>, vector<16xf32>
      %jit3A_1961 = arith.constant 1 : i32
      %jit3A_1962 = arith.constant 0 : i32
      %broadcast_in_dim3A_1963 = vector.broadcast %jit3A_1961 : i32 to vector<16xi32>
      %broadcast_in_dim3A_1964 = vector.broadcast %jit3A_1962 : i32 to vector<16xi32>
      %select_n3A_1965 = arith.select %gt3A_1956, %broadcast_in_dim3A_1963, %broadcast_in_dim3A_1964 : vector<16xi1>, vector<16xi32>
      %add3A_1966 = arith.addi %sub3A_1946, %select_n3A_1965 : vector<16xi32>
      %sub3A_1967 = arith.constant 1.000000e+00 : f32
      %sub3A_1968 = vector.broadcast %sub3A_1967 : f32 to vector<16xf32>
      %sub3A_1969 = arith.subf %select_n3A_1960, %sub3A_1968 : vector<16xf32>
      %mul3A_1970 = arith.mulf %sub3A_1969, %sub3A_1969 : vector<16xf32>
      %broadcast_in_dim3A_1971 = arith.constant 0.0703768358 : f32
      %broadcast_in_dim3A_1972 = vector.broadcast %broadcast_in_dim3A_1971 : f32 to vector<16xf32>
      %mul3A_1973 = arith.mulf %broadcast_in_dim3A_1972, %sub3A_1969 : vector<16xf32>
      %add3A_1974 = arith.constant -0.115146101 : f32
      %add3A_1975 = vector.broadcast %add3A_1974 : f32 to vector<16xf32>
      %add3A_1976 = arith.addf %mul3A_1973, %add3A_1975 : vector<16xf32>
      %mul3A_1977 = arith.mulf %add3A_1976, %sub3A_1969 : vector<16xf32>
      %add3A_1978 = arith.constant 0.116769984 : f32
      %add3A_1979 = vector.broadcast %add3A_1978 : f32 to vector<16xf32>
      %add3A_1980 = arith.addf %mul3A_1977, %add3A_1979 : vector<16xf32>
      %mul3A_1981 = arith.mulf %add3A_1980, %sub3A_1969 : vector<16xf32>
      %add3A_1982 = arith.constant -0.12420141 : f32
      %add3A_1983 = vector.broadcast %add3A_1982 : f32 to vector<16xf32>
      %add3A_1984 = arith.addf %mul3A_1981, %add3A_1983 : vector<16xf32>
      %mul3A_1985 = arith.mulf %add3A_1984, %sub3A_1969 : vector<16xf32>
      %add3A_1986 = arith.constant 0.142493233 : f32
      %add3A_1987 = vector.broadcast %add3A_1986 : f32 to vector<16xf32>
      %add3A_1988 = arith.addf %mul3A_1985, %add3A_1987 : vector<16xf32>
      %mul3A_1989 = arith.mulf %add3A_1988, %sub3A_1969 : vector<16xf32>
      %add3A_1990 = arith.constant -0.166680574 : f32
      %add3A_1991 = vector.broadcast %add3A_1990 : f32 to vector<16xf32>
      %add3A_1992 = arith.addf %mul3A_1989, %add3A_1991 : vector<16xf32>
      %mul3A_1993 = arith.mulf %add3A_1992, %sub3A_1969 : vector<16xf32>
      %add3A_1994 = arith.constant 0.200007141 : f32
      %add3A_1995 = vector.broadcast %add3A_1994 : f32 to vector<16xf32>
      %add3A_1996 = arith.addf %mul3A_1993, %add3A_1995 : vector<16xf32>
      %mul3A_1997 = arith.mulf %add3A_1996, %sub3A_1969 : vector<16xf32>
      %add3A_1998 = arith.constant -0.24999994 : f32
      %add3A_1999 = vector.broadcast %add3A_1998 : f32 to vector<16xf32>
      %add3A_2000 = arith.addf %mul3A_1997, %add3A_1999 : vector<16xf32>
      %mul3A_2001 = arith.mulf %add3A_2000, %sub3A_1969 : vector<16xf32>
      %add3A_2002 = arith.constant 0.333333313 : f32
      %add3A_2003 = vector.broadcast %add3A_2002 : f32 to vector<16xf32>
      %add3A_2004 = arith.addf %mul3A_2001, %add3A_2003 : vector<16xf32>
      %mul3A_2005 = arith.mulf %add3A_2004, %sub3A_1969 : vector<16xf32>
      %mul3A_2006 = arith.mulf %mul3A_2005, %mul3A_1970 : vector<16xf32>
      %mul3A_2007 = arith.constant 5.000000e-01 : f32
      %mul3A_2008 = vector.broadcast %mul3A_2007 : f32 to vector<16xf32>
      %mul3A_2009 = arith.mulf %mul3A_2008, %mul3A_1970 : vector<16xf32>
      %sub3A_2010 = arith.subf %mul3A_2006, %mul3A_2009 : vector<16xf32>
      %add3A_2011 = arith.addf %sub3A_1969, %sub3A_2010 : vector<16xf32>
      %convert_element_type3A_2012 = arith.sitofp %add3A_1966 : vector<16xi32> to vector<16xf32>
      %mul3A_2013 = arith.constant 0.693147182 : f32
      %mul3A_2014 = vector.broadcast %mul3A_2013 : f32 to vector<16xf32>
      %mul3A_2015 = arith.mulf %convert_element_type3A_2012, %mul3A_2014 : vector<16xf32>
      %add3A_2016 = arith.addf %add3A_2011, %mul3A_2015 : vector<16xf32>
      %sub3A_2017 = arith.subf %add3A_2016, %get3A_1923 : vector<16xf32>
      %mul3A_2018 = arith.mulf %mul3A_1936, %sub3A_2017 : vector<16xf32>
      %jit3A_2019 = arith.constant 0.000000e+00 : f32
      %broadcast_in_dim3A_2020 = vector.broadcast %jit3A_2019 : f32 to vector<16xf32>
      %select_n3A_2021 = arith.select %and3A_1933, %mul3A_2018, %broadcast_in_dim3A_2020 : vector<16xi1>, vector<16xf32>
      %add3A_2022 = arith.addf %add3A_1909, %select_n3A_2021 : vector<16xf32>
      %jit3A_2023 = arith.constant 1.000000e+00 : f32
      %jit3A_2024 = arith.constant 0.000000e+00 : f32
      %broadcast_in_dim3A_2025 = vector.broadcast %jit3A_2023 : f32 to vector<16xf32>
      %broadcast_in_dim3A_2026 = vector.broadcast %jit3A_2024 : f32 to vector<16xf32>
      %select_n3A_2027 = arith.select %and3A_1933, %broadcast_in_dim3A_2025, %broadcast_in_dim3A_2026 : vector<16xi1>, vector<16xf32>
      %add3A_2028 = arith.addf %add3A_1915, %select_n3A_2027 : vector<16xf32>
      %get3A_2029 = arith.constant 18 : i32
      %get3A_2030 = arith.index_cast %get3A_2029 : i32 to index
      %get3A_2031 = arith.constant 0 : index
      %get3A_2032 = tpu.vector_load %arg5[%get3A_2030, %get3A_2031] {strides = array<i32>} : memref<32x32xf32, #tpu.memory_space<vmem>>, vector<16xf32>,
      %get3A_2033 = arith.constant 18 : i32
      %get3A_2034 = arith.index_cast %get3A_2033 : i32 to index
      %get3A_2035 = arith.constant 0 : index
      %get3A_2036 = tpu.vector_load %arg6[%get3A_2034, %get3A_2035] {strides = array<i32>} : memref<32x32xf32, #tpu.memory_space<vmem>>, vector<16xf32>,
      %add3A_2037 = arith.constant 0 : i32
      %add3A_2038 = vector.broadcast %add3A_2037 : i32 to vector<16xi32>
      %add3A_2039 = arith.addi %add3A_2038, %iota3A : vector<16xi32>
      %lt3A_2040 = arith.constant 18 : i32
      %lt3A_2041 = vector.broadcast %lt3A_2040 : i32 to vector<16xi32>
      %lt3A_2042 = arith.cmpi slt, %add3A_2039, %lt3A_2041 : vector<16xi32>
      %gt3A_2043 = arith.constant 0.000000e+00 : f32
      %gt3A_2044 = vector.broadcast %gt3A_2043 : f32 to vector<16xf32>
      %gt3A_2045 = arith.cmpf ogt, %get3A_2032, %gt3A_2044 : vector<16xf32>
      %and3A_2046 = arith.andi %lt3A_2042, %gt3A_2045 : vector<16xi1>
      %mul3A_2047 = arith.constant 6.10351563E-5 : f32
      %mul3A_2048 = vector.broadcast %mul3A_2047 : f32 to vector<16xf32>
      %mul3A_2049 = arith.mulf %get3A_2032, %mul3A_2048 : vector<16xf32>
      %max3A_2050 = arith.constant 1.000000e-30 : f32
      %max3A_2051 = vector.broadcast %max3A_2050 : f32 to vector<16xf32>
      %max3A_2052 = arith.maximumf %mul3A_2049, %max3A_2051 : vector<16xf32>
      %bitcast_convert_type3A_2053 = tpu.bitcast %max3A_2052 : vector<16xf32> -> vector<16xi32>
      %shift_right_arithmetic3A_2054 = arith.constant 23 : i32
      %shift_right_arithmetic3A_2055 = vector.broadcast %shift_right_arithmetic3A_2054 : i32 to vector<16xi32>
      %shift_right_arithmetic3A_2056 = arith.shrsi %bitcast_convert_type3A_2053, %shift_right_arithmetic3A_2055 : vector<16xi32>
      %sub3A_2057 = arith.constant 127 : i32
      %sub3A_2058 = vector.broadcast %sub3A_2057 : i32 to vector<16xi32>
      %sub3A_2059 = arith.subi %shift_right_arithmetic3A_2056, %sub3A_2058 : vector<16xi32>
      %and3A_2060 = arith.constant 8388607 : i32
      %and3A_2061 = vector.broadcast %and3A_2060 : i32 to vector<16xi32>
      %and3A_2062 = arith.andi %bitcast_convert_type3A_2053, %and3A_2061 : vector<16xi32>
      %or3A_2063 = arith.constant 1065353216 : i32
      %or3A_2064 = vector.broadcast %or3A_2063 : i32 to vector<16xi32>
      %or3A_2065 = arith.ori %and3A_2062, %or3A_2064 : vector<16xi32>
      %bitcast_convert_type3A_2066 = tpu.bitcast %or3A_2065 : vector<16xi32> -> vector<16xf32>
      %gt3A_2067 = arith.constant 1.41421354 : f32
      %gt3A_2068 = vector.broadcast %gt3A_2067 : f32 to vector<16xf32>
      %gt3A_2069 = arith.cmpf ogt, %bitcast_convert_type3A_2066, %gt3A_2068 : vector<16xf32>
      %mul3A_2070 = arith.constant 5.000000e-01 : f32
      %mul3A_2071 = vector.broadcast %mul3A_2070 : f32 to vector<16xf32>
      %mul3A_2072 = arith.mulf %bitcast_convert_type3A_2066, %mul3A_2071 : vector<16xf32>
      %select_n3A_2073 = arith.select %gt3A_2069, %mul3A_2072, %bitcast_convert_type3A_2066 : vector<16xi1>, vector<16xf32>
      %jit3A_2074 = arith.constant 1 : i32
      %jit3A_2075 = arith.constant 0 : i32
      %broadcast_in_dim3A_2076 = vector.broadcast %jit3A_2074 : i32 to vector<16xi32>
      %broadcast_in_dim3A_2077 = vector.broadcast %jit3A_2075 : i32 to vector<16xi32>
      %select_n3A_2078 = arith.select %gt3A_2069, %broadcast_in_dim3A_2076, %broadcast_in_dim3A_2077 : vector<16xi1>, vector<16xi32>
      %add3A_2079 = arith.addi %sub3A_2059, %select_n3A_2078 : vector<16xi32>
      %sub3A_2080 = arith.constant 1.000000e+00 : f32
      %sub3A_2081 = vector.broadcast %sub3A_2080 : f32 to vector<16xf32>
      %sub3A_2082 = arith.subf %select_n3A_2073, %sub3A_2081 : vector<16xf32>
      %mul3A_2083 = arith.mulf %sub3A_2082, %sub3A_2082 : vector<16xf32>
      %broadcast_in_dim3A_2084 = arith.constant 0.0703768358 : f32
      %broadcast_in_dim3A_2085 = vector.broadcast %broadcast_in_dim3A_2084 : f32 to vector<16xf32>
      %mul3A_2086 = arith.mulf %broadcast_in_dim3A_2085, %sub3A_2082 : vector<16xf32>
      %add3A_2087 = arith.constant -0.115146101 : f32
      %add3A_2088 = vector.broadcast %add3A_2087 : f32 to vector<16xf32>
      %add3A_2089 = arith.addf %mul3A_2086, %add3A_2088 : vector<16xf32>
      %mul3A_2090 = arith.mulf %add3A_2089, %sub3A_2082 : vector<16xf32>
      %add3A_2091 = arith.constant 0.116769984 : f32
      %add3A_2092 = vector.broadcast %add3A_2091 : f32 to vector<16xf32>
      %add3A_2093 = arith.addf %mul3A_2090, %add3A_2092 : vector<16xf32>
      %mul3A_2094 = arith.mulf %add3A_2093, %sub3A_2082 : vector<16xf32>
      %add3A_2095 = arith.constant -0.12420141 : f32
      %add3A_2096 = vector.broadcast %add3A_2095 : f32 to vector<16xf32>
      %add3A_2097 = arith.addf %mul3A_2094, %add3A_2096 : vector<16xf32>
      %mul3A_2098 = arith.mulf %add3A_2097, %sub3A_2082 : vector<16xf32>
      %add3A_2099 = arith.constant 0.142493233 : f32
      %add3A_2100 = vector.broadcast %add3A_2099 : f32 to vector<16xf32>
      %add3A_2101 = arith.addf %mul3A_2098, %add3A_2100 : vector<16xf32>
      %mul3A_2102 = arith.mulf %add3A_2101, %sub3A_2082 : vector<16xf32>
      %add3A_2103 = arith.constant -0.166680574 : f32
      %add3A_2104 = vector.broadcast %add3A_2103 : f32 to vector<16xf32>
      %add3A_2105 = arith.addf %mul3A_2102, %add3A_2104 : vector<16xf32>
      %mul3A_2106 = arith.mulf %add3A_2105, %sub3A_2082 : vector<16xf32>
      %add3A_2107 = arith.constant 0.200007141 : f32
      %add3A_2108 = vector.broadcast %add3A_2107 : f32 to vector<16xf32>
      %add3A_2109 = arith.addf %mul3A_2106, %add3A_2108 : vector<16xf32>
      %mul3A_2110 = arith.mulf %add3A_2109, %sub3A_2082 : vector<16xf32>
      %add3A_2111 = arith.constant -0.24999994 : f32
      %add3A_2112 = vector.broadcast %add3A_2111 : f32 to vector<16xf32>
      %add3A_2113 = arith.addf %mul3A_2110, %add3A_2112 : vector<16xf32>
      %mul3A_2114 = arith.mulf %add3A_2113, %sub3A_2082 : vector<16xf32>
      %add3A_2115 = arith.constant 0.333333313 : f32
      %add3A_2116 = vector.broadcast %add3A_2115 : f32 to vector<16xf32>
      %add3A_2117 = arith.addf %mul3A_2114, %add3A_2116 : vector<16xf32>
      %mul3A_2118 = arith.mulf %add3A_2117, %sub3A_2082 : vector<16xf32>
      %mul3A_2119 = arith.mulf %mul3A_2118, %mul3A_2083 : vector<16xf32>
      %mul3A_2120 = arith.constant 5.000000e-01 : f32
      %mul3A_2121 = vector.broadcast %mul3A_2120 : f32 to vector<16xf32>
      %mul3A_2122 = arith.mulf %mul3A_2121, %mul3A_2083 : vector<16xf32>
      %sub3A_2123 = arith.subf %mul3A_2119, %mul3A_2122 : vector<16xf32>
      %add3A_2124 = arith.addf %sub3A_2082, %sub3A_2123 : vector<16xf32>
      %convert_element_type3A_2125 = arith.sitofp %add3A_2079 : vector<16xi32> to vector<16xf32>
      %mul3A_2126 = arith.constant 0.693147182 : f32
      %mul3A_2127 = vector.broadcast %mul3A_2126 : f32 to vector<16xf32>
      %mul3A_2128 = arith.mulf %convert_element_type3A_2125, %mul3A_2127 : vector<16xf32>
      %add3A_2129 = arith.addf %add3A_2124, %mul3A_2128 : vector<16xf32>
      %sub3A_2130 = arith.subf %add3A_2129, %get3A_2036 : vector<16xf32>
      %mul3A_2131 = arith.mulf %mul3A_2049, %sub3A_2130 : vector<16xf32>
      %jit3A_2132 = arith.constant 0.000000e+00 : f32
      %broadcast_in_dim3A_2133 = vector.broadcast %jit3A_2132 : f32 to vector<16xf32>
      %select_n3A_2134 = arith.select %and3A_2046, %mul3A_2131, %broadcast_in_dim3A_2133 : vector<16xi1>, vector<16xf32>
      %add3A_2135 = arith.addf %add3A_2022, %select_n3A_2134 : vector<16xf32>
      %jit3A_2136 = arith.constant 1.000000e+00 : f32
      %jit3A_2137 = arith.constant 0.000000e+00 : f32
      %broadcast_in_dim3A_2138 = vector.broadcast %jit3A_2136 : f32 to vector<16xf32>
      %broadcast_in_dim3A_2139 = vector.broadcast %jit3A_2137 : f32 to vector<16xf32>
      %select_n3A_2140 = arith.select %and3A_2046, %broadcast_in_dim3A_2138, %broadcast_in_dim3A_2139 : vector<16xi1>, vector<16xf32>
      %add3A_2141 = arith.addf %add3A_2028, %select_n3A_2140 : vector<16xf32>
      %get3A_2142 = arith.constant 18 : i32
      %get3A_2143 = arith.index_cast %get3A_2142 : i32 to index
      %get3A_2144 = arith.constant 16 : index
      %get3A_2145 = tpu.vector_load %arg5[%get3A_2143, %get3A_2144] {strides = array<i32>} : memref<32x32xf32, #tpu.memory_space<vmem>>, vector<16xf32>,
      %get3A_2146 = arith.constant 18 : i32
      %get3A_2147 = arith.index_cast %get3A_2146 : i32 to index
      %get3A_2148 = arith.constant 16 : index
      %get3A_2149 = tpu.vector_load %arg6[%get3A_2147, %get3A_2148] {strides = array<i32>} : memref<32x32xf32, #tpu.memory_space<vmem>>, vector<16xf32>,
      %add3A_2150 = arith.constant 16 : i32
      %add3A_2151 = vector.broadcast %add3A_2150 : i32 to vector<16xi32>
      %add3A_2152 = arith.addi %add3A_2151, %iota3A : vector<16xi32>
      %lt3A_2153 = arith.constant 18 : i32
      %lt3A_2154 = vector.broadcast %lt3A_2153 : i32 to vector<16xi32>
      %lt3A_2155 = arith.cmpi slt, %add3A_2152, %lt3A_2154 : vector<16xi32>
      %gt3A_2156 = arith.constant 0.000000e+00 : f32
      %gt3A_2157 = vector.broadcast %gt3A_2156 : f32 to vector<16xf32>
      %gt3A_2158 = arith.cmpf ogt, %get3A_2145, %gt3A_2157 : vector<16xf32>
      %and3A_2159 = arith.andi %lt3A_2155, %gt3A_2158 : vector<16xi1>
      %mul3A_2160 = arith.constant 6.10351563E-5 : f32
      %mul3A_2161 = vector.broadcast %mul3A_2160 : f32 to vector<16xf32>
      %mul3A_2162 = arith.mulf %get3A_2145, %mul3A_2161 : vector<16xf32>
      %max3A_2163 = arith.constant 1.000000e-30 : f32
      %max3A_2164 = vector.broadcast %max3A_2163 : f32 to vector<16xf32>
      %max3A_2165 = arith.maximumf %mul3A_2162, %max3A_2164 : vector<16xf32>
      %bitcast_convert_type3A_2166 = tpu.bitcast %max3A_2165 : vector<16xf32> -> vector<16xi32>
      %shift_right_arithmetic3A_2167 = arith.constant 23 : i32
      %shift_right_arithmetic3A_2168 = vector.broadcast %shift_right_arithmetic3A_2167 : i32 to vector<16xi32>
      %shift_right_arithmetic3A_2169 = arith.shrsi %bitcast_convert_type3A_2166, %shift_right_arithmetic3A_2168 : vector<16xi32>
      %sub3A_2170 = arith.constant 127 : i32
      %sub3A_2171 = vector.broadcast %sub3A_2170 : i32 to vector<16xi32>
      %sub3A_2172 = arith.subi %shift_right_arithmetic3A_2169, %sub3A_2171 : vector<16xi32>
      %and3A_2173 = arith.constant 8388607 : i32
      %and3A_2174 = vector.broadcast %and3A_2173 : i32 to vector<16xi32>
      %and3A_2175 = arith.andi %bitcast_convert_type3A_2166, %and3A_2174 : vector<16xi32>
      %or3A_2176 = arith.constant 1065353216 : i32
      %or3A_2177 = vector.broadcast %or3A_2176 : i32 to vector<16xi32>
      %or3A_2178 = arith.ori %and3A_2175, %or3A_2177 : vector<16xi32>
      %bitcast_convert_type3A_2179 = tpu.bitcast %or3A_2178 : vector<16xi32> -> vector<16xf32>
      %gt3A_2180 = arith.constant 1.41421354 : f32
      %gt3A_2181 = vector.broadcast %gt3A_2180 : f32 to vector<16xf32>
      %gt3A_2182 = arith.cmpf ogt, %bitcast_convert_type3A_2179, %gt3A_2181 : vector<16xf32>
      %mul3A_2183 = arith.constant 5.000000e-01 : f32
      %mul3A_2184 = vector.broadcast %mul3A_2183 : f32 to vector<16xf32>
      %mul3A_2185 = arith.mulf %bitcast_convert_type3A_2179, %mul3A_2184 : vector<16xf32>
      %select_n3A_2186 = arith.select %gt3A_2182, %mul3A_2185, %bitcast_convert_type3A_2179 : vector<16xi1>, vector<16xf32>
      %jit3A_2187 = arith.constant 1 : i32
      %jit3A_2188 = arith.constant 0 : i32
      %broadcast_in_dim3A_2189 = vector.broadcast %jit3A_2187 : i32 to vector<16xi32>
      %broadcast_in_dim3A_2190 = vector.broadcast %jit3A_2188 : i32 to vector<16xi32>
      %select_n3A_2191 = arith.select %gt3A_2182, %broadcast_in_dim3A_2189, %broadcast_in_dim3A_2190 : vector<16xi1>, vector<16xi32>
      %add3A_2192 = arith.addi %sub3A_2172, %select_n3A_2191 : vector<16xi32>
      %sub3A_2193 = arith.constant 1.000000e+00 : f32
      %sub3A_2194 = vector.broadcast %sub3A_2193 : f32 to vector<16xf32>
      %sub3A_2195 = arith.subf %select_n3A_2186, %sub3A_2194 : vector<16xf32>
      %mul3A_2196 = arith.mulf %sub3A_2195, %sub3A_2195 : vector<16xf32>
      %broadcast_in_dim3A_2197 = arith.constant 0.0703768358 : f32
      %broadcast_in_dim3A_2198 = vector.broadcast %broadcast_in_dim3A_2197 : f32 to vector<16xf32>
      %mul3A_2199 = arith.mulf %broadcast_in_dim3A_2198, %sub3A_2195 : vector<16xf32>
      %add3A_2200 = arith.constant -0.115146101 : f32
      %add3A_2201 = vector.broadcast %add3A_2200 : f32 to vector<16xf32>
      %add3A_2202 = arith.addf %mul3A_2199, %add3A_2201 : vector<16xf32>
      %mul3A_2203 = arith.mulf %add3A_2202, %sub3A_2195 : vector<16xf32>
      %add3A_2204 = arith.constant 0.116769984 : f32
      %add3A_2205 = vector.broadcast %add3A_2204 : f32 to vector<16xf32>
      %add3A_2206 = arith.addf %mul3A_2203, %add3A_2205 : vector<16xf32>
      %mul3A_2207 = arith.mulf %add3A_2206, %sub3A_2195 : vector<16xf32>
      %add3A_2208 = arith.constant -0.12420141 : f32
      %add3A_2209 = vector.broadcast %add3A_2208 : f32 to vector<16xf32>
      %add3A_2210 = arith.addf %mul3A_2207, %add3A_2209 : vector<16xf32>
      %mul3A_2211 = arith.mulf %add3A_2210, %sub3A_2195 : vector<16xf32>
      %add3A_2212 = arith.constant 0.142493233 : f32
      %add3A_2213 = vector.broadcast %add3A_2212 : f32 to vector<16xf32>
      %add3A_2214 = arith.addf %mul3A_2211, %add3A_2213 : vector<16xf32>
      %mul3A_2215 = arith.mulf %add3A_2214, %sub3A_2195 : vector<16xf32>
      %add3A_2216 = arith.constant -0.166680574 : f32
      %add3A_2217 = vector.broadcast %add3A_2216 : f32 to vector<16xf32>
      %add3A_2218 = arith.addf %mul3A_2215, %add3A_2217 : vector<16xf32>
      %mul3A_2219 = arith.mulf %add3A_2218, %sub3A_2195 : vector<16xf32>
      %add3A_2220 = arith.constant 0.200007141 : f32
      %add3A_2221 = vector.broadcast %add3A_2220 : f32 to vector<16xf32>
      %add3A_2222 = arith.addf %mul3A_2219, %add3A_2221 : vector<16xf32>
      %mul3A_2223 = arith.mulf %add3A_2222, %sub3A_2195 : vector<16xf32>
      %add3A_2224 = arith.constant -0.24999994 : f32
      %add3A_2225 = vector.broadcast %add3A_2224 : f32 to vector<16xf32>
      %add3A_2226 = arith.addf %mul3A_2223, %add3A_2225 : vector<16xf32>
      %mul3A_2227 = arith.mulf %add3A_2226, %sub3A_2195 : vector<16xf32>
      %add3A_2228 = arith.constant 0.333333313 : f32
      %add3A_2229 = vector.broadcast %add3A_2228 : f32 to vector<16xf32>
      %add3A_2230 = arith.addf %mul3A_2227, %add3A_2229 : vector<16xf32>
      %mul3A_2231 = arith.mulf %add3A_2230, %sub3A_2195 : vector<16xf32>
      %mul3A_2232 = arith.mulf %mul3A_2231, %mul3A_2196 : vector<16xf32>
      %mul3A_2233 = arith.constant 5.000000e-01 : f32
      %mul3A_2234 = vector.broadcast %mul3A_2233 : f32 to vector<16xf32>
      %mul3A_2235 = arith.mulf %mul3A_2234, %mul3A_2196 : vector<16xf32>
      %sub3A_2236 = arith.subf %mul3A_2232, %mul3A_2235 : vector<16xf32>
      %add3A_2237 = arith.addf %sub3A_2195, %sub3A_2236 : vector<16xf32>
      %convert_element_type3A_2238 = arith.sitofp %add3A_2192 : vector<16xi32> to vector<16xf32>
      %mul3A_2239 = arith.constant 0.693147182 : f32
      %mul3A_2240 = vector.broadcast %mul3A_2239 : f32 to vector<16xf32>
      %mul3A_2241 = arith.mulf %convert_element_type3A_2238, %mul3A_2240 : vector<16xf32>
      %add3A_2242 = arith.addf %add3A_2237, %mul3A_2241 : vector<16xf32>
      %sub3A_2243 = arith.subf %add3A_2242, %get3A_2149 : vector<16xf32>
      %mul3A_2244 = arith.mulf %mul3A_2162, %sub3A_2243 : vector<16xf32>
      %jit3A_2245 = arith.constant 0.000000e+00 : f32
      %broadcast_in_dim3A_2246 = vector.broadcast %jit3A_2245 : f32 to vector<16xf32>
      %select_n3A_2247 = arith.select %and3A_2159, %mul3A_2244, %broadcast_in_dim3A_2246 : vector<16xi1>, vector<16xf32>
      %add3A_2248 = arith.addf %add3A_2135, %select_n3A_2247 : vector<16xf32>
      %jit3A_2249 = arith.constant 1.000000e+00 : f32
      %jit3A_2250 = arith.constant 0.000000e+00 : f32
      %broadcast_in_dim3A_2251 = vector.broadcast %jit3A_2249 : f32 to vector<16xf32>
      %broadcast_in_dim3A_2252 = vector.broadcast %jit3A_2250 : f32 to vector<16xf32>
      %select_n3A_2253 = arith.select %and3A_2159, %broadcast_in_dim3A_2251, %broadcast_in_dim3A_2252 : vector<16xi1>, vector<16xf32>
      %add3A_2254 = arith.addf %add3A_2141, %select_n3A_2253 : vector<16xf32>
      %get3A_2255 = arith.constant 19 : i32
      %get3A_2256 = arith.index_cast %get3A_2255 : i32 to index
      %get3A_2257 = arith.constant 0 : index
      %get3A_2258 = tpu.vector_load %arg5[%get3A_2256, %get3A_2257] {strides = array<i32>} : memref<32x32xf32, #tpu.memory_space<vmem>>, vector<16xf32>,
      %get3A_2259 = arith.constant 19 : i32
      %get3A_2260 = arith.index_cast %get3A_2259 : i32 to index
      %get3A_2261 = arith.constant 0 : index
      %get3A_2262 = tpu.vector_load %arg6[%get3A_2260, %get3A_2261] {strides = array<i32>} : memref<32x32xf32, #tpu.memory_space<vmem>>, vector<16xf32>,
      %add3A_2263 = arith.constant 0 : i32
      %add3A_2264 = vector.broadcast %add3A_2263 : i32 to vector<16xi32>
      %add3A_2265 = arith.addi %add3A_2264, %iota3A : vector<16xi32>
      %lt3A_2266 = arith.constant 19 : i32
      %lt3A_2267 = vector.broadcast %lt3A_2266 : i32 to vector<16xi32>
      %lt3A_2268 = arith.cmpi slt, %add3A_2265, %lt3A_2267 : vector<16xi32>
      %gt3A_2269 = arith.constant 0.000000e+00 : f32
      %gt3A_2270 = vector.broadcast %gt3A_2269 : f32 to vector<16xf32>
      %gt3A_2271 = arith.cmpf ogt, %get3A_2258, %gt3A_2270 : vector<16xf32>
      %and3A_2272 = arith.andi %lt3A_2268, %gt3A_2271 : vector<16xi1>
      %mul3A_2273 = arith.constant 6.10351563E-5 : f32
      %mul3A_2274 = vector.broadcast %mul3A_2273 : f32 to vector<16xf32>
      %mul3A_2275 = arith.mulf %get3A_2258, %mul3A_2274 : vector<16xf32>
      %max3A_2276 = arith.constant 1.000000e-30 : f32
      %max3A_2277 = vector.broadcast %max3A_2276 : f32 to vector<16xf32>
      %max3A_2278 = arith.maximumf %mul3A_2275, %max3A_2277 : vector<16xf32>
      %bitcast_convert_type3A_2279 = tpu.bitcast %max3A_2278 : vector<16xf32> -> vector<16xi32>
      %shift_right_arithmetic3A_2280 = arith.constant 23 : i32
      %shift_right_arithmetic3A_2281 = vector.broadcast %shift_right_arithmetic3A_2280 : i32 to vector<16xi32>
      %shift_right_arithmetic3A_2282 = arith.shrsi %bitcast_convert_type3A_2279, %shift_right_arithmetic3A_2281 : vector<16xi32>
      %sub3A_2283 = arith.constant 127 : i32
      %sub3A_2284 = vector.broadcast %sub3A_2283 : i32 to vector<16xi32>
      %sub3A_2285 = arith.subi %shift_right_arithmetic3A_2282, %sub3A_2284 : vector<16xi32>
      %and3A_2286 = arith.constant 8388607 : i32
      %and3A_2287 = vector.broadcast %and3A_2286 : i32 to vector<16xi32>
      %and3A_2288 = arith.andi %bitcast_convert_type3A_2279, %and3A_2287 : vector<16xi32>
      %or3A_2289 = arith.constant 1065353216 : i32
      %or3A_2290 = vector.broadcast %or3A_2289 : i32 to vector<16xi32>
      %or3A_2291 = arith.ori %and3A_2288, %or3A_2290 : vector<16xi32>
      %bitcast_convert_type3A_2292 = tpu.bitcast %or3A_2291 : vector<16xi32> -> vector<16xf32>
      %gt3A_2293 = arith.constant 1.41421354 : f32
      %gt3A_2294 = vector.broadcast %gt3A_2293 : f32 to vector<16xf32>
      %gt3A_2295 = arith.cmpf ogt, %bitcast_convert_type3A_2292, %gt3A_2294 : vector<16xf32>
      %mul3A_2296 = arith.constant 5.000000e-01 : f32
      %mul3A_2297 = vector.broadcast %mul3A_2296 : f32 to vector<16xf32>
      %mul3A_2298 = arith.mulf %bitcast_convert_type3A_2292, %mul3A_2297 : vector<16xf32>
      %select_n3A_2299 = arith.select %gt3A_2295, %mul3A_2298, %bitcast_convert_type3A_2292 : vector<16xi1>, vector<16xf32>
      %jit3A_2300 = arith.constant 1 : i32
      %jit3A_2301 = arith.constant 0 : i32
      %broadcast_in_dim3A_2302 = vector.broadcast %jit3A_2300 : i32 to vector<16xi32>
      %broadcast_in_dim3A_2303 = vector.broadcast %jit3A_2301 : i32 to vector<16xi32>
      %select_n3A_2304 = arith.select %gt3A_2295, %broadcast_in_dim3A_2302, %broadcast_in_dim3A_2303 : vector<16xi1>, vector<16xi32>
      %add3A_2305 = arith.addi %sub3A_2285, %select_n3A_2304 : vector<16xi32>
      %sub3A_2306 = arith.constant 1.000000e+00 : f32
      %sub3A_2307 = vector.broadcast %sub3A_2306 : f32 to vector<16xf32>
      %sub3A_2308 = arith.subf %select_n3A_2299, %sub3A_2307 : vector<16xf32>
      %mul3A_2309 = arith.mulf %sub3A_2308, %sub3A_2308 : vector<16xf32>
      %broadcast_in_dim3A_2310 = arith.constant 0.0703768358 : f32
      %broadcast_in_dim3A_2311 = vector.broadcast %broadcast_in_dim3A_2310 : f32 to vector<16xf32>
      %mul3A_2312 = arith.mulf %broadcast_in_dim3A_2311, %sub3A_2308 : vector<16xf32>
      %add3A_2313 = arith.constant -0.115146101 : f32
      %add3A_2314 = vector.broadcast %add3A_2313 : f32 to vector<16xf32>
      %add3A_2315 = arith.addf %mul3A_2312, %add3A_2314 : vector<16xf32>
      %mul3A_2316 = arith.mulf %add3A_2315, %sub3A_2308 : vector<16xf32>
      %add3A_2317 = arith.constant 0.116769984 : f32
      %add3A_2318 = vector.broadcast %add3A_2317 : f32 to vector<16xf32>
      %add3A_2319 = arith.addf %mul3A_2316, %add3A_2318 : vector<16xf32>
      %mul3A_2320 = arith.mulf %add3A_2319, %sub3A_2308 : vector<16xf32>
      %add3A_2321 = arith.constant -0.12420141 : f32
      %add3A_2322 = vector.broadcast %add3A_2321 : f32 to vector<16xf32>
      %add3A_2323 = arith.addf %mul3A_2320, %add3A_2322 : vector<16xf32>
      %mul3A_2324 = arith.mulf %add3A_2323, %sub3A_2308 : vector<16xf32>
      %add3A_2325 = arith.constant 0.142493233 : f32
      %add3A_2326 = vector.broadcast %add3A_2325 : f32 to vector<16xf32>
      %add3A_2327 = arith.addf %mul3A_2324, %add3A_2326 : vector<16xf32>
      %mul3A_2328 = arith.mulf %add3A_2327, %sub3A_2308 : vector<16xf32>
      %add3A_2329 = arith.constant -0.166680574 : f32
      %add3A_2330 = vector.broadcast %add3A_2329 : f32 to vector<16xf32>
      %add3A_2331 = arith.addf %mul3A_2328, %add3A_2330 : vector<16xf32>
      %mul3A_2332 = arith.mulf %add3A_2331, %sub3A_2308 : vector<16xf32>
      %add3A_2333 = arith.constant 0.200007141 : f32
      %add3A_2334 = vector.broadcast %add3A_2333 : f32 to vector<16xf32>
      %add3A_2335 = arith.addf %mul3A_2332, %add3A_2334 : vector<16xf32>
      %mul3A_2336 = arith.mulf %add3A_2335, %sub3A_2308 : vector<16xf32>
      %add3A_2337 = arith.constant -0.24999994 : f32
      %add3A_2338 = vector.broadcast %add3A_2337 : f32 to vector<16xf32>
      %add3A_2339 = arith.addf %mul3A_2336, %add3A_2338 : vector<16xf32>
      %mul3A_2340 = arith.mulf %add3A_2339, %sub3A_2308 : vector<16xf32>
      %add3A_2341 = arith.constant 0.333333313 : f32
      %add3A_2342 = vector.broadcast %add3A_2341 : f32 to vector<16xf32>
      %add3A_2343 = arith.addf %mul3A_2340, %add3A_2342 : vector<16xf32>
      %mul3A_2344 = arith.mulf %add3A_2343, %sub3A_2308 : vector<16xf32>
      %mul3A_2345 = arith.mulf %mul3A_2344, %mul3A_2309 : vector<16xf32>
      %mul3A_2346 = arith.constant 5.000000e-01 : f32
      %mul3A_2347 = vector.broadcast %mul3A_2346 : f32 to vector<16xf32>
      %mul3A_2348 = arith.mulf %mul3A_2347, %mul3A_2309 : vector<16xf32>
      %sub3A_2349 = arith.subf %mul3A_2345, %mul3A_2348 : vector<16xf32>
      %add3A_2350 = arith.addf %sub3A_2308, %sub3A_2349 : vector<16xf32>
      %convert_element_type3A_2351 = arith.sitofp %add3A_2305 : vector<16xi32> to vector<16xf32>
      %mul3A_2352 = arith.constant 0.693147182 : f32
      %mul3A_2353 = vector.broadcast %mul3A_2352 : f32 to vector<16xf32>
      %mul3A_2354 = arith.mulf %convert_element_type3A_2351, %mul3A_2353 : vector<16xf32>
      %add3A_2355 = arith.addf %add3A_2350, %mul3A_2354 : vector<16xf32>
      %sub3A_2356 = arith.subf %add3A_2355, %get3A_2262 : vector<16xf32>
      %mul3A_2357 = arith.mulf %mul3A_2275, %sub3A_2356 : vector<16xf32>
      %jit3A_2358 = arith.constant 0.000000e+00 : f32
      %broadcast_in_dim3A_2359 = vector.broadcast %jit3A_2358 : f32 to vector<16xf32>
      %select_n3A_2360 = arith.select %and3A_2272, %mul3A_2357, %broadcast_in_dim3A_2359 : vector<16xi1>, vector<16xf32>
      %add3A_2361 = arith.addf %add3A_2248, %select_n3A_2360 : vector<16xf32>
      %jit3A_2362 = arith.constant 1.000000e+00 : f32
      %jit3A_2363 = arith.constant 0.000000e+00 : f32
      %broadcast_in_dim3A_2364 = vector.broadcast %jit3A_2362 : f32 to vector<16xf32>
      %broadcast_in_dim3A_2365 = vector.broadcast %jit3A_2363 : f32 to vector<16xf32>
      %select_n3A_2366 = arith.select %and3A_2272, %broadcast_in_dim3A_2364, %broadcast_in_dim3A_2365 : vector<16xi1>, vector<16xf32>
      %add3A_2367 = arith.addf %add3A_2254, %select_n3A_2366 : vector<16xf32>
      %get3A_2368 = arith.constant 19 : i32
      %get3A_2369 = arith.index_cast %get3A_2368 : i32 to index
      %get3A_2370 = arith.constant 16 : index
      %get3A_2371 = tpu.vector_load %arg5[%get3A_2369, %get3A_2370] {strides = array<i32>} : memref<32x32xf32, #tpu.memory_space<vmem>>, vector<16xf32>,
      %get3A_2372 = arith.constant 19 : i32
      %get3A_2373 = arith.index_cast %get3A_2372 : i32 to index
      %get3A_2374 = arith.constant 16 : index
      %get3A_2375 = tpu.vector_load %arg6[%get3A_2373, %get3A_2374] {strides = array<i32>} : memref<32x32xf32, #tpu.memory_space<vmem>>, vector<16xf32>,
      %add3A_2376 = arith.constant 16 : i32
      %add3A_2377 = vector.broadcast %add3A_2376 : i32 to vector<16xi32>
      %add3A_2378 = arith.addi %add3A_2377, %iota3A : vector<16xi32>
      %lt3A_2379 = arith.constant 19 : i32
      %lt3A_2380 = vector.broadcast %lt3A_2379 : i32 to vector<16xi32>
      %lt3A_2381 = arith.cmpi slt, %add3A_2378, %lt3A_2380 : vector<16xi32>
      %gt3A_2382 = arith.constant 0.000000e+00 : f32
      %gt3A_2383 = vector.broadcast %gt3A_2382 : f32 to vector<16xf32>
      %gt3A_2384 = arith.cmpf ogt, %get3A_2371, %gt3A_2383 : vector<16xf32>
      %and3A_2385 = arith.andi %lt3A_2381, %gt3A_2384 : vector<16xi1>
      %mul3A_2386 = arith.constant 6.10351563E-5 : f32
      %mul3A_2387 = vector.broadcast %mul3A_2386 : f32 to vector<16xf32>
      %mul3A_2388 = arith.mulf %get3A_2371, %mul3A_2387 : vector<16xf32>
      %max3A_2389 = arith.constant 1.000000e-30 : f32
      %max3A_2390 = vector.broadcast %max3A_2389 : f32 to vector<16xf32>
      %max3A_2391 = arith.maximumf %mul3A_2388, %max3A_2390 : vector<16xf32>
      %bitcast_convert_type3A_2392 = tpu.bitcast %max3A_2391 : vector<16xf32> -> vector<16xi32>
      %shift_right_arithmetic3A_2393 = arith.constant 23 : i32
      %shift_right_arithmetic3A_2394 = vector.broadcast %shift_right_arithmetic3A_2393 : i32 to vector<16xi32>
      %shift_right_arithmetic3A_2395 = arith.shrsi %bitcast_convert_type3A_2392, %shift_right_arithmetic3A_2394 : vector<16xi32>
      %sub3A_2396 = arith.constant 127 : i32
      %sub3A_2397 = vector.broadcast %sub3A_2396 : i32 to vector<16xi32>
      %sub3A_2398 = arith.subi %shift_right_arithmetic3A_2395, %sub3A_2397 : vector<16xi32>
      %and3A_2399 = arith.constant 8388607 : i32
      %and3A_2400 = vector.broadcast %and3A_2399 : i32 to vector<16xi32>
      %and3A_2401 = arith.andi %bitcast_convert_type3A_2392, %and3A_2400 : vector<16xi32>
      %or3A_2402 = arith.constant 1065353216 : i32
      %or3A_2403 = vector.broadcast %or3A_2402 : i32 to vector<16xi32>
      %or3A_2404 = arith.ori %and3A_2401, %or3A_2403 : vector<16xi32>
      %bitcast_convert_type3A_2405 = tpu.bitcast %or3A_2404 : vector<16xi32> -> vector<16xf32>
      %gt3A_2406 = arith.constant 1.41421354 : f32
      %gt3A_2407 = vector.broadcast %gt3A_2406 : f32 to vector<16xf32>
      %gt3A_2408 = arith.cmpf ogt, %bitcast_convert_type3A_2405, %gt3A_2407 : vector<16xf32>
      %mul3A_2409 = arith.constant 5.000000e-01 : f32
      %mul3A_2410 = vector.broadcast %mul3A_2409 : f32 to vector<16xf32>
      %mul3A_2411 = arith.mulf %bitcast_convert_type3A_2405, %mul3A_2410 : vector<16xf32>
      %select_n3A_2412 = arith.select %gt3A_2408, %mul3A_2411, %bitcast_convert_type3A_2405 : vector<16xi1>, vector<16xf32>
      %jit3A_2413 = arith.constant 1 : i32
      %jit3A_2414 = arith.constant 0 : i32
      %broadcast_in_dim3A_2415 = vector.broadcast %jit3A_2413 : i32 to vector<16xi32>
      %broadcast_in_dim3A_2416 = vector.broadcast %jit3A_2414 : i32 to vector<16xi32>
      %select_n3A_2417 = arith.select %gt3A_2408, %broadcast_in_dim3A_2415, %broadcast_in_dim3A_2416 : vector<16xi1>, vector<16xi32>
      %add3A_2418 = arith.addi %sub3A_2398, %select_n3A_2417 : vector<16xi32>
      %sub3A_2419 = arith.constant 1.000000e+00 : f32
      %sub3A_2420 = vector.broadcast %sub3A_2419 : f32 to vector<16xf32>
      %sub3A_2421 = arith.subf %select_n3A_2412, %sub3A_2420 : vector<16xf32>
      %mul3A_2422 = arith.mulf %sub3A_2421, %sub3A_2421 : vector<16xf32>
      %broadcast_in_dim3A_2423 = arith.constant 0.0703768358 : f32
      %broadcast_in_dim3A_2424 = vector.broadcast %broadcast_in_dim3A_2423 : f32 to vector<16xf32>
      %mul3A_2425 = arith.mulf %broadcast_in_dim3A_2424, %sub3A_2421 : vector<16xf32>
      %add3A_2426 = arith.constant -0.115146101 : f32
      %add3A_2427 = vector.broadcast %add3A_2426 : f32 to vector<16xf32>
      %add3A_2428 = arith.addf %mul3A_2425, %add3A_2427 : vector<16xf32>
      %mul3A_2429 = arith.mulf %add3A_2428, %sub3A_2421 : vector<16xf32>
      %add3A_2430 = arith.constant 0.116769984 : f32
      %add3A_2431 = vector.broadcast %add3A_2430 : f32 to vector<16xf32>
      %add3A_2432 = arith.addf %mul3A_2429, %add3A_2431 : vector<16xf32>
      %mul3A_2433 = arith.mulf %add3A_2432, %sub3A_2421 : vector<16xf32>
      %add3A_2434 = arith.constant -0.12420141 : f32
      %add3A_2435 = vector.broadcast %add3A_2434 : f32 to vector<16xf32>
      %add3A_2436 = arith.addf %mul3A_2433, %add3A_2435 : vector<16xf32>
      %mul3A_2437 = arith.mulf %add3A_2436, %sub3A_2421 : vector<16xf32>
      %add3A_2438 = arith.constant 0.142493233 : f32
      %add3A_2439 = vector.broadcast %add3A_2438 : f32 to vector<16xf32>
      %add3A_2440 = arith.addf %mul3A_2437, %add3A_2439 : vector<16xf32>
      %mul3A_2441 = arith.mulf %add3A_2440, %sub3A_2421 : vector<16xf32>
      %add3A_2442 = arith.constant -0.166680574 : f32
      %add3A_2443 = vector.broadcast %add3A_2442 : f32 to vector<16xf32>
      %add3A_2444 = arith.addf %mul3A_2441, %add3A_2443 : vector<16xf32>
      %mul3A_2445 = arith.mulf %add3A_2444, %sub3A_2421 : vector<16xf32>
      %add3A_2446 = arith.constant 0.200007141 : f32
      %add3A_2447 = vector.broadcast %add3A_2446 : f32 to vector<16xf32>
      %add3A_2448 = arith.addf %mul3A_2445, %add3A_2447 : vector<16xf32>
      %mul3A_2449 = arith.mulf %add3A_2448, %sub3A_2421 : vector<16xf32>
      %add3A_2450 = arith.constant -0.24999994 : f32
      %add3A_2451 = vector.broadcast %add3A_2450 : f32 to vector<16xf32>
      %add3A_2452 = arith.addf %mul3A_2449, %add3A_2451 : vector<16xf32>
      %mul3A_2453 = arith.mulf %add3A_2452, %sub3A_2421 : vector<16xf32>
      %add3A_2454 = arith.constant 0.333333313 : f32
      %add3A_2455 = vector.broadcast %add3A_2454 : f32 to vector<16xf32>
      %add3A_2456 = arith.addf %mul3A_2453, %add3A_2455 : vector<16xf32>
      %mul3A_2457 = arith.mulf %add3A_2456, %sub3A_2421 : vector<16xf32>
      %mul3A_2458 = arith.mulf %mul3A_2457, %mul3A_2422 : vector<16xf32>
      %mul3A_2459 = arith.constant 5.000000e-01 : f32
      %mul3A_2460 = vector.broadcast %mul3A_2459 : f32 to vector<16xf32>
      %mul3A_2461 = arith.mulf %mul3A_2460, %mul3A_2422 : vector<16xf32>
      %sub3A_2462 = arith.subf %mul3A_2458, %mul3A_2461 : vector<16xf32>
      %add3A_2463 = arith.addf %sub3A_2421, %sub3A_2462 : vector<16xf32>
      %convert_element_type3A_2464 = arith.sitofp %add3A_2418 : vector<16xi32> to vector<16xf32>
      %mul3A_2465 = arith.constant 0.693147182 : f32
      %mul3A_2466 = vector.broadcast %mul3A_2465 : f32 to vector<16xf32>
      %mul3A_2467 = arith.mulf %convert_element_type3A_2464, %mul3A_2466 : vector<16xf32>
      %add3A_2468 = arith.addf %add3A_2463, %mul3A_2467 : vector<16xf32>
      %sub3A_2469 = arith.subf %add3A_2468, %get3A_2375 : vector<16xf32>
      %mul3A_2470 = arith.mulf %mul3A_2388, %sub3A_2469 : vector<16xf32>
      %jit3A_2471 = arith.constant 0.000000e+00 : f32
      %broadcast_in_dim3A_2472 = vector.broadcast %jit3A_2471 : f32 to vector<16xf32>
      %select_n3A_2473 = arith.select %and3A_2385, %mul3A_2470, %broadcast_in_dim3A_2472 : vector<16xi1>, vector<16xf32>
      %add3A_2474 = arith.addf %add3A_2361, %select_n3A_2473 : vector<16xf32>
      %jit3A_2475 = arith.constant 1.000000e+00 : f32
      %jit3A_2476 = arith.constant 0.000000e+00 : f32
      %broadcast_in_dim3A_2477 = vector.broadcast %jit3A_2475 : f32 to vector<16xf32>
      %broadcast_in_dim3A_2478 = vector.broadcast %jit3A_2476 : f32 to vector<16xf32>
      %select_n3A_2479 = arith.select %and3A_2385, %broadcast_in_dim3A_2477, %broadcast_in_dim3A_2478 : vector<16xi1>, vector<16xf32>
      %add3A_2480 = arith.addf %add3A_2367, %select_n3A_2479 : vector<16xf32>
      %get3A_2481 = arith.constant 20 : i32
      %get3A_2482 = arith.index_cast %get3A_2481 : i32 to index
      %get3A_2483 = arith.constant 0 : index
      %get3A_2484 = tpu.vector_load %arg5[%get3A_2482, %get3A_2483] {strides = array<i32>} : memref<32x32xf32, #tpu.memory_space<vmem>>, vector<16xf32>,
      %get3A_2485 = arith.constant 20 : i32
      %get3A_2486 = arith.index_cast %get3A_2485 : i32 to index
      %get3A_2487 = arith.constant 0 : index
      %get3A_2488 = tpu.vector_load %arg6[%get3A_2486, %get3A_2487] {strides = array<i32>} : memref<32x32xf32, #tpu.memory_space<vmem>>, vector<16xf32>,
      %add3A_2489 = arith.constant 0 : i32
      %add3A_2490 = vector.broadcast %add3A_2489 : i32 to vector<16xi32>
      %add3A_2491 = arith.addi %add3A_2490, %iota3A : vector<16xi32>
      %lt3A_2492 = arith.constant 20 : i32
      %lt3A_2493 = vector.broadcast %lt3A_2492 : i32 to vector<16xi32>
      %lt3A_2494 = arith.cmpi slt, %add3A_2491, %lt3A_2493 : vector<16xi32>
      %gt3A_2495 = arith.constant 0.000000e+00 : f32
      %gt3A_2496 = vector.broadcast %gt3A_2495 : f32 to vector<16xf32>
      %gt3A_2497 = arith.cmpf ogt, %get3A_2484, %gt3A_2496 : vector<16xf32>
      %and3A_2498 = arith.andi %lt3A_2494, %gt3A_2497 : vector<16xi1>
      %mul3A_2499 = arith.constant 6.10351563E-5 : f32
      %mul3A_2500 = vector.broadcast %mul3A_2499 : f32 to vector<16xf32>
      %mul3A_2501 = arith.mulf %get3A_2484, %mul3A_2500 : vector<16xf32>
      %max3A_2502 = arith.constant 1.000000e-30 : f32
      %max3A_2503 = vector.broadcast %max3A_2502 : f32 to vector<16xf32>
      %max3A_2504 = arith.maximumf %mul3A_2501, %max3A_2503 : vector<16xf32>
      %bitcast_convert_type3A_2505 = tpu.bitcast %max3A_2504 : vector<16xf32> -> vector<16xi32>
      %shift_right_arithmetic3A_2506 = arith.constant 23 : i32
      %shift_right_arithmetic3A_2507 = vector.broadcast %shift_right_arithmetic3A_2506 : i32 to vector<16xi32>
      %shift_right_arithmetic3A_2508 = arith.shrsi %bitcast_convert_type3A_2505, %shift_right_arithmetic3A_2507 : vector<16xi32>
      %sub3A_2509 = arith.constant 127 : i32
      %sub3A_2510 = vector.broadcast %sub3A_2509 : i32 to vector<16xi32>
      %sub3A_2511 = arith.subi %shift_right_arithmetic3A_2508, %sub3A_2510 : vector<16xi32>
      %and3A_2512 = arith.constant 8388607 : i32
      %and3A_2513 = vector.broadcast %and3A_2512 : i32 to vector<16xi32>
      %and3A_2514 = arith.andi %bitcast_convert_type3A_2505, %and3A_2513 : vector<16xi32>
      %or3A_2515 = arith.constant 1065353216 : i32
      %or3A_2516 = vector.broadcast %or3A_2515 : i32 to vector<16xi32>
      %or3A_2517 = arith.ori %and3A_2514, %or3A_2516 : vector<16xi32>
      %bitcast_convert_type3A_2518 = tpu.bitcast %or3A_2517 : vector<16xi32> -> vector<16xf32>
      %gt3A_2519 = arith.constant 1.41421354 : f32
      %gt3A_2520 = vector.broadcast %gt3A_2519 : f32 to vector<16xf32>
      %gt3A_2521 = arith.cmpf ogt, %bitcast_convert_type3A_2518, %gt3A_2520 : vector<16xf32>
      %mul3A_2522 = arith.constant 5.000000e-01 : f32
      %mul3A_2523 = vector.broadcast %mul3A_2522 : f32 to vector<16xf32>
      %mul3A_2524 = arith.mulf %bitcast_convert_type3A_2518, %mul3A_2523 : vector<16xf32>
      %select_n3A_2525 = arith.select %gt3A_2521, %mul3A_2524, %bitcast_convert_type3A_2518 : vector<16xi1>, vector<16xf32>
      %jit3A_2526 = arith.constant 1 : i32
      %jit3A_2527 = arith.constant 0 : i32
      %broadcast_in_dim3A_2528 = vector.broadcast %jit3A_2526 : i32 to vector<16xi32>
      %broadcast_in_dim3A_2529 = vector.broadcast %jit3A_2527 : i32 to vector<16xi32>
      %select_n3A_2530 = arith.select %gt3A_2521, %broadcast_in_dim3A_2528, %broadcast_in_dim3A_2529 : vector<16xi1>, vector<16xi32>
      %add3A_2531 = arith.addi %sub3A_2511, %select_n3A_2530 : vector<16xi32>
      %sub3A_2532 = arith.constant 1.000000e+00 : f32
      %sub3A_2533 = vector.broadcast %sub3A_2532 : f32 to vector<16xf32>
      %sub3A_2534 = arith.subf %select_n3A_2525, %sub3A_2533 : vector<16xf32>
      %mul3A_2535 = arith.mulf %sub3A_2534, %sub3A_2534 : vector<16xf32>
      %broadcast_in_dim3A_2536 = arith.constant 0.0703768358 : f32
      %broadcast_in_dim3A_2537 = vector.broadcast %broadcast_in_dim3A_2536 : f32 to vector<16xf32>
      %mul3A_2538 = arith.mulf %broadcast_in_dim3A_2537, %sub3A_2534 : vector<16xf32>
      %add3A_2539 = arith.constant -0.115146101 : f32
      %add3A_2540 = vector.broadcast %add3A_2539 : f32 to vector<16xf32>
      %add3A_2541 = arith.addf %mul3A_2538, %add3A_2540 : vector<16xf32>
      %mul3A_2542 = arith.mulf %add3A_2541, %sub3A_2534 : vector<16xf32>
      %add3A_2543 = arith.constant 0.116769984 : f32
      %add3A_2544 = vector.broadcast %add3A_2543 : f32 to vector<16xf32>
      %add3A_2545 = arith.addf %mul3A_2542, %add3A_2544 : vector<16xf32>
      %mul3A_2546 = arith.mulf %add3A_2545, %sub3A_2534 : vector<16xf32>
      %add3A_2547 = arith.constant -0.12420141 : f32
      %add3A_2548 = vector.broadcast %add3A_2547 : f32 to vector<16xf32>
      %add3A_2549 = arith.addf %mul3A_2546, %add3A_2548 : vector<16xf32>
      %mul3A_2550 = arith.mulf %add3A_2549, %sub3A_2534 : vector<16xf32>
      %add3A_2551 = arith.constant 0.142493233 : f32
      %add3A_2552 = vector.broadcast %add3A_2551 : f32 to vector<16xf32>
      %add3A_2553 = arith.addf %mul3A_2550, %add3A_2552 : vector<16xf32>
      %mul3A_2554 = arith.mulf %add3A_2553, %sub3A_2534 : vector<16xf32>
      %add3A_2555 = arith.constant -0.166680574 : f32
      %add3A_2556 = vector.broadcast %add3A_2555 : f32 to vector<16xf32>
      %add3A_2557 = arith.addf %mul3A_2554, %add3A_2556 : vector<16xf32>
      %mul3A_2558 = arith.mulf %add3A_2557, %sub3A_2534 : vector<16xf32>
      %add3A_2559 = arith.constant 0.200007141 : f32
      %add3A_2560 = vector.broadcast %add3A_2559 : f32 to vector<16xf32>
      %add3A_2561 = arith.addf %mul3A_2558, %add3A_2560 : vector<16xf32>
      %mul3A_2562 = arith.mulf %add3A_2561, %sub3A_2534 : vector<16xf32>
      %add3A_2563 = arith.constant -0.24999994 : f32
      %add3A_2564 = vector.broadcast %add3A_2563 : f32 to vector<16xf32>
      %add3A_2565 = arith.addf %mul3A_2562, %add3A_2564 : vector<16xf32>
      %mul3A_2566 = arith.mulf %add3A_2565, %sub3A_2534 : vector<16xf32>
      %add3A_2567 = arith.constant 0.333333313 : f32
      %add3A_2568 = vector.broadcast %add3A_2567 : f32 to vector<16xf32>
      %add3A_2569 = arith.addf %mul3A_2566, %add3A_2568 : vector<16xf32>
      %mul3A_2570 = arith.mulf %add3A_2569, %sub3A_2534 : vector<16xf32>
      %mul3A_2571 = arith.mulf %mul3A_2570, %mul3A_2535 : vector<16xf32>
      %mul3A_2572 = arith.constant 5.000000e-01 : f32
      %mul3A_2573 = vector.broadcast %mul3A_2572 : f32 to vector<16xf32>
      %mul3A_2574 = arith.mulf %mul3A_2573, %mul3A_2535 : vector<16xf32>
      %sub3A_2575 = arith.subf %mul3A_2571, %mul3A_2574 : vector<16xf32>
      %add3A_2576 = arith.addf %sub3A_2534, %sub3A_2575 : vector<16xf32>
      %convert_element_type3A_2577 = arith.sitofp %add3A_2531 : vector<16xi32> to vector<16xf32>
      %mul3A_2578 = arith.constant 0.693147182 : f32
      %mul3A_2579 = vector.broadcast %mul3A_2578 : f32 to vector<16xf32>
      %mul3A_2580 = arith.mulf %convert_element_type3A_2577, %mul3A_2579 : vector<16xf32>
      %add3A_2581 = arith.addf %add3A_2576, %mul3A_2580 : vector<16xf32>
      %sub3A_2582 = arith.subf %add3A_2581, %get3A_2488 : vector<16xf32>
      %mul3A_2583 = arith.mulf %mul3A_2501, %sub3A_2582 : vector<16xf32>
      %jit3A_2584 = arith.constant 0.000000e+00 : f32
      %broadcast_in_dim3A_2585 = vector.broadcast %jit3A_2584 : f32 to vector<16xf32>
      %select_n3A_2586 = arith.select %and3A_2498, %mul3A_2583, %broadcast_in_dim3A_2585 : vector<16xi1>, vector<16xf32>
      %add3A_2587 = arith.addf %add3A_2474, %select_n3A_2586 : vector<16xf32>
      %jit3A_2588 = arith.constant 1.000000e+00 : f32
      %jit3A_2589 = arith.constant 0.000000e+00 : f32
      %broadcast_in_dim3A_2590 = vector.broadcast %jit3A_2588 : f32 to vector<16xf32>
      %broadcast_in_dim3A_2591 = vector.broadcast %jit3A_2589 : f32 to vector<16xf32>
      %select_n3A_2592 = arith.select %and3A_2498, %broadcast_in_dim3A_2590, %broadcast_in_dim3A_2591 : vector<16xi1>, vector<16xf32>
      %add3A_2593 = arith.addf %add3A_2480, %select_n3A_2592 : vector<16xf32>
      %get3A_2594 = arith.constant 20 : i32
      %get3A_2595 = arith.index_cast %get3A_2594 : i32 to index
      %get3A_2596 = arith.constant 16 : index
      %get3A_2597 = tpu.vector_load %arg5[%get3A_2595, %get3A_2596] {strides = array<i32>} : memref<32x32xf32, #tpu.memory_space<vmem>>, vector<16xf32>,
      %get3A_2598 = arith.constant 20 : i32
      %get3A_2599 = arith.index_cast %get3A_2598 : i32 to index
      %get3A_2600 = arith.constant 16 : index
      %get3A_2601 = tpu.vector_load %arg6[%get3A_2599, %get3A_2600] {strides = array<i32>} : memref<32x32xf32, #tpu.memory_space<vmem>>, vector<16xf32>,
      %add3A_2602 = arith.constant 16 : i32
      %add3A_2603 = vector.broadcast %add3A_2602 : i32 to vector<16xi32>
      %add3A_2604 = arith.addi %add3A_2603, %iota3A : vector<16xi32>
      %lt3A_2605 = arith.constant 20 : i32
      %lt3A_2606 = vector.broadcast %lt3A_2605 : i32 to vector<16xi32>
      %lt3A_2607 = arith.cmpi slt, %add3A_2604, %lt3A_2606 : vector<16xi32>
      %gt3A_2608 = arith.constant 0.000000e+00 : f32
      %gt3A_2609 = vector.broadcast %gt3A_2608 : f32 to vector<16xf32>
      %gt3A_2610 = arith.cmpf ogt, %get3A_2597, %gt3A_2609 : vector<16xf32>
      %and3A_2611 = arith.andi %lt3A_2607, %gt3A_2610 : vector<16xi1>
      %mul3A_2612 = arith.constant 6.10351563E-5 : f32
      %mul3A_2613 = vector.broadcast %mul3A_2612 : f32 to vector<16xf32>
      %mul3A_2614 = arith.mulf %get3A_2597, %mul3A_2613 : vector<16xf32>
      %max3A_2615 = arith.constant 1.000000e-30 : f32
      %max3A_2616 = vector.broadcast %max3A_2615 : f32 to vector<16xf32>
      %max3A_2617 = arith.maximumf %mul3A_2614, %max3A_2616 : vector<16xf32>
      %bitcast_convert_type3A_2618 = tpu.bitcast %max3A_2617 : vector<16xf32> -> vector<16xi32>
      %shift_right_arithmetic3A_2619 = arith.constant 23 : i32
      %shift_right_arithmetic3A_2620 = vector.broadcast %shift_right_arithmetic3A_2619 : i32 to vector<16xi32>
      %shift_right_arithmetic3A_2621 = arith.shrsi %bitcast_convert_type3A_2618, %shift_right_arithmetic3A_2620 : vector<16xi32>
      %sub3A_2622 = arith.constant 127 : i32
      %sub3A_2623 = vector.broadcast %sub3A_2622 : i32 to vector<16xi32>
      %sub3A_2624 = arith.subi %shift_right_arithmetic3A_2621, %sub3A_2623 : vector<16xi32>
      %and3A_2625 = arith.constant 8388607 : i32
      %and3A_2626 = vector.broadcast %and3A_2625 : i32 to vector<16xi32>
      %and3A_2627 = arith.andi %bitcast_convert_type3A_2618, %and3A_2626 : vector<16xi32>
      %or3A_2628 = arith.constant 1065353216 : i32
      %or3A_2629 = vector.broadcast %or3A_2628 : i32 to vector<16xi32>
      %or3A_2630 = arith.ori %and3A_2627, %or3A_2629 : vector<16xi32>
      %bitcast_convert_type3A_2631 = tpu.bitcast %or3A_2630 : vector<16xi32> -> vector<16xf32>
      %gt3A_2632 = arith.constant 1.41421354 : f32
      %gt3A_2633 = vector.broadcast %gt3A_2632 : f32 to vector<16xf32>
      %gt3A_2634 = arith.cmpf ogt, %bitcast_convert_type3A_2631, %gt3A_2633 : vector<16xf32>
      %mul3A_2635 = arith.constant 5.000000e-01 : f32
      %mul3A_2636 = vector.broadcast %mul3A_2635 : f32 to vector<16xf32>
      %mul3A_2637 = arith.mulf %bitcast_convert_type3A_2631, %mul3A_2636 : vector<16xf32>
      %select_n3A_2638 = arith.select %gt3A_2634, %mul3A_2637, %bitcast_convert_type3A_2631 : vector<16xi1>, vector<16xf32>
      %jit3A_2639 = arith.constant 1 : i32
      %jit3A_2640 = arith.constant 0 : i32
      %broadcast_in_dim3A_2641 = vector.broadcast %jit3A_2639 : i32 to vector<16xi32>
      %broadcast_in_dim3A_2642 = vector.broadcast %jit3A_2640 : i32 to vector<16xi32>
      %select_n3A_2643 = arith.select %gt3A_2634, %broadcast_in_dim3A_2641, %broadcast_in_dim3A_2642 : vector<16xi1>, vector<16xi32>
      %add3A_2644 = arith.addi %sub3A_2624, %select_n3A_2643 : vector<16xi32>
      %sub3A_2645 = arith.constant 1.000000e+00 : f32
      %sub3A_2646 = vector.broadcast %sub3A_2645 : f32 to vector<16xf32>
      %sub3A_2647 = arith.subf %select_n3A_2638, %sub3A_2646 : vector<16xf32>
      %mul3A_2648 = arith.mulf %sub3A_2647, %sub3A_2647 : vector<16xf32>
      %broadcast_in_dim3A_2649 = arith.constant 0.0703768358 : f32
      %broadcast_in_dim3A_2650 = vector.broadcast %broadcast_in_dim3A_2649 : f32 to vector<16xf32>
      %mul3A_2651 = arith.mulf %broadcast_in_dim3A_2650, %sub3A_2647 : vector<16xf32>
      %add3A_2652 = arith.constant -0.115146101 : f32
      %add3A_2653 = vector.broadcast %add3A_2652 : f32 to vector<16xf32>
      %add3A_2654 = arith.addf %mul3A_2651, %add3A_2653 : vector<16xf32>
      %mul3A_2655 = arith.mulf %add3A_2654, %sub3A_2647 : vector<16xf32>
      %add3A_2656 = arith.constant 0.116769984 : f32
      %add3A_2657 = vector.broadcast %add3A_2656 : f32 to vector<16xf32>
      %add3A_2658 = arith.addf %mul3A_2655, %add3A_2657 : vector<16xf32>
      %mul3A_2659 = arith.mulf %add3A_2658, %sub3A_2647 : vector<16xf32>
      %add3A_2660 = arith.constant -0.12420141 : f32
      %add3A_2661 = vector.broadcast %add3A_2660 : f32 to vector<16xf32>
      %add3A_2662 = arith.addf %mul3A_2659, %add3A_2661 : vector<16xf32>
      %mul3A_2663 = arith.mulf %add3A_2662, %sub3A_2647 : vector<16xf32>
      %add3A_2664 = arith.constant 0.142493233 : f32
      %add3A_2665 = vector.broadcast %add3A_2664 : f32 to vector<16xf32>
      %add3A_2666 = arith.addf %mul3A_2663, %add3A_2665 : vector<16xf32>
      %mul3A_2667 = arith.mulf %add3A_2666, %sub3A_2647 : vector<16xf32>
      %add3A_2668 = arith.constant -0.166680574 : f32
      %add3A_2669 = vector.broadcast %add3A_2668 : f32 to vector<16xf32>
      %add3A_2670 = arith.addf %mul3A_2667, %add3A_2669 : vector<16xf32>
      %mul3A_2671 = arith.mulf %add3A_2670, %sub3A_2647 : vector<16xf32>
      %add3A_2672 = arith.constant 0.200007141 : f32
      %add3A_2673 = vector.broadcast %add3A_2672 : f32 to vector<16xf32>
      %add3A_2674 = arith.addf %mul3A_2671, %add3A_2673 : vector<16xf32>
      %mul3A_2675 = arith.mulf %add3A_2674, %sub3A_2647 : vector<16xf32>
      %add3A_2676 = arith.constant -0.24999994 : f32
      %add3A_2677 = vector.broadcast %add3A_2676 : f32 to vector<16xf32>
      %add3A_2678 = arith.addf %mul3A_2675, %add3A_2677 : vector<16xf32>
      %mul3A_2679 = arith.mulf %add3A_2678, %sub3A_2647 : vector<16xf32>
      %add3A_2680 = arith.constant 0.333333313 : f32
      %add3A_2681 = vector.broadcast %add3A_2680 : f32 to vector<16xf32>
      %add3A_2682 = arith.addf %mul3A_2679, %add3A_2681 : vector<16xf32>
      %mul3A_2683 = arith.mulf %add3A_2682, %sub3A_2647 : vector<16xf32>
      %mul3A_2684 = arith.mulf %mul3A_2683, %mul3A_2648 : vector<16xf32>
      %mul3A_2685 = arith.constant 5.000000e-01 : f32
      %mul3A_2686 = vector.broadcast %mul3A_2685 : f32 to vector<16xf32>
      %mul3A_2687 = arith.mulf %mul3A_2686, %mul3A_2648 : vector<16xf32>
      %sub3A_2688 = arith.subf %mul3A_2684, %mul3A_2687 : vector<16xf32>
      %add3A_2689 = arith.addf %sub3A_2647, %sub3A_2688 : vector<16xf32>
      %convert_element_type3A_2690 = arith.sitofp %add3A_2644 : vector<16xi32> to vector<16xf32>
      %mul3A_2691 = arith.constant 0.693147182 : f32
      %mul3A_2692 = vector.broadcast %mul3A_2691 : f32 to vector<16xf32>
      %mul3A_2693 = arith.mulf %convert_element_type3A_2690, %mul3A_2692 : vector<16xf32>
      %add3A_2694 = arith.addf %add3A_2689, %mul3A_2693 : vector<16xf32>
      %sub3A_2695 = arith.subf %add3A_2694, %get3A_2601 : vector<16xf32>
      %mul3A_2696 = arith.mulf %mul3A_2614, %sub3A_2695 : vector<16xf32>
      %jit3A_2697 = arith.constant 0.000000e+00 : f32
      %broadcast_in_dim3A_2698 = vector.broadcast %jit3A_2697 : f32 to vector<16xf32>
      %select_n3A_2699 = arith.select %and3A_2611, %mul3A_2696, %broadcast_in_dim3A_2698 : vector<16xi1>, vector<16xf32>
      %add3A_2700 = arith.addf %add3A_2587, %select_n3A_2699 : vector<16xf32>
      %jit3A_2701 = arith.constant 1.000000e+00 : f32
      %jit3A_2702 = arith.constant 0.000000e+00 : f32
      %broadcast_in_dim3A_2703 = vector.broadcast %jit3A_2701 : f32 to vector<16xf32>
      %broadcast_in_dim3A_2704 = vector.broadcast %jit3A_2702 : f32 to vector<16xf32>
      %select_n3A_2705 = arith.select %and3A_2611, %broadcast_in_dim3A_2703, %broadcast_in_dim3A_2704 : vector<16xi1>, vector<16xf32>
      %add3A_2706 = arith.addf %add3A_2593, %select_n3A_2705 : vector<16xf32>
      %get3A_2707 = arith.constant 21 : i32
      %get3A_2708 = arith.index_cast %get3A_2707 : i32 to index
      %get3A_2709 = arith.constant 0 : index
      %get3A_2710 = tpu.vector_load %arg5[%get3A_2708, %get3A_2709] {strides = array<i32>} : memref<32x32xf32, #tpu.memory_space<vmem>>, vector<16xf32>,
      %get3A_2711 = arith.constant 21 : i32
      %get3A_2712 = arith.index_cast %get3A_2711 : i32 to index
      %get3A_2713 = arith.constant 0 : index
      %get3A_2714 = tpu.vector_load %arg6[%get3A_2712, %get3A_2713] {strides = array<i32>} : memref<32x32xf32, #tpu.memory_space<vmem>>, vector<16xf32>,
      %add3A_2715 = arith.constant 0 : i32
      %add3A_2716 = vector.broadcast %add3A_2715 : i32 to vector<16xi32>
      %add3A_2717 = arith.addi %add3A_2716, %iota3A : vector<16xi32>
      %lt3A_2718 = arith.constant 21 : i32
      %lt3A_2719 = vector.broadcast %lt3A_2718 : i32 to vector<16xi32>
      %lt3A_2720 = arith.cmpi slt, %add3A_2717, %lt3A_2719 : vector<16xi32>
      %gt3A_2721 = arith.constant 0.000000e+00 : f32
      %gt3A_2722 = vector.broadcast %gt3A_2721 : f32 to vector<16xf32>
      %gt3A_2723 = arith.cmpf ogt, %get3A_2710, %gt3A_2722 : vector<16xf32>
      %and3A_2724 = arith.andi %lt3A_2720, %gt3A_2723 : vector<16xi1>
      %mul3A_2725 = arith.constant 6.10351563E-5 : f32
      %mul3A_2726 = vector.broadcast %mul3A_2725 : f32 to vector<16xf32>
      %mul3A_2727 = arith.mulf %get3A_2710, %mul3A_2726 : vector<16xf32>
      %max3A_2728 = arith.constant 1.000000e-30 : f32
      %max3A_2729 = vector.broadcast %max3A_2728 : f32 to vector<16xf32>
      %max3A_2730 = arith.maximumf %mul3A_2727, %max3A_2729 : vector<16xf32>
      %bitcast_convert_type3A_2731 = tpu.bitcast %max3A_2730 : vector<16xf32> -> vector<16xi32>
      %shift_right_arithmetic3A_2732 = arith.constant 23 : i32
      %shift_right_arithmetic3A_2733 = vector.broadcast %shift_right_arithmetic3A_2732 : i32 to vector<16xi32>
      %shift_right_arithmetic3A_2734 = arith.shrsi %bitcast_convert_type3A_2731, %shift_right_arithmetic3A_2733 : vector<16xi32>
      %sub3A_2735 = arith.constant 127 : i32
      %sub3A_2736 = vector.broadcast %sub3A_2735 : i32 to vector<16xi32>
      %sub3A_2737 = arith.subi %shift_right_arithmetic3A_2734, %sub3A_2736 : vector<16xi32>
      %and3A_2738 = arith.constant 8388607 : i32
      %and3A_2739 = vector.broadcast %and3A_2738 : i32 to vector<16xi32>
      %and3A_2740 = arith.andi %bitcast_convert_type3A_2731, %and3A_2739 : vector<16xi32>
      %or3A_2741 = arith.constant 1065353216 : i32
      %or3A_2742 = vector.broadcast %or3A_2741 : i32 to vector<16xi32>
      %or3A_2743 = arith.ori %and3A_2740, %or3A_2742 : vector<16xi32>
      %bitcast_convert_type3A_2744 = tpu.bitcast %or3A_2743 : vector<16xi32> -> vector<16xf32>
      %gt3A_2745 = arith.constant 1.41421354 : f32
      %gt3A_2746 = vector.broadcast %gt3A_2745 : f32 to vector<16xf32>
      %gt3A_2747 = arith.cmpf ogt, %bitcast_convert_type3A_2744, %gt3A_2746 : vector<16xf32>
      %mul3A_2748 = arith.constant 5.000000e-01 : f32
      %mul3A_2749 = vector.broadcast %mul3A_2748 : f32 to vector<16xf32>
      %mul3A_2750 = arith.mulf %bitcast_convert_type3A_2744, %mul3A_2749 : vector<16xf32>
      %select_n3A_2751 = arith.select %gt3A_2747, %mul3A_2750, %bitcast_convert_type3A_2744 : vector<16xi1>, vector<16xf32>
      %jit3A_2752 = arith.constant 1 : i32
      %jit3A_2753 = arith.constant 0 : i32
      %broadcast_in_dim3A_2754 = vector.broadcast %jit3A_2752 : i32 to vector<16xi32>
      %broadcast_in_dim3A_2755 = vector.broadcast %jit3A_2753 : i32 to vector<16xi32>
      %select_n3A_2756 = arith.select %gt3A_2747, %broadcast_in_dim3A_2754, %broadcast_in_dim3A_2755 : vector<16xi1>, vector<16xi32>
      %add3A_2757 = arith.addi %sub3A_2737, %select_n3A_2756 : vector<16xi32>
      %sub3A_2758 = arith.constant 1.000000e+00 : f32
      %sub3A_2759 = vector.broadcast %sub3A_2758 : f32 to vector<16xf32>
      %sub3A_2760 = arith.subf %select_n3A_2751, %sub3A_2759 : vector<16xf32>
      %mul3A_2761 = arith.mulf %sub3A_2760, %sub3A_2760 : vector<16xf32>
      %broadcast_in_dim3A_2762 = arith.constant 0.0703768358 : f32
      %broadcast_in_dim3A_2763 = vector.broadcast %broadcast_in_dim3A_2762 : f32 to vector<16xf32>
      %mul3A_2764 = arith.mulf %broadcast_in_dim3A_2763, %sub3A_2760 : vector<16xf32>
      %add3A_2765 = arith.constant -0.115146101 : f32
      %add3A_2766 = vector.broadcast %add3A_2765 : f32 to vector<16xf32>
      %add3A_2767 = arith.addf %mul3A_2764, %add3A_2766 : vector<16xf32>
      %mul3A_2768 = arith.mulf %add3A_2767, %sub3A_2760 : vector<16xf32>
      %add3A_2769 = arith.constant 0.116769984 : f32
      %add3A_2770 = vector.broadcast %add3A_2769 : f32 to vector<16xf32>
      %add3A_2771 = arith.addf %mul3A_2768, %add3A_2770 : vector<16xf32>
      %mul3A_2772 = arith.mulf %add3A_2771, %sub3A_2760 : vector<16xf32>
      %add3A_2773 = arith.constant -0.12420141 : f32
      %add3A_2774 = vector.broadcast %add3A_2773 : f32 to vector<16xf32>
      %add3A_2775 = arith.addf %mul3A_2772, %add3A_2774 : vector<16xf32>
      %mul3A_2776 = arith.mulf %add3A_2775, %sub3A_2760 : vector<16xf32>
      %add3A_2777 = arith.constant 0.142493233 : f32
      %add3A_2778 = vector.broadcast %add3A_2777 : f32 to vector<16xf32>
      %add3A_2779 = arith.addf %mul3A_2776, %add3A_2778 : vector<16xf32>
      %mul3A_2780 = arith.mulf %add3A_2779, %sub3A_2760 : vector<16xf32>
      %add3A_2781 = arith.constant -0.166680574 : f32
      %add3A_2782 = vector.broadcast %add3A_2781 : f32 to vector<16xf32>
      %add3A_2783 = arith.addf %mul3A_2780, %add3A_2782 : vector<16xf32>
      %mul3A_2784 = arith.mulf %add3A_2783, %sub3A_2760 : vector<16xf32>
      %add3A_2785 = arith.constant 0.200007141 : f32
      %add3A_2786 = vector.broadcast %add3A_2785 : f32 to vector<16xf32>
      %add3A_2787 = arith.addf %mul3A_2784, %add3A_2786 : vector<16xf32>
      %mul3A_2788 = arith.mulf %add3A_2787, %sub3A_2760 : vector<16xf32>
      %add3A_2789 = arith.constant -0.24999994 : f32
      %add3A_2790 = vector.broadcast %add3A_2789 : f32 to vector<16xf32>
      %add3A_2791 = arith.addf %mul3A_2788, %add3A_2790 : vector<16xf32>
      %mul3A_2792 = arith.mulf %add3A_2791, %sub3A_2760 : vector<16xf32>
      %add3A_2793 = arith.constant 0.333333313 : f32
      %add3A_2794 = vector.broadcast %add3A_2793 : f32 to vector<16xf32>
      %add3A_2795 = arith.addf %mul3A_2792, %add3A_2794 : vector<16xf32>
      %mul3A_2796 = arith.mulf %add3A_2795, %sub3A_2760 : vector<16xf32>
      %mul3A_2797 = arith.mulf %mul3A_2796, %mul3A_2761 : vector<16xf32>
      %mul3A_2798 = arith.constant 5.000000e-01 : f32
      %mul3A_2799 = vector.broadcast %mul3A_2798 : f32 to vector<16xf32>
      %mul3A_2800 = arith.mulf %mul3A_2799, %mul3A_2761 : vector<16xf32>
      %sub3A_2801 = arith.subf %mul3A_2797, %mul3A_2800 : vector<16xf32>
      %add3A_2802 = arith.addf %sub3A_2760, %sub3A_2801 : vector<16xf32>
      %convert_element_type3A_2803 = arith.sitofp %add3A_2757 : vector<16xi32> to vector<16xf32>
      %mul3A_2804 = arith.constant 0.693147182 : f32
      %mul3A_2805 = vector.broadcast %mul3A_2804 : f32 to vector<16xf32>
      %mul3A_2806 = arith.mulf %convert_element_type3A_2803, %mul3A_2805 : vector<16xf32>
      %add3A_2807 = arith.addf %add3A_2802, %mul3A_2806 : vector<16xf32>
      %sub3A_2808 = arith.subf %add3A_2807, %get3A_2714 : vector<16xf32>
      %mul3A_2809 = arith.mulf %mul3A_2727, %sub3A_2808 : vector<16xf32>
      %jit3A_2810 = arith.constant 0.000000e+00 : f32
      %broadcast_in_dim3A_2811 = vector.broadcast %jit3A_2810 : f32 to vector<16xf32>
      %select_n3A_2812 = arith.select %and3A_2724, %mul3A_2809, %broadcast_in_dim3A_2811 : vector<16xi1>, vector<16xf32>
      %add3A_2813 = arith.addf %add3A_2700, %select_n3A_2812 : vector<16xf32>
      %jit3A_2814 = arith.constant 1.000000e+00 : f32
      %jit3A_2815 = arith.constant 0.000000e+00 : f32
      %broadcast_in_dim3A_2816 = vector.broadcast %jit3A_2814 : f32 to vector<16xf32>
      %broadcast_in_dim3A_2817 = vector.broadcast %jit3A_2815 : f32 to vector<16xf32>
      %select_n3A_2818 = arith.select %and3A_2724, %broadcast_in_dim3A_2816, %broadcast_in_dim3A_2817 : vector<16xi1>, vector<16xf32>
      %add3A_2819 = arith.addf %add3A_2706, %select_n3A_2818 : vector<16xf32>
      %get3A_2820 = arith.constant 21 : i32
      %get3A_2821 = arith.index_cast %get3A_2820 : i32 to index
      %get3A_2822 = arith.constant 16 : index
      %get3A_2823 = tpu.vector_load %arg5[%get3A_2821, %get3A_2822] {strides = array<i32>} : memref<32x32xf32, #tpu.memory_space<vmem>>, vector<16xf32>,
      %get3A_2824 = arith.constant 21 : i32
      %get3A_2825 = arith.index_cast %get3A_2824 : i32 to index
      %get3A_2826 = arith.constant 16 : index
      %get3A_2827 = tpu.vector_load %arg6[%get3A_2825, %get3A_2826] {strides = array<i32>} : memref<32x32xf32, #tpu.memory_space<vmem>>, vector<16xf32>,
      %add3A_2828 = arith.constant 16 : i32
      %add3A_2829 = vector.broadcast %add3A_2828 : i32 to vector<16xi32>
      %add3A_2830 = arith.addi %add3A_2829, %iota3A : vector<16xi32>
      %lt3A_2831 = arith.constant 21 : i32
      %lt3A_2832 = vector.broadcast %lt3A_2831 : i32 to vector<16xi32>
      %lt3A_2833 = arith.cmpi slt, %add3A_2830, %lt3A_2832 : vector<16xi32>
      %gt3A_2834 = arith.constant 0.000000e+00 : f32
      %gt3A_2835 = vector.broadcast %gt3A_2834 : f32 to vector<16xf32>
      %gt3A_2836 = arith.cmpf ogt, %get3A_2823, %gt3A_2835 : vector<16xf32>
      %and3A_2837 = arith.andi %lt3A_2833, %gt3A_2836 : vector<16xi1>
      %mul3A_2838 = arith.constant 6.10351563E-5 : f32
      %mul3A_2839 = vector.broadcast %mul3A_2838 : f32 to vector<16xf32>
      %mul3A_2840 = arith.mulf %get3A_2823, %mul3A_2839 : vector<16xf32>
      %max3A_2841 = arith.constant 1.000000e-30 : f32
      %max3A_2842 = vector.broadcast %max3A_2841 : f32 to vector<16xf32>
      %max3A_2843 = arith.maximumf %mul3A_2840, %max3A_2842 : vector<16xf32>
      %bitcast_convert_type3A_2844 = tpu.bitcast %max3A_2843 : vector<16xf32> -> vector<16xi32>
      %shift_right_arithmetic3A_2845 = arith.constant 23 : i32
      %shift_right_arithmetic3A_2846 = vector.broadcast %shift_right_arithmetic3A_2845 : i32 to vector<16xi32>
      %shift_right_arithmetic3A_2847 = arith.shrsi %bitcast_convert_type3A_2844, %shift_right_arithmetic3A_2846 : vector<16xi32>
      %sub3A_2848 = arith.constant 127 : i32
      %sub3A_2849 = vector.broadcast %sub3A_2848 : i32 to vector<16xi32>
      %sub3A_2850 = arith.subi %shift_right_arithmetic3A_2847, %sub3A_2849 : vector<16xi32>
      %and3A_2851 = arith.constant 8388607 : i32
      %and3A_2852 = vector.broadcast %and3A_2851 : i32 to vector<16xi32>
      %and3A_2853 = arith.andi %bitcast_convert_type3A_2844, %and3A_2852 : vector<16xi32>
      %or3A_2854 = arith.constant 1065353216 : i32
      %or3A_2855 = vector.broadcast %or3A_2854 : i32 to vector<16xi32>
      %or3A_2856 = arith.ori %and3A_2853, %or3A_2855 : vector<16xi32>
      %bitcast_convert_type3A_2857 = tpu.bitcast %or3A_2856 : vector<16xi32> -> vector<16xf32>
      %gt3A_2858 = arith.constant 1.41421354 : f32
      %gt3A_2859 = vector.broadcast %gt3A_2858 : f32 to vector<16xf32>
      %gt3A_2860 = arith.cmpf ogt, %bitcast_convert_type3A_2857, %gt3A_2859 : vector<16xf32>
      %mul3A_2861 = arith.constant 5.000000e-01 : f32
      %mul3A_2862 = vector.broadcast %mul3A_2861 : f32 to vector<16xf32>
      %mul3A_2863 = arith.mulf %bitcast_convert_type3A_2857, %mul3A_2862 : vector<16xf32>
      %select_n3A_2864 = arith.select %gt3A_2860, %mul3A_2863, %bitcast_convert_type3A_2857 : vector<16xi1>, vector<16xf32>
      %jit3A_2865 = arith.constant 1 : i32
      %jit3A_2866 = arith.constant 0 : i32
      %broadcast_in_dim3A_2867 = vector.broadcast %jit3A_2865 : i32 to vector<16xi32>
      %broadcast_in_dim3A_2868 = vector.broadcast %jit3A_2866 : i32 to vector<16xi32>
      %select_n3A_2869 = arith.select %gt3A_2860, %broadcast_in_dim3A_2867, %broadcast_in_dim3A_2868 : vector<16xi1>, vector<16xi32>
      %add3A_2870 = arith.addi %sub3A_2850, %select_n3A_2869 : vector<16xi32>
      %sub3A_2871 = arith.constant 1.000000e+00 : f32
      %sub3A_2872 = vector.broadcast %sub3A_2871 : f32 to vector<16xf32>
      %sub3A_2873 = arith.subf %select_n3A_2864, %sub3A_2872 : vector<16xf32>
      %mul3A_2874 = arith.mulf %sub3A_2873, %sub3A_2873 : vector<16xf32>
      %broadcast_in_dim3A_2875 = arith.constant 0.0703768358 : f32
      %broadcast_in_dim3A_2876 = vector.broadcast %broadcast_in_dim3A_2875 : f32 to vector<16xf32>
      %mul3A_2877 = arith.mulf %broadcast_in_dim3A_2876, %sub3A_2873 : vector<16xf32>
      %add3A_2878 = arith.constant -0.115146101 : f32
      %add3A_2879 = vector.broadcast %add3A_2878 : f32 to vector<16xf32>
      %add3A_2880 = arith.addf %mul3A_2877, %add3A_2879 : vector<16xf32>
      %mul3A_2881 = arith.mulf %add3A_2880, %sub3A_2873 : vector<16xf32>
      %add3A_2882 = arith.constant 0.116769984 : f32
      %add3A_2883 = vector.broadcast %add3A_2882 : f32 to vector<16xf32>
      %add3A_2884 = arith.addf %mul3A_2881, %add3A_2883 : vector<16xf32>
      %mul3A_2885 = arith.mulf %add3A_2884, %sub3A_2873 : vector<16xf32>
      %add3A_2886 = arith.constant -0.12420141 : f32
      %add3A_2887 = vector.broadcast %add3A_2886 : f32 to vector<16xf32>
      %add3A_2888 = arith.addf %mul3A_2885, %add3A_2887 : vector<16xf32>
      %mul3A_2889 = arith.mulf %add3A_2888, %sub3A_2873 : vector<16xf32>
      %add3A_2890 = arith.constant 0.142493233 : f32
      %add3A_2891 = vector.broadcast %add3A_2890 : f32 to vector<16xf32>
      %add3A_2892 = arith.addf %mul3A_2889, %add3A_2891 : vector<16xf32>
      %mul3A_2893 = arith.mulf %add3A_2892, %sub3A_2873 : vector<16xf32>
      %add3A_2894 = arith.constant -0.166680574 : f32
      %add3A_2895 = vector.broadcast %add3A_2894 : f32 to vector<16xf32>
      %add3A_2896 = arith.addf %mul3A_2893, %add3A_2895 : vector<16xf32>
      %mul3A_2897 = arith.mulf %add3A_2896, %sub3A_2873 : vector<16xf32>
      %add3A_2898 = arith.constant 0.200007141 : f32
      %add3A_2899 = vector.broadcast %add3A_2898 : f32 to vector<16xf32>
      %add3A_2900 = arith.addf %mul3A_2897, %add3A_2899 : vector<16xf32>
      %mul3A_2901 = arith.mulf %add3A_2900, %sub3A_2873 : vector<16xf32>
      %add3A_2902 = arith.constant -0.24999994 : f32
      %add3A_2903 = vector.broadcast %add3A_2902 : f32 to vector<16xf32>
      %add3A_2904 = arith.addf %mul3A_2901, %add3A_2903 : vector<16xf32>
      %mul3A_2905 = arith.mulf %add3A_2904, %sub3A_2873 : vector<16xf32>
      %add3A_2906 = arith.constant 0.333333313 : f32
      %add3A_2907 = vector.broadcast %add3A_2906 : f32 to vector<16xf32>
      %add3A_2908 = arith.addf %mul3A_2905, %add3A_2907 : vector<16xf32>
      %mul3A_2909 = arith.mulf %add3A_2908, %sub3A_2873 : vector<16xf32>
      %mul3A_2910 = arith.mulf %mul3A_2909, %mul3A_2874 : vector<16xf32>
      %mul3A_2911 = arith.constant 5.000000e-01 : f32
      %mul3A_2912 = vector.broadcast %mul3A_2911 : f32 to vector<16xf32>
      %mul3A_2913 = arith.mulf %mul3A_2912, %mul3A_2874 : vector<16xf32>
      %sub3A_2914 = arith.subf %mul3A_2910, %mul3A_2913 : vector<16xf32>
      %add3A_2915 = arith.addf %sub3A_2873, %sub3A_2914 : vector<16xf32>
      %convert_element_type3A_2916 = arith.sitofp %add3A_2870 : vector<16xi32> to vector<16xf32>
      %mul3A_2917 = arith.constant 0.693147182 : f32
      %mul3A_2918 = vector.broadcast %mul3A_2917 : f32 to vector<16xf32>
      %mul3A_2919 = arith.mulf %convert_element_type3A_2916, %mul3A_2918 : vector<16xf32>
      %add3A_2920 = arith.addf %add3A_2915, %mul3A_2919 : vector<16xf32>
      %sub3A_2921 = arith.subf %add3A_2920, %get3A_2827 : vector<16xf32>
      %mul3A_2922 = arith.mulf %mul3A_2840, %sub3A_2921 : vector<16xf32>
      %jit3A_2923 = arith.constant 0.000000e+00 : f32
      %broadcast_in_dim3A_2924 = vector.broadcast %jit3A_2923 : f32 to vector<16xf32>
      %select_n3A_2925 = arith.select %and3A_2837, %mul3A_2922, %broadcast_in_dim3A_2924 : vector<16xi1>, vector<16xf32>
      %add3A_2926 = arith.addf %add3A_2813, %select_n3A_2925 : vector<16xf32>
      %jit3A_2927 = arith.constant 1.000000e+00 : f32
      %jit3A_2928 = arith.constant 0.000000e+00 : f32
      %broadcast_in_dim3A_2929 = vector.broadcast %jit3A_2927 : f32 to vector<16xf32>
      %broadcast_in_dim3A_2930 = vector.broadcast %jit3A_2928 : f32 to vector<16xf32>
      %select_n3A_2931 = arith.select %and3A_2837, %broadcast_in_dim3A_2929, %broadcast_in_dim3A_2930 : vector<16xi1>, vector<16xf32>
      %add3A_2932 = arith.addf %add3A_2819, %select_n3A_2931 : vector<16xf32>
      %get3A_2933 = arith.constant 22 : i32
      %get3A_2934 = arith.index_cast %get3A_2933 : i32 to index
      %get3A_2935 = arith.constant 0 : index
      %get3A_2936 = tpu.vector_load %arg5[%get3A_2934, %get3A_2935] {strides = array<i32>} : memref<32x32xf32, #tpu.memory_space<vmem>>, vector<16xf32>,
      %get3A_2937 = arith.constant 22 : i32
      %get3A_2938 = arith.index_cast %get3A_2937 : i32 to index
      %get3A_2939 = arith.constant 0 : index
      %get3A_2940 = tpu.vector_load %arg6[%get3A_2938, %get3A_2939] {strides = array<i32>} : memref<32x32xf32, #tpu.memory_space<vmem>>, vector<16xf32>,
      %add3A_2941 = arith.constant 0 : i32
      %add3A_2942 = vector.broadcast %add3A_2941 : i32 to vector<16xi32>
      %add3A_2943 = arith.addi %add3A_2942, %iota3A : vector<16xi32>
      %lt3A_2944 = arith.constant 22 : i32
      %lt3A_2945 = vector.broadcast %lt3A_2944 : i32 to vector<16xi32>
      %lt3A_2946 = arith.cmpi slt, %add3A_2943, %lt3A_2945 : vector<16xi32>
      %gt3A_2947 = arith.constant 0.000000e+00 : f32
      %gt3A_2948 = vector.broadcast %gt3A_2947 : f32 to vector<16xf32>
      %gt3A_2949 = arith.cmpf ogt, %get3A_2936, %gt3A_2948 : vector<16xf32>
      %and3A_2950 = arith.andi %lt3A_2946, %gt3A_2949 : vector<16xi1>
      %mul3A_2951 = arith.constant 6.10351563E-5 : f32
      %mul3A_2952 = vector.broadcast %mul3A_2951 : f32 to vector<16xf32>
      %mul3A_2953 = arith.mulf %get3A_2936, %mul3A_2952 : vector<16xf32>
      %max3A_2954 = arith.constant 1.000000e-30 : f32
      %max3A_2955 = vector.broadcast %max3A_2954 : f32 to vector<16xf32>
      %max3A_2956 = arith.maximumf %mul3A_2953, %max3A_2955 : vector<16xf32>
      %bitcast_convert_type3A_2957 = tpu.bitcast %max3A_2956 : vector<16xf32> -> vector<16xi32>
      %shift_right_arithmetic3A_2958 = arith.constant 23 : i32
      %shift_right_arithmetic3A_2959 = vector.broadcast %shift_right_arithmetic3A_2958 : i32 to vector<16xi32>
      %shift_right_arithmetic3A_2960 = arith.shrsi %bitcast_convert_type3A_2957, %shift_right_arithmetic3A_2959 : vector<16xi32>
      %sub3A_2961 = arith.constant 127 : i32
      %sub3A_2962 = vector.broadcast %sub3A_2961 : i32 to vector<16xi32>
      %sub3A_2963 = arith.subi %shift_right_arithmetic3A_2960, %sub3A_2962 : vector<16xi32>
      %and3A_2964 = arith.constant 8388607 : i32
      %and3A_2965 = vector.broadcast %and3A_2964 : i32 to vector<16xi32>
      %and3A_2966 = arith.andi %bitcast_convert_type3A_2957, %and3A_2965 : vector<16xi32>
      %or3A_2967 = arith.constant 1065353216 : i32
      %or3A_2968 = vector.broadcast %or3A_2967 : i32 to vector<16xi32>
      %or3A_2969 = arith.ori %and3A_2966, %or3A_2968 : vector<16xi32>
      %bitcast_convert_type3A_2970 = tpu.bitcast %or3A_2969 : vector<16xi32> -> vector<16xf32>
      %gt3A_2971 = arith.constant 1.41421354 : f32
      %gt3A_2972 = vector.broadcast %gt3A_2971 : f32 to vector<16xf32>
      %gt3A_2973 = arith.cmpf ogt, %bitcast_convert_type3A_2970, %gt3A_2972 : vector<16xf32>
      %mul3A_2974 = arith.constant 5.000000e-01 : f32
      %mul3A_2975 = vector.broadcast %mul3A_2974 : f32 to vector<16xf32>
      %mul3A_2976 = arith.mulf %bitcast_convert_type3A_2970, %mul3A_2975 : vector<16xf32>
      %select_n3A_2977 = arith.select %gt3A_2973, %mul3A_2976, %bitcast_convert_type3A_2970 : vector<16xi1>, vector<16xf32>
      %jit3A_2978 = arith.constant 1 : i32
      %jit3A_2979 = arith.constant 0 : i32
      %broadcast_in_dim3A_2980 = vector.broadcast %jit3A_2978 : i32 to vector<16xi32>
      %broadcast_in_dim3A_2981 = vector.broadcast %jit3A_2979 : i32 to vector<16xi32>
      %select_n3A_2982 = arith.select %gt3A_2973, %broadcast_in_dim3A_2980, %broadcast_in_dim3A_2981 : vector<16xi1>, vector<16xi32>
      %add3A_2983 = arith.addi %sub3A_2963, %select_n3A_2982 : vector<16xi32>
      %sub3A_2984 = arith.constant 1.000000e+00 : f32
      %sub3A_2985 = vector.broadcast %sub3A_2984 : f32 to vector<16xf32>
      %sub3A_2986 = arith.subf %select_n3A_2977, %sub3A_2985 : vector<16xf32>
      %mul3A_2987 = arith.mulf %sub3A_2986, %sub3A_2986 : vector<16xf32>
      %broadcast_in_dim3A_2988 = arith.constant 0.0703768358 : f32
      %broadcast_in_dim3A_2989 = vector.broadcast %broadcast_in_dim3A_2988 : f32 to vector<16xf32>
      %mul3A_2990 = arith.mulf %broadcast_in_dim3A_2989, %sub3A_2986 : vector<16xf32>
      %add3A_2991 = arith.constant -0.115146101 : f32
      %add3A_2992 = vector.broadcast %add3A_2991 : f32 to vector<16xf32>
      %add3A_2993 = arith.addf %mul3A_2990, %add3A_2992 : vector<16xf32>
      %mul3A_2994 = arith.mulf %add3A_2993, %sub3A_2986 : vector<16xf32>
      %add3A_2995 = arith.constant 0.116769984 : f32
      %add3A_2996 = vector.broadcast %add3A_2995 : f32 to vector<16xf32>
      %add3A_2997 = arith.addf %mul3A_2994, %add3A_2996 : vector<16xf32>
      %mul3A_2998 = arith.mulf %add3A_2997, %sub3A_2986 : vector<16xf32>
      %add3A_2999 = arith.constant -0.12420141 : f32
      %add3A_3000 = vector.broadcast %add3A_2999 : f32 to vector<16xf32>
      %add3A_3001 = arith.addf %mul3A_2998, %add3A_3000 : vector<16xf32>
      %mul3A_3002 = arith.mulf %add3A_3001, %sub3A_2986 : vector<16xf32>
      %add3A_3003 = arith.constant 0.142493233 : f32
      %add3A_3004 = vector.broadcast %add3A_3003 : f32 to vector<16xf32>
      %add3A_3005 = arith.addf %mul3A_3002, %add3A_3004 : vector<16xf32>
      %mul3A_3006 = arith.mulf %add3A_3005, %sub3A_2986 : vector<16xf32>
      %add3A_3007 = arith.constant -0.166680574 : f32
      %add3A_3008 = vector.broadcast %add3A_3007 : f32 to vector<16xf32>
      %add3A_3009 = arith.addf %mul3A_3006, %add3A_3008 : vector<16xf32>
      %mul3A_3010 = arith.mulf %add3A_3009, %sub3A_2986 : vector<16xf32>
      %add3A_3011 = arith.constant 0.200007141 : f32
      %add3A_3012 = vector.broadcast %add3A_3011 : f32 to vector<16xf32>
      %add3A_3013 = arith.addf %mul3A_3010, %add3A_3012 : vector<16xf32>
      %mul3A_3014 = arith.mulf %add3A_3013, %sub3A_2986 : vector<16xf32>
      %add3A_3015 = arith.constant -0.24999994 : f32
      %add3A_3016 = vector.broadcast %add3A_3015 : f32 to vector<16xf32>
      %add3A_3017 = arith.addf %mul3A_3014, %add3A_3016 : vector<16xf32>
      %mul3A_3018 = arith.mulf %add3A_3017, %sub3A_2986 : vector<16xf32>
      %add3A_3019 = arith.constant 0.333333313 : f32
      %add3A_3020 = vector.broadcast %add3A_3019 : f32 to vector<16xf32>
      %add3A_3021 = arith.addf %mul3A_3018, %add3A_3020 : vector<16xf32>
      %mul3A_3022 = arith.mulf %add3A_3021, %sub3A_2986 : vector<16xf32>
      %mul3A_3023 = arith.mulf %mul3A_3022, %mul3A_2987 : vector<16xf32>
      %mul3A_3024 = arith.constant 5.000000e-01 : f32
      %mul3A_3025 = vector.broadcast %mul3A_3024 : f32 to vector<16xf32>
      %mul3A_3026 = arith.mulf %mul3A_3025, %mul3A_2987 : vector<16xf32>
      %sub3A_3027 = arith.subf %mul3A_3023, %mul3A_3026 : vector<16xf32>
      %add3A_3028 = arith.addf %sub3A_2986, %sub3A_3027 : vector<16xf32>
      %convert_element_type3A_3029 = arith.sitofp %add3A_2983 : vector<16xi32> to vector<16xf32>
      %mul3A_3030 = arith.constant 0.693147182 : f32
      %mul3A_3031 = vector.broadcast %mul3A_3030 : f32 to vector<16xf32>
      %mul3A_3032 = arith.mulf %convert_element_type3A_3029, %mul3A_3031 : vector<16xf32>
      %add3A_3033 = arith.addf %add3A_3028, %mul3A_3032 : vector<16xf32>
      %sub3A_3034 = arith.subf %add3A_3033, %get3A_2940 : vector<16xf32>
      %mul3A_3035 = arith.mulf %mul3A_2953, %sub3A_3034 : vector<16xf32>
      %jit3A_3036 = arith.constant 0.000000e+00 : f32
      %broadcast_in_dim3A_3037 = vector.broadcast %jit3A_3036 : f32 to vector<16xf32>
      %select_n3A_3038 = arith.select %and3A_2950, %mul3A_3035, %broadcast_in_dim3A_3037 : vector<16xi1>, vector<16xf32>
      %add3A_3039 = arith.addf %add3A_2926, %select_n3A_3038 : vector<16xf32>
      %jit3A_3040 = arith.constant 1.000000e+00 : f32
      %jit3A_3041 = arith.constant 0.000000e+00 : f32
      %broadcast_in_dim3A_3042 = vector.broadcast %jit3A_3040 : f32 to vector<16xf32>
      %broadcast_in_dim3A_3043 = vector.broadcast %jit3A_3041 : f32 to vector<16xf32>
      %select_n3A_3044 = arith.select %and3A_2950, %broadcast_in_dim3A_3042, %broadcast_in_dim3A_3043 : vector<16xi1>, vector<16xf32>
      %add3A_3045 = arith.addf %add3A_2932, %select_n3A_3044 : vector<16xf32>
      %get3A_3046 = arith.constant 22 : i32
      %get3A_3047 = arith.index_cast %get3A_3046 : i32 to index
      %get3A_3048 = arith.constant 16 : index
      %get3A_3049 = tpu.vector_load %arg5[%get3A_3047, %get3A_3048] {strides = array<i32>} : memref<32x32xf32, #tpu.memory_space<vmem>>, vector<16xf32>,
      %get3A_3050 = arith.constant 22 : i32
      %get3A_3051 = arith.index_cast %get3A_3050 : i32 to index
      %get3A_3052 = arith.constant 16 : index
      %get3A_3053 = tpu.vector_load %arg6[%get3A_3051, %get3A_3052] {strides = array<i32>} : memref<32x32xf32, #tpu.memory_space<vmem>>, vector<16xf32>,
      %add3A_3054 = arith.constant 16 : i32
      %add3A_3055 = vector.broadcast %add3A_3054 : i32 to vector<16xi32>
      %add3A_3056 = arith.addi %add3A_3055, %iota3A : vector<16xi32>
      %lt3A_3057 = arith.constant 22 : i32
      %lt3A_3058 = vector.broadcast %lt3A_3057 : i32 to vector<16xi32>
      %lt3A_3059 = arith.cmpi slt, %add3A_3056, %lt3A_3058 : vector<16xi32>
      %gt3A_3060 = arith.constant 0.000000e+00 : f32
      %gt3A_3061 = vector.broadcast %gt3A_3060 : f32 to vector<16xf32>
      %gt3A_3062 = arith.cmpf ogt, %get3A_3049, %gt3A_3061 : vector<16xf32>
      %and3A_3063 = arith.andi %lt3A_3059, %gt3A_3062 : vector<16xi1>
      %mul3A_3064 = arith.constant 6.10351563E-5 : f32
      %mul3A_3065 = vector.broadcast %mul3A_3064 : f32 to vector<16xf32>
      %mul3A_3066 = arith.mulf %get3A_3049, %mul3A_3065 : vector<16xf32>
      %max3A_3067 = arith.constant 1.000000e-30 : f32
      %max3A_3068 = vector.broadcast %max3A_3067 : f32 to vector<16xf32>
      %max3A_3069 = arith.maximumf %mul3A_3066, %max3A_3068 : vector<16xf32>
      %bitcast_convert_type3A_3070 = tpu.bitcast %max3A_3069 : vector<16xf32> -> vector<16xi32>
      %shift_right_arithmetic3A_3071 = arith.constant 23 : i32
      %shift_right_arithmetic3A_3072 = vector.broadcast %shift_right_arithmetic3A_3071 : i32 to vector<16xi32>
      %shift_right_arithmetic3A_3073 = arith.shrsi %bitcast_convert_type3A_3070, %shift_right_arithmetic3A_3072 : vector<16xi32>
      %sub3A_3074 = arith.constant 127 : i32
      %sub3A_3075 = vector.broadcast %sub3A_3074 : i32 to vector<16xi32>
      %sub3A_3076 = arith.subi %shift_right_arithmetic3A_3073, %sub3A_3075 : vector<16xi32>
      %and3A_3077 = arith.constant 8388607 : i32
      %and3A_3078 = vector.broadcast %and3A_3077 : i32 to vector<16xi32>
      %and3A_3079 = arith.andi %bitcast_convert_type3A_3070, %and3A_3078 : vector<16xi32>
      %or3A_3080 = arith.constant 1065353216 : i32
      %or3A_3081 = vector.broadcast %or3A_3080 : i32 to vector<16xi32>
      %or3A_3082 = arith.ori %and3A_3079, %or3A_3081 : vector<16xi32>
      %bitcast_convert_type3A_3083 = tpu.bitcast %or3A_3082 : vector<16xi32> -> vector<16xf32>
      %gt3A_3084 = arith.constant 1.41421354 : f32
      %gt3A_3085 = vector.broadcast %gt3A_3084 : f32 to vector<16xf32>
      %gt3A_3086 = arith.cmpf ogt, %bitcast_convert_type3A_3083, %gt3A_3085 : vector<16xf32>
      %mul3A_3087 = arith.constant 5.000000e-01 : f32
      %mul3A_3088 = vector.broadcast %mul3A_3087 : f32 to vector<16xf32>
      %mul3A_3089 = arith.mulf %bitcast_convert_type3A_3083, %mul3A_3088 : vector<16xf32>
      %select_n3A_3090 = arith.select %gt3A_3086, %mul3A_3089, %bitcast_convert_type3A_3083 : vector<16xi1>, vector<16xf32>
      %jit3A_3091 = arith.constant 1 : i32
      %jit3A_3092 = arith.constant 0 : i32
      %broadcast_in_dim3A_3093 = vector.broadcast %jit3A_3091 : i32 to vector<16xi32>
      %broadcast_in_dim3A_3094 = vector.broadcast %jit3A_3092 : i32 to vector<16xi32>
      %select_n3A_3095 = arith.select %gt3A_3086, %broadcast_in_dim3A_3093, %broadcast_in_dim3A_3094 : vector<16xi1>, vector<16xi32>
      %add3A_3096 = arith.addi %sub3A_3076, %select_n3A_3095 : vector<16xi32>
      %sub3A_3097 = arith.constant 1.000000e+00 : f32
      %sub3A_3098 = vector.broadcast %sub3A_3097 : f32 to vector<16xf32>
      %sub3A_3099 = arith.subf %select_n3A_3090, %sub3A_3098 : vector<16xf32>
      %mul3A_3100 = arith.mulf %sub3A_3099, %sub3A_3099 : vector<16xf32>
      %broadcast_in_dim3A_3101 = arith.constant 0.0703768358 : f32
      %broadcast_in_dim3A_3102 = vector.broadcast %broadcast_in_dim3A_3101 : f32 to vector<16xf32>
      %mul3A_3103 = arith.mulf %broadcast_in_dim3A_3102, %sub3A_3099 : vector<16xf32>
      %add3A_3104 = arith.constant -0.115146101 : f32
      %add3A_3105 = vector.broadcast %add3A_3104 : f32 to vector<16xf32>
      %add3A_3106 = arith.addf %mul3A_3103, %add3A_3105 : vector<16xf32>
      %mul3A_3107 = arith.mulf %add3A_3106, %sub3A_3099 : vector<16xf32>
      %add3A_3108 = arith.constant 0.116769984 : f32
      %add3A_3109 = vector.broadcast %add3A_3108 : f32 to vector<16xf32>
      %add3A_3110 = arith.addf %mul3A_3107, %add3A_3109 : vector<16xf32>
      %mul3A_3111 = arith.mulf %add3A_3110, %sub3A_3099 : vector<16xf32>
      %add3A_3112 = arith.constant -0.12420141 : f32
      %add3A_3113 = vector.broadcast %add3A_3112 : f32 to vector<16xf32>
      %add3A_3114 = arith.addf %mul3A_3111, %add3A_3113 : vector<16xf32>
      %mul3A_3115 = arith.mulf %add3A_3114, %sub3A_3099 : vector<16xf32>
      %add3A_3116 = arith.constant 0.142493233 : f32
      %add3A_3117 = vector.broadcast %add3A_3116 : f32 to vector<16xf32>
      %add3A_3118 = arith.addf %mul3A_3115, %add3A_3117 : vector<16xf32>
      %mul3A_3119 = arith.mulf %add3A_3118, %sub3A_3099 : vector<16xf32>
      %add3A_3120 = arith.constant -0.166680574 : f32
      %add3A_3121 = vector.broadcast %add3A_3120 : f32 to vector<16xf32>
      %add3A_3122 = arith.addf %mul3A_3119, %add3A_3121 : vector<16xf32>
      %mul3A_3123 = arith.mulf %add3A_3122, %sub3A_3099 : vector<16xf32>
      %add3A_3124 = arith.constant 0.200007141 : f32
      %add3A_3125 = vector.broadcast %add3A_3124 : f32 to vector<16xf32>
      %add3A_3126 = arith.addf %mul3A_3123, %add3A_3125 : vector<16xf32>
      %mul3A_3127 = arith.mulf %add3A_3126, %sub3A_3099 : vector<16xf32>
      %add3A_3128 = arith.constant -0.24999994 : f32
      %add3A_3129 = vector.broadcast %add3A_3128 : f32 to vector<16xf32>
      %add3A_3130 = arith.addf %mul3A_3127, %add3A_3129 : vector<16xf32>
      %mul3A_3131 = arith.mulf %add3A_3130, %sub3A_3099 : vector<16xf32>
      %add3A_3132 = arith.constant 0.333333313 : f32
      %add3A_3133 = vector.broadcast %add3A_3132 : f32 to vector<16xf32>
      %add3A_3134 = arith.addf %mul3A_3131, %add3A_3133 : vector<16xf32>
      %mul3A_3135 = arith.mulf %add3A_3134, %sub3A_3099 : vector<16xf32>
      %mul3A_3136 = arith.mulf %mul3A_3135, %mul3A_3100 : vector<16xf32>
      %mul3A_3137 = arith.constant 5.000000e-01 : f32
      %mul3A_3138 = vector.broadcast %mul3A_3137 : f32 to vector<16xf32>
      %mul3A_3139 = arith.mulf %mul3A_3138, %mul3A_3100 : vector<16xf32>
      %sub3A_3140 = arith.subf %mul3A_3136, %mul3A_3139 : vector<16xf32>
      %add3A_3141 = arith.addf %sub3A_3099, %sub3A_3140 : vector<16xf32>
      %convert_element_type3A_3142 = arith.sitofp %add3A_3096 : vector<16xi32> to vector<16xf32>
      %mul3A_3143 = arith.constant 0.693147182 : f32
      %mul3A_3144 = vector.broadcast %mul3A_3143 : f32 to vector<16xf32>
      %mul3A_3145 = arith.mulf %convert_element_type3A_3142, %mul3A_3144 : vector<16xf32>
      %add3A_3146 = arith.addf %add3A_3141, %mul3A_3145 : vector<16xf32>
      %sub3A_3147 = arith.subf %add3A_3146, %get3A_3053 : vector<16xf32>
      %mul3A_3148 = arith.mulf %mul3A_3066, %sub3A_3147 : vector<16xf32>
      %jit3A_3149 = arith.constant 0.000000e+00 : f32
      %broadcast_in_dim3A_3150 = vector.broadcast %jit3A_3149 : f32 to vector<16xf32>
      %select_n3A_3151 = arith.select %and3A_3063, %mul3A_3148, %broadcast_in_dim3A_3150 : vector<16xi1>, vector<16xf32>
      %add3A_3152 = arith.addf %add3A_3039, %select_n3A_3151 : vector<16xf32>
      %jit3A_3153 = arith.constant 1.000000e+00 : f32
      %jit3A_3154 = arith.constant 0.000000e+00 : f32
      %broadcast_in_dim3A_3155 = vector.broadcast %jit3A_3153 : f32 to vector<16xf32>
      %broadcast_in_dim3A_3156 = vector.broadcast %jit3A_3154 : f32 to vector<16xf32>
      %select_n3A_3157 = arith.select %and3A_3063, %broadcast_in_dim3A_3155, %broadcast_in_dim3A_3156 : vector<16xi1>, vector<16xf32>
      %add3A_3158 = arith.addf %add3A_3045, %select_n3A_3157 : vector<16xf32>
      %get3A_3159 = arith.constant 23 : i32
      %get3A_3160 = arith.index_cast %get3A_3159 : i32 to index
      %get3A_3161 = arith.constant 0 : index
      %get3A_3162 = tpu.vector_load %arg5[%get3A_3160, %get3A_3161] {strides = array<i32>} : memref<32x32xf32, #tpu.memory_space<vmem>>, vector<16xf32>,
      %get3A_3163 = arith.constant 23 : i32
      %get3A_3164 = arith.index_cast %get3A_3163 : i32 to index
      %get3A_3165 = arith.constant 0 : index
      %get3A_3166 = tpu.vector_load %arg6[%get3A_3164, %get3A_3165] {strides = array<i32>} : memref<32x32xf32, #tpu.memory_space<vmem>>, vector<16xf32>,
      %add3A_3167 = arith.constant 0 : i32
      %add3A_3168 = vector.broadcast %add3A_3167 : i32 to vector<16xi32>
      %add3A_3169 = arith.addi %add3A_3168, %iota3A : vector<16xi32>
      %lt3A_3170 = arith.constant 23 : i32
      %lt3A_3171 = vector.broadcast %lt3A_3170 : i32 to vector<16xi32>
      %lt3A_3172 = arith.cmpi slt, %add3A_3169, %lt3A_3171 : vector<16xi32>
      %gt3A_3173 = arith.constant 0.000000e+00 : f32
      %gt3A_3174 = vector.broadcast %gt3A_3173 : f32 to vector<16xf32>
      %gt3A_3175 = arith.cmpf ogt, %get3A_3162, %gt3A_3174 : vector<16xf32>
      %and3A_3176 = arith.andi %lt3A_3172, %gt3A_3175 : vector<16xi1>
      %mul3A_3177 = arith.constant 6.10351563E-5 : f32
      %mul3A_3178 = vector.broadcast %mul3A_3177 : f32 to vector<16xf32>
      %mul3A_3179 = arith.mulf %get3A_3162, %mul3A_3178 : vector<16xf32>
      %max3A_3180 = arith.constant 1.000000e-30 : f32
      %max3A_3181 = vector.broadcast %max3A_3180 : f32 to vector<16xf32>
      %max3A_3182 = arith.maximumf %mul3A_3179, %max3A_3181 : vector<16xf32>
      %bitcast_convert_type3A_3183 = tpu.bitcast %max3A_3182 : vector<16xf32> -> vector<16xi32>
      %shift_right_arithmetic3A_3184 = arith.constant 23 : i32
      %shift_right_arithmetic3A_3185 = vector.broadcast %shift_right_arithmetic3A_3184 : i32 to vector<16xi32>
      %shift_right_arithmetic3A_3186 = arith.shrsi %bitcast_convert_type3A_3183, %shift_right_arithmetic3A_3185 : vector<16xi32>
      %sub3A_3187 = arith.constant 127 : i32
      %sub3A_3188 = vector.broadcast %sub3A_3187 : i32 to vector<16xi32>
      %sub3A_3189 = arith.subi %shift_right_arithmetic3A_3186, %sub3A_3188 : vector<16xi32>
      %and3A_3190 = arith.constant 8388607 : i32
      %and3A_3191 = vector.broadcast %and3A_3190 : i32 to vector<16xi32>
      %and3A_3192 = arith.andi %bitcast_convert_type3A_3183, %and3A_3191 : vector<16xi32>
      %or3A_3193 = arith.constant 1065353216 : i32
      %or3A_3194 = vector.broadcast %or3A_3193 : i32 to vector<16xi32>
      %or3A_3195 = arith.ori %and3A_3192, %or3A_3194 : vector<16xi32>
      %bitcast_convert_type3A_3196 = tpu.bitcast %or3A_3195 : vector<16xi32> -> vector<16xf32>
      %gt3A_3197 = arith.constant 1.41421354 : f32
      %gt3A_3198 = vector.broadcast %gt3A_3197 : f32 to vector<16xf32>
      %gt3A_3199 = arith.cmpf ogt, %bitcast_convert_type3A_3196, %gt3A_3198 : vector<16xf32>
      %mul3A_3200 = arith.constant 5.000000e-01 : f32
      %mul3A_3201 = vector.broadcast %mul3A_3200 : f32 to vector<16xf32>
      %mul3A_3202 = arith.mulf %bitcast_convert_type3A_3196, %mul3A_3201 : vector<16xf32>
      %select_n3A_3203 = arith.select %gt3A_3199, %mul3A_3202, %bitcast_convert_type3A_3196 : vector<16xi1>, vector<16xf32>
      %jit3A_3204 = arith.constant 1 : i32
      %jit3A_3205 = arith.constant 0 : i32
      %broadcast_in_dim3A_3206 = vector.broadcast %jit3A_3204 : i32 to vector<16xi32>
      %broadcast_in_dim3A_3207 = vector.broadcast %jit3A_3205 : i32 to vector<16xi32>
      %select_n3A_3208 = arith.select %gt3A_3199, %broadcast_in_dim3A_3206, %broadcast_in_dim3A_3207 : vector<16xi1>, vector<16xi32>
      %add3A_3209 = arith.addi %sub3A_3189, %select_n3A_3208 : vector<16xi32>
      %sub3A_3210 = arith.constant 1.000000e+00 : f32
      %sub3A_3211 = vector.broadcast %sub3A_3210 : f32 to vector<16xf32>
      %sub3A_3212 = arith.subf %select_n3A_3203, %sub3A_3211 : vector<16xf32>
      %mul3A_3213 = arith.mulf %sub3A_3212, %sub3A_3212 : vector<16xf32>
      %broadcast_in_dim3A_3214 = arith.constant 0.0703768358 : f32
      %broadcast_in_dim3A_3215 = vector.broadcast %broadcast_in_dim3A_3214 : f32 to vector<16xf32>
      %mul3A_3216 = arith.mulf %broadcast_in_dim3A_3215, %sub3A_3212 : vector<16xf32>
      %add3A_3217 = arith.constant -0.115146101 : f32
      %add3A_3218 = vector.broadcast %add3A_3217 : f32 to vector<16xf32>
      %add3A_3219 = arith.addf %mul3A_3216, %add3A_3218 : vector<16xf32>
      %mul3A_3220 = arith.mulf %add3A_3219, %sub3A_3212 : vector<16xf32>
      %add3A_3221 = arith.constant 0.116769984 : f32
      %add3A_3222 = vector.broadcast %add3A_3221 : f32 to vector<16xf32>
      %add3A_3223 = arith.addf %mul3A_3220, %add3A_3222 : vector<16xf32>
      %mul3A_3224 = arith.mulf %add3A_3223, %sub3A_3212 : vector<16xf32>
      %add3A_3225 = arith.constant -0.12420141 : f32
      %add3A_3226 = vector.broadcast %add3A_3225 : f32 to vector<16xf32>
      %add3A_3227 = arith.addf %mul3A_3224, %add3A_3226 : vector<16xf32>
      %mul3A_3228 = arith.mulf %add3A_3227, %sub3A_3212 : vector<16xf32>
      %add3A_3229 = arith.constant 0.142493233 : f32
      %add3A_3230 = vector.broadcast %add3A_3229 : f32 to vector<16xf32>
      %add3A_3231 = arith.addf %mul3A_3228, %add3A_3230 : vector<16xf32>
      %mul3A_3232 = arith.mulf %add3A_3231, %sub3A_3212 : vector<16xf32>
      %add3A_3233 = arith.constant -0.166680574 : f32
      %add3A_3234 = vector.broadcast %add3A_3233 : f32 to vector<16xf32>
      %add3A_3235 = arith.addf %mul3A_3232, %add3A_3234 : vector<16xf32>
      %mul3A_3236 = arith.mulf %add3A_3235, %sub3A_3212 : vector<16xf32>
      %add3A_3237 = arith.constant 0.200007141 : f32
      %add3A_3238 = vector.broadcast %add3A_3237 : f32 to vector<16xf32>
      %add3A_3239 = arith.addf %mul3A_3236, %add3A_3238 : vector<16xf32>
      %mul3A_3240 = arith.mulf %add3A_3239, %sub3A_3212 : vector<16xf32>
      %add3A_3241 = arith.constant -0.24999994 : f32
      %add3A_3242 = vector.broadcast %add3A_3241 : f32 to vector<16xf32>
      %add3A_3243 = arith.addf %mul3A_3240, %add3A_3242 : vector<16xf32>
      %mul3A_3244 = arith.mulf %add3A_3243, %sub3A_3212 : vector<16xf32>
      %add3A_3245 = arith.constant 0.333333313 : f32
      %add3A_3246 = vector.broadcast %add3A_3245 : f32 to vector<16xf32>
      %add3A_3247 = arith.addf %mul3A_3244, %add3A_3246 : vector<16xf32>
      %mul3A_3248 = arith.mulf %add3A_3247, %sub3A_3212 : vector<16xf32>
      %mul3A_3249 = arith.mulf %mul3A_3248, %mul3A_3213 : vector<16xf32>
      %mul3A_3250 = arith.constant 5.000000e-01 : f32
      %mul3A_3251 = vector.broadcast %mul3A_3250 : f32 to vector<16xf32>
      %mul3A_3252 = arith.mulf %mul3A_3251, %mul3A_3213 : vector<16xf32>
      %sub3A_3253 = arith.subf %mul3A_3249, %mul3A_3252 : vector<16xf32>
      %add3A_3254 = arith.addf %sub3A_3212, %sub3A_3253 : vector<16xf32>
      %convert_element_type3A_3255 = arith.sitofp %add3A_3209 : vector<16xi32> to vector<16xf32>
      %mul3A_3256 = arith.constant 0.693147182 : f32
      %mul3A_3257 = vector.broadcast %mul3A_3256 : f32 to vector<16xf32>
      %mul3A_3258 = arith.mulf %convert_element_type3A_3255, %mul3A_3257 : vector<16xf32>
      %add3A_3259 = arith.addf %add3A_3254, %mul3A_3258 : vector<16xf32>
      %sub3A_3260 = arith.subf %add3A_3259, %get3A_3166 : vector<16xf32>
      %mul3A_3261 = arith.mulf %mul3A_3179, %sub3A_3260 : vector<16xf32>
      %jit3A_3262 = arith.constant 0.000000e+00 : f32
      %broadcast_in_dim3A_3263 = vector.broadcast %jit3A_3262 : f32 to vector<16xf32>
      %select_n3A_3264 = arith.select %and3A_3176, %mul3A_3261, %broadcast_in_dim3A_3263 : vector<16xi1>, vector<16xf32>
      %add3A_3265 = arith.addf %add3A_3152, %select_n3A_3264 : vector<16xf32>
      %jit3A_3266 = arith.constant 1.000000e+00 : f32
      %jit3A_3267 = arith.constant 0.000000e+00 : f32
      %broadcast_in_dim3A_3268 = vector.broadcast %jit3A_3266 : f32 to vector<16xf32>
      %broadcast_in_dim3A_3269 = vector.broadcast %jit3A_3267 : f32 to vector<16xf32>
      %select_n3A_3270 = arith.select %and3A_3176, %broadcast_in_dim3A_3268, %broadcast_in_dim3A_3269 : vector<16xi1>, vector<16xf32>
      %add3A_3271 = arith.addf %add3A_3158, %select_n3A_3270 : vector<16xf32>
      %get3A_3272 = arith.constant 23 : i32
      %get3A_3273 = arith.index_cast %get3A_3272 : i32 to index
      %get3A_3274 = arith.constant 16 : index
      %get3A_3275 = tpu.vector_load %arg5[%get3A_3273, %get3A_3274] {strides = array<i32>} : memref<32x32xf32, #tpu.memory_space<vmem>>, vector<16xf32>,
      %get3A_3276 = arith.constant 23 : i32
      %get3A_3277 = arith.index_cast %get3A_3276 : i32 to index
      %get3A_3278 = arith.constant 16 : index
      %get3A_3279 = tpu.vector_load %arg6[%get3A_3277, %get3A_3278] {strides = array<i32>} : memref<32x32xf32, #tpu.memory_space<vmem>>, vector<16xf32>,
      %add3A_3280 = arith.constant 16 : i32
      %add3A_3281 = vector.broadcast %add3A_3280 : i32 to vector<16xi32>
      %add3A_3282 = arith.addi %add3A_3281, %iota3A : vector<16xi32>
      %lt3A_3283 = arith.constant 23 : i32
      %lt3A_3284 = vector.broadcast %lt3A_3283 : i32 to vector<16xi32>
      %lt3A_3285 = arith.cmpi slt, %add3A_3282, %lt3A_3284 : vector<16xi32>
      %gt3A_3286 = arith.constant 0.000000e+00 : f32
      %gt3A_3287 = vector.broadcast %gt3A_3286 : f32 to vector<16xf32>
      %gt3A_3288 = arith.cmpf ogt, %get3A_3275, %gt3A_3287 : vector<16xf32>
      %and3A_3289 = arith.andi %lt3A_3285, %gt3A_3288 : vector<16xi1>
      %mul3A_3290 = arith.constant 6.10351563E-5 : f32
      %mul3A_3291 = vector.broadcast %mul3A_3290 : f32 to vector<16xf32>
      %mul3A_3292 = arith.mulf %get3A_3275, %mul3A_3291 : vector<16xf32>
      %max3A_3293 = arith.constant 1.000000e-30 : f32
      %max3A_3294 = vector.broadcast %max3A_3293 : f32 to vector<16xf32>
      %max3A_3295 = arith.maximumf %mul3A_3292, %max3A_3294 : vector<16xf32>
      %bitcast_convert_type3A_3296 = tpu.bitcast %max3A_3295 : vector<16xf32> -> vector<16xi32>
      %shift_right_arithmetic3A_3297 = arith.constant 23 : i32
      %shift_right_arithmetic3A_3298 = vector.broadcast %shift_right_arithmetic3A_3297 : i32 to vector<16xi32>
      %shift_right_arithmetic3A_3299 = arith.shrsi %bitcast_convert_type3A_3296, %shift_right_arithmetic3A_3298 : vector<16xi32>
      %sub3A_3300 = arith.constant 127 : i32
      %sub3A_3301 = vector.broadcast %sub3A_3300 : i32 to vector<16xi32>
      %sub3A_3302 = arith.subi %shift_right_arithmetic3A_3299, %sub3A_3301 : vector<16xi32>
      %and3A_3303 = arith.constant 8388607 : i32
      %and3A_3304 = vector.broadcast %and3A_3303 : i32 to vector<16xi32>
      %and3A_3305 = arith.andi %bitcast_convert_type3A_3296, %and3A_3304 : vector<16xi32>
      %or3A_3306 = arith.constant 1065353216 : i32
      %or3A_3307 = vector.broadcast %or3A_3306 : i32 to vector<16xi32>
      %or3A_3308 = arith.ori %and3A_3305, %or3A_3307 : vector<16xi32>
      %bitcast_convert_type3A_3309 = tpu.bitcast %or3A_3308 : vector<16xi32> -> vector<16xf32>
      %gt3A_3310 = arith.constant 1.41421354 : f32
      %gt3A_3311 = vector.broadcast %gt3A_3310 : f32 to vector<16xf32>
      %gt3A_3312 = arith.cmpf ogt, %bitcast_convert_type3A_3309, %gt3A_3311 : vector<16xf32>
      %mul3A_3313 = arith.constant 5.000000e-01 : f32
      %mul3A_3314 = vector.broadcast %mul3A_3313 : f32 to vector<16xf32>
      %mul3A_3315 = arith.mulf %bitcast_convert_type3A_3309, %mul3A_3314 : vector<16xf32>
      %select_n3A_3316 = arith.select %gt3A_3312, %mul3A_3315, %bitcast_convert_type3A_3309 : vector<16xi1>, vector<16xf32>
      %jit3A_3317 = arith.constant 1 : i32
      %jit3A_3318 = arith.constant 0 : i32
      %broadcast_in_dim3A_3319 = vector.broadcast %jit3A_3317 : i32 to vector<16xi32>
      %broadcast_in_dim3A_3320 = vector.broadcast %jit3A_3318 : i32 to vector<16xi32>
      %select_n3A_3321 = arith.select %gt3A_3312, %broadcast_in_dim3A_3319, %broadcast_in_dim3A_3320 : vector<16xi1>, vector<16xi32>
      %add3A_3322 = arith.addi %sub3A_3302, %select_n3A_3321 : vector<16xi32>
      %sub3A_3323 = arith.constant 1.000000e+00 : f32
      %sub3A_3324 = vector.broadcast %sub3A_3323 : f32 to vector<16xf32>
      %sub3A_3325 = arith.subf %select_n3A_3316, %sub3A_3324 : vector<16xf32>
      %mul3A_3326 = arith.mulf %sub3A_3325, %sub3A_3325 : vector<16xf32>
      %broadcast_in_dim3A_3327 = arith.constant 0.0703768358 : f32
      %broadcast_in_dim3A_3328 = vector.broadcast %broadcast_in_dim3A_3327 : f32 to vector<16xf32>
      %mul3A_3329 = arith.mulf %broadcast_in_dim3A_3328, %sub3A_3325 : vector<16xf32>
      %add3A_3330 = arith.constant -0.115146101 : f32
      %add3A_3331 = vector.broadcast %add3A_3330 : f32 to vector<16xf32>
      %add3A_3332 = arith.addf %mul3A_3329, %add3A_3331 : vector<16xf32>
      %mul3A_3333 = arith.mulf %add3A_3332, %sub3A_3325 : vector<16xf32>
      %add3A_3334 = arith.constant 0.116769984 : f32
      %add3A_3335 = vector.broadcast %add3A_3334 : f32 to vector<16xf32>
      %add3A_3336 = arith.addf %mul3A_3333, %add3A_3335 : vector<16xf32>
      %mul3A_3337 = arith.mulf %add3A_3336, %sub3A_3325 : vector<16xf32>
      %add3A_3338 = arith.constant -0.12420141 : f32
      %add3A_3339 = vector.broadcast %add3A_3338 : f32 to vector<16xf32>
      %add3A_3340 = arith.addf %mul3A_3337, %add3A_3339 : vector<16xf32>
      %mul3A_3341 = arith.mulf %add3A_3340, %sub3A_3325 : vector<16xf32>
      %add3A_3342 = arith.constant 0.142493233 : f32
      %add3A_3343 = vector.broadcast %add3A_3342 : f32 to vector<16xf32>
      %add3A_3344 = arith.addf %mul3A_3341, %add3A_3343 : vector<16xf32>
      %mul3A_3345 = arith.mulf %add3A_3344, %sub3A_3325 : vector<16xf32>
      %add3A_3346 = arith.constant -0.166680574 : f32
      %add3A_3347 = vector.broadcast %add3A_3346 : f32 to vector<16xf32>
      %add3A_3348 = arith.addf %mul3A_3345, %add3A_3347 : vector<16xf32>
      %mul3A_3349 = arith.mulf %add3A_3348, %sub3A_3325 : vector<16xf32>
      %add3A_3350 = arith.constant 0.200007141 : f32
      %add3A_3351 = vector.broadcast %add3A_3350 : f32 to vector<16xf32>
      %add3A_3352 = arith.addf %mul3A_3349, %add3A_3351 : vector<16xf32>
      %mul3A_3353 = arith.mulf %add3A_3352, %sub3A_3325 : vector<16xf32>
      %add3A_3354 = arith.constant -0.24999994 : f32
      %add3A_3355 = vector.broadcast %add3A_3354 : f32 to vector<16xf32>
      %add3A_3356 = arith.addf %mul3A_3353, %add3A_3355 : vector<16xf32>
      %mul3A_3357 = arith.mulf %add3A_3356, %sub3A_3325 : vector<16xf32>
      %add3A_3358 = arith.constant 0.333333313 : f32
      %add3A_3359 = vector.broadcast %add3A_3358 : f32 to vector<16xf32>
      %add3A_3360 = arith.addf %mul3A_3357, %add3A_3359 : vector<16xf32>
      %mul3A_3361 = arith.mulf %add3A_3360, %sub3A_3325 : vector<16xf32>
      %mul3A_3362 = arith.mulf %mul3A_3361, %mul3A_3326 : vector<16xf32>
      %mul3A_3363 = arith.constant 5.000000e-01 : f32
      %mul3A_3364 = vector.broadcast %mul3A_3363 : f32 to vector<16xf32>
      %mul3A_3365 = arith.mulf %mul3A_3364, %mul3A_3326 : vector<16xf32>
      %sub3A_3366 = arith.subf %mul3A_3362, %mul3A_3365 : vector<16xf32>
      %add3A_3367 = arith.addf %sub3A_3325, %sub3A_3366 : vector<16xf32>
      %convert_element_type3A_3368 = arith.sitofp %add3A_3322 : vector<16xi32> to vector<16xf32>
      %mul3A_3369 = arith.constant 0.693147182 : f32
      %mul3A_3370 = vector.broadcast %mul3A_3369 : f32 to vector<16xf32>
      %mul3A_3371 = arith.mulf %convert_element_type3A_3368, %mul3A_3370 : vector<16xf32>
      %add3A_3372 = arith.addf %add3A_3367, %mul3A_3371 : vector<16xf32>
      %sub3A_3373 = arith.subf %add3A_3372, %get3A_3279 : vector<16xf32>
      %mul3A_3374 = arith.mulf %mul3A_3292, %sub3A_3373 : vector<16xf32>
      %jit3A_3375 = arith.constant 0.000000e+00 : f32
      %broadcast_in_dim3A_3376 = vector.broadcast %jit3A_3375 : f32 to vector<16xf32>
      %select_n3A_3377 = arith.select %and3A_3289, %mul3A_3374, %broadcast_in_dim3A_3376 : vector<16xi1>, vector<16xf32>
      %add3A_3378 = arith.addf %add3A_3265, %select_n3A_3377 : vector<16xf32>
      %jit3A_3379 = arith.constant 1.000000e+00 : f32
      %jit3A_3380 = arith.constant 0.000000e+00 : f32
      %broadcast_in_dim3A_3381 = vector.broadcast %jit3A_3379 : f32 to vector<16xf32>
      %broadcast_in_dim3A_3382 = vector.broadcast %jit3A_3380 : f32 to vector<16xf32>
      %select_n3A_3383 = arith.select %and3A_3289, %broadcast_in_dim3A_3381, %broadcast_in_dim3A_3382 : vector<16xi1>, vector<16xf32>
      %add3A_3384 = arith.addf %add3A_3271, %select_n3A_3383 : vector<16xf32>
      %get3A_3385 = arith.constant 24 : i32
      %get3A_3386 = arith.index_cast %get3A_3385 : i32 to index
      %get3A_3387 = arith.constant 0 : index
      %get3A_3388 = tpu.vector_load %arg5[%get3A_3386, %get3A_3387] {strides = array<i32>} : memref<32x32xf32, #tpu.memory_space<vmem>>, vector<16xf32>,
      %get3A_3389 = arith.constant 24 : i32
      %get3A_3390 = arith.index_cast %get3A_3389 : i32 to index
      %get3A_3391 = arith.constant 0 : index
      %get3A_3392 = tpu.vector_load %arg6[%get3A_3390, %get3A_3391] {strides = array<i32>} : memref<32x32xf32, #tpu.memory_space<vmem>>, vector<16xf32>,
      %add3A_3393 = arith.constant 0 : i32
      %add3A_3394 = vector.broadcast %add3A_3393 : i32 to vector<16xi32>
      %add3A_3395 = arith.addi %add3A_3394, %iota3A : vector<16xi32>
      %lt3A_3396 = arith.constant 24 : i32
      %lt3A_3397 = vector.broadcast %lt3A_3396 : i32 to vector<16xi32>
      %lt3A_3398 = arith.cmpi slt, %add3A_3395, %lt3A_3397 : vector<16xi32>
      %gt3A_3399 = arith.constant 0.000000e+00 : f32
      %gt3A_3400 = vector.broadcast %gt3A_3399 : f32 to vector<16xf32>
      %gt3A_3401 = arith.cmpf ogt, %get3A_3388, %gt3A_3400 : vector<16xf32>
      %and3A_3402 = arith.andi %lt3A_3398, %gt3A_3401 : vector<16xi1>
      %mul3A_3403 = arith.constant 6.10351563E-5 : f32
      %mul3A_3404 = vector.broadcast %mul3A_3403 : f32 to vector<16xf32>
      %mul3A_3405 = arith.mulf %get3A_3388, %mul3A_3404 : vector<16xf32>
      %max3A_3406 = arith.constant 1.000000e-30 : f32
      %max3A_3407 = vector.broadcast %max3A_3406 : f32 to vector<16xf32>
      %max3A_3408 = arith.maximumf %mul3A_3405, %max3A_3407 : vector<16xf32>
      %bitcast_convert_type3A_3409 = tpu.bitcast %max3A_3408 : vector<16xf32> -> vector<16xi32>
      %shift_right_arithmetic3A_3410 = arith.constant 23 : i32
      %shift_right_arithmetic3A_3411 = vector.broadcast %shift_right_arithmetic3A_3410 : i32 to vector<16xi32>
      %shift_right_arithmetic3A_3412 = arith.shrsi %bitcast_convert_type3A_3409, %shift_right_arithmetic3A_3411 : vector<16xi32>
      %sub3A_3413 = arith.constant 127 : i32
      %sub3A_3414 = vector.broadcast %sub3A_3413 : i32 to vector<16xi32>
      %sub3A_3415 = arith.subi %shift_right_arithmetic3A_3412, %sub3A_3414 : vector<16xi32>
      %and3A_3416 = arith.constant 8388607 : i32
      %and3A_3417 = vector.broadcast %and3A_3416 : i32 to vector<16xi32>
      %and3A_3418 = arith.andi %bitcast_convert_type3A_3409, %and3A_3417 : vector<16xi32>
      %or3A_3419 = arith.constant 1065353216 : i32
      %or3A_3420 = vector.broadcast %or3A_3419 : i32 to vector<16xi32>
      %or3A_3421 = arith.ori %and3A_3418, %or3A_3420 : vector<16xi32>
      %bitcast_convert_type3A_3422 = tpu.bitcast %or3A_3421 : vector<16xi32> -> vector<16xf32>
      %gt3A_3423 = arith.constant 1.41421354 : f32
      %gt3A_3424 = vector.broadcast %gt3A_3423 : f32 to vector<16xf32>
      %gt3A_3425 = arith.cmpf ogt, %bitcast_convert_type3A_3422, %gt3A_3424 : vector<16xf32>
      %mul3A_3426 = arith.constant 5.000000e-01 : f32
      %mul3A_3427 = vector.broadcast %mul3A_3426 : f32 to vector<16xf32>
      %mul3A_3428 = arith.mulf %bitcast_convert_type3A_3422, %mul3A_3427 : vector<16xf32>
      %select_n3A_3429 = arith.select %gt3A_3425, %mul3A_3428, %bitcast_convert_type3A_3422 : vector<16xi1>, vector<16xf32>
      %jit3A_3430 = arith.constant 1 : i32
      %jit3A_3431 = arith.constant 0 : i32
      %broadcast_in_dim3A_3432 = vector.broadcast %jit3A_3430 : i32 to vector<16xi32>
      %broadcast_in_dim3A_3433 = vector.broadcast %jit3A_3431 : i32 to vector<16xi32>
      %select_n3A_3434 = arith.select %gt3A_3425, %broadcast_in_dim3A_3432, %broadcast_in_dim3A_3433 : vector<16xi1>, vector<16xi32>
      %add3A_3435 = arith.addi %sub3A_3415, %select_n3A_3434 : vector<16xi32>
      %sub3A_3436 = arith.constant 1.000000e+00 : f32
      %sub3A_3437 = vector.broadcast %sub3A_3436 : f32 to vector<16xf32>
      %sub3A_3438 = arith.subf %select_n3A_3429, %sub3A_3437 : vector<16xf32>
      %mul3A_3439 = arith.mulf %sub3A_3438, %sub3A_3438 : vector<16xf32>
      %broadcast_in_dim3A_3440 = arith.constant 0.0703768358 : f32
      %broadcast_in_dim3A_3441 = vector.broadcast %broadcast_in_dim3A_3440 : f32 to vector<16xf32>
      %mul3A_3442 = arith.mulf %broadcast_in_dim3A_3441, %sub3A_3438 : vector<16xf32>
      %add3A_3443 = arith.constant -0.115146101 : f32
      %add3A_3444 = vector.broadcast %add3A_3443 : f32 to vector<16xf32>
      %add3A_3445 = arith.addf %mul3A_3442, %add3A_3444 : vector<16xf32>
      %mul3A_3446 = arith.mulf %add3A_3445, %sub3A_3438 : vector<16xf32>
      %add3A_3447 = arith.constant 0.116769984 : f32
      %add3A_3448 = vector.broadcast %add3A_3447 : f32 to vector<16xf32>
      %add3A_3449 = arith.addf %mul3A_3446, %add3A_3448 : vector<16xf32>
      %mul3A_3450 = arith.mulf %add3A_3449, %sub3A_3438 : vector<16xf32>
      %add3A_3451 = arith.constant -0.12420141 : f32
      %add3A_3452 = vector.broadcast %add3A_3451 : f32 to vector<16xf32>
      %add3A_3453 = arith.addf %mul3A_3450, %add3A_3452 : vector<16xf32>
      %mul3A_3454 = arith.mulf %add3A_3453, %sub3A_3438 : vector<16xf32>
      %add3A_3455 = arith.constant 0.142493233 : f32
      %add3A_3456 = vector.broadcast %add3A_3455 : f32 to vector<16xf32>
      %add3A_3457 = arith.addf %mul3A_3454, %add3A_3456 : vector<16xf32>
      %mul3A_3458 = arith.mulf %add3A_3457, %sub3A_3438 : vector<16xf32>
      %add3A_3459 = arith.constant -0.166680574 : f32
      %add3A_3460 = vector.broadcast %add3A_3459 : f32 to vector<16xf32>
      %add3A_3461 = arith.addf %mul3A_3458, %add3A_3460 : vector<16xf32>
      %mul3A_3462 = arith.mulf %add3A_3461, %sub3A_3438 : vector<16xf32>
      %add3A_3463 = arith.constant 0.200007141 : f32
      %add3A_3464 = vector.broadcast %add3A_3463 : f32 to vector<16xf32>
      %add3A_3465 = arith.addf %mul3A_3462, %add3A_3464 : vector<16xf32>
      %mul3A_3466 = arith.mulf %add3A_3465, %sub3A_3438 : vector<16xf32>
      %add3A_3467 = arith.constant -0.24999994 : f32
      %add3A_3468 = vector.broadcast %add3A_3467 : f32 to vector<16xf32>
      %add3A_3469 = arith.addf %mul3A_3466, %add3A_3468 : vector<16xf32>
      %mul3A_3470 = arith.mulf %add3A_3469, %sub3A_3438 : vector<16xf32>
      %add3A_3471 = arith.constant 0.333333313 : f32
      %add3A_3472 = vector.broadcast %add3A_3471 : f32 to vector<16xf32>
      %add3A_3473 = arith.addf %mul3A_3470, %add3A_3472 : vector<16xf32>
      %mul3A_3474 = arith.mulf %add3A_3473, %sub3A_3438 : vector<16xf32>
      %mul3A_3475 = arith.mulf %mul3A_3474, %mul3A_3439 : vector<16xf32>
      %mul3A_3476 = arith.constant 5.000000e-01 : f32
      %mul3A_3477 = vector.broadcast %mul3A_3476 : f32 to vector<16xf32>
      %mul3A_3478 = arith.mulf %mul3A_3477, %mul3A_3439 : vector<16xf32>
      %sub3A_3479 = arith.subf %mul3A_3475, %mul3A_3478 : vector<16xf32>
      %add3A_3480 = arith.addf %sub3A_3438, %sub3A_3479 : vector<16xf32>
      %convert_element_type3A_3481 = arith.sitofp %add3A_3435 : vector<16xi32> to vector<16xf32>
      %mul3A_3482 = arith.constant 0.693147182 : f32
      %mul3A_3483 = vector.broadcast %mul3A_3482 : f32 to vector<16xf32>
      %mul3A_3484 = arith.mulf %convert_element_type3A_3481, %mul3A_3483 : vector<16xf32>
      %add3A_3485 = arith.addf %add3A_3480, %mul3A_3484 : vector<16xf32>
      %sub3A_3486 = arith.subf %add3A_3485, %get3A_3392 : vector<16xf32>
      %mul3A_3487 = arith.mulf %mul3A_3405, %sub3A_3486 : vector<16xf32>
      %jit3A_3488 = arith.constant 0.000000e+00 : f32
      %broadcast_in_dim3A_3489 = vector.broadcast %jit3A_3488 : f32 to vector<16xf32>
      %select_n3A_3490 = arith.select %and3A_3402, %mul3A_3487, %broadcast_in_dim3A_3489 : vector<16xi1>, vector<16xf32>
      %add3A_3491 = arith.addf %add3A_3378, %select_n3A_3490 : vector<16xf32>
      %jit3A_3492 = arith.constant 1.000000e+00 : f32
      %jit3A_3493 = arith.constant 0.000000e+00 : f32
      %broadcast_in_dim3A_3494 = vector.broadcast %jit3A_3492 : f32 to vector<16xf32>
      %broadcast_in_dim3A_3495 = vector.broadcast %jit3A_3493 : f32 to vector<16xf32>
      %select_n3A_3496 = arith.select %and3A_3402, %broadcast_in_dim3A_3494, %broadcast_in_dim3A_3495 : vector<16xi1>, vector<16xf32>
      %add3A_3497 = arith.addf %add3A_3384, %select_n3A_3496 : vector<16xf32>
      %get3A_3498 = arith.constant 24 : i32
      %get3A_3499 = arith.index_cast %get3A_3498 : i32 to index
      %get3A_3500 = arith.constant 16 : index
      %get3A_3501 = tpu.vector_load %arg5[%get3A_3499, %get3A_3500] {strides = array<i32>} : memref<32x32xf32, #tpu.memory_space<vmem>>, vector<16xf32>,
      %get3A_3502 = arith.constant 24 : i32
      %get3A_3503 = arith.index_cast %get3A_3502 : i32 to index
      %get3A_3504 = arith.constant 16 : index
      %get3A_3505 = tpu.vector_load %arg6[%get3A_3503, %get3A_3504] {strides = array<i32>} : memref<32x32xf32, #tpu.memory_space<vmem>>, vector<16xf32>,
      %add3A_3506 = arith.constant 16 : i32
      %add3A_3507 = vector.broadcast %add3A_3506 : i32 to vector<16xi32>
      %add3A_3508 = arith.addi %add3A_3507, %iota3A : vector<16xi32>
      %lt3A_3509 = arith.constant 24 : i32
      %lt3A_3510 = vector.broadcast %lt3A_3509 : i32 to vector<16xi32>
      %lt3A_3511 = arith.cmpi slt, %add3A_3508, %lt3A_3510 : vector<16xi32>
      %gt3A_3512 = arith.constant 0.000000e+00 : f32
      %gt3A_3513 = vector.broadcast %gt3A_3512 : f32 to vector<16xf32>
      %gt3A_3514 = arith.cmpf ogt, %get3A_3501, %gt3A_3513 : vector<16xf32>
      %and3A_3515 = arith.andi %lt3A_3511, %gt3A_3514 : vector<16xi1>
      %mul3A_3516 = arith.constant 6.10351563E-5 : f32
      %mul3A_3517 = vector.broadcast %mul3A_3516 : f32 to vector<16xf32>
      %mul3A_3518 = arith.mulf %get3A_3501, %mul3A_3517 : vector<16xf32>
      %max3A_3519 = arith.constant 1.000000e-30 : f32
      %max3A_3520 = vector.broadcast %max3A_3519 : f32 to vector<16xf32>
      %max3A_3521 = arith.maximumf %mul3A_3518, %max3A_3520 : vector<16xf32>
      %bitcast_convert_type3A_3522 = tpu.bitcast %max3A_3521 : vector<16xf32> -> vector<16xi32>
      %shift_right_arithmetic3A_3523 = arith.constant 23 : i32
      %shift_right_arithmetic3A_3524 = vector.broadcast %shift_right_arithmetic3A_3523 : i32 to vector<16xi32>
      %shift_right_arithmetic3A_3525 = arith.shrsi %bitcast_convert_type3A_3522, %shift_right_arithmetic3A_3524 : vector<16xi32>
      %sub3A_3526 = arith.constant 127 : i32
      %sub3A_3527 = vector.broadcast %sub3A_3526 : i32 to vector<16xi32>
      %sub3A_3528 = arith.subi %shift_right_arithmetic3A_3525, %sub3A_3527 : vector<16xi32>
      %and3A_3529 = arith.constant 8388607 : i32
      %and3A_3530 = vector.broadcast %and3A_3529 : i32 to vector<16xi32>
      %and3A_3531 = arith.andi %bitcast_convert_type3A_3522, %and3A_3530 : vector<16xi32>
      %or3A_3532 = arith.constant 1065353216 : i32
      %or3A_3533 = vector.broadcast %or3A_3532 : i32 to vector<16xi32>
      %or3A_3534 = arith.ori %and3A_3531, %or3A_3533 : vector<16xi32>
      %bitcast_convert_type3A_3535 = tpu.bitcast %or3A_3534 : vector<16xi32> -> vector<16xf32>
      %gt3A_3536 = arith.constant 1.41421354 : f32
      %gt3A_3537 = vector.broadcast %gt3A_3536 : f32 to vector<16xf32>
      %gt3A_3538 = arith.cmpf ogt, %bitcast_convert_type3A_3535, %gt3A_3537 : vector<16xf32>
      %mul3A_3539 = arith.constant 5.000000e-01 : f32
      %mul3A_3540 = vector.broadcast %mul3A_3539 : f32 to vector<16xf32>
      %mul3A_3541 = arith.mulf %bitcast_convert_type3A_3535, %mul3A_3540 : vector<16xf32>
      %select_n3A_3542 = arith.select %gt3A_3538, %mul3A_3541, %bitcast_convert_type3A_3535 : vector<16xi1>, vector<16xf32>
      %jit3A_3543 = arith.constant 1 : i32
      %jit3A_3544 = arith.constant 0 : i32
      %broadcast_in_dim3A_3545 = vector.broadcast %jit3A_3543 : i32 to vector<16xi32>
      %broadcast_in_dim3A_3546 = vector.broadcast %jit3A_3544 : i32 to vector<16xi32>
      %select_n3A_3547 = arith.select %gt3A_3538, %broadcast_in_dim3A_3545, %broadcast_in_dim3A_3546 : vector<16xi1>, vector<16xi32>
      %add3A_3548 = arith.addi %sub3A_3528, %select_n3A_3547 : vector<16xi32>
      %sub3A_3549 = arith.constant 1.000000e+00 : f32
      %sub3A_3550 = vector.broadcast %sub3A_3549 : f32 to vector<16xf32>
      %sub3A_3551 = arith.subf %select_n3A_3542, %sub3A_3550 : vector<16xf32>
      %mul3A_3552 = arith.mulf %sub3A_3551, %sub3A_3551 : vector<16xf32>
      %broadcast_in_dim3A_3553 = arith.constant 0.0703768358 : f32
      %broadcast_in_dim3A_3554 = vector.broadcast %broadcast_in_dim3A_3553 : f32 to vector<16xf32>
      %mul3A_3555 = arith.mulf %broadcast_in_dim3A_3554, %sub3A_3551 : vector<16xf32>
      %add3A_3556 = arith.constant -0.115146101 : f32
      %add3A_3557 = vector.broadcast %add3A_3556 : f32 to vector<16xf32>
      %add3A_3558 = arith.addf %mul3A_3555, %add3A_3557 : vector<16xf32>
      %mul3A_3559 = arith.mulf %add3A_3558, %sub3A_3551 : vector<16xf32>
      %add3A_3560 = arith.constant 0.116769984 : f32
      %add3A_3561 = vector.broadcast %add3A_3560 : f32 to vector<16xf32>
      %add3A_3562 = arith.addf %mul3A_3559, %add3A_3561 : vector<16xf32>
      %mul3A_3563 = arith.mulf %add3A_3562, %sub3A_3551 : vector<16xf32>
      %add3A_3564 = arith.constant -0.12420141 : f32
      %add3A_3565 = vector.broadcast %add3A_3564 : f32 to vector<16xf32>
      %add3A_3566 = arith.addf %mul3A_3563, %add3A_3565 : vector<16xf32>
      %mul3A_3567 = arith.mulf %add3A_3566, %sub3A_3551 : vector<16xf32>
      %add3A_3568 = arith.constant 0.142493233 : f32
      %add3A_3569 = vector.broadcast %add3A_3568 : f32 to vector<16xf32>
      %add3A_3570 = arith.addf %mul3A_3567, %add3A_3569 : vector<16xf32>
      %mul3A_3571 = arith.mulf %add3A_3570, %sub3A_3551 : vector<16xf32>
      %add3A_3572 = arith.constant -0.166680574 : f32
      %add3A_3573 = vector.broadcast %add3A_3572 : f32 to vector<16xf32>
      %add3A_3574 = arith.addf %mul3A_3571, %add3A_3573 : vector<16xf32>
      %mul3A_3575 = arith.mulf %add3A_3574, %sub3A_3551 : vector<16xf32>
      %add3A_3576 = arith.constant 0.200007141 : f32
      %add3A_3577 = vector.broadcast %add3A_3576 : f32 to vector<16xf32>
      %add3A_3578 = arith.addf %mul3A_3575, %add3A_3577 : vector<16xf32>
      %mul3A_3579 = arith.mulf %add3A_3578, %sub3A_3551 : vector<16xf32>
      %add3A_3580 = arith.constant -0.24999994 : f32
      %add3A_3581 = vector.broadcast %add3A_3580 : f32 to vector<16xf32>
      %add3A_3582 = arith.addf %mul3A_3579, %add3A_3581 : vector<16xf32>
      %mul3A_3583 = arith.mulf %add3A_3582, %sub3A_3551 : vector<16xf32>
      %add3A_3584 = arith.constant 0.333333313 : f32
      %add3A_3585 = vector.broadcast %add3A_3584 : f32 to vector<16xf32>
      %add3A_3586 = arith.addf %mul3A_3583, %add3A_3585 : vector<16xf32>
      %mul3A_3587 = arith.mulf %add3A_3586, %sub3A_3551 : vector<16xf32>
      %mul3A_3588 = arith.mulf %mul3A_3587, %mul3A_3552 : vector<16xf32>
      %mul3A_3589 = arith.constant 5.000000e-01 : f32
      %mul3A_3590 = vector.broadcast %mul3A_3589 : f32 to vector<16xf32>
      %mul3A_3591 = arith.mulf %mul3A_3590, %mul3A_3552 : vector<16xf32>
      %sub3A_3592 = arith.subf %mul3A_3588, %mul3A_3591 : vector<16xf32>
      %add3A_3593 = arith.addf %sub3A_3551, %sub3A_3592 : vector<16xf32>
      %convert_element_type3A_3594 = arith.sitofp %add3A_3548 : vector<16xi32> to vector<16xf32>
      %mul3A_3595 = arith.constant 0.693147182 : f32
      %mul3A_3596 = vector.broadcast %mul3A_3595 : f32 to vector<16xf32>
      %mul3A_3597 = arith.mulf %convert_element_type3A_3594, %mul3A_3596 : vector<16xf32>
      %add3A_3598 = arith.addf %add3A_3593, %mul3A_3597 : vector<16xf32>
      %sub3A_3599 = arith.subf %add3A_3598, %get3A_3505 : vector<16xf32>
      %mul3A_3600 = arith.mulf %mul3A_3518, %sub3A_3599 : vector<16xf32>
      %jit3A_3601 = arith.constant 0.000000e+00 : f32
      %broadcast_in_dim3A_3602 = vector.broadcast %jit3A_3601 : f32 to vector<16xf32>
      %select_n3A_3603 = arith.select %and3A_3515, %mul3A_3600, %broadcast_in_dim3A_3602 : vector<16xi1>, vector<16xf32>
      %add3A_3604 = arith.addf %add3A_3491, %select_n3A_3603 : vector<16xf32>
      %jit3A_3605 = arith.constant 1.000000e+00 : f32
      %jit3A_3606 = arith.constant 0.000000e+00 : f32
      %broadcast_in_dim3A_3607 = vector.broadcast %jit3A_3605 : f32 to vector<16xf32>
      %broadcast_in_dim3A_3608 = vector.broadcast %jit3A_3606 : f32 to vector<16xf32>
      %select_n3A_3609 = arith.select %and3A_3515, %broadcast_in_dim3A_3607, %broadcast_in_dim3A_3608 : vector<16xi1>, vector<16xf32>
      %add3A_3610 = arith.addf %add3A_3497, %select_n3A_3609 : vector<16xf32>
      %get3A_3611 = arith.constant 25 : i32
      %get3A_3612 = arith.index_cast %get3A_3611 : i32 to index
      %get3A_3613 = arith.constant 0 : index
      %get3A_3614 = tpu.vector_load %arg5[%get3A_3612, %get3A_3613] {strides = array<i32>} : memref<32x32xf32, #tpu.memory_space<vmem>>, vector<16xf32>,
      %get3A_3615 = arith.constant 25 : i32
      %get3A_3616 = arith.index_cast %get3A_3615 : i32 to index
      %get3A_3617 = arith.constant 0 : index
      %get3A_3618 = tpu.vector_load %arg6[%get3A_3616, %get3A_3617] {strides = array<i32>} : memref<32x32xf32, #tpu.memory_space<vmem>>, vector<16xf32>,
      %add3A_3619 = arith.constant 0 : i32
      %add3A_3620 = vector.broadcast %add3A_3619 : i32 to vector<16xi32>
      %add3A_3621 = arith.addi %add3A_3620, %iota3A : vector<16xi32>
      %lt3A_3622 = arith.constant 25 : i32
      %lt3A_3623 = vector.broadcast %lt3A_3622 : i32 to vector<16xi32>
      %lt3A_3624 = arith.cmpi slt, %add3A_3621, %lt3A_3623 : vector<16xi32>
      %gt3A_3625 = arith.constant 0.000000e+00 : f32
      %gt3A_3626 = vector.broadcast %gt3A_3625 : f32 to vector<16xf32>
      %gt3A_3627 = arith.cmpf ogt, %get3A_3614, %gt3A_3626 : vector<16xf32>
      %and3A_3628 = arith.andi %lt3A_3624, %gt3A_3627 : vector<16xi1>
      %mul3A_3629 = arith.constant 6.10351563E-5 : f32
      %mul3A_3630 = vector.broadcast %mul3A_3629 : f32 to vector<16xf32>
      %mul3A_3631 = arith.mulf %get3A_3614, %mul3A_3630 : vector<16xf32>
      %max3A_3632 = arith.constant 1.000000e-30 : f32
      %max3A_3633 = vector.broadcast %max3A_3632 : f32 to vector<16xf32>
      %max3A_3634 = arith.maximumf %mul3A_3631, %max3A_3633 : vector<16xf32>
      %bitcast_convert_type3A_3635 = tpu.bitcast %max3A_3634 : vector<16xf32> -> vector<16xi32>
      %shift_right_arithmetic3A_3636 = arith.constant 23 : i32
      %shift_right_arithmetic3A_3637 = vector.broadcast %shift_right_arithmetic3A_3636 : i32 to vector<16xi32>
      %shift_right_arithmetic3A_3638 = arith.shrsi %bitcast_convert_type3A_3635, %shift_right_arithmetic3A_3637 : vector<16xi32>
      %sub3A_3639 = arith.constant 127 : i32
      %sub3A_3640 = vector.broadcast %sub3A_3639 : i32 to vector<16xi32>
      %sub3A_3641 = arith.subi %shift_right_arithmetic3A_3638, %sub3A_3640 : vector<16xi32>
      %and3A_3642 = arith.constant 8388607 : i32
      %and3A_3643 = vector.broadcast %and3A_3642 : i32 to vector<16xi32>
      %and3A_3644 = arith.andi %bitcast_convert_type3A_3635, %and3A_3643 : vector<16xi32>
      %or3A_3645 = arith.constant 1065353216 : i32
      %or3A_3646 = vector.broadcast %or3A_3645 : i32 to vector<16xi32>
      %or3A_3647 = arith.ori %and3A_3644, %or3A_3646 : vector<16xi32>
      %bitcast_convert_type3A_3648 = tpu.bitcast %or3A_3647 : vector<16xi32> -> vector<16xf32>
      %gt3A_3649 = arith.constant 1.41421354 : f32
      %gt3A_3650 = vector.broadcast %gt3A_3649 : f32 to vector<16xf32>
      %gt3A_3651 = arith.cmpf ogt, %bitcast_convert_type3A_3648, %gt3A_3650 : vector<16xf32>
      %mul3A_3652 = arith.constant 5.000000e-01 : f32
      %mul3A_3653 = vector.broadcast %mul3A_3652 : f32 to vector<16xf32>
      %mul3A_3654 = arith.mulf %bitcast_convert_type3A_3648, %mul3A_3653 : vector<16xf32>
      %select_n3A_3655 = arith.select %gt3A_3651, %mul3A_3654, %bitcast_convert_type3A_3648 : vector<16xi1>, vector<16xf32>
      %jit3A_3656 = arith.constant 1 : i32
      %jit3A_3657 = arith.constant 0 : i32
      %broadcast_in_dim3A_3658 = vector.broadcast %jit3A_3656 : i32 to vector<16xi32>
      %broadcast_in_dim3A_3659 = vector.broadcast %jit3A_3657 : i32 to vector<16xi32>
      %select_n3A_3660 = arith.select %gt3A_3651, %broadcast_in_dim3A_3658, %broadcast_in_dim3A_3659 : vector<16xi1>, vector<16xi32>
      %add3A_3661 = arith.addi %sub3A_3641, %select_n3A_3660 : vector<16xi32>
      %sub3A_3662 = arith.constant 1.000000e+00 : f32
      %sub3A_3663 = vector.broadcast %sub3A_3662 : f32 to vector<16xf32>
      %sub3A_3664 = arith.subf %select_n3A_3655, %sub3A_3663 : vector<16xf32>
      %mul3A_3665 = arith.mulf %sub3A_3664, %sub3A_3664 : vector<16xf32>
      %broadcast_in_dim3A_3666 = arith.constant 0.0703768358 : f32
      %broadcast_in_dim3A_3667 = vector.broadcast %broadcast_in_dim3A_3666 : f32 to vector<16xf32>
      %mul3A_3668 = arith.mulf %broadcast_in_dim3A_3667, %sub3A_3664 : vector<16xf32>
      %add3A_3669 = arith.constant -0.115146101 : f32
      %add3A_3670 = vector.broadcast %add3A_3669 : f32 to vector<16xf32>
      %add3A_3671 = arith.addf %mul3A_3668, %add3A_3670 : vector<16xf32>
      %mul3A_3672 = arith.mulf %add3A_3671, %sub3A_3664 : vector<16xf32>
      %add3A_3673 = arith.constant 0.116769984 : f32
      %add3A_3674 = vector.broadcast %add3A_3673 : f32 to vector<16xf32>
      %add3A_3675 = arith.addf %mul3A_3672, %add3A_3674 : vector<16xf32>
      %mul3A_3676 = arith.mulf %add3A_3675, %sub3A_3664 : vector<16xf32>
      %add3A_3677 = arith.constant -0.12420141 : f32
      %add3A_3678 = vector.broadcast %add3A_3677 : f32 to vector<16xf32>
      %add3A_3679 = arith.addf %mul3A_3676, %add3A_3678 : vector<16xf32>
      %mul3A_3680 = arith.mulf %add3A_3679, %sub3A_3664 : vector<16xf32>
      %add3A_3681 = arith.constant 0.142493233 : f32
      %add3A_3682 = vector.broadcast %add3A_3681 : f32 to vector<16xf32>
      %add3A_3683 = arith.addf %mul3A_3680, %add3A_3682 : vector<16xf32>
      %mul3A_3684 = arith.mulf %add3A_3683, %sub3A_3664 : vector<16xf32>
      %add3A_3685 = arith.constant -0.166680574 : f32
      %add3A_3686 = vector.broadcast %add3A_3685 : f32 to vector<16xf32>
      %add3A_3687 = arith.addf %mul3A_3684, %add3A_3686 : vector<16xf32>
      %mul3A_3688 = arith.mulf %add3A_3687, %sub3A_3664 : vector<16xf32>
      %add3A_3689 = arith.constant 0.200007141 : f32
      %add3A_3690 = vector.broadcast %add3A_3689 : f32 to vector<16xf32>
      %add3A_3691 = arith.addf %mul3A_3688, %add3A_3690 : vector<16xf32>
      %mul3A_3692 = arith.mulf %add3A_3691, %sub3A_3664 : vector<16xf32>
      %add3A_3693 = arith.constant -0.24999994 : f32
      %add3A_3694 = vector.broadcast %add3A_3693 : f32 to vector<16xf32>
      %add3A_3695 = arith.addf %mul3A_3692, %add3A_3694 : vector<16xf32>
      %mul3A_3696 = arith.mulf %add3A_3695, %sub3A_3664 : vector<16xf32>
      %add3A_3697 = arith.constant 0.333333313 : f32
      %add3A_3698 = vector.broadcast %add3A_3697 : f32 to vector<16xf32>
      %add3A_3699 = arith.addf %mul3A_3696, %add3A_3698 : vector<16xf32>
      %mul3A_3700 = arith.mulf %add3A_3699, %sub3A_3664 : vector<16xf32>
      %mul3A_3701 = arith.mulf %mul3A_3700, %mul3A_3665 : vector<16xf32>
      %mul3A_3702 = arith.constant 5.000000e-01 : f32
      %mul3A_3703 = vector.broadcast %mul3A_3702 : f32 to vector<16xf32>
      %mul3A_3704 = arith.mulf %mul3A_3703, %mul3A_3665 : vector<16xf32>
      %sub3A_3705 = arith.subf %mul3A_3701, %mul3A_3704 : vector<16xf32>
      %add3A_3706 = arith.addf %sub3A_3664, %sub3A_3705 : vector<16xf32>
      %convert_element_type3A_3707 = arith.sitofp %add3A_3661 : vector<16xi32> to vector<16xf32>
      %mul3A_3708 = arith.constant 0.693147182 : f32
      %mul3A_3709 = vector.broadcast %mul3A_3708 : f32 to vector<16xf32>
      %mul3A_3710 = arith.mulf %convert_element_type3A_3707, %mul3A_3709 : vector<16xf32>
      %add3A_3711 = arith.addf %add3A_3706, %mul3A_3710 : vector<16xf32>
      %sub3A_3712 = arith.subf %add3A_3711, %get3A_3618 : vector<16xf32>
      %mul3A_3713 = arith.mulf %mul3A_3631, %sub3A_3712 : vector<16xf32>
      %jit3A_3714 = arith.constant 0.000000e+00 : f32
      %broadcast_in_dim3A_3715 = vector.broadcast %jit3A_3714 : f32 to vector<16xf32>
      %select_n3A_3716 = arith.select %and3A_3628, %mul3A_3713, %broadcast_in_dim3A_3715 : vector<16xi1>, vector<16xf32>
      %add3A_3717 = arith.addf %add3A_3604, %select_n3A_3716 : vector<16xf32>
      %jit3A_3718 = arith.constant 1.000000e+00 : f32
      %jit3A_3719 = arith.constant 0.000000e+00 : f32
      %broadcast_in_dim3A_3720 = vector.broadcast %jit3A_3718 : f32 to vector<16xf32>
      %broadcast_in_dim3A_3721 = vector.broadcast %jit3A_3719 : f32 to vector<16xf32>
      %select_n3A_3722 = arith.select %and3A_3628, %broadcast_in_dim3A_3720, %broadcast_in_dim3A_3721 : vector<16xi1>, vector<16xf32>
      %add3A_3723 = arith.addf %add3A_3610, %select_n3A_3722 : vector<16xf32>
      %get3A_3724 = arith.constant 25 : i32
      %get3A_3725 = arith.index_cast %get3A_3724 : i32 to index
      %get3A_3726 = arith.constant 16 : index
      %get3A_3727 = tpu.vector_load %arg5[%get3A_3725, %get3A_3726] {strides = array<i32>} : memref<32x32xf32, #tpu.memory_space<vmem>>, vector<16xf32>,
      %get3A_3728 = arith.constant 25 : i32
      %get3A_3729 = arith.index_cast %get3A_3728 : i32 to index
      %get3A_3730 = arith.constant 16 : index
      %get3A_3731 = tpu.vector_load %arg6[%get3A_3729, %get3A_3730] {strides = array<i32>} : memref<32x32xf32, #tpu.memory_space<vmem>>, vector<16xf32>,
      %add3A_3732 = arith.constant 16 : i32
      %add3A_3733 = vector.broadcast %add3A_3732 : i32 to vector<16xi32>
      %add3A_3734 = arith.addi %add3A_3733, %iota3A : vector<16xi32>
      %lt3A_3735 = arith.constant 25 : i32
      %lt3A_3736 = vector.broadcast %lt3A_3735 : i32 to vector<16xi32>
      %lt3A_3737 = arith.cmpi slt, %add3A_3734, %lt3A_3736 : vector<16xi32>
      %gt3A_3738 = arith.constant 0.000000e+00 : f32
      %gt3A_3739 = vector.broadcast %gt3A_3738 : f32 to vector<16xf32>
      %gt3A_3740 = arith.cmpf ogt, %get3A_3727, %gt3A_3739 : vector<16xf32>
      %and3A_3741 = arith.andi %lt3A_3737, %gt3A_3740 : vector<16xi1>
      %mul3A_3742 = arith.constant 6.10351563E-5 : f32
      %mul3A_3743 = vector.broadcast %mul3A_3742 : f32 to vector<16xf32>
      %mul3A_3744 = arith.mulf %get3A_3727, %mul3A_3743 : vector<16xf32>
      %max3A_3745 = arith.constant 1.000000e-30 : f32
      %max3A_3746 = vector.broadcast %max3A_3745 : f32 to vector<16xf32>
      %max3A_3747 = arith.maximumf %mul3A_3744, %max3A_3746 : vector<16xf32>
      %bitcast_convert_type3A_3748 = tpu.bitcast %max3A_3747 : vector<16xf32> -> vector<16xi32>
      %shift_right_arithmetic3A_3749 = arith.constant 23 : i32
      %shift_right_arithmetic3A_3750 = vector.broadcast %shift_right_arithmetic3A_3749 : i32 to vector<16xi32>
      %shift_right_arithmetic3A_3751 = arith.shrsi %bitcast_convert_type3A_3748, %shift_right_arithmetic3A_3750 : vector<16xi32>
      %sub3A_3752 = arith.constant 127 : i32
      %sub3A_3753 = vector.broadcast %sub3A_3752 : i32 to vector<16xi32>
      %sub3A_3754 = arith.subi %shift_right_arithmetic3A_3751, %sub3A_3753 : vector<16xi32>
      %and3A_3755 = arith.constant 8388607 : i32
      %and3A_3756 = vector.broadcast %and3A_3755 : i32 to vector<16xi32>
      %and3A_3757 = arith.andi %bitcast_convert_type3A_3748, %and3A_3756 : vector<16xi32>
      %or3A_3758 = arith.constant 1065353216 : i32
      %or3A_3759 = vector.broadcast %or3A_3758 : i32 to vector<16xi32>
      %or3A_3760 = arith.ori %and3A_3757, %or3A_3759 : vector<16xi32>
      %bitcast_convert_type3A_3761 = tpu.bitcast %or3A_3760 : vector<16xi32> -> vector<16xf32>
      %gt3A_3762 = arith.constant 1.41421354 : f32
      %gt3A_3763 = vector.broadcast %gt3A_3762 : f32 to vector<16xf32>
      %gt3A_3764 = arith.cmpf ogt, %bitcast_convert_type3A_3761, %gt3A_3763 : vector<16xf32>
      %mul3A_3765 = arith.constant 5.000000e-01 : f32
      %mul3A_3766 = vector.broadcast %mul3A_3765 : f32 to vector<16xf32>
      %mul3A_3767 = arith.mulf %bitcast_convert_type3A_3761, %mul3A_3766 : vector<16xf32>
      %select_n3A_3768 = arith.select %gt3A_3764, %mul3A_3767, %bitcast_convert_type3A_3761 : vector<16xi1>, vector<16xf32>
      %jit3A_3769 = arith.constant 1 : i32
      %jit3A_3770 = arith.constant 0 : i32
      %broadcast_in_dim3A_3771 = vector.broadcast %jit3A_3769 : i32 to vector<16xi32>
      %broadcast_in_dim3A_3772 = vector.broadcast %jit3A_3770 : i32 to vector<16xi32>
      %select_n3A_3773 = arith.select %gt3A_3764, %broadcast_in_dim3A_3771, %broadcast_in_dim3A_3772 : vector<16xi1>, vector<16xi32>
      %add3A_3774 = arith.addi %sub3A_3754, %select_n3A_3773 : vector<16xi32>
      %sub3A_3775 = arith.constant 1.000000e+00 : f32
      %sub3A_3776 = vector.broadcast %sub3A_3775 : f32 to vector<16xf32>
      %sub3A_3777 = arith.subf %select_n3A_3768, %sub3A_3776 : vector<16xf32>
      %mul3A_3778 = arith.mulf %sub3A_3777, %sub3A_3777 : vector<16xf32>
      %broadcast_in_dim3A_3779 = arith.constant 0.0703768358 : f32
      %broadcast_in_dim3A_3780 = vector.broadcast %broadcast_in_dim3A_3779 : f32 to vector<16xf32>
      %mul3A_3781 = arith.mulf %broadcast_in_dim3A_3780, %sub3A_3777 : vector<16xf32>
      %add3A_3782 = arith.constant -0.115146101 : f32
      %add3A_3783 = vector.broadcast %add3A_3782 : f32 to vector<16xf32>
      %add3A_3784 = arith.addf %mul3A_3781, %add3A_3783 : vector<16xf32>
      %mul3A_3785 = arith.mulf %add3A_3784, %sub3A_3777 : vector<16xf32>
      %add3A_3786 = arith.constant 0.116769984 : f32
      %add3A_3787 = vector.broadcast %add3A_3786 : f32 to vector<16xf32>
      %add3A_3788 = arith.addf %mul3A_3785, %add3A_3787 : vector<16xf32>
      %mul3A_3789 = arith.mulf %add3A_3788, %sub3A_3777 : vector<16xf32>
      %add3A_3790 = arith.constant -0.12420141 : f32
      %add3A_3791 = vector.broadcast %add3A_3790 : f32 to vector<16xf32>
      %add3A_3792 = arith.addf %mul3A_3789, %add3A_3791 : vector<16xf32>
      %mul3A_3793 = arith.mulf %add3A_3792, %sub3A_3777 : vector<16xf32>
      %add3A_3794 = arith.constant 0.142493233 : f32
      %add3A_3795 = vector.broadcast %add3A_3794 : f32 to vector<16xf32>
      %add3A_3796 = arith.addf %mul3A_3793, %add3A_3795 : vector<16xf32>
      %mul3A_3797 = arith.mulf %add3A_3796, %sub3A_3777 : vector<16xf32>
      %add3A_3798 = arith.constant -0.166680574 : f32
      %add3A_3799 = vector.broadcast %add3A_3798 : f32 to vector<16xf32>
      %add3A_3800 = arith.addf %mul3A_3797, %add3A_3799 : vector<16xf32>
      %mul3A_3801 = arith.mulf %add3A_3800, %sub3A_3777 : vector<16xf32>
      %add3A_3802 = arith.constant 0.200007141 : f32
      %add3A_3803 = vector.broadcast %add3A_3802 : f32 to vector<16xf32>
      %add3A_3804 = arith.addf %mul3A_3801, %add3A_3803 : vector<16xf32>
      %mul3A_3805 = arith.mulf %add3A_3804, %sub3A_3777 : vector<16xf32>
      %add3A_3806 = arith.constant -0.24999994 : f32
      %add3A_3807 = vector.broadcast %add3A_3806 : f32 to vector<16xf32>
      %add3A_3808 = arith.addf %mul3A_3805, %add3A_3807 : vector<16xf32>
      %mul3A_3809 = arith.mulf %add3A_3808, %sub3A_3777 : vector<16xf32>
      %add3A_3810 = arith.constant 0.333333313 : f32
      %add3A_3811 = vector.broadcast %add3A_3810 : f32 to vector<16xf32>
      %add3A_3812 = arith.addf %mul3A_3809, %add3A_3811 : vector<16xf32>
      %mul3A_3813 = arith.mulf %add3A_3812, %sub3A_3777 : vector<16xf32>
      %mul3A_3814 = arith.mulf %mul3A_3813, %mul3A_3778 : vector<16xf32>
      %mul3A_3815 = arith.constant 5.000000e-01 : f32
      %mul3A_3816 = vector.broadcast %mul3A_3815 : f32 to vector<16xf32>
      %mul3A_3817 = arith.mulf %mul3A_3816, %mul3A_3778 : vector<16xf32>
      %sub3A_3818 = arith.subf %mul3A_3814, %mul3A_3817 : vector<16xf32>
      %add3A_3819 = arith.addf %sub3A_3777, %sub3A_3818 : vector<16xf32>
      %convert_element_type3A_3820 = arith.sitofp %add3A_3774 : vector<16xi32> to vector<16xf32>
      %mul3A_3821 = arith.constant 0.693147182 : f32
      %mul3A_3822 = vector.broadcast %mul3A_3821 : f32 to vector<16xf32>
      %mul3A_3823 = arith.mulf %convert_element_type3A_3820, %mul3A_3822 : vector<16xf32>
      %add3A_3824 = arith.addf %add3A_3819, %mul3A_3823 : vector<16xf32>
      %sub3A_3825 = arith.subf %add3A_3824, %get3A_3731 : vector<16xf32>
      %mul3A_3826 = arith.mulf %mul3A_3744, %sub3A_3825 : vector<16xf32>
      %jit3A_3827 = arith.constant 0.000000e+00 : f32
      %broadcast_in_dim3A_3828 = vector.broadcast %jit3A_3827 : f32 to vector<16xf32>
      %select_n3A_3829 = arith.select %and3A_3741, %mul3A_3826, %broadcast_in_dim3A_3828 : vector<16xi1>, vector<16xf32>
      %add3A_3830 = arith.addf %add3A_3717, %select_n3A_3829 : vector<16xf32>
      %jit3A_3831 = arith.constant 1.000000e+00 : f32
      %jit3A_3832 = arith.constant 0.000000e+00 : f32
      %broadcast_in_dim3A_3833 = vector.broadcast %jit3A_3831 : f32 to vector<16xf32>
      %broadcast_in_dim3A_3834 = vector.broadcast %jit3A_3832 : f32 to vector<16xf32>
      %select_n3A_3835 = arith.select %and3A_3741, %broadcast_in_dim3A_3833, %broadcast_in_dim3A_3834 : vector<16xi1>, vector<16xf32>
      %add3A_3836 = arith.addf %add3A_3723, %select_n3A_3835 : vector<16xf32>
      %get3A_3837 = arith.constant 26 : i32
      %get3A_3838 = arith.index_cast %get3A_3837 : i32 to index
      %get3A_3839 = arith.constant 0 : index
      %get3A_3840 = tpu.vector_load %arg5[%get3A_3838, %get3A_3839] {strides = array<i32>} : memref<32x32xf32, #tpu.memory_space<vmem>>, vector<16xf32>,
      %get3A_3841 = arith.constant 26 : i32
      %get3A_3842 = arith.index_cast %get3A_3841 : i32 to index
      %get3A_3843 = arith.constant 0 : index
      %get3A_3844 = tpu.vector_load %arg6[%get3A_3842, %get3A_3843] {strides = array<i32>} : memref<32x32xf32, #tpu.memory_space<vmem>>, vector<16xf32>,
      %add3A_3845 = arith.constant 0 : i32
      %add3A_3846 = vector.broadcast %add3A_3845 : i32 to vector<16xi32>
      %add3A_3847 = arith.addi %add3A_3846, %iota3A : vector<16xi32>
      %lt3A_3848 = arith.constant 26 : i32
      %lt3A_3849 = vector.broadcast %lt3A_3848 : i32 to vector<16xi32>
      %lt3A_3850 = arith.cmpi slt, %add3A_3847, %lt3A_3849 : vector<16xi32>
      %gt3A_3851 = arith.constant 0.000000e+00 : f32
      %gt3A_3852 = vector.broadcast %gt3A_3851 : f32 to vector<16xf32>
      %gt3A_3853 = arith.cmpf ogt, %get3A_3840, %gt3A_3852 : vector<16xf32>
      %and3A_3854 = arith.andi %lt3A_3850, %gt3A_3853 : vector<16xi1>
      %mul3A_3855 = arith.constant 6.10351563E-5 : f32
      %mul3A_3856 = vector.broadcast %mul3A_3855 : f32 to vector<16xf32>
      %mul3A_3857 = arith.mulf %get3A_3840, %mul3A_3856 : vector<16xf32>
      %max3A_3858 = arith.constant 1.000000e-30 : f32
      %max3A_3859 = vector.broadcast %max3A_3858 : f32 to vector<16xf32>
      %max3A_3860 = arith.maximumf %mul3A_3857, %max3A_3859 : vector<16xf32>
      %bitcast_convert_type3A_3861 = tpu.bitcast %max3A_3860 : vector<16xf32> -> vector<16xi32>
      %shift_right_arithmetic3A_3862 = arith.constant 23 : i32
      %shift_right_arithmetic3A_3863 = vector.broadcast %shift_right_arithmetic3A_3862 : i32 to vector<16xi32>
      %shift_right_arithmetic3A_3864 = arith.shrsi %bitcast_convert_type3A_3861, %shift_right_arithmetic3A_3863 : vector<16xi32>
      %sub3A_3865 = arith.constant 127 : i32
      %sub3A_3866 = vector.broadcast %sub3A_3865 : i32 to vector<16xi32>
      %sub3A_3867 = arith.subi %shift_right_arithmetic3A_3864, %sub3A_3866 : vector<16xi32>
      %and3A_3868 = arith.constant 8388607 : i32
      %and3A_3869 = vector.broadcast %and3A_3868 : i32 to vector<16xi32>
      %and3A_3870 = arith.andi %bitcast_convert_type3A_3861, %and3A_3869 : vector<16xi32>
      %or3A_3871 = arith.constant 1065353216 : i32
      %or3A_3872 = vector.broadcast %or3A_3871 : i32 to vector<16xi32>
      %or3A_3873 = arith.ori %and3A_3870, %or3A_3872 : vector<16xi32>
      %bitcast_convert_type3A_3874 = tpu.bitcast %or3A_3873 : vector<16xi32> -> vector<16xf32>
      %gt3A_3875 = arith.constant 1.41421354 : f32
      %gt3A_3876 = vector.broadcast %gt3A_3875 : f32 to vector<16xf32>
      %gt3A_3877 = arith.cmpf ogt, %bitcast_convert_type3A_3874, %gt3A_3876 : vector<16xf32>
      %mul3A_3878 = arith.constant 5.000000e-01 : f32
      %mul3A_3879 = vector.broadcast %mul3A_3878 : f32 to vector<16xf32>
      %mul3A_3880 = arith.mulf %bitcast_convert_type3A_3874, %mul3A_3879 : vector<16xf32>
      %select_n3A_3881 = arith.select %gt3A_3877, %mul3A_3880, %bitcast_convert_type3A_3874 : vector<16xi1>, vector<16xf32>
      %jit3A_3882 = arith.constant 1 : i32
      %jit3A_3883 = arith.constant 0 : i32
      %broadcast_in_dim3A_3884 = vector.broadcast %jit3A_3882 : i32 to vector<16xi32>
      %broadcast_in_dim3A_3885 = vector.broadcast %jit3A_3883 : i32 to vector<16xi32>
      %select_n3A_3886 = arith.select %gt3A_3877, %broadcast_in_dim3A_3884, %broadcast_in_dim3A_3885 : vector<16xi1>, vector<16xi32>
      %add3A_3887 = arith.addi %sub3A_3867, %select_n3A_3886 : vector<16xi32>
      %sub3A_3888 = arith.constant 1.000000e+00 : f32
      %sub3A_3889 = vector.broadcast %sub3A_3888 : f32 to vector<16xf32>
      %sub3A_3890 = arith.subf %select_n3A_3881, %sub3A_3889 : vector<16xf32>
      %mul3A_3891 = arith.mulf %sub3A_3890, %sub3A_3890 : vector<16xf32>
      %broadcast_in_dim3A_3892 = arith.constant 0.0703768358 : f32
      %broadcast_in_dim3A_3893 = vector.broadcast %broadcast_in_dim3A_3892 : f32 to vector<16xf32>
      %mul3A_3894 = arith.mulf %broadcast_in_dim3A_3893, %sub3A_3890 : vector<16xf32>
      %add3A_3895 = arith.constant -0.115146101 : f32
      %add3A_3896 = vector.broadcast %add3A_3895 : f32 to vector<16xf32>
      %add3A_3897 = arith.addf %mul3A_3894, %add3A_3896 : vector<16xf32>
      %mul3A_3898 = arith.mulf %add3A_3897, %sub3A_3890 : vector<16xf32>
      %add3A_3899 = arith.constant 0.116769984 : f32
      %add3A_3900 = vector.broadcast %add3A_3899 : f32 to vector<16xf32>
      %add3A_3901 = arith.addf %mul3A_3898, %add3A_3900 : vector<16xf32>
      %mul3A_3902 = arith.mulf %add3A_3901, %sub3A_3890 : vector<16xf32>
      %add3A_3903 = arith.constant -0.12420141 : f32
      %add3A_3904 = vector.broadcast %add3A_3903 : f32 to vector<16xf32>
      %add3A_3905 = arith.addf %mul3A_3902, %add3A_3904 : vector<16xf32>
      %mul3A_3906 = arith.mulf %add3A_3905, %sub3A_3890 : vector<16xf32>
      %add3A_3907 = arith.constant 0.142493233 : f32
      %add3A_3908 = vector.broadcast %add3A_3907 : f32 to vector<16xf32>
      %add3A_3909 = arith.addf %mul3A_3906, %add3A_3908 : vector<16xf32>
      %mul3A_3910 = arith.mulf %add3A_3909, %sub3A_3890 : vector<16xf32>
      %add3A_3911 = arith.constant -0.166680574 : f32
      %add3A_3912 = vector.broadcast %add3A_3911 : f32 to vector<16xf32>
      %add3A_3913 = arith.addf %mul3A_3910, %add3A_3912 : vector<16xf32>
      %mul3A_3914 = arith.mulf %add3A_3913, %sub3A_3890 : vector<16xf32>
      %add3A_3915 = arith.constant 0.200007141 : f32
      %add3A_3916 = vector.broadcast %add3A_3915 : f32 to vector<16xf32>
      %add3A_3917 = arith.addf %mul3A_3914, %add3A_3916 : vector<16xf32>
      %mul3A_3918 = arith.mulf %add3A_3917, %sub3A_3890 : vector<16xf32>
      %add3A_3919 = arith.constant -0.24999994 : f32
      %add3A_3920 = vector.broadcast %add3A_3919 : f32 to vector<16xf32>
      %add3A_3921 = arith.addf %mul3A_3918, %add3A_3920 : vector<16xf32>
      %mul3A_3922 = arith.mulf %add3A_3921, %sub3A_3890 : vector<16xf32>
      %add3A_3923 = arith.constant 0.333333313 : f32
      %add3A_3924 = vector.broadcast %add3A_3923 : f32 to vector<16xf32>
      %add3A_3925 = arith.addf %mul3A_3922, %add3A_3924 : vector<16xf32>
      %mul3A_3926 = arith.mulf %add3A_3925, %sub3A_3890 : vector<16xf32>
      %mul3A_3927 = arith.mulf %mul3A_3926, %mul3A_3891 : vector<16xf32>
      %mul3A_3928 = arith.constant 5.000000e-01 : f32
      %mul3A_3929 = vector.broadcast %mul3A_3928 : f32 to vector<16xf32>
      %mul3A_3930 = arith.mulf %mul3A_3929, %mul3A_3891 : vector<16xf32>
      %sub3A_3931 = arith.subf %mul3A_3927, %mul3A_3930 : vector<16xf32>
      %add3A_3932 = arith.addf %sub3A_3890, %sub3A_3931 : vector<16xf32>
      %convert_element_type3A_3933 = arith.sitofp %add3A_3887 : vector<16xi32> to vector<16xf32>
      %mul3A_3934 = arith.constant 0.693147182 : f32
      %mul3A_3935 = vector.broadcast %mul3A_3934 : f32 to vector<16xf32>
      %mul3A_3936 = arith.mulf %convert_element_type3A_3933, %mul3A_3935 : vector<16xf32>
      %add3A_3937 = arith.addf %add3A_3932, %mul3A_3936 : vector<16xf32>
      %sub3A_3938 = arith.subf %add3A_3937, %get3A_3844 : vector<16xf32>
      %mul3A_3939 = arith.mulf %mul3A_3857, %sub3A_3938 : vector<16xf32>
      %jit3A_3940 = arith.constant 0.000000e+00 : f32
      %broadcast_in_dim3A_3941 = vector.broadcast %jit3A_3940 : f32 to vector<16xf32>
      %select_n3A_3942 = arith.select %and3A_3854, %mul3A_3939, %broadcast_in_dim3A_3941 : vector<16xi1>, vector<16xf32>
      %add3A_3943 = arith.addf %add3A_3830, %select_n3A_3942 : vector<16xf32>
      %jit3A_3944 = arith.constant 1.000000e+00 : f32
      %jit3A_3945 = arith.constant 0.000000e+00 : f32
      %broadcast_in_dim3A_3946 = vector.broadcast %jit3A_3944 : f32 to vector<16xf32>
      %broadcast_in_dim3A_3947 = vector.broadcast %jit3A_3945 : f32 to vector<16xf32>
      %select_n3A_3948 = arith.select %and3A_3854, %broadcast_in_dim3A_3946, %broadcast_in_dim3A_3947 : vector<16xi1>, vector<16xf32>
      %add3A_3949 = arith.addf %add3A_3836, %select_n3A_3948 : vector<16xf32>
      %get3A_3950 = arith.constant 26 : i32
      %get3A_3951 = arith.index_cast %get3A_3950 : i32 to index
      %get3A_3952 = arith.constant 16 : index
      %get3A_3953 = tpu.vector_load %arg5[%get3A_3951, %get3A_3952] {strides = array<i32>} : memref<32x32xf32, #tpu.memory_space<vmem>>, vector<16xf32>,
      %get3A_3954 = arith.constant 26 : i32
      %get3A_3955 = arith.index_cast %get3A_3954 : i32 to index
      %get3A_3956 = arith.constant 16 : index
      %get3A_3957 = tpu.vector_load %arg6[%get3A_3955, %get3A_3956] {strides = array<i32>} : memref<32x32xf32, #tpu.memory_space<vmem>>, vector<16xf32>,
      %add3A_3958 = arith.constant 16 : i32
      %add3A_3959 = vector.broadcast %add3A_3958 : i32 to vector<16xi32>
      %add3A_3960 = arith.addi %add3A_3959, %iota3A : vector<16xi32>
      %lt3A_3961 = arith.constant 26 : i32
      %lt3A_3962 = vector.broadcast %lt3A_3961 : i32 to vector<16xi32>
      %lt3A_3963 = arith.cmpi slt, %add3A_3960, %lt3A_3962 : vector<16xi32>
      %gt3A_3964 = arith.constant 0.000000e+00 : f32
      %gt3A_3965 = vector.broadcast %gt3A_3964 : f32 to vector<16xf32>
      %gt3A_3966 = arith.cmpf ogt, %get3A_3953, %gt3A_3965 : vector<16xf32>
      %and3A_3967 = arith.andi %lt3A_3963, %gt3A_3966 : vector<16xi1>
      %mul3A_3968 = arith.constant 6.10351563E-5 : f32
      %mul3A_3969 = vector.broadcast %mul3A_3968 : f32 to vector<16xf32>
      %mul3A_3970 = arith.mulf %get3A_3953, %mul3A_3969 : vector<16xf32>
      %max3A_3971 = arith.constant 1.000000e-30 : f32
      %max3A_3972 = vector.broadcast %max3A_3971 : f32 to vector<16xf32>
      %max3A_3973 = arith.maximumf %mul3A_3970, %max3A_3972 : vector<16xf32>
      %bitcast_convert_type3A_3974 = tpu.bitcast %max3A_3973 : vector<16xf32> -> vector<16xi32>
      %shift_right_arithmetic3A_3975 = arith.constant 23 : i32
      %shift_right_arithmetic3A_3976 = vector.broadcast %shift_right_arithmetic3A_3975 : i32 to vector<16xi32>
      %shift_right_arithmetic3A_3977 = arith.shrsi %bitcast_convert_type3A_3974, %shift_right_arithmetic3A_3976 : vector<16xi32>
      %sub3A_3978 = arith.constant 127 : i32
      %sub3A_3979 = vector.broadcast %sub3A_3978 : i32 to vector<16xi32>
      %sub3A_3980 = arith.subi %shift_right_arithmetic3A_3977, %sub3A_3979 : vector<16xi32>
      %and3A_3981 = arith.constant 8388607 : i32
      %and3A_3982 = vector.broadcast %and3A_3981 : i32 to vector<16xi32>
      %and3A_3983 = arith.andi %bitcast_convert_type3A_3974, %and3A_3982 : vector<16xi32>
      %or3A_3984 = arith.constant 1065353216 : i32
      %or3A_3985 = vector.broadcast %or3A_3984 : i32 to vector<16xi32>
      %or3A_3986 = arith.ori %and3A_3983, %or3A_3985 : vector<16xi32>
      %bitcast_convert_type3A_3987 = tpu.bitcast %or3A_3986 : vector<16xi32> -> vector<16xf32>
      %gt3A_3988 = arith.constant 1.41421354 : f32
      %gt3A_3989 = vector.broadcast %gt3A_3988 : f32 to vector<16xf32>
      %gt3A_3990 = arith.cmpf ogt, %bitcast_convert_type3A_3987, %gt3A_3989 : vector<16xf32>
      %mul3A_3991 = arith.constant 5.000000e-01 : f32
      %mul3A_3992 = vector.broadcast %mul3A_3991 : f32 to vector<16xf32>
      %mul3A_3993 = arith.mulf %bitcast_convert_type3A_3987, %mul3A_3992 : vector<16xf32>
      %select_n3A_3994 = arith.select %gt3A_3990, %mul3A_3993, %bitcast_convert_type3A_3987 : vector<16xi1>, vector<16xf32>
      %jit3A_3995 = arith.constant 1 : i32
      %jit3A_3996 = arith.constant 0 : i32
      %broadcast_in_dim3A_3997 = vector.broadcast %jit3A_3995 : i32 to vector<16xi32>
      %broadcast_in_dim3A_3998 = vector.broadcast %jit3A_3996 : i32 to vector<16xi32>
      %select_n3A_3999 = arith.select %gt3A_3990, %broadcast_in_dim3A_3997, %broadcast_in_dim3A_3998 : vector<16xi1>, vector<16xi32>
      %add3A_4000 = arith.addi %sub3A_3980, %select_n3A_3999 : vector<16xi32>
      %sub3A_4001 = arith.constant 1.000000e+00 : f32
      %sub3A_4002 = vector.broadcast %sub3A_4001 : f32 to vector<16xf32>
      %sub3A_4003 = arith.subf %select_n3A_3994, %sub3A_4002 : vector<16xf32>
      %mul3A_4004 = arith.mulf %sub3A_4003, %sub3A_4003 : vector<16xf32>
      %broadcast_in_dim3A_4005 = arith.constant 0.0703768358 : f32
      %broadcast_in_dim3A_4006 = vector.broadcast %broadcast_in_dim3A_4005 : f32 to vector<16xf32>
      %mul3A_4007 = arith.mulf %broadcast_in_dim3A_4006, %sub3A_4003 : vector<16xf32>
      %add3A_4008 = arith.constant -0.115146101 : f32
      %add3A_4009 = vector.broadcast %add3A_4008 : f32 to vector<16xf32>
      %add3A_4010 = arith.addf %mul3A_4007, %add3A_4009 : vector<16xf32>
      %mul3A_4011 = arith.mulf %add3A_4010, %sub3A_4003 : vector<16xf32>
      %add3A_4012 = arith.constant 0.116769984 : f32
      %add3A_4013 = vector.broadcast %add3A_4012 : f32 to vector<16xf32>
      %add3A_4014 = arith.addf %mul3A_4011, %add3A_4013 : vector<16xf32>
      %mul3A_4015 = arith.mulf %add3A_4014, %sub3A_4003 : vector<16xf32>
      %add3A_4016 = arith.constant -0.12420141 : f32
      %add3A_4017 = vector.broadcast %add3A_4016 : f32 to vector<16xf32>
      %add3A_4018 = arith.addf %mul3A_4015, %add3A_4017 : vector<16xf32>
      %mul3A_4019 = arith.mulf %add3A_4018, %sub3A_4003 : vector<16xf32>
      %add3A_4020 = arith.constant 0.142493233 : f32
      %add3A_4021 = vector.broadcast %add3A_4020 : f32 to vector<16xf32>
      %add3A_4022 = arith.addf %mul3A_4019, %add3A_4021 : vector<16xf32>
      %mul3A_4023 = arith.mulf %add3A_4022, %sub3A_4003 : vector<16xf32>
      %add3A_4024 = arith.constant -0.166680574 : f32
      %add3A_4025 = vector.broadcast %add3A_4024 : f32 to vector<16xf32>
      %add3A_4026 = arith.addf %mul3A_4023, %add3A_4025 : vector<16xf32>
      %mul3A_4027 = arith.mulf %add3A_4026, %sub3A_4003 : vector<16xf32>
      %add3A_4028 = arith.constant 0.200007141 : f32
      %add3A_4029 = vector.broadcast %add3A_4028 : f32 to vector<16xf32>
      %add3A_4030 = arith.addf %mul3A_4027, %add3A_4029 : vector<16xf32>
      %mul3A_4031 = arith.mulf %add3A_4030, %sub3A_4003 : vector<16xf32>
      %add3A_4032 = arith.constant -0.24999994 : f32
      %add3A_4033 = vector.broadcast %add3A_4032 : f32 to vector<16xf32>
      %add3A_4034 = arith.addf %mul3A_4031, %add3A_4033 : vector<16xf32>
      %mul3A_4035 = arith.mulf %add3A_4034, %sub3A_4003 : vector<16xf32>
      %add3A_4036 = arith.constant 0.333333313 : f32
      %add3A_4037 = vector.broadcast %add3A_4036 : f32 to vector<16xf32>
      %add3A_4038 = arith.addf %mul3A_4035, %add3A_4037 : vector<16xf32>
      %mul3A_4039 = arith.mulf %add3A_4038, %sub3A_4003 : vector<16xf32>
      %mul3A_4040 = arith.mulf %mul3A_4039, %mul3A_4004 : vector<16xf32>
      %mul3A_4041 = arith.constant 5.000000e-01 : f32
      %mul3A_4042 = vector.broadcast %mul3A_4041 : f32 to vector<16xf32>
      %mul3A_4043 = arith.mulf %mul3A_4042, %mul3A_4004 : vector<16xf32>
      %sub3A_4044 = arith.subf %mul3A_4040, %mul3A_4043 : vector<16xf32>
      %add3A_4045 = arith.addf %sub3A_4003, %sub3A_4044 : vector<16xf32>
      %convert_element_type3A_4046 = arith.sitofp %add3A_4000 : vector<16xi32> to vector<16xf32>
      %mul3A_4047 = arith.constant 0.693147182 : f32
      %mul3A_4048 = vector.broadcast %mul3A_4047 : f32 to vector<16xf32>
      %mul3A_4049 = arith.mulf %convert_element_type3A_4046, %mul3A_4048 : vector<16xf32>
      %add3A_4050 = arith.addf %add3A_4045, %mul3A_4049 : vector<16xf32>
      %sub3A_4051 = arith.subf %add3A_4050, %get3A_3957 : vector<16xf32>
      %mul3A_4052 = arith.mulf %mul3A_3970, %sub3A_4051 : vector<16xf32>
      %jit3A_4053 = arith.constant 0.000000e+00 : f32
      %broadcast_in_dim3A_4054 = vector.broadcast %jit3A_4053 : f32 to vector<16xf32>
      %select_n3A_4055 = arith.select %and3A_3967, %mul3A_4052, %broadcast_in_dim3A_4054 : vector<16xi1>, vector<16xf32>
      %add3A_4056 = arith.addf %add3A_3943, %select_n3A_4055 : vector<16xf32>
      %jit3A_4057 = arith.constant 1.000000e+00 : f32
      %jit3A_4058 = arith.constant 0.000000e+00 : f32
      %broadcast_in_dim3A_4059 = vector.broadcast %jit3A_4057 : f32 to vector<16xf32>
      %broadcast_in_dim3A_4060 = vector.broadcast %jit3A_4058 : f32 to vector<16xf32>
      %select_n3A_4061 = arith.select %and3A_3967, %broadcast_in_dim3A_4059, %broadcast_in_dim3A_4060 : vector<16xi1>, vector<16xf32>
      %add3A_4062 = arith.addf %add3A_3949, %select_n3A_4061 : vector<16xf32>
      %get3A_4063 = arith.constant 27 : i32
      %get3A_4064 = arith.index_cast %get3A_4063 : i32 to index
      %get3A_4065 = arith.constant 0 : index
      %get3A_4066 = tpu.vector_load %arg5[%get3A_4064, %get3A_4065] {strides = array<i32>} : memref<32x32xf32, #tpu.memory_space<vmem>>, vector<16xf32>,
      %get3A_4067 = arith.constant 27 : i32
      %get3A_4068 = arith.index_cast %get3A_4067 : i32 to index
      %get3A_4069 = arith.constant 0 : index
      %get3A_4070 = tpu.vector_load %arg6[%get3A_4068, %get3A_4069] {strides = array<i32>} : memref<32x32xf32, #tpu.memory_space<vmem>>, vector<16xf32>,
      %add3A_4071 = arith.constant 0 : i32
      %add3A_4072 = vector.broadcast %add3A_4071 : i32 to vector<16xi32>
      %add3A_4073 = arith.addi %add3A_4072, %iota3A : vector<16xi32>
      %lt3A_4074 = arith.constant 27 : i32
      %lt3A_4075 = vector.broadcast %lt3A_4074 : i32 to vector<16xi32>
      %lt3A_4076 = arith.cmpi slt, %add3A_4073, %lt3A_4075 : vector<16xi32>
      %gt3A_4077 = arith.constant 0.000000e+00 : f32
      %gt3A_4078 = vector.broadcast %gt3A_4077 : f32 to vector<16xf32>
      %gt3A_4079 = arith.cmpf ogt, %get3A_4066, %gt3A_4078 : vector<16xf32>
      %and3A_4080 = arith.andi %lt3A_4076, %gt3A_4079 : vector<16xi1>
      %mul3A_4081 = arith.constant 6.10351563E-5 : f32
      %mul3A_4082 = vector.broadcast %mul3A_4081 : f32 to vector<16xf32>
      %mul3A_4083 = arith.mulf %get3A_4066, %mul3A_4082 : vector<16xf32>
      %max3A_4084 = arith.constant 1.000000e-30 : f32
      %max3A_4085 = vector.broadcast %max3A_4084 : f32 to vector<16xf32>
      %max3A_4086 = arith.maximumf %mul3A_4083, %max3A_4085 : vector<16xf32>
      %bitcast_convert_type3A_4087 = tpu.bitcast %max3A_4086 : vector<16xf32> -> vector<16xi32>
      %shift_right_arithmetic3A_4088 = arith.constant 23 : i32
      %shift_right_arithmetic3A_4089 = vector.broadcast %shift_right_arithmetic3A_4088 : i32 to vector<16xi32>
      %shift_right_arithmetic3A_4090 = arith.shrsi %bitcast_convert_type3A_4087, %shift_right_arithmetic3A_4089 : vector<16xi32>
      %sub3A_4091 = arith.constant 127 : i32
      %sub3A_4092 = vector.broadcast %sub3A_4091 : i32 to vector<16xi32>
      %sub3A_4093 = arith.subi %shift_right_arithmetic3A_4090, %sub3A_4092 : vector<16xi32>
      %and3A_4094 = arith.constant 8388607 : i32
      %and3A_4095 = vector.broadcast %and3A_4094 : i32 to vector<16xi32>
      %and3A_4096 = arith.andi %bitcast_convert_type3A_4087, %and3A_4095 : vector<16xi32>
      %or3A_4097 = arith.constant 1065353216 : i32
      %or3A_4098 = vector.broadcast %or3A_4097 : i32 to vector<16xi32>
      %or3A_4099 = arith.ori %and3A_4096, %or3A_4098 : vector<16xi32>
      %bitcast_convert_type3A_4100 = tpu.bitcast %or3A_4099 : vector<16xi32> -> vector<16xf32>
      %gt3A_4101 = arith.constant 1.41421354 : f32
      %gt3A_4102 = vector.broadcast %gt3A_4101 : f32 to vector<16xf32>
      %gt3A_4103 = arith.cmpf ogt, %bitcast_convert_type3A_4100, %gt3A_4102 : vector<16xf32>
      %mul3A_4104 = arith.constant 5.000000e-01 : f32
      %mul3A_4105 = vector.broadcast %mul3A_4104 : f32 to vector<16xf32>
      %mul3A_4106 = arith.mulf %bitcast_convert_type3A_4100, %mul3A_4105 : vector<16xf32>
      %select_n3A_4107 = arith.select %gt3A_4103, %mul3A_4106, %bitcast_convert_type3A_4100 : vector<16xi1>, vector<16xf32>
      %jit3A_4108 = arith.constant 1 : i32
      %jit3A_4109 = arith.constant 0 : i32
      %broadcast_in_dim3A_4110 = vector.broadcast %jit3A_4108 : i32 to vector<16xi32>
      %broadcast_in_dim3A_4111 = vector.broadcast %jit3A_4109 : i32 to vector<16xi32>
      %select_n3A_4112 = arith.select %gt3A_4103, %broadcast_in_dim3A_4110, %broadcast_in_dim3A_4111 : vector<16xi1>, vector<16xi32>
      %add3A_4113 = arith.addi %sub3A_4093, %select_n3A_4112 : vector<16xi32>
      %sub3A_4114 = arith.constant 1.000000e+00 : f32
      %sub3A_4115 = vector.broadcast %sub3A_4114 : f32 to vector<16xf32>
      %sub3A_4116 = arith.subf %select_n3A_4107, %sub3A_4115 : vector<16xf32>
      %mul3A_4117 = arith.mulf %sub3A_4116, %sub3A_4116 : vector<16xf32>
      %broadcast_in_dim3A_4118 = arith.constant 0.0703768358 : f32
      %broadcast_in_dim3A_4119 = vector.broadcast %broadcast_in_dim3A_4118 : f32 to vector<16xf32>
      %mul3A_4120 = arith.mulf %broadcast_in_dim3A_4119, %sub3A_4116 : vector<16xf32>
      %add3A_4121 = arith.constant -0.115146101 : f32
      %add3A_4122 = vector.broadcast %add3A_4121 : f32 to vector<16xf32>
      %add3A_4123 = arith.addf %mul3A_4120, %add3A_4122 : vector<16xf32>
      %mul3A_4124 = arith.mulf %add3A_4123, %sub3A_4116 : vector<16xf32>
      %add3A_4125 = arith.constant 0.116769984 : f32
      %add3A_4126 = vector.broadcast %add3A_4125 : f32 to vector<16xf32>
      %add3A_4127 = arith.addf %mul3A_4124, %add3A_4126 : vector<16xf32>
      %mul3A_4128 = arith.mulf %add3A_4127, %sub3A_4116 : vector<16xf32>
      %add3A_4129 = arith.constant -0.12420141 : f32
      %add3A_4130 = vector.broadcast %add3A_4129 : f32 to vector<16xf32>
      %add3A_4131 = arith.addf %mul3A_4128, %add3A_4130 : vector<16xf32>
      %mul3A_4132 = arith.mulf %add3A_4131, %sub3A_4116 : vector<16xf32>
      %add3A_4133 = arith.constant 0.142493233 : f32
      %add3A_4134 = vector.broadcast %add3A_4133 : f32 to vector<16xf32>
      %add3A_4135 = arith.addf %mul3A_4132, %add3A_4134 : vector<16xf32>
      %mul3A_4136 = arith.mulf %add3A_4135, %sub3A_4116 : vector<16xf32>
      %add3A_4137 = arith.constant -0.166680574 : f32
      %add3A_4138 = vector.broadcast %add3A_4137 : f32 to vector<16xf32>
      %add3A_4139 = arith.addf %mul3A_4136, %add3A_4138 : vector<16xf32>
      %mul3A_4140 = arith.mulf %add3A_4139, %sub3A_4116 : vector<16xf32>
      %add3A_4141 = arith.constant 0.200007141 : f32
      %add3A_4142 = vector.broadcast %add3A_4141 : f32 to vector<16xf32>
      %add3A_4143 = arith.addf %mul3A_4140, %add3A_4142 : vector<16xf32>
      %mul3A_4144 = arith.mulf %add3A_4143, %sub3A_4116 : vector<16xf32>
      %add3A_4145 = arith.constant -0.24999994 : f32
      %add3A_4146 = vector.broadcast %add3A_4145 : f32 to vector<16xf32>
      %add3A_4147 = arith.addf %mul3A_4144, %add3A_4146 : vector<16xf32>
      %mul3A_4148 = arith.mulf %add3A_4147, %sub3A_4116 : vector<16xf32>
      %add3A_4149 = arith.constant 0.333333313 : f32
      %add3A_4150 = vector.broadcast %add3A_4149 : f32 to vector<16xf32>
      %add3A_4151 = arith.addf %mul3A_4148, %add3A_4150 : vector<16xf32>
      %mul3A_4152 = arith.mulf %add3A_4151, %sub3A_4116 : vector<16xf32>
      %mul3A_4153 = arith.mulf %mul3A_4152, %mul3A_4117 : vector<16xf32>
      %mul3A_4154 = arith.constant 5.000000e-01 : f32
      %mul3A_4155 = vector.broadcast %mul3A_4154 : f32 to vector<16xf32>
      %mul3A_4156 = arith.mulf %mul3A_4155, %mul3A_4117 : vector<16xf32>
      %sub3A_4157 = arith.subf %mul3A_4153, %mul3A_4156 : vector<16xf32>
      %add3A_4158 = arith.addf %sub3A_4116, %sub3A_4157 : vector<16xf32>
      %convert_element_type3A_4159 = arith.sitofp %add3A_4113 : vector<16xi32> to vector<16xf32>
      %mul3A_4160 = arith.constant 0.693147182 : f32
      %mul3A_4161 = vector.broadcast %mul3A_4160 : f32 to vector<16xf32>
      %mul3A_4162 = arith.mulf %convert_element_type3A_4159, %mul3A_4161 : vector<16xf32>
      %add3A_4163 = arith.addf %add3A_4158, %mul3A_4162 : vector<16xf32>
      %sub3A_4164 = arith.subf %add3A_4163, %get3A_4070 : vector<16xf32>
      %mul3A_4165 = arith.mulf %mul3A_4083, %sub3A_4164 : vector<16xf32>
      %jit3A_4166 = arith.constant 0.000000e+00 : f32
      %broadcast_in_dim3A_4167 = vector.broadcast %jit3A_4166 : f32 to vector<16xf32>
      %select_n3A_4168 = arith.select %and3A_4080, %mul3A_4165, %broadcast_in_dim3A_4167 : vector<16xi1>, vector<16xf32>
      %add3A_4169 = arith.addf %add3A_4056, %select_n3A_4168 : vector<16xf32>
      %jit3A_4170 = arith.constant 1.000000e+00 : f32
      %jit3A_4171 = arith.constant 0.000000e+00 : f32
      %broadcast_in_dim3A_4172 = vector.broadcast %jit3A_4170 : f32 to vector<16xf32>
      %broadcast_in_dim3A_4173 = vector.broadcast %jit3A_4171 : f32 to vector<16xf32>
      %select_n3A_4174 = arith.select %and3A_4080, %broadcast_in_dim3A_4172, %broadcast_in_dim3A_4173 : vector<16xi1>, vector<16xf32>
      %add3A_4175 = arith.addf %add3A_4062, %select_n3A_4174 : vector<16xf32>
      %get3A_4176 = arith.constant 27 : i32
      %get3A_4177 = arith.index_cast %get3A_4176 : i32 to index
      %get3A_4178 = arith.constant 16 : index
      %get3A_4179 = tpu.vector_load %arg5[%get3A_4177, %get3A_4178] {strides = array<i32>} : memref<32x32xf32, #tpu.memory_space<vmem>>, vector<16xf32>,
      %get3A_4180 = arith.constant 27 : i32
      %get3A_4181 = arith.index_cast %get3A_4180 : i32 to index
      %get3A_4182 = arith.constant 16 : index
      %get3A_4183 = tpu.vector_load %arg6[%get3A_4181, %get3A_4182] {strides = array<i32>} : memref<32x32xf32, #tpu.memory_space<vmem>>, vector<16xf32>,
      %add3A_4184 = arith.constant 16 : i32
      %add3A_4185 = vector.broadcast %add3A_4184 : i32 to vector<16xi32>
      %add3A_4186 = arith.addi %add3A_4185, %iota3A : vector<16xi32>
      %lt3A_4187 = arith.constant 27 : i32
      %lt3A_4188 = vector.broadcast %lt3A_4187 : i32 to vector<16xi32>
      %lt3A_4189 = arith.cmpi slt, %add3A_4186, %lt3A_4188 : vector<16xi32>
      %gt3A_4190 = arith.constant 0.000000e+00 : f32
      %gt3A_4191 = vector.broadcast %gt3A_4190 : f32 to vector<16xf32>
      %gt3A_4192 = arith.cmpf ogt, %get3A_4179, %gt3A_4191 : vector<16xf32>
      %and3A_4193 = arith.andi %lt3A_4189, %gt3A_4192 : vector<16xi1>
      %mul3A_4194 = arith.constant 6.10351563E-5 : f32
      %mul3A_4195 = vector.broadcast %mul3A_4194 : f32 to vector<16xf32>
      %mul3A_4196 = arith.mulf %get3A_4179, %mul3A_4195 : vector<16xf32>
      %max3A_4197 = arith.constant 1.000000e-30 : f32
      %max3A_4198 = vector.broadcast %max3A_4197 : f32 to vector<16xf32>
      %max3A_4199 = arith.maximumf %mul3A_4196, %max3A_4198 : vector<16xf32>
      %bitcast_convert_type3A_4200 = tpu.bitcast %max3A_4199 : vector<16xf32> -> vector<16xi32>
      %shift_right_arithmetic3A_4201 = arith.constant 23 : i32
      %shift_right_arithmetic3A_4202 = vector.broadcast %shift_right_arithmetic3A_4201 : i32 to vector<16xi32>
      %shift_right_arithmetic3A_4203 = arith.shrsi %bitcast_convert_type3A_4200, %shift_right_arithmetic3A_4202 : vector<16xi32>
      %sub3A_4204 = arith.constant 127 : i32
      %sub3A_4205 = vector.broadcast %sub3A_4204 : i32 to vector<16xi32>
      %sub3A_4206 = arith.subi %shift_right_arithmetic3A_4203, %sub3A_4205 : vector<16xi32>
      %and3A_4207 = arith.constant 8388607 : i32
      %and3A_4208 = vector.broadcast %and3A_4207 : i32 to vector<16xi32>
      %and3A_4209 = arith.andi %bitcast_convert_type3A_4200, %and3A_4208 : vector<16xi32>
      %or3A_4210 = arith.constant 1065353216 : i32
      %or3A_4211 = vector.broadcast %or3A_4210 : i32 to vector<16xi32>
      %or3A_4212 = arith.ori %and3A_4209, %or3A_4211 : vector<16xi32>
      %bitcast_convert_type3A_4213 = tpu.bitcast %or3A_4212 : vector<16xi32> -> vector<16xf32>
      %gt3A_4214 = arith.constant 1.41421354 : f32
      %gt3A_4215 = vector.broadcast %gt3A_4214 : f32 to vector<16xf32>
      %gt3A_4216 = arith.cmpf ogt, %bitcast_convert_type3A_4213, %gt3A_4215 : vector<16xf32>
      %mul3A_4217 = arith.constant 5.000000e-01 : f32
      %mul3A_4218 = vector.broadcast %mul3A_4217 : f32 to vector<16xf32>
      %mul3A_4219 = arith.mulf %bitcast_convert_type3A_4213, %mul3A_4218 : vector<16xf32>
      %select_n3A_4220 = arith.select %gt3A_4216, %mul3A_4219, %bitcast_convert_type3A_4213 : vector<16xi1>, vector<16xf32>
      %jit3A_4221 = arith.constant 1 : i32
      %jit3A_4222 = arith.constant 0 : i32
      %broadcast_in_dim3A_4223 = vector.broadcast %jit3A_4221 : i32 to vector<16xi32>
      %broadcast_in_dim3A_4224 = vector.broadcast %jit3A_4222 : i32 to vector<16xi32>
      %select_n3A_4225 = arith.select %gt3A_4216, %broadcast_in_dim3A_4223, %broadcast_in_dim3A_4224 : vector<16xi1>, vector<16xi32>
      %add3A_4226 = arith.addi %sub3A_4206, %select_n3A_4225 : vector<16xi32>
      %sub3A_4227 = arith.constant 1.000000e+00 : f32
      %sub3A_4228 = vector.broadcast %sub3A_4227 : f32 to vector<16xf32>
      %sub3A_4229 = arith.subf %select_n3A_4220, %sub3A_4228 : vector<16xf32>
      %mul3A_4230 = arith.mulf %sub3A_4229, %sub3A_4229 : vector<16xf32>
      %broadcast_in_dim3A_4231 = arith.constant 0.0703768358 : f32
      %broadcast_in_dim3A_4232 = vector.broadcast %broadcast_in_dim3A_4231 : f32 to vector<16xf32>
      %mul3A_4233 = arith.mulf %broadcast_in_dim3A_4232, %sub3A_4229 : vector<16xf32>
      %add3A_4234 = arith.constant -0.115146101 : f32
      %add3A_4235 = vector.broadcast %add3A_4234 : f32 to vector<16xf32>
      %add3A_4236 = arith.addf %mul3A_4233, %add3A_4235 : vector<16xf32>
      %mul3A_4237 = arith.mulf %add3A_4236, %sub3A_4229 : vector<16xf32>
      %add3A_4238 = arith.constant 0.116769984 : f32
      %add3A_4239 = vector.broadcast %add3A_4238 : f32 to vector<16xf32>
      %add3A_4240 = arith.addf %mul3A_4237, %add3A_4239 : vector<16xf32>
      %mul3A_4241 = arith.mulf %add3A_4240, %sub3A_4229 : vector<16xf32>
      %add3A_4242 = arith.constant -0.12420141 : f32
      %add3A_4243 = vector.broadcast %add3A_4242 : f32 to vector<16xf32>
      %add3A_4244 = arith.addf %mul3A_4241, %add3A_4243 : vector<16xf32>
      %mul3A_4245 = arith.mulf %add3A_4244, %sub3A_4229 : vector<16xf32>
      %add3A_4246 = arith.constant 0.142493233 : f32
      %add3A_4247 = vector.broadcast %add3A_4246 : f32 to vector<16xf32>
      %add3A_4248 = arith.addf %mul3A_4245, %add3A_4247 : vector<16xf32>
      %mul3A_4249 = arith.mulf %add3A_4248, %sub3A_4229 : vector<16xf32>
      %add3A_4250 = arith.constant -0.166680574 : f32
      %add3A_4251 = vector.broadcast %add3A_4250 : f32 to vector<16xf32>
      %add3A_4252 = arith.addf %mul3A_4249, %add3A_4251 : vector<16xf32>
      %mul3A_4253 = arith.mulf %add3A_4252, %sub3A_4229 : vector<16xf32>
      %add3A_4254 = arith.constant 0.200007141 : f32
      %add3A_4255 = vector.broadcast %add3A_4254 : f32 to vector<16xf32>
      %add3A_4256 = arith.addf %mul3A_4253, %add3A_4255 : vector<16xf32>
      %mul3A_4257 = arith.mulf %add3A_4256, %sub3A_4229 : vector<16xf32>
      %add3A_4258 = arith.constant -0.24999994 : f32
      %add3A_4259 = vector.broadcast %add3A_4258 : f32 to vector<16xf32>
      %add3A_4260 = arith.addf %mul3A_4257, %add3A_4259 : vector<16xf32>
      %mul3A_4261 = arith.mulf %add3A_4260, %sub3A_4229 : vector<16xf32>
      %add3A_4262 = arith.constant 0.333333313 : f32
      %add3A_4263 = vector.broadcast %add3A_4262 : f32 to vector<16xf32>
      %add3A_4264 = arith.addf %mul3A_4261, %add3A_4263 : vector<16xf32>
      %mul3A_4265 = arith.mulf %add3A_4264, %sub3A_4229 : vector<16xf32>
      %mul3A_4266 = arith.mulf %mul3A_4265, %mul3A_4230 : vector<16xf32>
      %mul3A_4267 = arith.constant 5.000000e-01 : f32
      %mul3A_4268 = vector.broadcast %mul3A_4267 : f32 to vector<16xf32>
      %mul3A_4269 = arith.mulf %mul3A_4268, %mul3A_4230 : vector<16xf32>
      %sub3A_4270 = arith.subf %mul3A_4266, %mul3A_4269 : vector<16xf32>
      %add3A_4271 = arith.addf %sub3A_4229, %sub3A_4270 : vector<16xf32>
      %convert_element_type3A_4272 = arith.sitofp %add3A_4226 : vector<16xi32> to vector<16xf32>
      %mul3A_4273 = arith.constant 0.693147182 : f32
      %mul3A_4274 = vector.broadcast %mul3A_4273 : f32 to vector<16xf32>
      %mul3A_4275 = arith.mulf %convert_element_type3A_4272, %mul3A_4274 : vector<16xf32>
      %add3A_4276 = arith.addf %add3A_4271, %mul3A_4275 : vector<16xf32>
      %sub3A_4277 = arith.subf %add3A_4276, %get3A_4183 : vector<16xf32>
      %mul3A_4278 = arith.mulf %mul3A_4196, %sub3A_4277 : vector<16xf32>
      %jit3A_4279 = arith.constant 0.000000e+00 : f32
      %broadcast_in_dim3A_4280 = vector.broadcast %jit3A_4279 : f32 to vector<16xf32>
      %select_n3A_4281 = arith.select %and3A_4193, %mul3A_4278, %broadcast_in_dim3A_4280 : vector<16xi1>, vector<16xf32>
      %add3A_4282 = arith.addf %add3A_4169, %select_n3A_4281 : vector<16xf32>
      %jit3A_4283 = arith.constant 1.000000e+00 : f32
      %jit3A_4284 = arith.constant 0.000000e+00 : f32
      %broadcast_in_dim3A_4285 = vector.broadcast %jit3A_4283 : f32 to vector<16xf32>
      %broadcast_in_dim3A_4286 = vector.broadcast %jit3A_4284 : f32 to vector<16xf32>
      %select_n3A_4287 = arith.select %and3A_4193, %broadcast_in_dim3A_4285, %broadcast_in_dim3A_4286 : vector<16xi1>, vector<16xf32>
      %add3A_4288 = arith.addf %add3A_4175, %select_n3A_4287 : vector<16xf32>
      %get3A_4289 = arith.constant 28 : i32
      %get3A_4290 = arith.index_cast %get3A_4289 : i32 to index
      %get3A_4291 = arith.constant 0 : index
      %get3A_4292 = tpu.vector_load %arg5[%get3A_4290, %get3A_4291] {strides = array<i32>} : memref<32x32xf32, #tpu.memory_space<vmem>>, vector<16xf32>,
      %get3A_4293 = arith.constant 28 : i32
      %get3A_4294 = arith.index_cast %get3A_4293 : i32 to index
      %get3A_4295 = arith.constant 0 : index
      %get3A_4296 = tpu.vector_load %arg6[%get3A_4294, %get3A_4295] {strides = array<i32>} : memref<32x32xf32, #tpu.memory_space<vmem>>, vector<16xf32>,
      %add3A_4297 = arith.constant 0 : i32
      %add3A_4298 = vector.broadcast %add3A_4297 : i32 to vector<16xi32>
      %add3A_4299 = arith.addi %add3A_4298, %iota3A : vector<16xi32>
      %lt3A_4300 = arith.constant 28 : i32
      %lt3A_4301 = vector.broadcast %lt3A_4300 : i32 to vector<16xi32>
      %lt3A_4302 = arith.cmpi slt, %add3A_4299, %lt3A_4301 : vector<16xi32>
      %gt3A_4303 = arith.constant 0.000000e+00 : f32
      %gt3A_4304 = vector.broadcast %gt3A_4303 : f32 to vector<16xf32>
      %gt3A_4305 = arith.cmpf ogt, %get3A_4292, %gt3A_4304 : vector<16xf32>
      %and3A_4306 = arith.andi %lt3A_4302, %gt3A_4305 : vector<16xi1>
      %mul3A_4307 = arith.constant 6.10351563E-5 : f32
      %mul3A_4308 = vector.broadcast %mul3A_4307 : f32 to vector<16xf32>
      %mul3A_4309 = arith.mulf %get3A_4292, %mul3A_4308 : vector<16xf32>
      %max3A_4310 = arith.constant 1.000000e-30 : f32
      %max3A_4311 = vector.broadcast %max3A_4310 : f32 to vector<16xf32>
      %max3A_4312 = arith.maximumf %mul3A_4309, %max3A_4311 : vector<16xf32>
      %bitcast_convert_type3A_4313 = tpu.bitcast %max3A_4312 : vector<16xf32> -> vector<16xi32>
      %shift_right_arithmetic3A_4314 = arith.constant 23 : i32
      %shift_right_arithmetic3A_4315 = vector.broadcast %shift_right_arithmetic3A_4314 : i32 to vector<16xi32>
      %shift_right_arithmetic3A_4316 = arith.shrsi %bitcast_convert_type3A_4313, %shift_right_arithmetic3A_4315 : vector<16xi32>
      %sub3A_4317 = arith.constant 127 : i32
      %sub3A_4318 = vector.broadcast %sub3A_4317 : i32 to vector<16xi32>
      %sub3A_4319 = arith.subi %shift_right_arithmetic3A_4316, %sub3A_4318 : vector<16xi32>
      %and3A_4320 = arith.constant 8388607 : i32
      %and3A_4321 = vector.broadcast %and3A_4320 : i32 to vector<16xi32>
      %and3A_4322 = arith.andi %bitcast_convert_type3A_4313, %and3A_4321 : vector<16xi32>
      %or3A_4323 = arith.constant 1065353216 : i32
      %or3A_4324 = vector.broadcast %or3A_4323 : i32 to vector<16xi32>
      %or3A_4325 = arith.ori %and3A_4322, %or3A_4324 : vector<16xi32>
      %bitcast_convert_type3A_4326 = tpu.bitcast %or3A_4325 : vector<16xi32> -> vector<16xf32>
      %gt3A_4327 = arith.constant 1.41421354 : f32
      %gt3A_4328 = vector.broadcast %gt3A_4327 : f32 to vector<16xf32>
      %gt3A_4329 = arith.cmpf ogt, %bitcast_convert_type3A_4326, %gt3A_4328 : vector<16xf32>
      %mul3A_4330 = arith.constant 5.000000e-01 : f32
      %mul3A_4331 = vector.broadcast %mul3A_4330 : f32 to vector<16xf32>
      %mul3A_4332 = arith.mulf %bitcast_convert_type3A_4326, %mul3A_4331 : vector<16xf32>
      %select_n3A_4333 = arith.select %gt3A_4329, %mul3A_4332, %bitcast_convert_type3A_4326 : vector<16xi1>, vector<16xf32>
      %jit3A_4334 = arith.constant 1 : i32
      %jit3A_4335 = arith.constant 0 : i32
      %broadcast_in_dim3A_4336 = vector.broadcast %jit3A_4334 : i32 to vector<16xi32>
      %broadcast_in_dim3A_4337 = vector.broadcast %jit3A_4335 : i32 to vector<16xi32>
      %select_n3A_4338 = arith.select %gt3A_4329, %broadcast_in_dim3A_4336, %broadcast_in_dim3A_4337 : vector<16xi1>, vector<16xi32>
      %add3A_4339 = arith.addi %sub3A_4319, %select_n3A_4338 : vector<16xi32>
      %sub3A_4340 = arith.constant 1.000000e+00 : f32
      %sub3A_4341 = vector.broadcast %sub3A_4340 : f32 to vector<16xf32>
      %sub3A_4342 = arith.subf %select_n3A_4333, %sub3A_4341 : vector<16xf32>
      %mul3A_4343 = arith.mulf %sub3A_4342, %sub3A_4342 : vector<16xf32>
      %broadcast_in_dim3A_4344 = arith.constant 0.0703768358 : f32
      %broadcast_in_dim3A_4345 = vector.broadcast %broadcast_in_dim3A_4344 : f32 to vector<16xf32>
      %mul3A_4346 = arith.mulf %broadcast_in_dim3A_4345, %sub3A_4342 : vector<16xf32>
      %add3A_4347 = arith.constant -0.115146101 : f32
      %add3A_4348 = vector.broadcast %add3A_4347 : f32 to vector<16xf32>
      %add3A_4349 = arith.addf %mul3A_4346, %add3A_4348 : vector<16xf32>
      %mul3A_4350 = arith.mulf %add3A_4349, %sub3A_4342 : vector<16xf32>
      %add3A_4351 = arith.constant 0.116769984 : f32
      %add3A_4352 = vector.broadcast %add3A_4351 : f32 to vector<16xf32>
      %add3A_4353 = arith.addf %mul3A_4350, %add3A_4352 : vector<16xf32>
      %mul3A_4354 = arith.mulf %add3A_4353, %sub3A_4342 : vector<16xf32>
      %add3A_4355 = arith.constant -0.12420141 : f32
      %add3A_4356 = vector.broadcast %add3A_4355 : f32 to vector<16xf32>
      %add3A_4357 = arith.addf %mul3A_4354, %add3A_4356 : vector<16xf32>
      %mul3A_4358 = arith.mulf %add3A_4357, %sub3A_4342 : vector<16xf32>
      %add3A_4359 = arith.constant 0.142493233 : f32
      %add3A_4360 = vector.broadcast %add3A_4359 : f32 to vector<16xf32>
      %add3A_4361 = arith.addf %mul3A_4358, %add3A_4360 : vector<16xf32>
      %mul3A_4362 = arith.mulf %add3A_4361, %sub3A_4342 : vector<16xf32>
      %add3A_4363 = arith.constant -0.166680574 : f32
      %add3A_4364 = vector.broadcast %add3A_4363 : f32 to vector<16xf32>
      %add3A_4365 = arith.addf %mul3A_4362, %add3A_4364 : vector<16xf32>
      %mul3A_4366 = arith.mulf %add3A_4365, %sub3A_4342 : vector<16xf32>
      %add3A_4367 = arith.constant 0.200007141 : f32
      %add3A_4368 = vector.broadcast %add3A_4367 : f32 to vector<16xf32>
      %add3A_4369 = arith.addf %mul3A_4366, %add3A_4368 : vector<16xf32>
      %mul3A_4370 = arith.mulf %add3A_4369, %sub3A_4342 : vector<16xf32>
      %add3A_4371 = arith.constant -0.24999994 : f32
      %add3A_4372 = vector.broadcast %add3A_4371 : f32 to vector<16xf32>
      %add3A_4373 = arith.addf %mul3A_4370, %add3A_4372 : vector<16xf32>
      %mul3A_4374 = arith.mulf %add3A_4373, %sub3A_4342 : vector<16xf32>
      %add3A_4375 = arith.constant 0.333333313 : f32
      %add3A_4376 = vector.broadcast %add3A_4375 : f32 to vector<16xf32>
      %add3A_4377 = arith.addf %mul3A_4374, %add3A_4376 : vector<16xf32>
      %mul3A_4378 = arith.mulf %add3A_4377, %sub3A_4342 : vector<16xf32>
      %mul3A_4379 = arith.mulf %mul3A_4378, %mul3A_4343 : vector<16xf32>
      %mul3A_4380 = arith.constant 5.000000e-01 : f32
      %mul3A_4381 = vector.broadcast %mul3A_4380 : f32 to vector<16xf32>
      %mul3A_4382 = arith.mulf %mul3A_4381, %mul3A_4343 : vector<16xf32>
      %sub3A_4383 = arith.subf %mul3A_4379, %mul3A_4382 : vector<16xf32>
      %add3A_4384 = arith.addf %sub3A_4342, %sub3A_4383 : vector<16xf32>
      %convert_element_type3A_4385 = arith.sitofp %add3A_4339 : vector<16xi32> to vector<16xf32>
      %mul3A_4386 = arith.constant 0.693147182 : f32
      %mul3A_4387 = vector.broadcast %mul3A_4386 : f32 to vector<16xf32>
      %mul3A_4388 = arith.mulf %convert_element_type3A_4385, %mul3A_4387 : vector<16xf32>
      %add3A_4389 = arith.addf %add3A_4384, %mul3A_4388 : vector<16xf32>
      %sub3A_4390 = arith.subf %add3A_4389, %get3A_4296 : vector<16xf32>
      %mul3A_4391 = arith.mulf %mul3A_4309, %sub3A_4390 : vector<16xf32>
      %jit3A_4392 = arith.constant 0.000000e+00 : f32
      %broadcast_in_dim3A_4393 = vector.broadcast %jit3A_4392 : f32 to vector<16xf32>
      %select_n3A_4394 = arith.select %and3A_4306, %mul3A_4391, %broadcast_in_dim3A_4393 : vector<16xi1>, vector<16xf32>
      %add3A_4395 = arith.addf %add3A_4282, %select_n3A_4394 : vector<16xf32>
      %jit3A_4396 = arith.constant 1.000000e+00 : f32
      %jit3A_4397 = arith.constant 0.000000e+00 : f32
      %broadcast_in_dim3A_4398 = vector.broadcast %jit3A_4396 : f32 to vector<16xf32>
      %broadcast_in_dim3A_4399 = vector.broadcast %jit3A_4397 : f32 to vector<16xf32>
      %select_n3A_4400 = arith.select %and3A_4306, %broadcast_in_dim3A_4398, %broadcast_in_dim3A_4399 : vector<16xi1>, vector<16xf32>
      %add3A_4401 = arith.addf %add3A_4288, %select_n3A_4400 : vector<16xf32>
      %get3A_4402 = arith.constant 28 : i32
      %get3A_4403 = arith.index_cast %get3A_4402 : i32 to index
      %get3A_4404 = arith.constant 16 : index
      %get3A_4405 = tpu.vector_load %arg5[%get3A_4403, %get3A_4404] {strides = array<i32>} : memref<32x32xf32, #tpu.memory_space<vmem>>, vector<16xf32>,
      %get3A_4406 = arith.constant 28 : i32
      %get3A_4407 = arith.index_cast %get3A_4406 : i32 to index
      %get3A_4408 = arith.constant 16 : index
      %get3A_4409 = tpu.vector_load %arg6[%get3A_4407, %get3A_4408] {strides = array<i32>} : memref<32x32xf32, #tpu.memory_space<vmem>>, vector<16xf32>,
      %add3A_4410 = arith.constant 16 : i32
      %add3A_4411 = vector.broadcast %add3A_4410 : i32 to vector<16xi32>
      %add3A_4412 = arith.addi %add3A_4411, %iota3A : vector<16xi32>
      %lt3A_4413 = arith.constant 28 : i32
      %lt3A_4414 = vector.broadcast %lt3A_4413 : i32 to vector<16xi32>
      %lt3A_4415 = arith.cmpi slt, %add3A_4412, %lt3A_4414 : vector<16xi32>
      %gt3A_4416 = arith.constant 0.000000e+00 : f32
      %gt3A_4417 = vector.broadcast %gt3A_4416 : f32 to vector<16xf32>
      %gt3A_4418 = arith.cmpf ogt, %get3A_4405, %gt3A_4417 : vector<16xf32>
      %and3A_4419 = arith.andi %lt3A_4415, %gt3A_4418 : vector<16xi1>
      %mul3A_4420 = arith.constant 6.10351563E-5 : f32
      %mul3A_4421 = vector.broadcast %mul3A_4420 : f32 to vector<16xf32>
      %mul3A_4422 = arith.mulf %get3A_4405, %mul3A_4421 : vector<16xf32>
      %max3A_4423 = arith.constant 1.000000e-30 : f32
      %max3A_4424 = vector.broadcast %max3A_4423 : f32 to vector<16xf32>
      %max3A_4425 = arith.maximumf %mul3A_4422, %max3A_4424 : vector<16xf32>
      %bitcast_convert_type3A_4426 = tpu.bitcast %max3A_4425 : vector<16xf32> -> vector<16xi32>
      %shift_right_arithmetic3A_4427 = arith.constant 23 : i32
      %shift_right_arithmetic3A_4428 = vector.broadcast %shift_right_arithmetic3A_4427 : i32 to vector<16xi32>
      %shift_right_arithmetic3A_4429 = arith.shrsi %bitcast_convert_type3A_4426, %shift_right_arithmetic3A_4428 : vector<16xi32>
      %sub3A_4430 = arith.constant 127 : i32
      %sub3A_4431 = vector.broadcast %sub3A_4430 : i32 to vector<16xi32>
      %sub3A_4432 = arith.subi %shift_right_arithmetic3A_4429, %sub3A_4431 : vector<16xi32>
      %and3A_4433 = arith.constant 8388607 : i32
      %and3A_4434 = vector.broadcast %and3A_4433 : i32 to vector<16xi32>
      %and3A_4435 = arith.andi %bitcast_convert_type3A_4426, %and3A_4434 : vector<16xi32>
      %or3A_4436 = arith.constant 1065353216 : i32
      %or3A_4437 = vector.broadcast %or3A_4436 : i32 to vector<16xi32>
      %or3A_4438 = arith.ori %and3A_4435, %or3A_4437 : vector<16xi32>
      %bitcast_convert_type3A_4439 = tpu.bitcast %or3A_4438 : vector<16xi32> -> vector<16xf32>
      %gt3A_4440 = arith.constant 1.41421354 : f32
      %gt3A_4441 = vector.broadcast %gt3A_4440 : f32 to vector<16xf32>
      %gt3A_4442 = arith.cmpf ogt, %bitcast_convert_type3A_4439, %gt3A_4441 : vector<16xf32>
      %mul3A_4443 = arith.constant 5.000000e-01 : f32
      %mul3A_4444 = vector.broadcast %mul3A_4443 : f32 to vector<16xf32>
      %mul3A_4445 = arith.mulf %bitcast_convert_type3A_4439, %mul3A_4444 : vector<16xf32>
      %select_n3A_4446 = arith.select %gt3A_4442, %mul3A_4445, %bitcast_convert_type3A_4439 : vector<16xi1>, vector<16xf32>
      %jit3A_4447 = arith.constant 1 : i32
      %jit3A_4448 = arith.constant 0 : i32
      %broadcast_in_dim3A_4449 = vector.broadcast %jit3A_4447 : i32 to vector<16xi32>
      %broadcast_in_dim3A_4450 = vector.broadcast %jit3A_4448 : i32 to vector<16xi32>
      %select_n3A_4451 = arith.select %gt3A_4442, %broadcast_in_dim3A_4449, %broadcast_in_dim3A_4450 : vector<16xi1>, vector<16xi32>
      %add3A_4452 = arith.addi %sub3A_4432, %select_n3A_4451 : vector<16xi32>
      %sub3A_4453 = arith.constant 1.000000e+00 : f32
      %sub3A_4454 = vector.broadcast %sub3A_4453 : f32 to vector<16xf32>
      %sub3A_4455 = arith.subf %select_n3A_4446, %sub3A_4454 : vector<16xf32>
      %mul3A_4456 = arith.mulf %sub3A_4455, %sub3A_4455 : vector<16xf32>
      %broadcast_in_dim3A_4457 = arith.constant 0.0703768358 : f32
      %broadcast_in_dim3A_4458 = vector.broadcast %broadcast_in_dim3A_4457 : f32 to vector<16xf32>
      %mul3A_4459 = arith.mulf %broadcast_in_dim3A_4458, %sub3A_4455 : vector<16xf32>
      %add3A_4460 = arith.constant -0.115146101 : f32
      %add3A_4461 = vector.broadcast %add3A_4460 : f32 to vector<16xf32>
      %add3A_4462 = arith.addf %mul3A_4459, %add3A_4461 : vector<16xf32>
      %mul3A_4463 = arith.mulf %add3A_4462, %sub3A_4455 : vector<16xf32>
      %add3A_4464 = arith.constant 0.116769984 : f32
      %add3A_4465 = vector.broadcast %add3A_4464 : f32 to vector<16xf32>
      %add3A_4466 = arith.addf %mul3A_4463, %add3A_4465 : vector<16xf32>
      %mul3A_4467 = arith.mulf %add3A_4466, %sub3A_4455 : vector<16xf32>
      %add3A_4468 = arith.constant -0.12420141 : f32
      %add3A_4469 = vector.broadcast %add3A_4468 : f32 to vector<16xf32>
      %add3A_4470 = arith.addf %mul3A_4467, %add3A_4469 : vector<16xf32>
      %mul3A_4471 = arith.mulf %add3A_4470, %sub3A_4455 : vector<16xf32>
      %add3A_4472 = arith.constant 0.142493233 : f32
      %add3A_4473 = vector.broadcast %add3A_4472 : f32 to vector<16xf32>
      %add3A_4474 = arith.addf %mul3A_4471, %add3A_4473 : vector<16xf32>
      %mul3A_4475 = arith.mulf %add3A_4474, %sub3A_4455 : vector<16xf32>
      %add3A_4476 = arith.constant -0.166680574 : f32
      %add3A_4477 = vector.broadcast %add3A_4476 : f32 to vector<16xf32>
      %add3A_4478 = arith.addf %mul3A_4475, %add3A_4477 : vector<16xf32>
      %mul3A_4479 = arith.mulf %add3A_4478, %sub3A_4455 : vector<16xf32>
      %add3A_4480 = arith.constant 0.200007141 : f32
      %add3A_4481 = vector.broadcast %add3A_4480 : f32 to vector<16xf32>
      %add3A_4482 = arith.addf %mul3A_4479, %add3A_4481 : vector<16xf32>
      %mul3A_4483 = arith.mulf %add3A_4482, %sub3A_4455 : vector<16xf32>
      %add3A_4484 = arith.constant -0.24999994 : f32
      %add3A_4485 = vector.broadcast %add3A_4484 : f32 to vector<16xf32>
      %add3A_4486 = arith.addf %mul3A_4483, %add3A_4485 : vector<16xf32>
      %mul3A_4487 = arith.mulf %add3A_4486, %sub3A_4455 : vector<16xf32>
      %add3A_4488 = arith.constant 0.333333313 : f32
      %add3A_4489 = vector.broadcast %add3A_4488 : f32 to vector<16xf32>
      %add3A_4490 = arith.addf %mul3A_4487, %add3A_4489 : vector<16xf32>
      %mul3A_4491 = arith.mulf %add3A_4490, %sub3A_4455 : vector<16xf32>
      %mul3A_4492 = arith.mulf %mul3A_4491, %mul3A_4456 : vector<16xf32>
      %mul3A_4493 = arith.constant 5.000000e-01 : f32
      %mul3A_4494 = vector.broadcast %mul3A_4493 : f32 to vector<16xf32>
      %mul3A_4495 = arith.mulf %mul3A_4494, %mul3A_4456 : vector<16xf32>
      %sub3A_4496 = arith.subf %mul3A_4492, %mul3A_4495 : vector<16xf32>
      %add3A_4497 = arith.addf %sub3A_4455, %sub3A_4496 : vector<16xf32>
      %convert_element_type3A_4498 = arith.sitofp %add3A_4452 : vector<16xi32> to vector<16xf32>
      %mul3A_4499 = arith.constant 0.693147182 : f32
      %mul3A_4500 = vector.broadcast %mul3A_4499 : f32 to vector<16xf32>
      %mul3A_4501 = arith.mulf %convert_element_type3A_4498, %mul3A_4500 : vector<16xf32>
      %add3A_4502 = arith.addf %add3A_4497, %mul3A_4501 : vector<16xf32>
      %sub3A_4503 = arith.subf %add3A_4502, %get3A_4409 : vector<16xf32>
      %mul3A_4504 = arith.mulf %mul3A_4422, %sub3A_4503 : vector<16xf32>
      %jit3A_4505 = arith.constant 0.000000e+00 : f32
      %broadcast_in_dim3A_4506 = vector.broadcast %jit3A_4505 : f32 to vector<16xf32>
      %select_n3A_4507 = arith.select %and3A_4419, %mul3A_4504, %broadcast_in_dim3A_4506 : vector<16xi1>, vector<16xf32>
      %add3A_4508 = arith.addf %add3A_4395, %select_n3A_4507 : vector<16xf32>
      %jit3A_4509 = arith.constant 1.000000e+00 : f32
      %jit3A_4510 = arith.constant 0.000000e+00 : f32
      %broadcast_in_dim3A_4511 = vector.broadcast %jit3A_4509 : f32 to vector<16xf32>
      %broadcast_in_dim3A_4512 = vector.broadcast %jit3A_4510 : f32 to vector<16xf32>
      %select_n3A_4513 = arith.select %and3A_4419, %broadcast_in_dim3A_4511, %broadcast_in_dim3A_4512 : vector<16xi1>, vector<16xf32>
      %add3A_4514 = arith.addf %add3A_4401, %select_n3A_4513 : vector<16xf32>
      %get3A_4515 = arith.constant 29 : i32
      %get3A_4516 = arith.index_cast %get3A_4515 : i32 to index
      %get3A_4517 = arith.constant 0 : index
      %get3A_4518 = tpu.vector_load %arg5[%get3A_4516, %get3A_4517] {strides = array<i32>} : memref<32x32xf32, #tpu.memory_space<vmem>>, vector<16xf32>,
      %get3A_4519 = arith.constant 29 : i32
      %get3A_4520 = arith.index_cast %get3A_4519 : i32 to index
      %get3A_4521 = arith.constant 0 : index
      %get3A_4522 = tpu.vector_load %arg6[%get3A_4520, %get3A_4521] {strides = array<i32>} : memref<32x32xf32, #tpu.memory_space<vmem>>, vector<16xf32>,
      %add3A_4523 = arith.constant 0 : i32
      %add3A_4524 = vector.broadcast %add3A_4523 : i32 to vector<16xi32>
      %add3A_4525 = arith.addi %add3A_4524, %iota3A : vector<16xi32>
      %lt3A_4526 = arith.constant 29 : i32
      %lt3A_4527 = vector.broadcast %lt3A_4526 : i32 to vector<16xi32>
      %lt3A_4528 = arith.cmpi slt, %add3A_4525, %lt3A_4527 : vector<16xi32>
      %gt3A_4529 = arith.constant 0.000000e+00 : f32
      %gt3A_4530 = vector.broadcast %gt3A_4529 : f32 to vector<16xf32>
      %gt3A_4531 = arith.cmpf ogt, %get3A_4518, %gt3A_4530 : vector<16xf32>
      %and3A_4532 = arith.andi %lt3A_4528, %gt3A_4531 : vector<16xi1>
      %mul3A_4533 = arith.constant 6.10351563E-5 : f32
      %mul3A_4534 = vector.broadcast %mul3A_4533 : f32 to vector<16xf32>
      %mul3A_4535 = arith.mulf %get3A_4518, %mul3A_4534 : vector<16xf32>
      %max3A_4536 = arith.constant 1.000000e-30 : f32
      %max3A_4537 = vector.broadcast %max3A_4536 : f32 to vector<16xf32>
      %max3A_4538 = arith.maximumf %mul3A_4535, %max3A_4537 : vector<16xf32>
      %bitcast_convert_type3A_4539 = tpu.bitcast %max3A_4538 : vector<16xf32> -> vector<16xi32>
      %shift_right_arithmetic3A_4540 = arith.constant 23 : i32
      %shift_right_arithmetic3A_4541 = vector.broadcast %shift_right_arithmetic3A_4540 : i32 to vector<16xi32>
      %shift_right_arithmetic3A_4542 = arith.shrsi %bitcast_convert_type3A_4539, %shift_right_arithmetic3A_4541 : vector<16xi32>
      %sub3A_4543 = arith.constant 127 : i32
      %sub3A_4544 = vector.broadcast %sub3A_4543 : i32 to vector<16xi32>
      %sub3A_4545 = arith.subi %shift_right_arithmetic3A_4542, %sub3A_4544 : vector<16xi32>
      %and3A_4546 = arith.constant 8388607 : i32
      %and3A_4547 = vector.broadcast %and3A_4546 : i32 to vector<16xi32>
      %and3A_4548 = arith.andi %bitcast_convert_type3A_4539, %and3A_4547 : vector<16xi32>
      %or3A_4549 = arith.constant 1065353216 : i32
      %or3A_4550 = vector.broadcast %or3A_4549 : i32 to vector<16xi32>
      %or3A_4551 = arith.ori %and3A_4548, %or3A_4550 : vector<16xi32>
      %bitcast_convert_type3A_4552 = tpu.bitcast %or3A_4551 : vector<16xi32> -> vector<16xf32>
      %gt3A_4553 = arith.constant 1.41421354 : f32
      %gt3A_4554 = vector.broadcast %gt3A_4553 : f32 to vector<16xf32>
      %gt3A_4555 = arith.cmpf ogt, %bitcast_convert_type3A_4552, %gt3A_4554 : vector<16xf32>
      %mul3A_4556 = arith.constant 5.000000e-01 : f32
      %mul3A_4557 = vector.broadcast %mul3A_4556 : f32 to vector<16xf32>
      %mul3A_4558 = arith.mulf %bitcast_convert_type3A_4552, %mul3A_4557 : vector<16xf32>
      %select_n3A_4559 = arith.select %gt3A_4555, %mul3A_4558, %bitcast_convert_type3A_4552 : vector<16xi1>, vector<16xf32>
      %jit3A_4560 = arith.constant 1 : i32
      %jit3A_4561 = arith.constant 0 : i32
      %broadcast_in_dim3A_4562 = vector.broadcast %jit3A_4560 : i32 to vector<16xi32>
      %broadcast_in_dim3A_4563 = vector.broadcast %jit3A_4561 : i32 to vector<16xi32>
      %select_n3A_4564 = arith.select %gt3A_4555, %broadcast_in_dim3A_4562, %broadcast_in_dim3A_4563 : vector<16xi1>, vector<16xi32>
      %add3A_4565 = arith.addi %sub3A_4545, %select_n3A_4564 : vector<16xi32>
      %sub3A_4566 = arith.constant 1.000000e+00 : f32
      %sub3A_4567 = vector.broadcast %sub3A_4566 : f32 to vector<16xf32>
      %sub3A_4568 = arith.subf %select_n3A_4559, %sub3A_4567 : vector<16xf32>
      %mul3A_4569 = arith.mulf %sub3A_4568, %sub3A_4568 : vector<16xf32>
      %broadcast_in_dim3A_4570 = arith.constant 0.0703768358 : f32
      %broadcast_in_dim3A_4571 = vector.broadcast %broadcast_in_dim3A_4570 : f32 to vector<16xf32>
      %mul3A_4572 = arith.mulf %broadcast_in_dim3A_4571, %sub3A_4568 : vector<16xf32>
      %add3A_4573 = arith.constant -0.115146101 : f32
      %add3A_4574 = vector.broadcast %add3A_4573 : f32 to vector<16xf32>
      %add3A_4575 = arith.addf %mul3A_4572, %add3A_4574 : vector<16xf32>
      %mul3A_4576 = arith.mulf %add3A_4575, %sub3A_4568 : vector<16xf32>
      %add3A_4577 = arith.constant 0.116769984 : f32
      %add3A_4578 = vector.broadcast %add3A_4577 : f32 to vector<16xf32>
      %add3A_4579 = arith.addf %mul3A_4576, %add3A_4578 : vector<16xf32>
      %mul3A_4580 = arith.mulf %add3A_4579, %sub3A_4568 : vector<16xf32>
      %add3A_4581 = arith.constant -0.12420141 : f32
      %add3A_4582 = vector.broadcast %add3A_4581 : f32 to vector<16xf32>
      %add3A_4583 = arith.addf %mul3A_4580, %add3A_4582 : vector<16xf32>
      %mul3A_4584 = arith.mulf %add3A_4583, %sub3A_4568 : vector<16xf32>
      %add3A_4585 = arith.constant 0.142493233 : f32
      %add3A_4586 = vector.broadcast %add3A_4585 : f32 to vector<16xf32>
      %add3A_4587 = arith.addf %mul3A_4584, %add3A_4586 : vector<16xf32>
      %mul3A_4588 = arith.mulf %add3A_4587, %sub3A_4568 : vector<16xf32>
      %add3A_4589 = arith.constant -0.166680574 : f32
      %add3A_4590 = vector.broadcast %add3A_4589 : f32 to vector<16xf32>
      %add3A_4591 = arith.addf %mul3A_4588, %add3A_4590 : vector<16xf32>
      %mul3A_4592 = arith.mulf %add3A_4591, %sub3A_4568 : vector<16xf32>
      %add3A_4593 = arith.constant 0.200007141 : f32
      %add3A_4594 = vector.broadcast %add3A_4593 : f32 to vector<16xf32>
      %add3A_4595 = arith.addf %mul3A_4592, %add3A_4594 : vector<16xf32>
      %mul3A_4596 = arith.mulf %add3A_4595, %sub3A_4568 : vector<16xf32>
      %add3A_4597 = arith.constant -0.24999994 : f32
      %add3A_4598 = vector.broadcast %add3A_4597 : f32 to vector<16xf32>
      %add3A_4599 = arith.addf %mul3A_4596, %add3A_4598 : vector<16xf32>
      %mul3A_4600 = arith.mulf %add3A_4599, %sub3A_4568 : vector<16xf32>
      %add3A_4601 = arith.constant 0.333333313 : f32
      %add3A_4602 = vector.broadcast %add3A_4601 : f32 to vector<16xf32>
      %add3A_4603 = arith.addf %mul3A_4600, %add3A_4602 : vector<16xf32>
      %mul3A_4604 = arith.mulf %add3A_4603, %sub3A_4568 : vector<16xf32>
      %mul3A_4605 = arith.mulf %mul3A_4604, %mul3A_4569 : vector<16xf32>
      %mul3A_4606 = arith.constant 5.000000e-01 : f32
      %mul3A_4607 = vector.broadcast %mul3A_4606 : f32 to vector<16xf32>
      %mul3A_4608 = arith.mulf %mul3A_4607, %mul3A_4569 : vector<16xf32>
      %sub3A_4609 = arith.subf %mul3A_4605, %mul3A_4608 : vector<16xf32>
      %add3A_4610 = arith.addf %sub3A_4568, %sub3A_4609 : vector<16xf32>
      %convert_element_type3A_4611 = arith.sitofp %add3A_4565 : vector<16xi32> to vector<16xf32>
      %mul3A_4612 = arith.constant 0.693147182 : f32
      %mul3A_4613 = vector.broadcast %mul3A_4612 : f32 to vector<16xf32>
      %mul3A_4614 = arith.mulf %convert_element_type3A_4611, %mul3A_4613 : vector<16xf32>
      %add3A_4615 = arith.addf %add3A_4610, %mul3A_4614 : vector<16xf32>
      %sub3A_4616 = arith.subf %add3A_4615, %get3A_4522 : vector<16xf32>
      %mul3A_4617 = arith.mulf %mul3A_4535, %sub3A_4616 : vector<16xf32>
      %jit3A_4618 = arith.constant 0.000000e+00 : f32
      %broadcast_in_dim3A_4619 = vector.broadcast %jit3A_4618 : f32 to vector<16xf32>
      %select_n3A_4620 = arith.select %and3A_4532, %mul3A_4617, %broadcast_in_dim3A_4619 : vector<16xi1>, vector<16xf32>
      %add3A_4621 = arith.addf %add3A_4508, %select_n3A_4620 : vector<16xf32>
      %jit3A_4622 = arith.constant 1.000000e+00 : f32
      %jit3A_4623 = arith.constant 0.000000e+00 : f32
      %broadcast_in_dim3A_4624 = vector.broadcast %jit3A_4622 : f32 to vector<16xf32>
      %broadcast_in_dim3A_4625 = vector.broadcast %jit3A_4623 : f32 to vector<16xf32>
      %select_n3A_4626 = arith.select %and3A_4532, %broadcast_in_dim3A_4624, %broadcast_in_dim3A_4625 : vector<16xi1>, vector<16xf32>
      %add3A_4627 = arith.addf %add3A_4514, %select_n3A_4626 : vector<16xf32>
      %get3A_4628 = arith.constant 29 : i32
      %get3A_4629 = arith.index_cast %get3A_4628 : i32 to index
      %get3A_4630 = arith.constant 16 : index
      %get3A_4631 = tpu.vector_load %arg5[%get3A_4629, %get3A_4630] {strides = array<i32>} : memref<32x32xf32, #tpu.memory_space<vmem>>, vector<16xf32>,
      %get3A_4632 = arith.constant 29 : i32
      %get3A_4633 = arith.index_cast %get3A_4632 : i32 to index
      %get3A_4634 = arith.constant 16 : index
      %get3A_4635 = tpu.vector_load %arg6[%get3A_4633, %get3A_4634] {strides = array<i32>} : memref<32x32xf32, #tpu.memory_space<vmem>>, vector<16xf32>,
      %add3A_4636 = arith.constant 16 : i32
      %add3A_4637 = vector.broadcast %add3A_4636 : i32 to vector<16xi32>
      %add3A_4638 = arith.addi %add3A_4637, %iota3A : vector<16xi32>
      %lt3A_4639 = arith.constant 29 : i32
      %lt3A_4640 = vector.broadcast %lt3A_4639 : i32 to vector<16xi32>
      %lt3A_4641 = arith.cmpi slt, %add3A_4638, %lt3A_4640 : vector<16xi32>
      %gt3A_4642 = arith.constant 0.000000e+00 : f32
      %gt3A_4643 = vector.broadcast %gt3A_4642 : f32 to vector<16xf32>
      %gt3A_4644 = arith.cmpf ogt, %get3A_4631, %gt3A_4643 : vector<16xf32>
      %and3A_4645 = arith.andi %lt3A_4641, %gt3A_4644 : vector<16xi1>
      %mul3A_4646 = arith.constant 6.10351563E-5 : f32
      %mul3A_4647 = vector.broadcast %mul3A_4646 : f32 to vector<16xf32>
      %mul3A_4648 = arith.mulf %get3A_4631, %mul3A_4647 : vector<16xf32>
      %max3A_4649 = arith.constant 1.000000e-30 : f32
      %max3A_4650 = vector.broadcast %max3A_4649 : f32 to vector<16xf32>
      %max3A_4651 = arith.maximumf %mul3A_4648, %max3A_4650 : vector<16xf32>
      %bitcast_convert_type3A_4652 = tpu.bitcast %max3A_4651 : vector<16xf32> -> vector<16xi32>
      %shift_right_arithmetic3A_4653 = arith.constant 23 : i32
      %shift_right_arithmetic3A_4654 = vector.broadcast %shift_right_arithmetic3A_4653 : i32 to vector<16xi32>
      %shift_right_arithmetic3A_4655 = arith.shrsi %bitcast_convert_type3A_4652, %shift_right_arithmetic3A_4654 : vector<16xi32>
      %sub3A_4656 = arith.constant 127 : i32
      %sub3A_4657 = vector.broadcast %sub3A_4656 : i32 to vector<16xi32>
      %sub3A_4658 = arith.subi %shift_right_arithmetic3A_4655, %sub3A_4657 : vector<16xi32>
      %and3A_4659 = arith.constant 8388607 : i32
      %and3A_4660 = vector.broadcast %and3A_4659 : i32 to vector<16xi32>
      %and3A_4661 = arith.andi %bitcast_convert_type3A_4652, %and3A_4660 : vector<16xi32>
      %or3A_4662 = arith.constant 1065353216 : i32
      %or3A_4663 = vector.broadcast %or3A_4662 : i32 to vector<16xi32>
      %or3A_4664 = arith.ori %and3A_4661, %or3A_4663 : vector<16xi32>
      %bitcast_convert_type3A_4665 = tpu.bitcast %or3A_4664 : vector<16xi32> -> vector<16xf32>
      %gt3A_4666 = arith.constant 1.41421354 : f32
      %gt3A_4667 = vector.broadcast %gt3A_4666 : f32 to vector<16xf32>
      %gt3A_4668 = arith.cmpf ogt, %bitcast_convert_type3A_4665, %gt3A_4667 : vector<16xf32>
      %mul3A_4669 = arith.constant 5.000000e-01 : f32
      %mul3A_4670 = vector.broadcast %mul3A_4669 : f32 to vector<16xf32>
      %mul3A_4671 = arith.mulf %bitcast_convert_type3A_4665, %mul3A_4670 : vector<16xf32>
      %select_n3A_4672 = arith.select %gt3A_4668, %mul3A_4671, %bitcast_convert_type3A_4665 : vector<16xi1>, vector<16xf32>
      %jit3A_4673 = arith.constant 1 : i32
      %jit3A_4674 = arith.constant 0 : i32
      %broadcast_in_dim3A_4675 = vector.broadcast %jit3A_4673 : i32 to vector<16xi32>
      %broadcast_in_dim3A_4676 = vector.broadcast %jit3A_4674 : i32 to vector<16xi32>
      %select_n3A_4677 = arith.select %gt3A_4668, %broadcast_in_dim3A_4675, %broadcast_in_dim3A_4676 : vector<16xi1>, vector<16xi32>
      %add3A_4678 = arith.addi %sub3A_4658, %select_n3A_4677 : vector<16xi32>
      %sub3A_4679 = arith.constant 1.000000e+00 : f32
      %sub3A_4680 = vector.broadcast %sub3A_4679 : f32 to vector<16xf32>
      %sub3A_4681 = arith.subf %select_n3A_4672, %sub3A_4680 : vector<16xf32>
      %mul3A_4682 = arith.mulf %sub3A_4681, %sub3A_4681 : vector<16xf32>
      %broadcast_in_dim3A_4683 = arith.constant 0.0703768358 : f32
      %broadcast_in_dim3A_4684 = vector.broadcast %broadcast_in_dim3A_4683 : f32 to vector<16xf32>
      %mul3A_4685 = arith.mulf %broadcast_in_dim3A_4684, %sub3A_4681 : vector<16xf32>
      %add3A_4686 = arith.constant -0.115146101 : f32
      %add3A_4687 = vector.broadcast %add3A_4686 : f32 to vector<16xf32>
      %add3A_4688 = arith.addf %mul3A_4685, %add3A_4687 : vector<16xf32>
      %mul3A_4689 = arith.mulf %add3A_4688, %sub3A_4681 : vector<16xf32>
      %add3A_4690 = arith.constant 0.116769984 : f32
      %add3A_4691 = vector.broadcast %add3A_4690 : f32 to vector<16xf32>
      %add3A_4692 = arith.addf %mul3A_4689, %add3A_4691 : vector<16xf32>
      %mul3A_4693 = arith.mulf %add3A_4692, %sub3A_4681 : vector<16xf32>
      %add3A_4694 = arith.constant -0.12420141 : f32
      %add3A_4695 = vector.broadcast %add3A_4694 : f32 to vector<16xf32>
      %add3A_4696 = arith.addf %mul3A_4693, %add3A_4695 : vector<16xf32>
      %mul3A_4697 = arith.mulf %add3A_4696, %sub3A_4681 : vector<16xf32>
      %add3A_4698 = arith.constant 0.142493233 : f32
      %add3A_4699 = vector.broadcast %add3A_4698 : f32 to vector<16xf32>
      %add3A_4700 = arith.addf %mul3A_4697, %add3A_4699 : vector<16xf32>
      %mul3A_4701 = arith.mulf %add3A_4700, %sub3A_4681 : vector<16xf32>
      %add3A_4702 = arith.constant -0.166680574 : f32
      %add3A_4703 = vector.broadcast %add3A_4702 : f32 to vector<16xf32>
      %add3A_4704 = arith.addf %mul3A_4701, %add3A_4703 : vector<16xf32>
      %mul3A_4705 = arith.mulf %add3A_4704, %sub3A_4681 : vector<16xf32>
      %add3A_4706 = arith.constant 0.200007141 : f32
      %add3A_4707 = vector.broadcast %add3A_4706 : f32 to vector<16xf32>
      %add3A_4708 = arith.addf %mul3A_4705, %add3A_4707 : vector<16xf32>
      %mul3A_4709 = arith.mulf %add3A_4708, %sub3A_4681 : vector<16xf32>
      %add3A_4710 = arith.constant -0.24999994 : f32
      %add3A_4711 = vector.broadcast %add3A_4710 : f32 to vector<16xf32>
      %add3A_4712 = arith.addf %mul3A_4709, %add3A_4711 : vector<16xf32>
      %mul3A_4713 = arith.mulf %add3A_4712, %sub3A_4681 : vector<16xf32>
      %add3A_4714 = arith.constant 0.333333313 : f32
      %add3A_4715 = vector.broadcast %add3A_4714 : f32 to vector<16xf32>
      %add3A_4716 = arith.addf %mul3A_4713, %add3A_4715 : vector<16xf32>
      %mul3A_4717 = arith.mulf %add3A_4716, %sub3A_4681 : vector<16xf32>
      %mul3A_4718 = arith.mulf %mul3A_4717, %mul3A_4682 : vector<16xf32>
      %mul3A_4719 = arith.constant 5.000000e-01 : f32
      %mul3A_4720 = vector.broadcast %mul3A_4719 : f32 to vector<16xf32>
      %mul3A_4721 = arith.mulf %mul3A_4720, %mul3A_4682 : vector<16xf32>
      %sub3A_4722 = arith.subf %mul3A_4718, %mul3A_4721 : vector<16xf32>
      %add3A_4723 = arith.addf %sub3A_4681, %sub3A_4722 : vector<16xf32>
      %convert_element_type3A_4724 = arith.sitofp %add3A_4678 : vector<16xi32> to vector<16xf32>
      %mul3A_4725 = arith.constant 0.693147182 : f32
      %mul3A_4726 = vector.broadcast %mul3A_4725 : f32 to vector<16xf32>
      %mul3A_4727 = arith.mulf %convert_element_type3A_4724, %mul3A_4726 : vector<16xf32>
      %add3A_4728 = arith.addf %add3A_4723, %mul3A_4727 : vector<16xf32>
      %sub3A_4729 = arith.subf %add3A_4728, %get3A_4635 : vector<16xf32>
      %mul3A_4730 = arith.mulf %mul3A_4648, %sub3A_4729 : vector<16xf32>
      %jit3A_4731 = arith.constant 0.000000e+00 : f32
      %broadcast_in_dim3A_4732 = vector.broadcast %jit3A_4731 : f32 to vector<16xf32>
      %select_n3A_4733 = arith.select %and3A_4645, %mul3A_4730, %broadcast_in_dim3A_4732 : vector<16xi1>, vector<16xf32>
      %add3A_4734 = arith.addf %add3A_4621, %select_n3A_4733 : vector<16xf32>
      %jit3A_4735 = arith.constant 1.000000e+00 : f32
      %jit3A_4736 = arith.constant 0.000000e+00 : f32
      %broadcast_in_dim3A_4737 = vector.broadcast %jit3A_4735 : f32 to vector<16xf32>
      %broadcast_in_dim3A_4738 = vector.broadcast %jit3A_4736 : f32 to vector<16xf32>
      %select_n3A_4739 = arith.select %and3A_4645, %broadcast_in_dim3A_4737, %broadcast_in_dim3A_4738 : vector<16xi1>, vector<16xf32>
      %add3A_4740 = arith.addf %add3A_4627, %select_n3A_4739 : vector<16xf32>
      %get3A_4741 = arith.constant 30 : i32
      %get3A_4742 = arith.index_cast %get3A_4741 : i32 to index
      %get3A_4743 = arith.constant 0 : index
      %get3A_4744 = tpu.vector_load %arg5[%get3A_4742, %get3A_4743] {strides = array<i32>} : memref<32x32xf32, #tpu.memory_space<vmem>>, vector<16xf32>,
      %get3A_4745 = arith.constant 30 : i32
      %get3A_4746 = arith.index_cast %get3A_4745 : i32 to index
      %get3A_4747 = arith.constant 0 : index
      %get3A_4748 = tpu.vector_load %arg6[%get3A_4746, %get3A_4747] {strides = array<i32>} : memref<32x32xf32, #tpu.memory_space<vmem>>, vector<16xf32>,
      %add3A_4749 = arith.constant 0 : i32
      %add3A_4750 = vector.broadcast %add3A_4749 : i32 to vector<16xi32>
      %add3A_4751 = arith.addi %add3A_4750, %iota3A : vector<16xi32>
      %lt3A_4752 = arith.constant 30 : i32
      %lt3A_4753 = vector.broadcast %lt3A_4752 : i32 to vector<16xi32>
      %lt3A_4754 = arith.cmpi slt, %add3A_4751, %lt3A_4753 : vector<16xi32>
      %gt3A_4755 = arith.constant 0.000000e+00 : f32
      %gt3A_4756 = vector.broadcast %gt3A_4755 : f32 to vector<16xf32>
      %gt3A_4757 = arith.cmpf ogt, %get3A_4744, %gt3A_4756 : vector<16xf32>
      %and3A_4758 = arith.andi %lt3A_4754, %gt3A_4757 : vector<16xi1>
      %mul3A_4759 = arith.constant 6.10351563E-5 : f32
      %mul3A_4760 = vector.broadcast %mul3A_4759 : f32 to vector<16xf32>
      %mul3A_4761 = arith.mulf %get3A_4744, %mul3A_4760 : vector<16xf32>
      %max3A_4762 = arith.constant 1.000000e-30 : f32
      %max3A_4763 = vector.broadcast %max3A_4762 : f32 to vector<16xf32>
      %max3A_4764 = arith.maximumf %mul3A_4761, %max3A_4763 : vector<16xf32>
      %bitcast_convert_type3A_4765 = tpu.bitcast %max3A_4764 : vector<16xf32> -> vector<16xi32>
      %shift_right_arithmetic3A_4766 = arith.constant 23 : i32
      %shift_right_arithmetic3A_4767 = vector.broadcast %shift_right_arithmetic3A_4766 : i32 to vector<16xi32>
      %shift_right_arithmetic3A_4768 = arith.shrsi %bitcast_convert_type3A_4765, %shift_right_arithmetic3A_4767 : vector<16xi32>
      %sub3A_4769 = arith.constant 127 : i32
      %sub3A_4770 = vector.broadcast %sub3A_4769 : i32 to vector<16xi32>
      %sub3A_4771 = arith.subi %shift_right_arithmetic3A_4768, %sub3A_4770 : vector<16xi32>
      %and3A_4772 = arith.constant 8388607 : i32
      %and3A_4773 = vector.broadcast %and3A_4772 : i32 to vector<16xi32>
      %and3A_4774 = arith.andi %bitcast_convert_type3A_4765, %and3A_4773 : vector<16xi32>
      %or3A_4775 = arith.constant 1065353216 : i32
      %or3A_4776 = vector.broadcast %or3A_4775 : i32 to vector<16xi32>
      %or3A_4777 = arith.ori %and3A_4774, %or3A_4776 : vector<16xi32>
      %bitcast_convert_type3A_4778 = tpu.bitcast %or3A_4777 : vector<16xi32> -> vector<16xf32>
      %gt3A_4779 = arith.constant 1.41421354 : f32
      %gt3A_4780 = vector.broadcast %gt3A_4779 : f32 to vector<16xf32>
      %gt3A_4781 = arith.cmpf ogt, %bitcast_convert_type3A_4778, %gt3A_4780 : vector<16xf32>
      %mul3A_4782 = arith.constant 5.000000e-01 : f32
      %mul3A_4783 = vector.broadcast %mul3A_4782 : f32 to vector<16xf32>
      %mul3A_4784 = arith.mulf %bitcast_convert_type3A_4778, %mul3A_4783 : vector<16xf32>
      %select_n3A_4785 = arith.select %gt3A_4781, %mul3A_4784, %bitcast_convert_type3A_4778 : vector<16xi1>, vector<16xf32>
      %jit3A_4786 = arith.constant 1 : i32
      %jit3A_4787 = arith.constant 0 : i32
      %broadcast_in_dim3A_4788 = vector.broadcast %jit3A_4786 : i32 to vector<16xi32>
      %broadcast_in_dim3A_4789 = vector.broadcast %jit3A_4787 : i32 to vector<16xi32>
      %select_n3A_4790 = arith.select %gt3A_4781, %broadcast_in_dim3A_4788, %broadcast_in_dim3A_4789 : vector<16xi1>, vector<16xi32>
      %add3A_4791 = arith.addi %sub3A_4771, %select_n3A_4790 : vector<16xi32>
      %sub3A_4792 = arith.constant 1.000000e+00 : f32
      %sub3A_4793 = vector.broadcast %sub3A_4792 : f32 to vector<16xf32>
      %sub3A_4794 = arith.subf %select_n3A_4785, %sub3A_4793 : vector<16xf32>
      %mul3A_4795 = arith.mulf %sub3A_4794, %sub3A_4794 : vector<16xf32>
      %broadcast_in_dim3A_4796 = arith.constant 0.0703768358 : f32
      %broadcast_in_dim3A_4797 = vector.broadcast %broadcast_in_dim3A_4796 : f32 to vector<16xf32>
      %mul3A_4798 = arith.mulf %broadcast_in_dim3A_4797, %sub3A_4794 : vector<16xf32>
      %add3A_4799 = arith.constant -0.115146101 : f32
      %add3A_4800 = vector.broadcast %add3A_4799 : f32 to vector<16xf32>
      %add3A_4801 = arith.addf %mul3A_4798, %add3A_4800 : vector<16xf32>
      %mul3A_4802 = arith.mulf %add3A_4801, %sub3A_4794 : vector<16xf32>
      %add3A_4803 = arith.constant 0.116769984 : f32
      %add3A_4804 = vector.broadcast %add3A_4803 : f32 to vector<16xf32>
      %add3A_4805 = arith.addf %mul3A_4802, %add3A_4804 : vector<16xf32>
      %mul3A_4806 = arith.mulf %add3A_4805, %sub3A_4794 : vector<16xf32>
      %add3A_4807 = arith.constant -0.12420141 : f32
      %add3A_4808 = vector.broadcast %add3A_4807 : f32 to vector<16xf32>
      %add3A_4809 = arith.addf %mul3A_4806, %add3A_4808 : vector<16xf32>
      %mul3A_4810 = arith.mulf %add3A_4809, %sub3A_4794 : vector<16xf32>
      %add3A_4811 = arith.constant 0.142493233 : f32
      %add3A_4812 = vector.broadcast %add3A_4811 : f32 to vector<16xf32>
      %add3A_4813 = arith.addf %mul3A_4810, %add3A_4812 : vector<16xf32>
      %mul3A_4814 = arith.mulf %add3A_4813, %sub3A_4794 : vector<16xf32>
      %add3A_4815 = arith.constant -0.166680574 : f32
      %add3A_4816 = vector.broadcast %add3A_4815 : f32 to vector<16xf32>
      %add3A_4817 = arith.addf %mul3A_4814, %add3A_4816 : vector<16xf32>
      %mul3A_4818 = arith.mulf %add3A_4817, %sub3A_4794 : vector<16xf32>
      %add3A_4819 = arith.constant 0.200007141 : f32
      %add3A_4820 = vector.broadcast %add3A_4819 : f32 to vector<16xf32>
      %add3A_4821 = arith.addf %mul3A_4818, %add3A_4820 : vector<16xf32>
      %mul3A_4822 = arith.mulf %add3A_4821, %sub3A_4794 : vector<16xf32>
      %add3A_4823 = arith.constant -0.24999994 : f32
      %add3A_4824 = vector.broadcast %add3A_4823 : f32 to vector<16xf32>
      %add3A_4825 = arith.addf %mul3A_4822, %add3A_4824 : vector<16xf32>
      %mul3A_4826 = arith.mulf %add3A_4825, %sub3A_4794 : vector<16xf32>
      %add3A_4827 = arith.constant 0.333333313 : f32
      %add3A_4828 = vector.broadcast %add3A_4827 : f32 to vector<16xf32>
      %add3A_4829 = arith.addf %mul3A_4826, %add3A_4828 : vector<16xf32>
      %mul3A_4830 = arith.mulf %add3A_4829, %sub3A_4794 : vector<16xf32>
      %mul3A_4831 = arith.mulf %mul3A_4830, %mul3A_4795 : vector<16xf32>
      %mul3A_4832 = arith.constant 5.000000e-01 : f32
      %mul3A_4833 = vector.broadcast %mul3A_4832 : f32 to vector<16xf32>
      %mul3A_4834 = arith.mulf %mul3A_4833, %mul3A_4795 : vector<16xf32>
      %sub3A_4835 = arith.subf %mul3A_4831, %mul3A_4834 : vector<16xf32>
      %add3A_4836 = arith.addf %sub3A_4794, %sub3A_4835 : vector<16xf32>
      %convert_element_type3A_4837 = arith.sitofp %add3A_4791 : vector<16xi32> to vector<16xf32>
      %mul3A_4838 = arith.constant 0.693147182 : f32
      %mul3A_4839 = vector.broadcast %mul3A_4838 : f32 to vector<16xf32>
      %mul3A_4840 = arith.mulf %convert_element_type3A_4837, %mul3A_4839 : vector<16xf32>
      %add3A_4841 = arith.addf %add3A_4836, %mul3A_4840 : vector<16xf32>
      %sub3A_4842 = arith.subf %add3A_4841, %get3A_4748 : vector<16xf32>
      %mul3A_4843 = arith.mulf %mul3A_4761, %sub3A_4842 : vector<16xf32>
      %jit3A_4844 = arith.constant 0.000000e+00 : f32
      %broadcast_in_dim3A_4845 = vector.broadcast %jit3A_4844 : f32 to vector<16xf32>
      %select_n3A_4846 = arith.select %and3A_4758, %mul3A_4843, %broadcast_in_dim3A_4845 : vector<16xi1>, vector<16xf32>
      %add3A_4847 = arith.addf %add3A_4734, %select_n3A_4846 : vector<16xf32>
      %jit3A_4848 = arith.constant 1.000000e+00 : f32
      %jit3A_4849 = arith.constant 0.000000e+00 : f32
      %broadcast_in_dim3A_4850 = vector.broadcast %jit3A_4848 : f32 to vector<16xf32>
      %broadcast_in_dim3A_4851 = vector.broadcast %jit3A_4849 : f32 to vector<16xf32>
      %select_n3A_4852 = arith.select %and3A_4758, %broadcast_in_dim3A_4850, %broadcast_in_dim3A_4851 : vector<16xi1>, vector<16xf32>
      %add3A_4853 = arith.addf %add3A_4740, %select_n3A_4852 : vector<16xf32>
      %get3A_4854 = arith.constant 30 : i32
      %get3A_4855 = arith.index_cast %get3A_4854 : i32 to index
      %get3A_4856 = arith.constant 16 : index
      %get3A_4857 = tpu.vector_load %arg5[%get3A_4855, %get3A_4856] {strides = array<i32>} : memref<32x32xf32, #tpu.memory_space<vmem>>, vector<16xf32>,
      %get3A_4858 = arith.constant 30 : i32
      %get3A_4859 = arith.index_cast %get3A_4858 : i32 to index
      %get3A_4860 = arith.constant 16 : index
      %get3A_4861 = tpu.vector_load %arg6[%get3A_4859, %get3A_4860] {strides = array<i32>} : memref<32x32xf32, #tpu.memory_space<vmem>>, vector<16xf32>,
      %add3A_4862 = arith.constant 16 : i32
      %add3A_4863 = vector.broadcast %add3A_4862 : i32 to vector<16xi32>
      %add3A_4864 = arith.addi %add3A_4863, %iota3A : vector<16xi32>
      %lt3A_4865 = arith.constant 30 : i32
      %lt3A_4866 = vector.broadcast %lt3A_4865 : i32 to vector<16xi32>
      %lt3A_4867 = arith.cmpi slt, %add3A_4864, %lt3A_4866 : vector<16xi32>
      %gt3A_4868 = arith.constant 0.000000e+00 : f32
      %gt3A_4869 = vector.broadcast %gt3A_4868 : f32 to vector<16xf32>
      %gt3A_4870 = arith.cmpf ogt, %get3A_4857, %gt3A_4869 : vector<16xf32>
      %and3A_4871 = arith.andi %lt3A_4867, %gt3A_4870 : vector<16xi1>
      %mul3A_4872 = arith.constant 6.10351563E-5 : f32
      %mul3A_4873 = vector.broadcast %mul3A_4872 : f32 to vector<16xf32>
      %mul3A_4874 = arith.mulf %get3A_4857, %mul3A_4873 : vector<16xf32>
      %max3A_4875 = arith.constant 1.000000e-30 : f32
      %max3A_4876 = vector.broadcast %max3A_4875 : f32 to vector<16xf32>
      %max3A_4877 = arith.maximumf %mul3A_4874, %max3A_4876 : vector<16xf32>
      %bitcast_convert_type3A_4878 = tpu.bitcast %max3A_4877 : vector<16xf32> -> vector<16xi32>
      %shift_right_arithmetic3A_4879 = arith.constant 23 : i32
      %shift_right_arithmetic3A_4880 = vector.broadcast %shift_right_arithmetic3A_4879 : i32 to vector<16xi32>
      %shift_right_arithmetic3A_4881 = arith.shrsi %bitcast_convert_type3A_4878, %shift_right_arithmetic3A_4880 : vector<16xi32>
      %sub3A_4882 = arith.constant 127 : i32
      %sub3A_4883 = vector.broadcast %sub3A_4882 : i32 to vector<16xi32>
      %sub3A_4884 = arith.subi %shift_right_arithmetic3A_4881, %sub3A_4883 : vector<16xi32>
      %and3A_4885 = arith.constant 8388607 : i32
      %and3A_4886 = vector.broadcast %and3A_4885 : i32 to vector<16xi32>
      %and3A_4887 = arith.andi %bitcast_convert_type3A_4878, %and3A_4886 : vector<16xi32>
      %or3A_4888 = arith.constant 1065353216 : i32
      %or3A_4889 = vector.broadcast %or3A_4888 : i32 to vector<16xi32>
      %or3A_4890 = arith.ori %and3A_4887, %or3A_4889 : vector<16xi32>
      %bitcast_convert_type3A_4891 = tpu.bitcast %or3A_4890 : vector<16xi32> -> vector<16xf32>
      %gt3A_4892 = arith.constant 1.41421354 : f32
      %gt3A_4893 = vector.broadcast %gt3A_4892 : f32 to vector<16xf32>
      %gt3A_4894 = arith.cmpf ogt, %bitcast_convert_type3A_4891, %gt3A_4893 : vector<16xf32>
      %mul3A_4895 = arith.constant 5.000000e-01 : f32
      %mul3A_4896 = vector.broadcast %mul3A_4895 : f32 to vector<16xf32>
      %mul3A_4897 = arith.mulf %bitcast_convert_type3A_4891, %mul3A_4896 : vector<16xf32>
      %select_n3A_4898 = arith.select %gt3A_4894, %mul3A_4897, %bitcast_convert_type3A_4891 : vector<16xi1>, vector<16xf32>
      %jit3A_4899 = arith.constant 1 : i32
      %jit3A_4900 = arith.constant 0 : i32
      %broadcast_in_dim3A_4901 = vector.broadcast %jit3A_4899 : i32 to vector<16xi32>
      %broadcast_in_dim3A_4902 = vector.broadcast %jit3A_4900 : i32 to vector<16xi32>
      %select_n3A_4903 = arith.select %gt3A_4894, %broadcast_in_dim3A_4901, %broadcast_in_dim3A_4902 : vector<16xi1>, vector<16xi32>
      %add3A_4904 = arith.addi %sub3A_4884, %select_n3A_4903 : vector<16xi32>
      %sub3A_4905 = arith.constant 1.000000e+00 : f32
      %sub3A_4906 = vector.broadcast %sub3A_4905 : f32 to vector<16xf32>
      %sub3A_4907 = arith.subf %select_n3A_4898, %sub3A_4906 : vector<16xf32>
      %mul3A_4908 = arith.mulf %sub3A_4907, %sub3A_4907 : vector<16xf32>
      %broadcast_in_dim3A_4909 = arith.constant 0.0703768358 : f32
      %broadcast_in_dim3A_4910 = vector.broadcast %broadcast_in_dim3A_4909 : f32 to vector<16xf32>
      %mul3A_4911 = arith.mulf %broadcast_in_dim3A_4910, %sub3A_4907 : vector<16xf32>
      %add3A_4912 = arith.constant -0.115146101 : f32
      %add3A_4913 = vector.broadcast %add3A_4912 : f32 to vector<16xf32>
      %add3A_4914 = arith.addf %mul3A_4911, %add3A_4913 : vector<16xf32>
      %mul3A_4915 = arith.mulf %add3A_4914, %sub3A_4907 : vector<16xf32>
      %add3A_4916 = arith.constant 0.116769984 : f32
      %add3A_4917 = vector.broadcast %add3A_4916 : f32 to vector<16xf32>
      %add3A_4918 = arith.addf %mul3A_4915, %add3A_4917 : vector<16xf32>
      %mul3A_4919 = arith.mulf %add3A_4918, %sub3A_4907 : vector<16xf32>
      %add3A_4920 = arith.constant -0.12420141 : f32
      %add3A_4921 = vector.broadcast %add3A_4920 : f32 to vector<16xf32>
      %add3A_4922 = arith.addf %mul3A_4919, %add3A_4921 : vector<16xf32>
      %mul3A_4923 = arith.mulf %add3A_4922, %sub3A_4907 : vector<16xf32>
      %add3A_4924 = arith.constant 0.142493233 : f32
      %add3A_4925 = vector.broadcast %add3A_4924 : f32 to vector<16xf32>
      %add3A_4926 = arith.addf %mul3A_4923, %add3A_4925 : vector<16xf32>
      %mul3A_4927 = arith.mulf %add3A_4926, %sub3A_4907 : vector<16xf32>
      %add3A_4928 = arith.constant -0.166680574 : f32
      %add3A_4929 = vector.broadcast %add3A_4928 : f32 to vector<16xf32>
      %add3A_4930 = arith.addf %mul3A_4927, %add3A_4929 : vector<16xf32>
      %mul3A_4931 = arith.mulf %add3A_4930, %sub3A_4907 : vector<16xf32>
      %add3A_4932 = arith.constant 0.200007141 : f32
      %add3A_4933 = vector.broadcast %add3A_4932 : f32 to vector<16xf32>
      %add3A_4934 = arith.addf %mul3A_4931, %add3A_4933 : vector<16xf32>
      %mul3A_4935 = arith.mulf %add3A_4934, %sub3A_4907 : vector<16xf32>
      %add3A_4936 = arith.constant -0.24999994 : f32
      %add3A_4937 = vector.broadcast %add3A_4936 : f32 to vector<16xf32>
      %add3A_4938 = arith.addf %mul3A_4935, %add3A_4937 : vector<16xf32>
      %mul3A_4939 = arith.mulf %add3A_4938, %sub3A_4907 : vector<16xf32>
      %add3A_4940 = arith.constant 0.333333313 : f32
      %add3A_4941 = vector.broadcast %add3A_4940 : f32 to vector<16xf32>
      %add3A_4942 = arith.addf %mul3A_4939, %add3A_4941 : vector<16xf32>
      %mul3A_4943 = arith.mulf %add3A_4942, %sub3A_4907 : vector<16xf32>
      %mul3A_4944 = arith.mulf %mul3A_4943, %mul3A_4908 : vector<16xf32>
      %mul3A_4945 = arith.constant 5.000000e-01 : f32
      %mul3A_4946 = vector.broadcast %mul3A_4945 : f32 to vector<16xf32>
      %mul3A_4947 = arith.mulf %mul3A_4946, %mul3A_4908 : vector<16xf32>
      %sub3A_4948 = arith.subf %mul3A_4944, %mul3A_4947 : vector<16xf32>
      %add3A_4949 = arith.addf %sub3A_4907, %sub3A_4948 : vector<16xf32>
      %convert_element_type3A_4950 = arith.sitofp %add3A_4904 : vector<16xi32> to vector<16xf32>
      %mul3A_4951 = arith.constant 0.693147182 : f32
      %mul3A_4952 = vector.broadcast %mul3A_4951 : f32 to vector<16xf32>
      %mul3A_4953 = arith.mulf %convert_element_type3A_4950, %mul3A_4952 : vector<16xf32>
      %add3A_4954 = arith.addf %add3A_4949, %mul3A_4953 : vector<16xf32>
      %sub3A_4955 = arith.subf %add3A_4954, %get3A_4861 : vector<16xf32>
      %mul3A_4956 = arith.mulf %mul3A_4874, %sub3A_4955 : vector<16xf32>
      %jit3A_4957 = arith.constant 0.000000e+00 : f32
      %broadcast_in_dim3A_4958 = vector.broadcast %jit3A_4957 : f32 to vector<16xf32>
      %select_n3A_4959 = arith.select %and3A_4871, %mul3A_4956, %broadcast_in_dim3A_4958 : vector<16xi1>, vector<16xf32>
      %add3A_4960 = arith.addf %add3A_4847, %select_n3A_4959 : vector<16xf32>
      %jit3A_4961 = arith.constant 1.000000e+00 : f32
      %jit3A_4962 = arith.constant 0.000000e+00 : f32
      %broadcast_in_dim3A_4963 = vector.broadcast %jit3A_4961 : f32 to vector<16xf32>
      %broadcast_in_dim3A_4964 = vector.broadcast %jit3A_4962 : f32 to vector<16xf32>
      %select_n3A_4965 = arith.select %and3A_4871, %broadcast_in_dim3A_4963, %broadcast_in_dim3A_4964 : vector<16xi1>, vector<16xf32>
      %add3A_4966 = arith.addf %add3A_4853, %select_n3A_4965 : vector<16xf32>
      %get3A_4967 = arith.constant 31 : i32
      %get3A_4968 = arith.index_cast %get3A_4967 : i32 to index
      %get3A_4969 = arith.constant 0 : index
      %get3A_4970 = tpu.vector_load %arg5[%get3A_4968, %get3A_4969] {strides = array<i32>} : memref<32x32xf32, #tpu.memory_space<vmem>>, vector<16xf32>,
      %get3A_4971 = arith.constant 31 : i32
      %get3A_4972 = arith.index_cast %get3A_4971 : i32 to index
      %get3A_4973 = arith.constant 0 : index
      %get3A_4974 = tpu.vector_load %arg6[%get3A_4972, %get3A_4973] {strides = array<i32>} : memref<32x32xf32, #tpu.memory_space<vmem>>, vector<16xf32>,
      %add3A_4975 = arith.constant 0 : i32
      %add3A_4976 = vector.broadcast %add3A_4975 : i32 to vector<16xi32>
      %add3A_4977 = arith.addi %add3A_4976, %iota3A : vector<16xi32>
      %lt3A_4978 = arith.constant 31 : i32
      %lt3A_4979 = vector.broadcast %lt3A_4978 : i32 to vector<16xi32>
      %lt3A_4980 = arith.cmpi slt, %add3A_4977, %lt3A_4979 : vector<16xi32>
      %gt3A_4981 = arith.constant 0.000000e+00 : f32
      %gt3A_4982 = vector.broadcast %gt3A_4981 : f32 to vector<16xf32>
      %gt3A_4983 = arith.cmpf ogt, %get3A_4970, %gt3A_4982 : vector<16xf32>
      %and3A_4984 = arith.andi %lt3A_4980, %gt3A_4983 : vector<16xi1>
      %mul3A_4985 = arith.constant 6.10351563E-5 : f32
      %mul3A_4986 = vector.broadcast %mul3A_4985 : f32 to vector<16xf32>
      %mul3A_4987 = arith.mulf %get3A_4970, %mul3A_4986 : vector<16xf32>
      %max3A_4988 = arith.constant 1.000000e-30 : f32
      %max3A_4989 = vector.broadcast %max3A_4988 : f32 to vector<16xf32>
      %max3A_4990 = arith.maximumf %mul3A_4987, %max3A_4989 : vector<16xf32>
      %bitcast_convert_type3A_4991 = tpu.bitcast %max3A_4990 : vector<16xf32> -> vector<16xi32>
      %shift_right_arithmetic3A_4992 = arith.constant 23 : i32
      %shift_right_arithmetic3A_4993 = vector.broadcast %shift_right_arithmetic3A_4992 : i32 to vector<16xi32>
      %shift_right_arithmetic3A_4994 = arith.shrsi %bitcast_convert_type3A_4991, %shift_right_arithmetic3A_4993 : vector<16xi32>
      %sub3A_4995 = arith.constant 127 : i32
      %sub3A_4996 = vector.broadcast %sub3A_4995 : i32 to vector<16xi32>
      %sub3A_4997 = arith.subi %shift_right_arithmetic3A_4994, %sub3A_4996 : vector<16xi32>
      %and3A_4998 = arith.constant 8388607 : i32
      %and3A_4999 = vector.broadcast %and3A_4998 : i32 to vector<16xi32>
      %and3A_5000 = arith.andi %bitcast_convert_type3A_4991, %and3A_4999 : vector<16xi32>
      %or3A_5001 = arith.constant 1065353216 : i32
      %or3A_5002 = vector.broadcast %or3A_5001 : i32 to vector<16xi32>
      %or3A_5003 = arith.ori %and3A_5000, %or3A_5002 : vector<16xi32>
      %bitcast_convert_type3A_5004 = tpu.bitcast %or3A_5003 : vector<16xi32> -> vector<16xf32>
      %gt3A_5005 = arith.constant 1.41421354 : f32
      %gt3A_5006 = vector.broadcast %gt3A_5005 : f32 to vector<16xf32>
      %gt3A_5007 = arith.cmpf ogt, %bitcast_convert_type3A_5004, %gt3A_5006 : vector<16xf32>
      %mul3A_5008 = arith.constant 5.000000e-01 : f32
      %mul3A_5009 = vector.broadcast %mul3A_5008 : f32 to vector<16xf32>
      %mul3A_5010 = arith.mulf %bitcast_convert_type3A_5004, %mul3A_5009 : vector<16xf32>
      %select_n3A_5011 = arith.select %gt3A_5007, %mul3A_5010, %bitcast_convert_type3A_5004 : vector<16xi1>, vector<16xf32>
      %jit3A_5012 = arith.constant 1 : i32
      %jit3A_5013 = arith.constant 0 : i32
      %broadcast_in_dim3A_5014 = vector.broadcast %jit3A_5012 : i32 to vector<16xi32>
      %broadcast_in_dim3A_5015 = vector.broadcast %jit3A_5013 : i32 to vector<16xi32>
      %select_n3A_5016 = arith.select %gt3A_5007, %broadcast_in_dim3A_5014, %broadcast_in_dim3A_5015 : vector<16xi1>, vector<16xi32>
      %add3A_5017 = arith.addi %sub3A_4997, %select_n3A_5016 : vector<16xi32>
      %sub3A_5018 = arith.constant 1.000000e+00 : f32
      %sub3A_5019 = vector.broadcast %sub3A_5018 : f32 to vector<16xf32>
      %sub3A_5020 = arith.subf %select_n3A_5011, %sub3A_5019 : vector<16xf32>
      %mul3A_5021 = arith.mulf %sub3A_5020, %sub3A_5020 : vector<16xf32>
      %broadcast_in_dim3A_5022 = arith.constant 0.0703768358 : f32
      %broadcast_in_dim3A_5023 = vector.broadcast %broadcast_in_dim3A_5022 : f32 to vector<16xf32>
      %mul3A_5024 = arith.mulf %broadcast_in_dim3A_5023, %sub3A_5020 : vector<16xf32>
      %add3A_5025 = arith.constant -0.115146101 : f32
      %add3A_5026 = vector.broadcast %add3A_5025 : f32 to vector<16xf32>
      %add3A_5027 = arith.addf %mul3A_5024, %add3A_5026 : vector<16xf32>
      %mul3A_5028 = arith.mulf %add3A_5027, %sub3A_5020 : vector<16xf32>
      %add3A_5029 = arith.constant 0.116769984 : f32
      %add3A_5030 = vector.broadcast %add3A_5029 : f32 to vector<16xf32>
      %add3A_5031 = arith.addf %mul3A_5028, %add3A_5030 : vector<16xf32>
      %mul3A_5032 = arith.mulf %add3A_5031, %sub3A_5020 : vector<16xf32>
      %add3A_5033 = arith.constant -0.12420141 : f32
      %add3A_5034 = vector.broadcast %add3A_5033 : f32 to vector<16xf32>
      %add3A_5035 = arith.addf %mul3A_5032, %add3A_5034 : vector<16xf32>
      %mul3A_5036 = arith.mulf %add3A_5035, %sub3A_5020 : vector<16xf32>
      %add3A_5037 = arith.constant 0.142493233 : f32
      %add3A_5038 = vector.broadcast %add3A_5037 : f32 to vector<16xf32>
      %add3A_5039 = arith.addf %mul3A_5036, %add3A_5038 : vector<16xf32>
      %mul3A_5040 = arith.mulf %add3A_5039, %sub3A_5020 : vector<16xf32>
      %add3A_5041 = arith.constant -0.166680574 : f32
      %add3A_5042 = vector.broadcast %add3A_5041 : f32 to vector<16xf32>
      %add3A_5043 = arith.addf %mul3A_5040, %add3A_5042 : vector<16xf32>
      %mul3A_5044 = arith.mulf %add3A_5043, %sub3A_5020 : vector<16xf32>
      %add3A_5045 = arith.constant 0.200007141 : f32
      %add3A_5046 = vector.broadcast %add3A_5045 : f32 to vector<16xf32>
      %add3A_5047 = arith.addf %mul3A_5044, %add3A_5046 : vector<16xf32>
      %mul3A_5048 = arith.mulf %add3A_5047, %sub3A_5020 : vector<16xf32>
      %add3A_5049 = arith.constant -0.24999994 : f32
      %add3A_5050 = vector.broadcast %add3A_5049 : f32 to vector<16xf32>
      %add3A_5051 = arith.addf %mul3A_5048, %add3A_5050 : vector<16xf32>
      %mul3A_5052 = arith.mulf %add3A_5051, %sub3A_5020 : vector<16xf32>
      %add3A_5053 = arith.constant 0.333333313 : f32
      %add3A_5054 = vector.broadcast %add3A_5053 : f32 to vector<16xf32>
      %add3A_5055 = arith.addf %mul3A_5052, %add3A_5054 : vector<16xf32>
      %mul3A_5056 = arith.mulf %add3A_5055, %sub3A_5020 : vector<16xf32>
      %mul3A_5057 = arith.mulf %mul3A_5056, %mul3A_5021 : vector<16xf32>
      %mul3A_5058 = arith.constant 5.000000e-01 : f32
      %mul3A_5059 = vector.broadcast %mul3A_5058 : f32 to vector<16xf32>
      %mul3A_5060 = arith.mulf %mul3A_5059, %mul3A_5021 : vector<16xf32>
      %sub3A_5061 = arith.subf %mul3A_5057, %mul3A_5060 : vector<16xf32>
      %add3A_5062 = arith.addf %sub3A_5020, %sub3A_5061 : vector<16xf32>
      %convert_element_type3A_5063 = arith.sitofp %add3A_5017 : vector<16xi32> to vector<16xf32>
      %mul3A_5064 = arith.constant 0.693147182 : f32
      %mul3A_5065 = vector.broadcast %mul3A_5064 : f32 to vector<16xf32>
      %mul3A_5066 = arith.mulf %convert_element_type3A_5063, %mul3A_5065 : vector<16xf32>
      %add3A_5067 = arith.addf %add3A_5062, %mul3A_5066 : vector<16xf32>
      %sub3A_5068 = arith.subf %add3A_5067, %get3A_4974 : vector<16xf32>
      %mul3A_5069 = arith.mulf %mul3A_4987, %sub3A_5068 : vector<16xf32>
      %jit3A_5070 = arith.constant 0.000000e+00 : f32
      %broadcast_in_dim3A_5071 = vector.broadcast %jit3A_5070 : f32 to vector<16xf32>
      %select_n3A_5072 = arith.select %and3A_4984, %mul3A_5069, %broadcast_in_dim3A_5071 : vector<16xi1>, vector<16xf32>
      %add3A_5073 = arith.addf %add3A_4960, %select_n3A_5072 : vector<16xf32>
      %jit3A_5074 = arith.constant 1.000000e+00 : f32
      %jit3A_5075 = arith.constant 0.000000e+00 : f32
      %broadcast_in_dim3A_5076 = vector.broadcast %jit3A_5074 : f32 to vector<16xf32>
      %broadcast_in_dim3A_5077 = vector.broadcast %jit3A_5075 : f32 to vector<16xf32>
      %select_n3A_5078 = arith.select %and3A_4984, %broadcast_in_dim3A_5076, %broadcast_in_dim3A_5077 : vector<16xi1>, vector<16xf32>
      %add3A_5079 = arith.addf %add3A_4966, %select_n3A_5078 : vector<16xf32>
      %get3A_5080 = arith.constant 31 : i32
      %get3A_5081 = arith.index_cast %get3A_5080 : i32 to index
      %get3A_5082 = arith.constant 16 : index
      %get3A_5083 = tpu.vector_load %arg5[%get3A_5081, %get3A_5082] {strides = array<i32>} : memref<32x32xf32, #tpu.memory_space<vmem>>, vector<16xf32>,
      %get3A_5084 = arith.constant 31 : i32
      %get3A_5085 = arith.index_cast %get3A_5084 : i32 to index
      %get3A_5086 = arith.constant 16 : index
      %get3A_5087 = tpu.vector_load %arg6[%get3A_5085, %get3A_5086] {strides = array<i32>} : memref<32x32xf32, #tpu.memory_space<vmem>>, vector<16xf32>,
      %add3A_5088 = arith.constant 16 : i32
      %add3A_5089 = vector.broadcast %add3A_5088 : i32 to vector<16xi32>
      %add3A_5090 = arith.addi %add3A_5089, %iota3A : vector<16xi32>
      %lt3A_5091 = arith.constant 31 : i32
      %lt3A_5092 = vector.broadcast %lt3A_5091 : i32 to vector<16xi32>
      %lt3A_5093 = arith.cmpi slt, %add3A_5090, %lt3A_5092 : vector<16xi32>
      %gt3A_5094 = arith.constant 0.000000e+00 : f32
      %gt3A_5095 = vector.broadcast %gt3A_5094 : f32 to vector<16xf32>
      %gt3A_5096 = arith.cmpf ogt, %get3A_5083, %gt3A_5095 : vector<16xf32>
      %and3A_5097 = arith.andi %lt3A_5093, %gt3A_5096 : vector<16xi1>
      %mul3A_5098 = arith.constant 6.10351563E-5 : f32
      %mul3A_5099 = vector.broadcast %mul3A_5098 : f32 to vector<16xf32>
      %mul3A_5100 = arith.mulf %get3A_5083, %mul3A_5099 : vector<16xf32>
      %max3A_5101 = arith.constant 1.000000e-30 : f32
      %max3A_5102 = vector.broadcast %max3A_5101 : f32 to vector<16xf32>
      %max3A_5103 = arith.maximumf %mul3A_5100, %max3A_5102 : vector<16xf32>
      %bitcast_convert_type3A_5104 = tpu.bitcast %max3A_5103 : vector<16xf32> -> vector<16xi32>
      %shift_right_arithmetic3A_5105 = arith.constant 23 : i32
      %shift_right_arithmetic3A_5106 = vector.broadcast %shift_right_arithmetic3A_5105 : i32 to vector<16xi32>
      %shift_right_arithmetic3A_5107 = arith.shrsi %bitcast_convert_type3A_5104, %shift_right_arithmetic3A_5106 : vector<16xi32>
      %sub3A_5108 = arith.constant 127 : i32
      %sub3A_5109 = vector.broadcast %sub3A_5108 : i32 to vector<16xi32>
      %sub3A_5110 = arith.subi %shift_right_arithmetic3A_5107, %sub3A_5109 : vector<16xi32>
      %and3A_5111 = arith.constant 8388607 : i32
      %and3A_5112 = vector.broadcast %and3A_5111 : i32 to vector<16xi32>
      %and3A_5113 = arith.andi %bitcast_convert_type3A_5104, %and3A_5112 : vector<16xi32>
      %or3A_5114 = arith.constant 1065353216 : i32
      %or3A_5115 = vector.broadcast %or3A_5114 : i32 to vector<16xi32>
      %or3A_5116 = arith.ori %and3A_5113, %or3A_5115 : vector<16xi32>
      %bitcast_convert_type3A_5117 = tpu.bitcast %or3A_5116 : vector<16xi32> -> vector<16xf32>
      %gt3A_5118 = arith.constant 1.41421354 : f32
      %gt3A_5119 = vector.broadcast %gt3A_5118 : f32 to vector<16xf32>
      %gt3A_5120 = arith.cmpf ogt, %bitcast_convert_type3A_5117, %gt3A_5119 : vector<16xf32>
      %mul3A_5121 = arith.constant 5.000000e-01 : f32
      %mul3A_5122 = vector.broadcast %mul3A_5121 : f32 to vector<16xf32>
      %mul3A_5123 = arith.mulf %bitcast_convert_type3A_5117, %mul3A_5122 : vector<16xf32>
      %select_n3A_5124 = arith.select %gt3A_5120, %mul3A_5123, %bitcast_convert_type3A_5117 : vector<16xi1>, vector<16xf32>
      %jit3A_5125 = arith.constant 1 : i32
      %jit3A_5126 = arith.constant 0 : i32
      %broadcast_in_dim3A_5127 = vector.broadcast %jit3A_5125 : i32 to vector<16xi32>
      %broadcast_in_dim3A_5128 = vector.broadcast %jit3A_5126 : i32 to vector<16xi32>
      %select_n3A_5129 = arith.select %gt3A_5120, %broadcast_in_dim3A_5127, %broadcast_in_dim3A_5128 : vector<16xi1>, vector<16xi32>
      %add3A_5130 = arith.addi %sub3A_5110, %select_n3A_5129 : vector<16xi32>
      %sub3A_5131 = arith.constant 1.000000e+00 : f32
      %sub3A_5132 = vector.broadcast %sub3A_5131 : f32 to vector<16xf32>
      %sub3A_5133 = arith.subf %select_n3A_5124, %sub3A_5132 : vector<16xf32>
      %mul3A_5134 = arith.mulf %sub3A_5133, %sub3A_5133 : vector<16xf32>
      %broadcast_in_dim3A_5135 = arith.constant 0.0703768358 : f32
      %broadcast_in_dim3A_5136 = vector.broadcast %broadcast_in_dim3A_5135 : f32 to vector<16xf32>
      %mul3A_5137 = arith.mulf %broadcast_in_dim3A_5136, %sub3A_5133 : vector<16xf32>
      %add3A_5138 = arith.constant -0.115146101 : f32
      %add3A_5139 = vector.broadcast %add3A_5138 : f32 to vector<16xf32>
      %add3A_5140 = arith.addf %mul3A_5137, %add3A_5139 : vector<16xf32>
      %mul3A_5141 = arith.mulf %add3A_5140, %sub3A_5133 : vector<16xf32>
      %add3A_5142 = arith.constant 0.116769984 : f32
      %add3A_5143 = vector.broadcast %add3A_5142 : f32 to vector<16xf32>
      %add3A_5144 = arith.addf %mul3A_5141, %add3A_5143 : vector<16xf32>
      %mul3A_5145 = arith.mulf %add3A_5144, %sub3A_5133 : vector<16xf32>
      %add3A_5146 = arith.constant -0.12420141 : f32
      %add3A_5147 = vector.broadcast %add3A_5146 : f32 to vector<16xf32>
      %add3A_5148 = arith.addf %mul3A_5145, %add3A_5147 : vector<16xf32>
      %mul3A_5149 = arith.mulf %add3A_5148, %sub3A_5133 : vector<16xf32>
      %add3A_5150 = arith.constant 0.142493233 : f32
      %add3A_5151 = vector.broadcast %add3A_5150 : f32 to vector<16xf32>
      %add3A_5152 = arith.addf %mul3A_5149, %add3A_5151 : vector<16xf32>
      %mul3A_5153 = arith.mulf %add3A_5152, %sub3A_5133 : vector<16xf32>
      %add3A_5154 = arith.constant -0.166680574 : f32
      %add3A_5155 = vector.broadcast %add3A_5154 : f32 to vector<16xf32>
      %add3A_5156 = arith.addf %mul3A_5153, %add3A_5155 : vector<16xf32>
      %mul3A_5157 = arith.mulf %add3A_5156, %sub3A_5133 : vector<16xf32>
      %add3A_5158 = arith.constant 0.200007141 : f32
      %add3A_5159 = vector.broadcast %add3A_5158 : f32 to vector<16xf32>
      %add3A_5160 = arith.addf %mul3A_5157, %add3A_5159 : vector<16xf32>
      %mul3A_5161 = arith.mulf %add3A_5160, %sub3A_5133 : vector<16xf32>
      %add3A_5162 = arith.constant -0.24999994 : f32
      %add3A_5163 = vector.broadcast %add3A_5162 : f32 to vector<16xf32>
      %add3A_5164 = arith.addf %mul3A_5161, %add3A_5163 : vector<16xf32>
      %mul3A_5165 = arith.mulf %add3A_5164, %sub3A_5133 : vector<16xf32>
      %add3A_5166 = arith.constant 0.333333313 : f32
      %add3A_5167 = vector.broadcast %add3A_5166 : f32 to vector<16xf32>
      %add3A_5168 = arith.addf %mul3A_5165, %add3A_5167 : vector<16xf32>
      %mul3A_5169 = arith.mulf %add3A_5168, %sub3A_5133 : vector<16xf32>
      %mul3A_5170 = arith.mulf %mul3A_5169, %mul3A_5134 : vector<16xf32>
      %mul3A_5171 = arith.constant 5.000000e-01 : f32
      %mul3A_5172 = vector.broadcast %mul3A_5171 : f32 to vector<16xf32>
      %mul3A_5173 = arith.mulf %mul3A_5172, %mul3A_5134 : vector<16xf32>
      %sub3A_5174 = arith.subf %mul3A_5170, %mul3A_5173 : vector<16xf32>
      %add3A_5175 = arith.addf %sub3A_5133, %sub3A_5174 : vector<16xf32>
      %convert_element_type3A_5176 = arith.sitofp %add3A_5130 : vector<16xi32> to vector<16xf32>
      %mul3A_5177 = arith.constant 0.693147182 : f32
      %mul3A_5178 = vector.broadcast %mul3A_5177 : f32 to vector<16xf32>
      %mul3A_5179 = arith.mulf %convert_element_type3A_5176, %mul3A_5178 : vector<16xf32>
      %add3A_5180 = arith.addf %add3A_5175, %mul3A_5179 : vector<16xf32>
      %sub3A_5181 = arith.subf %add3A_5180, %get3A_5087 : vector<16xf32>
      %mul3A_5182 = arith.mulf %mul3A_5100, %sub3A_5181 : vector<16xf32>
      %jit3A_5183 = arith.constant 0.000000e+00 : f32
      %broadcast_in_dim3A_5184 = vector.broadcast %jit3A_5183 : f32 to vector<16xf32>
      %select_n3A_5185 = arith.select %and3A_5097, %mul3A_5182, %broadcast_in_dim3A_5184 : vector<16xi1>, vector<16xf32>
      %add3A_5186 = arith.addf %add3A_5073, %select_n3A_5185 : vector<16xf32>
      %jit3A_5187 = arith.constant 1.000000e+00 : f32
      %jit3A_5188 = arith.constant 0.000000e+00 : f32
      %broadcast_in_dim3A_5189 = vector.broadcast %jit3A_5187 : f32 to vector<16xf32>
      %broadcast_in_dim3A_5190 = vector.broadcast %jit3A_5188 : f32 to vector<16xf32>
      %select_n3A_5191 = arith.select %and3A_5097, %broadcast_in_dim3A_5189, %broadcast_in_dim3A_5190 : vector<16xi1>, vector<16xf32>
      %add3A_5192 = arith.addf %add3A_5079, %select_n3A_5191 : vector<16xf32>
      %reduce_sum3A = arith.constant true
      %reduce_sum3A_5193 = vector.broadcast %reduce_sum3A : i1 to vector<16xi1>
      %reduce_sum3A_5194 = tpu.scan <sum>, %add3A_5186 masked %reduce_sum3A_5193 : vector<16xf32>, vector<16xi1> -> vector<16xf32>
      %reduce_sum3A_5195 = vector.extract %reduce_sum3A_5194[15] : f32 from vector<16xf32>
      %broadcast_in_dim3A_5196 = vector.broadcast %reduce_sum3A_5195 : f32 to vector<16xf32>
      %reduce_sum3A_5197 = arith.constant true
      %reduce_sum3A_5198 = vector.broadcast %reduce_sum3A_5197 : i1 to vector<16xi1>
      %reduce_sum3A_5199 = tpu.scan <sum>, %add3A_5192 masked %reduce_sum3A_5198 : vector<16xf32>, vector<16xi1> -> vector<16xf32>
      %reduce_sum3A_5200 = vector.extract %reduce_sum3A_5199[15] : f32 from vector<16xf32>
      %broadcast_in_dim3A_5201 = vector.broadcast %reduce_sum3A_5200 : f32 to vector<16xf32>
      %div3A = arith.divf %broadcast_in_dim3A_5196, %broadcast_in_dim3A_5201 : vector<16xf32>
      %swap3A = arith.constant 0 : index
      %swap3A_5202 = tpu.vector_load %arg7[%swap3A] {strides = array<i32>} : memref<16xf32, #tpu.memory_space<vmem>>, vector<16xf32>,
      tpu.vector_store %arg7[%swap3A], %div3A {strides = array<i32>} : memref<16xf32, #tpu.memory_space<vmem>>, vector<16xf32>,
      "tpu.region"() ({
        %run_scoped3A = tpu.sem_alloc : memref<!tpu.dma_semaphore, #tpu.memory_space<semaphore_mem>>
        tpu.enqueue_dma source(%arg7 : memref<16xf32, #tpu.memory_space<vmem>>) target(%arg4 : memref<16xf32, #tpu.memory_space<hbm>>) target_semaphore(%run_scoped3A : memref<!tpu.dma_semaphore, #tpu.memory_space<semaphore_mem>>)
        tpu.wait_dma2 semaphore(%run_scoped3A : memref<!tpu.dma_semaphore, #tpu.memory_space<semaphore_mem>>) src(%arg7 : memref<16xf32, #tpu.memory_space<vmem>>) dst(%arg4 : memref<16xf32, #tpu.memory_space<hbm>>)
        tpu.yield
      }) : () -> ()
    } else {
    }
    return
  }
}

module attributes {stable_mosaic.version = 14 : i64} {
  func.func @_gram_body(%arg0: memref<32x16384xf32, #tpu.memory_space<vmem>>, %arg1: memref<32x32xf32, #tpu.memory_space<vmem>>, %arg2: memref<32x32xf32, #tpu.memory_space<vmem>>) attributes {dimension_semantics = [], scalar_prefetch = 0 : i64, scratch_operands = 0 : i64, tpu.core_type = #tpu.core_type<tc>} {
    %get3A = arith.constant 0 : index
    %get3A_0 = arith.constant 0 : index
    %get3A_1 = vector.load %arg0[%get3A, %get3A_0] : memref<32x16384xf32, #tpu.memory_space<vmem>>, vector<32x16384xf32>
    %convert_element_type3A = arith.truncf %get3A_1 : vector<32x16384xf32> to vector<32x16384xbf16>
    %dot_general3A = arith.constant dense<0.000000e+00> : vector<32x32xf32>
    %dot_general3A_2 = tpu.matmul %convert_element_type3A, %convert_element_type3A, %dot_general3A {dimension_numbers = #tpu.dot_dimension_numbers<[1], [1], [0], [0], [0, 0, 1, 0], [], []>, transpose_lhs_hint = false} : vector<32x16384xbf16>, vector<32x16384xbf16>, vector<32x32xf32> -> vector<32x32xf32>
    %swap3A = arith.constant 0 : index
    %swap3A_3 = arith.constant 0 : index
    %swap3A_4 = vector.load %arg1[%swap3A, %swap3A_3] : memref<32x32xf32, #tpu.memory_space<vmem>>, vector<32x32xf32>
    tpu.vector_store %arg1[%swap3A, %swap3A_3], %dot_general3A_2 {strides = array<i32>} : memref<32x32xf32, #tpu.memory_space<vmem>>, vector<32x32xf32>,
    %iota3A = tpu.iota {dimensions = array<i32: 0>} : vector<32x32xi32>
    %iota3A_5 = tpu.iota {dimensions = array<i32: 1>} : vector<32x32xi32>
    %eq3A = arith.cmpi eq, %iota3A, %iota3A_5 : vector<32x32xi32>
    %jit3A = arith.constant 0.000000e+00 : f32
    %broadcast_in_dim3A = vector.broadcast %jit3A : f32 to vector<32x32xf32>
    %select_n3A = arith.select %eq3A, %dot_general3A_2, %broadcast_in_dim3A : vector<32x32xi1>, vector<32x32xf32>
    %reduce_sum3A = arith.constant dense<0.000000e+00> : vector<32xf32>
    %reduce_sum3A_6 = vector.multi_reduction <add>, %select_n3A, %reduce_sum3A [1] : vector<32x32xf32> to vector<32xf32>
    %broadcast_in_dim3A_7 = vector.shape_cast %reduce_sum3A_6 : vector<32xf32> to vector<32x1xf32>
    %mul3A = arith.constant 3.05175781E-5 : f32
    %mul3A_8 = vector.broadcast %mul3A : f32 to vector<32x1xf32>
    %mul3A_9 = arith.mulf %broadcast_in_dim3A_7, %mul3A_8 : vector<32x1xf32>
    %add3A = arith.constant 5.000000e-01 : f32
    %add3A_10 = vector.broadcast %add3A : f32 to vector<32x1xf32>
    %add3A_11 = arith.addf %add3A_10, %mul3A_9 : vector<32x1xf32>
    %log3A = math.log %add3A_11 : vector<32x1xf32>
    %reduce_sum3A_12 = arith.constant dense<0.000000e+00> : vector<32xf32>
    %reduce_sum3A_13 = vector.multi_reduction <add>, %select_n3A, %reduce_sum3A_12 [0] : vector<32x32xf32> to vector<32xf32>
    %broadcast_in_dim3A_14 = vector.shape_cast %reduce_sum3A_13 : vector<32xf32> to vector<1x32xf32>
    %mul3A_15 = arith.constant 3.05175781E-5 : f32
    %mul3A_16 = vector.broadcast %mul3A_15 : f32 to vector<1x32xf32>
    %mul3A_17 = arith.mulf %broadcast_in_dim3A_14, %mul3A_16 : vector<1x32xf32>
    %add3A_18 = arith.constant 5.000000e-01 : f32
    %add3A_19 = vector.broadcast %add3A_18 : f32 to vector<1x32xf32>
    %add3A_20 = arith.addf %add3A_19, %mul3A_17 : vector<1x32xf32>
    %log3A_21 = math.log %add3A_20 : vector<1x32xf32>
    %add3A_22 = vector.broadcast %log3A : vector<32x1xf32> to vector<32x32xf32>
    %add3A_23 = vector.broadcast %log3A_21 : vector<1x32xf32> to vector<32x32xf32>
    %add3A_24 = arith.addf %add3A_22, %add3A_23 : vector<32x32xf32>
    %swap3A_25 = arith.constant 0 : index
    %swap3A_26 = arith.constant 0 : index
    %swap3A_27 = vector.load %arg2[%swap3A_25, %swap3A_26] : memref<32x32xf32, #tpu.memory_space<vmem>>, vector<32x32xf32>
    tpu.vector_store %arg2[%swap3A_25, %swap3A_26], %add3A_24 {strides = array<i32>} : memref<32x32xf32, #tpu.memory_space<vmem>>, vector<32x32xf32>,
    return
  }
}

</mosaic_0001>

<sc_bundles>
// kernel: kernel.4.cloned.1.call-start
scs
__scs_entry_jumppad:
0x0: {  	(pc) =	sbr.rel $0x88, $3  }
0x1: {  	(tag) =	ssettag $0x0;
	lr =	simm.s32 $0x1  }
0x2: {  	[smem:$0x3FA0] =	sst lr;
	_ =	strace $0xD0000000  }
0x3: {  	_ = 	snop  }
0x4: {  	_ = 	snop  }
0x5: {  	_ = 	snop  }
0x6: {  	_ = 	snop  }
0x7: {  	_ = 	snop  }
__scs_overlays_trampoline_lowered:
0x8: {  	[smem:$0x3FAF] =	sst s0  }
0x9: {  	[smem:$0x3FB0] =	sst s1  }
0xa: {  	[smem:$0x3FB1] =	sst s2  }
0xb: {  	[smem:$0x3FB2] =	sst s3  }
0xc: {  	[smem:$0x3FB3] =	sst s4  }
0xd: {  	[smem:$0x3FB4] =	sst s5  }
0xe: {  	[smem:$0x3FB5] =	sst s6  }
0xf: {  	[smem:$0x3FB6] =	sst s7  }
0x10: {  	[smem:$0x3FB7] =	sst s8  }
0x11: {  	[smem:$0x3FB8] =	sst s9;
	s0 =	simm.s32 @!p0 $0x0  }
0x12: {  	s1 =	sld [smem:$0x3F9E];
	s0 =	simm.s32 @p0 $0x1  }
0x13: {  	[smem:$0x3FB9] =	sst s0;
	s0 =	simm.s32 @!p1 $0x0  }
0x14: {  	s2 =	sld [smem:$0x3F9D];
	s0 =	simm.s32 @p1 $0x1  }
0x15: {  	[smem:$0x3FBA] =	sst s0;
	s0 =	simm.s32 @!p2 $0x0  }
0x16: {  	s3 =	sld [smem:$0x3FDB];
	s0 =	simm.s32 @p2 $0x1  }
0x17: {  	s4 =	simm.s32 $0x1BF5;
	[smem:$0x3FBC] =	sst s0  }
0x18: {  	s0 =	sld [smem:$0x3F9F];
	_ =	swait.ge [sflag:s4], $0x0  }
0x19: {  	s7 =	sld [smem:$0x3FA0]  }
0x1a: {  	s8 =	sadd.s32 $0xFFFFE003, lr  }
0x1b: {  	s9 =	sadd.s32 $0xFFFFFEF7, lr;
	s5 =	simm.s32 $0xFFFFFFFF;
	p2 =	slt.u32 s8, $0xFFFFF086  }
0x1c: {  	p1 =	slt.u32 s9, $0xF7A;
	s5 =	simm.s32 @!p2 $0x0  }
0x1d: {  	s5 =	simm.s32 @p1 $0x1;
	p0 =	seq.s32 s7, s2  }
0x1e: {  	s7 =	smul.u32 @!p0 $0xF7A, s2;
	p2 =	seq.s32 @!p0 s5, $0x0  }
0x1f: {  	s9 =	smul.u32 $0xF7A, s1;
	s8 =	simm.s32 @!p0 $0x1BF5;
	p2 =	por !p2, p0  }
0x20: {  	[sflag:s8] =	ssyncset.s32 @!p0 $0xFFFFF086;
	s6 =	sadd.s32 @!p0 s3, s7;
	s7 =	simm.s32 @!p0 $0x108  }
0x21: {  	s3 =	sadd.s32 s3, s9;
	s6 =	sadd.s32 @!p0 $0x88, s6;
	s7 =	simm.s32 @p2 $0x1082  }
0x22: {  	[simem:s7], [sflag:s8] =	dma.local @!p0 [hbm:s6], $0xF7A  }
0x23: {  	s9 =	sor.u32 $0xD0000000, s2;
	s6 =	simm.s32 $0x108;
	_ =	swait.ge @!p0 [sflag:s8], $0x0  }
0x24: {  	s3 =	sadd.s32 $0x88, s3;
	s6 =	simm.s32 @!p1 $0x1082;
	[sflag:s4] =	ssyncset.s32 $0xFFFFF086  }
0x25: {  	[simem:s6], [sflag:s4] =	dma.local [hbm:s3], $0xF7A  }
0x26: {  	[smem:$0x3FA0] =	sst s1;
	(tag) =	ssettag s2;
	_ =	strace s9  }
0x27: {  	s1 =	sld [smem:$0x3FB0]  }
0x28: {  	s2 =	sld [smem:$0x3FB1]  }
0x29: {  	s4 =	sld [smem:$0x3FB3]  }
0x2a: {  	p0 =	seq.s32 s5, $0x0;
	s5 =	sld [smem:$0x3FB4]  }
0x2b: {  	s6 =	sld [smem:$0x3FB5]  }
0x2c: {  	s7 =	sld [smem:$0x3FB6]  }
0x2d: {  	s3 =	simm.s32 $0x108;
	s8 =	sld [smem:$0x3FB7]  }
0x2e: {  	s3 =	simm.s32 @!p0 $0x1082;
	s9 =	sld [smem:$0x3FB8]  }
0x2f: {  	lr =	sadd.s32 s0, s3;
	s0 =	sld [smem:$0x3FAF]  }
0x30: {  	s3 =	sld [smem:$0x3FB2]  }
0x31: {  	[smem:$0x3FBB] =	sst s10  }
0x32: {  	s10 =	sld [smem:$0x3FB9];
	_ =	sdelay $0x3  }
0x33: {  	p0 =	seq.s32 s10, $0x1;
	s10 =	sld [smem:$0x3FBB];
	_ =	sdelay $0x3  }
0x34: {  	[smem:$0x3FBB] =	sst s10  }
0x35: {  	s10 =	sld [smem:$0x3FBA];
	_ =	sdelay $0x3  }
0x36: {  	p1 =	seq.s32 s10, $0x1;
	s10 =	sld [smem:$0x3FBB];
	_ =	sdelay $0x3  }
0x37: {  	[smem:$0x3FBB] =	sst s10  }
0x38: {  	s10 =	sld [smem:$0x3FBC]  }
0x39: {  	_ = 	snop;
	(pc) =	sbr.ind lr, $3  }
0x3a: {  	_ = 	snop  }
0x3b: {  	_ = 	snop  }
0x3c: {  	p2 =	seq.s32 s10, $0x1;
	s10 =	sld [smem:$0x3FBB]  }
0x3d: {  	_ =	shalt  }
0x3e: {  	_ =	shalt  }
0x3f: {  	_ =	shalt  }
0x40: {  	_ =	shalt  }
0x41: {  	_ =	shalt  }
0x42: {  	_ =	shalt  }
0x43: {  	_ =	shalt  }
0x44: {  	_ =	shalt  }
0x45: {  	_ =	shalt  }
0x46: {  	_ =	shalt  }
0x47: {  	_ =	shalt  }
0x48: {  	_ =	shalt  }
0x49: {  	_ =	shalt  }
0x4a: {  	_ =	shalt  }
0x4b: {  	_ =	shalt  }
0x4c: {  	_ =	shalt  }
0x4d: {  	_ =	shalt  }
0x4e: {  	_ =	shalt  }
0x4f: {  	_ =	shalt  }
0x50: {  	_ =	shalt  }
0x51: {  	_ =	shalt  }
0x52: {  	_ =	shalt  }
0x53: {  	_ =	shalt  }
0x54: {  	_ =	shalt  }
0x55: {  	_ =	shalt  }
0x56: {  	_ =	shalt  }
0x57: {  	_ =	shalt  }
0x58: {  	_ =	shalt  }
0x59: {  	_ =	shalt  }
0x5a: {  	_ =	shalt  }
0x5b: {  	_ =	shalt  }
0x5c: {  	_ =	shalt  }
0x5d: {  	_ =	shalt  }
0x5e: {  	_ =	shalt  }
0x5f: {  	_ =	shalt  }
0x60: {  	_ =	shalt  }
0x61: {  	_ =	shalt  }
0x62: {  	_ =	shalt  }
0x63: {  	_ =	shalt  }
0x64: {  	_ =	shalt  }
0x65: {  	_ =	shalt  }
0x66: {  	_ =	shalt  }
0x67: {  	_ =	shalt  }
0x68: {  	_ =	shalt  }
0x69: {  	_ =	shalt  }
0x6a: {  	_ =	shalt  }
0x6b: {  	_ =	shalt  }
0x6c: {  	_ =	shalt  }
0x6d: {  	_ =	shalt  }
0x6e: {  	_ =	shalt  }
0x6f: {  	_ =	shalt  }
0x70: {  	_ =	shalt  }
0x71: {  	_ =	shalt  }
0x72: {  	_ =	shalt  }
0x73: {  	_ =	shalt  }
0x74: {  	_ =	shalt  }
0x75: {  	_ =	shalt  }
0x76: {  	_ =	shalt  }
0x77: {  	_ =	shalt  }
0x78: {  	_ =	shalt  }
0x79: {  	_ =	shalt  }
0x7a: {  	_ =	shalt  }
0x7b: {  	_ =	shalt  }
0x7c: {  	_ =	shalt  }
0x7d: {  	_ =	shalt  }
0x7e: {  	_ =	shalt  }
0x7f: {  	_ =	shalt  }
0x80: {  	_ =	shalt  }
0x81: {  	_ =	shalt  }
0x82: {  	_ =	shalt  }
0x83: {  	_ =	shalt  }
0x84: {  	_ =	shalt  }
0x85: {  	_ =	shalt  }
0x86: {  	_ =	shalt  }
0x87: {  	_ =	shalt  }
.Lfunc_end0:
.L_simem_size_0:
called_computation_lowered:
.L_overlay_start_0:
0x88: {  	s2 =	sld [smem:$0x3FD9]  }
0x89: {  	s3 =	sld [smem:$0x3FFE];
	_ =	sdelay $0x1  }
0x8a: {  	s1 =	srdreg.scid  }
0x8b: {  	s0 =	sand.u32 $0x1, s1  }
0x8c: {  	s17 =	sshll.u32 s0, $0xA;
	s2 =	sadd.s32 s3, s2  }
0x8d: {  	s2 =	sadd.s32 s2, s17  }
0x8e: {  	[smem:$0x3FC7] =	sst s2  }
0x8f: {  	_ = 	snop  }
0x90: {  	s2 =	sld [smem:$0x3FD0];
	(tm) =	ssettm $0x1  }
0x91: {  	s18 =	sld [smem:$0x3FFB];
	_ =	sdelay $0x3  }
0x92: {  	_ =	strace s18  }
0x93: {  	s3 =	sld [smem:$0x3FFC];
	_ =	sdelay $0x3  }
0x94: {  	_ =	strace s3  }
0x95: {  	s3 =	sld [smem:$0x3FFD];
	_ =	sdelay $0x3  }
0x96: {  	_ =	strace s3  }
0x97: {  	_ =	strace $0x8FFFFFFF  }
0x98: {  	s19 =	sld [smem:$0x3FDB];
	_ =	sdelay $0x1  }
0x99: {  	s4 =	simm.s32 $_scs_section_size  }
0x9a: {  	s5 =	simm.s32 $_size__tile_overlayer_lowered;
	s6 =	simm.s32 $_tile_overlayer_lowered  }
0x9b: {  	s22 =	simm.s32 $0x1BFF;
	s21 =	sshll.u32 s6, $0x1;
	s3 =	sadd.s32 s4, s19  }
0x9c: {  	s7 =	simm.s32 $0x0;
	s20 =	sshll.u32 s5, $0x1;
	s5 =	sadd.s32 s21, s3  }
0x9d: {  	[timem:s7], [sflag:s22] =	dma.local [hbm:s5], s20  }
0x9e: {  	_ =	swait.ge [sflag:s22], s20  }
0x9f: {  	s4 =	ssub.s32 $0x0, s20;
	[sflag:s22] =	ssyncset.done $0x0  }
0xa0: {  	[sflag:s22] =	ssyncadd.s32 s4;
	_ =	sdelay $0x1  }
0xa1: {  	s23 =	simm.s32 $0x1B8B  }
0xa2: {  	_ =	swait.ge [sflag:s23], $0x1  }
0xa3: {  	[sflag:s23] =	ssyncset.done $0x0  }
0xa4: {  	s25 =	simm.s32 $0x1B8E;
	s24 =	sld [smem:$0x3FFE];
	[sflag:s23] =	ssyncadd.s32 $0xFFFFFFFF  }
0xa5: {  	s26 =	simm.s32 $execute0_lowered;
	[smem:$0x3FD2] =	sst s25  }
0xa6: {  	s5 =	sshll.u32 s26, $0x1;
	_ =	strace $0x80000046;
	[dreg:$0x1] =	wrdreg $0xFFFFFFFF  }
0xa7: {  	s28 =	simm.s32 $_size_execute0_lowered;
	s3 =	sadd.s32 s3, s5;
	[dreg:$0x0] =	wrdreg $0x0  }
0xa8: {  	s5 =	sshll.u32 s28, $0x1;
	[dreg:$0x2] =	wrdreg s3  }
0xa9: {  	[dreg:$0x3] =	wrdreg s5  }
0xaa: {  	[dreg:$0x4] =	wrdreg $0xC0  }
0xab: {  	_ =	task [dreg:s7], $0x5FFFF  }
0xac: {  	[dreg:$0x1] =	wrdreg $0xFFFFFFFF  }
0xad: {  	[dreg:$0x0] =	wrdreg $0x60  }
0xae: {  	[dreg:$0x2] =	wrdreg s24  }
0xaf: {  	[dreg:$0x3] =	wrdreg s2  }
0xb0: {  	[dreg:$0x4] =	wrdreg $0x9  }
0xb1: {  	_ =	task.clear_ibuf [dreg:s7], $0x5FFFF;
	_ =	strace $0x90000046  }
0xb2: {  	s29 =	simm.s32 $0x9;
	_ =	strace $0x80000048  }
0xb3: {  	_ =	swait.ge [sflag:s29], $0x1  }
0xb4: {  	[sflag:s29] =	ssyncadd.s32 $0xFFFFFFFF  }
0xb5: {  	_ =	strace $0x90000048  }
0xb6: {  	_ =	sfence  }
0xb7: {  	s30 =	sld [smem:$0x0];
	_ =	sdelay $0x2  }
0xb8: {  	s31 =	sshll.u32 s1, $0xD;
	s1 =	sshrl.u32 s1, $0x2  }
0xb9: {  	s3 =	sand.u32 $0x4000, s31;
	s1 =	sadd.s32 s1, s30  }
0xba: {  	s0 =	sor.u32 s3, s0;
	s1 =	sshll.u32 s1, $0x11  }
0xbb: {  	s0 =	sor.u32 s1, s0  }
0xbc: {  	s0 =	sadd.s32 $0x8F2B, s0  }
0xbd: {  	[sflag:s0] =	ssyncadd.remote.s32 $0x1  }
0xbe: {  	_ =	sfence.sel $0xFFFF  }
0xbf: {  	[dreg:$0x0] =	wrdreg $0xFFFFFFFF;
	(pc) =	sbr.abs _section_cstart, $3  }
0xc0: {  	[dreg:$0x1] =	wrdreg $0xFFFFFFFF  }
0xc1: {  	_ =	task.clear_ibuf [dreg:s7], $0x2FFFF;
	_ =	strace $0x9FFFFFFF  }
0xc2: {  	(tm) =	ssettm $0x7FFFFFFF  }
0xc3: {  	_ =	shalt  }
tec
execute0_lowered:
.L_overlay_start_1:
0x0: {  	(tag) =	ssettag $0x1  }
0x1: {  	s0 =	srdreg.scid  }
0x2: {  	s3 =	sand.u32 $0x1, s0;
	s0 =	stileid.u32  }
0x3: {  	s5 =	sor.u32 s0, s3  }
0x4: {  	p0 =	sne.s32 s5, $0x0  }
.Ltmp0:
0x5: {  	_ = 	snop;
	(pc) =	sbr.rel @p0 .LBB2_3-.Ltmp0, $4  }
0x6: {  	_ = 	snop  }
0x7: {  	s4 =	rddreg [dreg:$0x0]  }
0x8: {  	s2 =	rddreg [dreg:$0x1]  }
0x9: {  	s1 =	rddreg [dreg:$0x2];
	_ =	strace $0x80000047  }
0xa: {  	vm0 =	vcmask $0x300;
	v0 =	vimm.f32 $0.0e+00  }
0xb: {  	vm1 =	vmmov $0x1;
	v1 =	vimm.s32 $0x0;
	vm12 =	vmmov $0x3  }
0xc: {  	v3 =	vimm.s32 $0x0;
	vm13 =	vcmask $0x700;
	vm14 =	vcmask $0xB00  }
0xd: {  	vm15 =	vmmov $0x7;
	v4 =	vimm.s32 $0x0;
	vm4 =	vmmov $0xf  }
0xe: {  	v5 =	vimm.s32 $0x0;
	vm5 =	vcmask $0xF00;
	vm6 =	vcmask $0x1300  }
0xf: {  	vm7 =	vmmov $0x1f;
	v6 =	vimm.s32 $0x0;
	vm8 =	vmmov $0x3f  }
0x10: {  	v7 =	vimm.s32 $0x0;
	vm9 =	vcmask $0x1700;
	vm10 =	vcmask $0x1B00  }
0x11: {  	vm11 =	vmmov $0x7f;
	v8 =	vimm.s32 $0x0;
	v9 =	vimm.s32 $0x0  }
0x12: {  	v10 =	vimm.s32 $0x0;
	v11 =	vimm.s32 $0x0;
	v12 =	vimm.s32 $0x0  }
0x13: {  	v13 =	vimm.s32 $0x0;
	v14 =	vimm.s32 $0x0;
	v15 =	vimm.s32 $0x0  }
0x14: {  	v16 =	vimm.s32 $0x0;
	v1 =	vsel vm1, $0xFFFFFFFF, v1;
	v2 =	vsel vm0, $0x3F800000, v0  }
0x15: {  	v3 =	vsel vm12, $0xFFFFFFFF, v3;
	v4 =	vsel vm15, $0xFFFFFFFF, v4;
	v5 =	vsel vm4, $0xFFFFFFFF, v5;
	[tilespmem:$0x1FF10] =	vst v1  }
0x16: {  	v6 =	vsel vm7, $0xFFFFFFFF, v6;
	v7 =	vsel vm8, $0xFFFFFFFF, v7;
	v8 =	vsel vm11, $0xFFFFFFFF, v8;
	[tilespmem:$0x1FF20] =	vst v3  }
0x17: {  	vm12 =	vmmov $0xff;
	vm15 =	vmmov $0x1ff;
	vm4 =	vmmov $0x3ff;
	[tilespmem:$0x1FF30] =	vst v4  }
0x18: {  	vm7 =	vmmov $0x7ff;
	vm8 =	vmmov $0xfff;
	vm11 =	vmmov $0x1fff;
	[tilespmem:$0x1FF40] =	vst v5  }
0x19: {  	v1 =	vimm.s32 $0x0;
	v3 =	vsel vm13, $0x3F800000, v0;
	v4 =	vsel vm14, $0x3F800000, v0;
	[tilespmem:$0x1FF50] =	vst v6  }
0x1a: {  	v5 =	vsel vm5, $0x3F800000, v0;
	v6 =	vsel vm6, $0x3F800000, v0;
	[tilespmem:$0x1FF60] =	vst v7;
	v7 =	vsel vm9, $0x3F800000, v0  }
0x1b: {  	[tilespmem:$0x1FF70] =	vst v8;
	v8 =	vsel vm10, $0x3F800000, v0;
	v9 =	vsel vm12, $0xFFFFFFFF, v9;
	vm13 =	vcmask $0x1F00  }
0x1c: {  	vm14 =	vcmask $0x2300;
	v10 =	vsel vm15, $0xFFFFFFFF, v10;
	v11 =	vsel vm4, $0xFFFFFFFF, v11;
	[tilespmem:$0x1FF80] =	vst v9  }
0x1d: {  	vm5 =	vcmask $0x2700;
	vm6 =	vcmask $0x2B00;
	v12 =	vsel vm7, $0xFFFFFFFF, v12;
	[tilespmem:$0x1FF90] =	vst v10  }
0x1e: {  	v13 =	vsel vm8, $0xFFFFFFFF, v13;
	vm9 =	vcmask $0x2F00;
	vm10 =	vcmask $0x3300;
	[tilespmem:$0x1FFA0] =	vst v11  }
0x1f: {  	v14 =	vsel vm11, $0xFFFFFFFF, v14;
	vm12 =	vmmov $0x3fff;
	vm15 =	vmmov $0x7fff;
	[tilespmem:$0x1FFB0] =	vst v12  }
0x20: {  	v9 =	vsel vm13, $0x3F800000, v0;
	v10 =	vsel vm14, $0x3F800000, v0;
	v11 =	vsel vm5, $0x3F800000, v0;
	[tilespmem:$0x1FFC0] =	vst v13  }
0x21: {  	s5 =	ssub.s32 $0x2, s3;
	s3 =	sadd.s32 $0xC00, s4;
	s4 =	sadd.s32 $0xE00, s4;
	v12 =	vsel vm6, $0x3F800000, v0;
	v13 =	vsel vm9, $0x3F800000, v0;
	[tilespmem:$0x1FFD0] =	vst v14;
	v15 =	vsel vm12, $0xFFFFFFFF, v15  }
0x22: {  	s7 =	simm.s32 $0x1;
	s8 =	simm.s32 $0x1000;
	s6 =	sshrl.u32 s5, $0x1;
	vm13 =	vcmask $0x3700;
	vm14 =	vcmask $0x3B00;
	v16 =	vsel vm15, $0xFFFFFFFF, v16;
	[tilespmem:$0x1FFE0] =	vst v15  }
0x23: {  	s9 =	simm.s32 $0x2000;
	s5 =	ssub.s32 s5, s6;
	s6 =	simm.s32 $0x0;
	v14 =	vsel vm10, $0x3F800000, v0;
	v15 =	vsel vm13, $0x3F800000, v0;
	[tilespmem:$0x1FFF0] =	vst v16;
	v16 =	vsel vm14, $0x3F800000, v0  }
.LBB2_2:
0x24: {  	[tilespmem:s6], [sflag:$0x1] =	stream.linear.gather [hbm4b:s3+s6], $0x1000, $0x38;
	[tilespmem:$0x2080] =	vst v63  }
0x25: {  	_ =	swait.ge [sflag:s7], $0x1000  }
0x26: {  	[sflag:s7] =	ssyncset.done $0x0  }
0x27: {  	[sflag:s7] =	ssyncadd.s32 $0xFFFFF000  }
0x28: {  	[tilespmem:s8], [sflag:$0x1] =	stream.linear.gather [hbm4b:s4+s6], $0x1000, $0x38;
	[tilespmem:$0x2080] =	vst v63  }
0x29: {  	_ =	swait.ge [sflag:s7], $0x1000  }
0x2a: {  	[sflag:s7] =	ssyncset.done $0x0  }
0x2b: {  	[sflag:s7] =	ssyncadd.s32 $0xFFFFF000  }
0x2c: {  	v18 =	vld [tilespmem:$0x80];
	_ =	sdelay $0x4  }
0x2d: {  	v19 =	vmul.f32 $6.103515630e-05, v18;
	_ =	sdelay $0x1  }
0x2e: {  	v17 =	vmax.f32 v19, $1.000000000e-30  }
0x2f: {  	v20 =	vand.u32 $0x7FFFFF, v17  }
0x30: {  	v20 =	vor.u32 $0x3F800000, v20  }
0x31: {  	v21 =	vmul.f32 $5.000000000e-01, v20  }
0x32: {  	vm1 =	vgt.f32 v20, $1.414213540e+00  }
0x33: {  	v20 =	vsel vm1, v21, v20  }
0x34: {  	v26 =	vld [tilespmem:$0x100];
	v23 =	vadd.f32 $-1.000000000e+00, v20;
	_ =	sdelay $0x1  }
0x35: {  	v20 =	vmul.f32 $7.037683580e-02, v23;
	_ =	sdelay $0x1  }
0x36: {  	v20 =	vadd.f32 $-1.151461010e-01, v20  }
0x37: {  	v25 =	vmul.f32 $6.103515630e-05, v26  }
0x38: {  	v20 =	vmul.f32 v20, v23  }
0x39: {  	v27 =	vmax.f32 v25, $1.000000000e-30  }
0x3a: {  	v37 =	vand.u32 $0x7FFFFF, v27;
	v20 =	vadd.f32 $1.167699840e-01, v20  }
0x3b: {  	v21 =	vor.u32 $0x3F800000, v37  }
0x3c: {  	v22 =	vmul.f32 $5.000000000e-01, v21;
	v20 =	vmul.f32 v20, v23  }
0x3d: {  	vm0 =	vgt.f32 v21, $1.414213540e+00  }
0x3e: {  	v22 =	vsel vm0, v22, v21;
	v21 =	vld [tilespmem:$0x180];
	v20 =	vadd.f32 $-1.242014100e-01, v20;
	_ =	sdelay $0x1  }
0x3f: {  	v20 =	vmul.f32 v20, v23  }
0x40: {  	v28 =	vadd.f32 $-1.000000000e+00, v22  }
0x41: {  	v20 =	vadd.f32 $1.424932330e-01, v20  }
0x42: {  	v22 =	vmul.f32 $7.037683580e-02, v28;
	v24 =	vmul.f32 $6.103515630e-05, v21  }
0x43: {  	v20 =	vmul.f32 v20, v23  }
0x44: {  	v22 =	vadd.f32 $-1.151461010e-01, v22;
	v29 =	vmax.f32 v24, $1.000000000e-30  }
0x45: {  	v30 =	vand.u32 $0x7FFFFF, v29;
	v20 =	vadd.f32 $-1.666805740e-01, v20  }
0x46: {  	v22 =	vmul.f32 v22, v28;
	v30 =	vor.u32 $0x3F800000, v30  }
0x47: {  	v31 =	vmul.f32 $5.000000000e-01, v30;
	v20 =	vmul.f32 v20, v23  }
0x48: {  	v22 =	vadd.f32 $1.167699840e-01, v22;
	vm2 =	vgt.f32 v30, $1.414213540e+00  }
0x49: {  	v44 =	vld [tilespmem:$0x1FF10];
	v30 =	vsel vm2, v31, v30;
	v20 =	vadd.f32 $2.000071410e-01, v20  }
0x4a: {  	v56 =	vld [tilespmem:$0x1FF20];
	v22 =	vmul.f32 v22, v28;
	v30 =	vadd.f32 $-1.000000000e+00, v30  }
0x4b: {  	v20 =	vmul.f32 v20, v23  }
0x4c: {  	v22 =	vadd.f32 $-1.242014100e-01, v22;
	v38 =	vmul.f32 $7.037683580e-02, v30  }
0x4d: {  	v20 =	vadd.f32 $-2.499999400e-01, v20  }
0x4e: {  	v22 =	vmul.f32 v22, v28;
	v31 =	vadd.f32 $-1.151461010e-01, v38  }
0x4f: {  	vm5 =	vnez.u8 v44;
	vm6 =	vnez.u8 v56;
	v20 =	vmul.f32 v20, v23  }
0x50: {  	vm3 =	vgt.f32 v18, $0.0e+00;
	v22 =	vadd.f32 $1.424932330e-01, v22;
	v31 =	vmul.f32 v31, v30  }
0x51: {  	vm10 =	vgt.f32 v26, $0.0e+00;
	vm4 =	vmand vm3, vm5;
	v32 =	vadd.f32 $3.333333130e-01, v20  }
0x52: {  	v17 =	vshra.s32 v17, $0x17;
	v22 =	vmul.f32 v22, v28;
	v31 =	vadd.f32 $1.167699840e-01, v31;
	v20 =	vld [tilespmem:$0x200]  }
0x53: {  	v27 =	vshra.s32 v27, $0x17;
	v33 =	vmul.f32 v23, v23;
	v32 =	vmul.f32 v32, v23  }
0x54: {  	v34 =	vsel vm1, $0x1, v1;
	v22 =	vadd.f32 $-1.666805740e-01, v22;
	v31 =	vmul.f32 v31, v30  }
0x55: {  	v17 =	vadd.s32 v34, v17;
	v32 =	vmul.f32 v32, v33;
	v33 =	vmul.f32 $5.000000000e-01, v33  }
0x56: {  	v17 =	vadd.s32 $0xFFFFFF81, v17;
	v45 =	vsel vm0, $0x1, v1;
	v39 =	vmul.f32 v22, v28  }
0x57: {  	v31 =	vadd.f32 $-1.242014100e-01, v31;
	v22 =	vmul.f32 $6.103515630e-05, v20;
	v32 =	vsub.f32 v32, v33  }
0x58: {  	vm15 =	vmand vm10, vm6;
	v17 =	vcvt.s32.f32 v17;
	v27 =	vadd.s32 v45, v27  }
0x59: {  	v40 =	vld [tilespmem:$0x1080];
	v31 =	vmul.f32 v31, v30;
	v23 =	vadd.f32 v32, v23;
	v32 =	vmax.f32 v22, $1.000000000e-30  }
0x5a: {  	v17 =	vmul.f32 $6.931471820e-01, v17;
	v34 =	vadd.f32 $2.000071410e-01, v39;
	v35 =	vand.u32 $0x7FFFFF, v32  }
0x5b: {  	v27 =	vadd.s32 $0xFFFFFF81, v27;
	v31 =	vadd.f32 $1.424932330e-01, v31;
	v41 =	vor.u32 $0x3F800000, v35  }
0x5c: {  	v34 =	vmul.f32 v34, v28;
	v17 =	vadd.f32 v23, v17;
	v35 =	vmul.f32 $5.000000000e-01, v41  }
0x5d: {  	v27 =	vcvt.s32.f32 v27;
	v31 =	vmul.f32 v31, v30;
	vm9 =	vgt.f32 v41, $1.414213540e+00  }
0x5e: {  	v34 =	vadd.f32 $-2.499999400e-01, v34;
	v33 =	vsub.f32 v17, v40;
	v17 =	vsel vm9, v35, v41  }
0x5f: {  	v43 =	vmul.f32 v28, v28;
	v31 =	vadd.f32 $-1.666805740e-01, v31;
	v35 =	vadd.f32 $-1.000000000e+00, v17;
	v17 =	vld [tilespmem:$0x280]  }
0x60: {  	v29 =	vshra.s32 v29, $0x17;
	v59 =	vsel vm2, $0x1, v1;
	v34 =	vmul.f32 v34, v28  }
0x61: {  	v29 =	vadd.s32 v59, v29;
	v31 =	vmul.f32 v31, v30;
	v18 =	vmul.f32 $7.037683580e-02, v35  }
0x62: {  	v27 =	vmul.f32 $6.931471820e-01, v27;
	v29 =	vadd.s32 $0xFFFFFF81, v29;
	v42 =	vadd.f32 $3.333333130e-01, v34  }
0x63: {  	v29 =	vcvt.s32.f32 v29;
	v31 =	vadd.f32 $2.000071410e-01, v31;
	v36 =	vadd.f32 $-1.151461010e-01, v18  }
0x64: {  	v44 =	vnsel vm10, $0x0, v3;
	v23 =	vmul.f32 v42, v28;
	v18 =	vmul.f32 $6.103515630e-05, v17  }
0x65: {  	vm11 =	vgt.f32 v21, $0.0e+00;
	v31 =	vmul.f32 v31, v30;
	v46 =	vmul.f32 v36, v35  }
0x66: {  	v23 =	vmul.f32 v23, v43;
	v19 =	vmul.f32 v33, v19;
	v36 =	vmax.f32 v18, $1.000000000e-30  }
0x67: {  	v33 =	vmul.f32 $5.000000000e-01, v43;
	v47 =	vadd.f32 $1.167699840e-01, v46;
	v48 =	vand.u32 $0x7FFFFF, v36  }
0x68: {  	v53 =	vmul.f32 v30, v30;
	v31 =	vadd.f32 $-2.499999400e-01, v31;
	v34 =	vor.u32 $0x3F800000, v48  }
0x69: {  	v23 =	vsub.f32 v23, v33;
	v33 =	vmul.f32 v47, v35;
	v37 =	vmul.f32 $5.000000000e-01, v34  }
0x6a: {  	v49 =	vmul.f32 v31, v30;
	v19 =	vadd.f32 $0.0e+00, v19;
	vm0 =	vgt.f32 v34, $1.414213540e+00  }
0x6b: {  	v38 =	vld [tilespmem:$0x1100];
	v23 =	vadd.f32 v23, v28;
	v50 =	vadd.f32 $-1.242014100e-01, v33;
	v51 =	vsel vm0, v37, v34  }
0x6c: {  	v29 =	vmul.f32 $6.931471820e-01, v29;
	v28 =	vadd.f32 $3.333333130e-01, v49;
	v33 =	vadd.f32 $-1.000000000e+00, v51  }
0x6d: {  	vm13 =	vgt.f32 v20, $0.0e+00;
	v52 =	vnsel vm4, $0x0, v19;
	v19 =	vld [tilespmem:$0x300];
	v31 =	vmul.f32 v50, v35  }
0x6e: {  	v23 =	vadd.f32 v23, v27;
	v54 =	vmul.f32 v28, v30;
	v55 =	vmul.f32 $7.037683580e-02, v33  }
0x6f: {  	v43 =	vnsel vm3, $0x0, v2;
	v27 =	vmul.f32 $5.000000000e-01, v53;
	v58 =	vadd.f32 $1.424932330e-01, v31  }
0x70: {  	v57 =	vsub.f32 v23, v38;
	v26 =	vmul.f32 v54, v53;
	v28 =	vadd.f32 $-1.151461010e-01, v55  }
0x71: {  	v53 =	vmul.f32 v35, v35;
	v54 =	vsel vm9, $0x1, v1;
	v60 =	vmul.f32 v58, v35  }
0x72: {  	v23 =	vmul.f32 $6.103515630e-05, v19;
	v26 =	vsub.f32 v26, v27;
	v28 =	vmul.f32 v28, v33  }
0x73: {  	v40 =	vld [tilespmem:$0x1180];
	vm2 =	vgt.f32 v19, $0.0e+00;
	v25 =	vmul.f32 v57, v25;
	v61 =	vadd.f32 $-1.666805740e-01, v60  }
0x74: {  	v48 =	vld [tilespmem:$0x1FF30];
	v26 =	vadd.f32 v26, v30;
	v62 =	vadd.f32 $1.167699840e-01, v28;
	v28 =	vmax.f32 v23, $1.000000000e-30  }
0x75: {  	v25 =	vnsel vm15, $0x0, v25;
	v31 =	vmul.f32 v61, v35;
	v63 =	vand.u32 $0x7FFFFF, v28  }
0x76: {  	v25 =	vadd.f32 v25, v52;
	v26 =	vadd.f32 v26, v29;
	v41 =	vor.u32 $0x3F800000, v63  }
0x77: {  	v51 =	vadd.f32 v44, v43;
	v31 =	vadd.f32 $2.000071410e-01, v31;
	v37 =	vmul.f32 $5.000000000e-01, v41  }
0x78: {  	v26 =	vsub.f32 v26, v40;
	v27 =	vmul.f32 v62, v33;
	vm15 =	vgt.f32 v41, $1.414213540e+00  }
0x79: {  	vm7 =	vnez.u8 v48;
	v42 =	vmul.f32 v31, v35;
	v30 =	vsel vm15, v37, v41  }
0x7a: {  	v46 =	vmul.f32 v26, v24;
	v27 =	vadd.f32 $-1.242014100e-01, v27;
	v30 =	vadd.f32 $-1.000000000e+00, v30  }
0x7b: {  	v52 =	vshra.s32 v32, $0x17;
	vm12 =	vmand vm11, vm7;
	v29 =	vadd.f32 $-2.499999400e-01, v42  }
0x7c: {  	v21 =	vnsel vm12, $0x0, v46;
	v27 =	vmul.f32 v27, v33;
	v45 =	vmul.f32 $7.037683580e-02, v30  }
0x7d: {  	v32 =	vmul.f32 $5.000000000e-01, v53;
	v60 =	vld [tilespmem:$0x1FF40];
	v25 =	vadd.f32 v21, v25;
	v47 =	vmul.f32 v29, v35  }
0x7e: {  	v55 =	vnsel vm11, $0x0, v4;
	v27 =	vadd.f32 $1.424932330e-01, v27;
	v50 =	vadd.f32 $-1.151461010e-01, v45  }
0x7f: {  	v61 =	vmul.f32 v33, v33;
	v62 =	vshra.s32 v36, $0x17;
	v24 =	vadd.f32 $3.333333130e-01, v47  }
0x80: {  	v21 =	vld [tilespmem:$0x380];
	v63 =	vsel vm0, $0x1, v1;
	v49 =	vmul.f32 v27, v33;
	v27 =	vmul.f32 v50, v30  }
0x81: {  	v28 =	vshra.s32 v28, $0x17;
	v34 =	vadd.s32 v63, v62;
	v24 =	vmul.f32 v24, v35  }
0x82: {  	vm8 =	vnez.u8 v60;
	v34 =	vadd.s32 $0xFFFFFF81, v34;
	v27 =	vadd.f32 $1.167699840e-01, v27  }
0x83: {  	v31 =	vadd.s32 v54, v52;
	v26 =	vadd.f32 $-1.666805740e-01, v49;
	v24 =	vmul.f32 v24, v53  }
0x84: {  	vm14 =	vmand vm13, vm8;
	v41 =	vmul.f32 $5.000000000e-01, v61;
	v27 =	vmul.f32 v27, v30  }
0x85: {  	v26 =	vmul.f32 v26, v33;
	v32 =	vsub.f32 v24, v32;
	v24 =	vmul.f32 $6.103515630e-05, v21  }
0x86: {  	v34 =	vcvt.s32.f32 v34;
	v31 =	vadd.s32 $0xFFFFFF81, v31;
	v27 =	vadd.f32 $-1.242014100e-01, v27  }
0x87: {  	v26 =	vadd.f32 $2.000071410e-01, v26;
	v32 =	vadd.f32 v32, v35;
	v35 =	vmax.f32 v24, $1.000000000e-30  }
0x88: {  	v31 =	vcvt.s32.f32 v31;
	v27 =	vmul.f32 v27, v30;
	v57 =	vand.u32 $0x7FFFFF, v35  }
0x89: {  	v52 =	vsel vm15, $0x1, v1;
	v26 =	vmul.f32 v26, v33;
	v58 =	vor.u32 $0x3F800000, v57  }
0x8a: {  	v56 =	vld [tilespmem:$0x1200];
	v31 =	vmul.f32 $6.931471820e-01, v31;
	v27 =	vadd.f32 $1.424932330e-01, v27;
	v59 =	vmul.f32 $5.000000000e-01, v58  }
0x8b: {  	vm15 =	vgt.f32 v17, $0.0e+00;
	v26 =	vadd.f32 $-2.499999400e-01, v26;
	vm1 =	vgt.f32 v58, $1.414213540e+00  }
0x8c: {  	v20 =	vld [tilespmem:$0x400];
	v31 =	vadd.f32 v32, v31;
	v27 =	vmul.f32 v27, v30;
	v32 =	vsel vm1, v59, v58  }
0x8d: {  	vm12 =	vgt.f32 v21, $0.0e+00;
	v28 =	vadd.s32 v52, v28;
	v32 =	vadd.f32 $-1.000000000e+00, v32  }
0x8e: {  	v34 =	vmul.f32 $6.931471820e-01, v34;
	v26 =	vmul.f32 v26, v33;
	v27 =	vadd.f32 $-1.666805740e-01, v27  }
0x8f: {  	v28 =	vadd.s32 $0xFFFFFF81, v28;
	v31 =	vsub.f32 v31, v56;
	v40 =	vmul.f32 $7.037683580e-02, v32  }
0x90: {  	v54 =	vcvt.s32.f32 v28;
	v26 =	vadd.f32 $3.333333130e-01, v26;
	v27 =	vmul.f32 v27, v30  }
0x91: {  	v31 =	vmul.f32 v31, v22;
	v22 =	vmul.f32 $6.103515630e-05, v20;
	v37 =	vadd.f32 $-1.151461010e-01, v40  }
0x92: {  	v29 =	vadd.f32 v55, v51;
	v26 =	vmul.f32 v26, v33;
	v27 =	vadd.f32 $2.000071410e-01, v27  }
0x93: {  	v51 =	vmul.f32 v30, v30;
	v42 =	vmul.f32 v37, v32;
	v37 =	vmax.f32 v22, $1.000000000e-30  }
0x94: {  	v26 =	vmul.f32 v26, v61;
	v27 =	vmul.f32 v27, v30;
	v43 =	vand.u32 $0x7FFFFF, v37  }
0x95: {  	v31 =	vnsel vm14, $0x0, v31;
	v44 =	vadd.f32 $1.167699840e-01, v42;
	v45 =	vor.u32 $0x3F800000, v43  }
0x96: {  	v26 =	vsub.f32 v26, v41;
	v27 =	vadd.f32 $-2.499999400e-01, v27;
	v39 =	vmul.f32 $5.000000000e-01, v45  }
0x97: {  	v57 =	vld [tilespmem:$0x1FF50];
	v31 =	vadd.f32 v31, v25;
	vm0 =	vgt.f32 v45, $1.414213540e+00;
	v47 =	vmul.f32 v44, v32  }
0x98: {  	v26 =	vadd.f32 v26, v33;
	v27 =	vmul.f32 v27, v30;
	v48 =	vsel vm0, v39, v45  }
0x99: {  	v46 =	vld [tilespmem:$0x1280];
	v49 =	vnsel vm13, $0x0, v5;
	v25 =	vadd.f32 $-1.242014100e-01, v47;
	v33 =	vadd.f32 $-1.000000000e+00, v48  }
0x9a: {  	v36 =	vmul.f32 $5.000000000e-01, v51;
	v29 =	vadd.f32 v49, v29;
	v27 =	vadd.f32 $3.333333130e-01, v27  }
0x9b: {  	v59 =	vnsel vm15, $0x0, v6;
	v25 =	vmul.f32 v25, v32;
	v50 =	vmul.f32 $7.037683580e-02, v33  }
0x9c: {  	vm9 =	vnez.u8 v57;
	v26 =	vadd.f32 v26, v34;
	v27 =	vmul.f32 v27, v30  }
0x9d: {  	vm10 =	vmand vm15, vm9;
	v25 =	vadd.f32 $1.424932330e-01, v25;
	v34 =	vadd.f32 $-1.151461010e-01, v50  }
0x9e: {  	v63 =	vld [tilespmem:$0x1FF60];
	v41 =	vmul.f32 v32, v32;
	v26 =	vsub.f32 v26, v46;
	v27 =	vmul.f32 v27, v51  }
0x9f: {  	v40 =	vshra.s32 v35, $0x17;
	v53 =	vmul.f32 v25, v32;
	v34 =	vmul.f32 v34, v33;
	v25 =	vld [tilespmem:$0x480]  }
0xa0: {  	v43 =	vsel vm1, $0x1, v1;
	v18 =	vmul.f32 v26, v18;
	v17 =	vsub.f32 v27, v36  }
0xa1: {  	v55 =	vld [tilespmem:$0x1300];
	v44 =	vnsel vm2, $0x0, v7;
	v56 =	vadd.f32 $-1.666805740e-01, v53;
	v34 =	vadd.f32 $1.167699840e-01, v34  }
0xa2: {  	v18 =	vnsel vm10, $0x0, v18;
	v27 =	vmul.f32 $6.931471820e-01, v54;
	v17 =	vadd.f32 v17, v30  }
0xa3: {  	vm10 =	vnez.u8 v63;
	v58 =	vmul.f32 v56, v32;
	v34 =	vmul.f32 v34, v33  }
0xa4: {  	v18 =	vadd.f32 v18, v31;
	v17 =	vadd.f32 v17, v27;
	v26 =	vmul.f32 $6.103515630e-05, v25  }
0xa5: {  	vm11 =	vmand vm2, vm10;
	v30 =	vadd.f32 $2.000071410e-01, v58;
	v60 =	vadd.f32 $-1.242014100e-01, v34  }
0xa6: {  	vm2 =	vgt.f32 v20, $0.0e+00;
	v17 =	vsub.f32 v17, v55;
	v28 =	vmax.f32 v26, $1.000000000e-30  }
0xa7: {  	v19 =	vmul.f32 v30, v32;
	v61 =	vmul.f32 v60, v33;
	v62 =	vand.u32 $0x7FFFFF, v28  }
0xa8: {  	v53 =	vmul.f32 v33, v33;
	v17 =	vmul.f32 v17, v23;
	v36 =	vor.u32 $0x3F800000, v62  }
0xa9: {  	v19 =	vadd.f32 $-2.499999400e-01, v19;
	v30 =	vadd.f32 $1.424932330e-01, v61;
	v31 =	vmul.f32 $5.000000000e-01, v36  }
0xaa: {  	v27 =	vadd.f32 v59, v29;
	vm15 =	vgt.f32 v36, $1.414213540e+00;
	v17 =	vnsel vm11, $0x0, v17  }
0xab: {  	v19 =	vmul.f32 v19, v32;
	v38 =	vmul.f32 v30, v33;
	v23 =	vsel vm15, v31, v36  }
0xac: {  	v29 =	vadd.s32 v43, v40;
	v18 =	vadd.f32 v17, v18;
	v17 =	vld [tilespmem:$0x500];
	v30 =	vadd.f32 $-1.000000000e+00, v23  }
0xad: {  	v29 =	vadd.s32 $0xFFFFFF81, v29;
	v19 =	vadd.f32 $3.333333130e-01, v19;
	v39 =	vadd.f32 $-1.666805740e-01, v38  }
0xae: {  	v56 =	vld [tilespmem:$0x1FF70];
	vm4 =	vgt.f32 v25, $0.0e+00;
	v29 =	vcvt.s32.f32 v29;
	v42 =	vmul.f32 $7.037683580e-02, v30  }
0xaf: {  	v58 =	vshra.s32 v37, $0x17;
	v19 =	vmul.f32 v19, v32;
	v23 =	vmul.f32 v39, v33  }
0xb0: {  	v28 =	vshra.s32 v28, $0x17;
	v29 =	vmul.f32 $6.931471820e-01, v29;
	v34 =	vadd.f32 $-1.151461010e-01, v42  }
0xb1: {  	v45 =	vmul.f32 v19, v41;
	v23 =	vadd.f32 $2.000071410e-01, v23;
	v19 =	vmul.f32 $6.103515630e-05, v17  }
0xb2: {  	v61 =	vsel vm0, $0x1, v1;
	v31 =	vmul.f32 $5.000000000e-01, v41;
	v34 =	vmul.f32 v34, v30  }
0xb3: {  	vm11 =	vnez.u8 v56;
	v23 =	vmul.f32 v23, v33;
	v38 =	vmax.f32 v19, $1.000000000e-30  }
0xb4: {  	v31 =	vsub.f32 v45, v31;
	v34 =	vadd.f32 $1.167699840e-01, v34;
	v46 =	vand.u32 $0x7FFFFF, v38  }
0xb5: {  	v47 =	vld [tilespmem:$0x1380];
	v36 =	vadd.f32 v44, v27;
	v23 =	vadd.f32 $-2.499999400e-01, v23;
	v35 =	vor.u32 $0x3F800000, v46  }
0xb6: {  	v31 =	vadd.f32 v31, v32;
	v48 =	vmul.f32 v34, v30;
	v49 =	vmul.f32 $5.000000000e-01, v35  }
0xb7: {  	vm13 =	vmand vm12, vm11;
	vm1 =	vgt.f32 v35, $1.414213540e+00;
	v23 =	vmul.f32 v23, v33  }
0xb8: {  	v29 =	vadd.f32 v31, v29;
	v50 =	vadd.f32 $-1.242014100e-01, v48;
	v51 =	vsel vm1, v49, v35  }
0xb9: {  	v56 =	vmul.f32 v30, v30;
	v52 =	vadd.f32 $3.333333130e-01, v23;
	v27 =	vadd.f32 $-1.000000000e+00, v51  }
0xba: {  	v34 =	vmul.f32 $5.000000000e-01, v53;
	v29 =	vsub.f32 v29, v47;
	v23 =	vld [tilespmem:$0x580];
	v31 =	vmul.f32 v50, v30  }
0xbb: {  	v41 =	vld [tilespmem:$0x1FF90];
	v46 =	vnsel vm12, $0x0, v8;
	v54 =	vmul.f32 v52, v33;
	v55 =	vmul.f32 $7.037683580e-02, v27  }
0xbc: {  	v50 =	vadd.f32 v46, v36;
	v24 =	vmul.f32 v29, v24;
	v57 =	vadd.f32 $1.424932330e-01, v31  }
0xbd: {  	v31 =	vadd.s32 v61, v58;
	v59 =	vmul.f32 v54, v53;
	v60 =	vadd.f32 $-1.151461010e-01, v55  }
0xbe: {  	v31 =	vadd.s32 $0xFFFFFF81, v31;
	v24 =	vnsel vm13, $0x0, v24;
	v29 =	vmul.f32 v57, v30  }
0xbf: {  	v53 =	vnsel vm2, $0x0, v9;
	v21 =	vmul.f32 $6.103515630e-05, v23;
	v62 =	vmul.f32 v60, v27  }
0xc0: {  	v51 =	vld [tilespmem:$0x1FF80];
	vm13 =	vnez.u8 v41;
	v31 =	vcvt.s32.f32 v31;
	v29 =	vadd.f32 $-1.666805740e-01, v29  }
0xc1: {  	v34 =	vsub.f32 v59, v34;
	v35 =	vmax.f32 v21, $1.000000000e-30;
	v32 =	vadd.f32 $1.167699840e-01, v62  }
0xc2: {  	v18 =	vadd.f32 v24, v18;
	v42 =	vand.u32 $0x7FFFFF, v35;
	v29 =	vmul.f32 v29, v30  }
0xc3: {  	v63 =	vld [tilespmem:$0x1400];
	v33 =	vadd.f32 v34, v33;
	v34 =	vor.u32 $0x3F800000, v42;
	v32 =	vmul.f32 v32, v27  }
0xc4: {  	v31 =	vmul.f32 $6.931471820e-01, v31;
	v43 =	vmul.f32 $5.000000000e-01, v34;
	v29 =	vadd.f32 $2.000071410e-01, v29  }
0xc5: {  	vm12 =	vnez.u8 v51;
	vm0 =	vgt.f32 v34, $1.414213540e+00;
	v32 =	vadd.f32 $-1.242014100e-01, v32  }
0xc6: {  	v31 =	vadd.f32 v33, v31;
	v45 =	vsel vm0, v43, v34;
	v44 =	vmul.f32 v29, v30  }
0xc7: {  	v57 =	vsel vm15, $0x1, v1;
	v29 =	vadd.f32 $-1.000000000e+00, v45;
	v32 =	vmul.f32 v32, v27  }
0xc8: {  	vm15 =	vmand vm4, vm13;
	v31 =	vsub.f32 v31, v63;
	v47 =	vadd.f32 $-2.499999400e-01, v44  }
0xc9: {  	vm14 =	vmand vm2, vm12;
	v49 =	vmul.f32 $7.037683580e-02, v29;
	v48 =	vadd.f32 $1.424932330e-01, v32  }
0xca: {  	v28 =	vadd.s32 v57, v28;
	v22 =	vmul.f32 v31, v22;
	v20 =	vmul.f32 v47, v30  }
0xcb: {  	v28 =	vadd.s32 $0xFFFFFF81, v28;
	v31 =	vadd.f32 $-1.151461010e-01, v49;
	v24 =	vmul.f32 v48, v27  }
0xcc: {  	v28 =	vcvt.s32.f32 v28;
	v22 =	vnsel vm14, $0x0, v22;
	v20 =	vadd.f32 $3.333333130e-01, v20  }
0xcd: {  	v52 =	vadd.f32 v22, v18;
	v18 =	vld [tilespmem:$0x600];
	v55 =	vmul.f32 v31, v29;
	v54 =	vadd.f32 $-1.666805740e-01, v24  }
0xce: {  	v59 =	vadd.f32 v53, v50;
	v35 =	vshra.s32 v35, $0x17;
	v20 =	vmul.f32 v20, v30  }
0xcf: {  	v28 =	vmul.f32 $6.931471820e-01, v28;
	v24 =	vadd.f32 $1.167699840e-01, v55;
	v22 =	vmul.f32 v54, v27  }
0xd0: {  	v43 =	vshra.s32 v38, $0x17;
	v31 =	vmul.f32 $5.000000000e-01, v56;
	v20 =	vmul.f32 v20, v56  }
0xd1: {  	v45 =	vsel vm1, $0x1, v1;
	v24 =	vmul.f32 v24, v29;
	v58 =	vadd.f32 $2.000071410e-01, v22  }
0xd2: {  	v44 =	vmul.f32 v27, v27;
	v22 =	vmul.f32 $6.103515630e-05, v18;
	v20 =	vsub.f32 v20, v31  }
0xd3: {  	v57 =	vmul.f32 v29, v29;
	v24 =	vadd.f32 $-1.242014100e-01, v24;
	v61 =	vmul.f32 v58, v27  }
0xd4: {  	v60 =	vld [tilespmem:$0x1480];
	v58 =	vsel vm0, $0x1, v1;
	v20 =	vadd.f32 v20, v30;
	v30 =	vmax.f32 v22, $1.000000000e-30  }
0xd5: {  	vm0 =	vgt.f32 v17, $0.0e+00;
	v24 =	vmul.f32 v24, v29;
	v62 =	vand.u32 $0x7FFFFF, v30  }
0xd6: {  	v34 =	vadd.f32 $-2.499999400e-01, v61;
	v63 =	vadd.f32 v20, v28;
	v40 =	vor.u32 $0x3F800000, v62;
	v20 =	vld [tilespmem:$0x680]  }
0xd7: {  	v35 =	vadd.s32 v58, v35;
	v24 =	vadd.f32 $1.424932330e-01, v24;
	v36 =	vmul.f32 $5.000000000e-01, v40  }
0xd8: {  	v41 =	vnsel vm0, $0x0, v11;
	v34 =	vmul.f32 v34, v27;
	vm3 =	vgt.f32 v40, $1.414213540e+00  }
0xd9: {  	v25 =	vsub.f32 v63, v60;
	v24 =	vmul.f32 v24, v29;
	v28 =	vsel vm3, v36, v40  }
0xda: {  	v35 =	vadd.s32 $0xFFFFFF81, v35;
	v42 =	vadd.f32 $3.333333130e-01, v34;
	v28 =	vadd.f32 $-1.000000000e+00, v28  }
0xdb: {  	v26 =	vmul.f32 v25, v26;
	v24 =	vadd.f32 $-1.666805740e-01, v24;
	v25 =	vmul.f32 $6.103515630e-05, v20  }
0xdc: {  	v34 =	vadd.s32 v45, v43;
	v32 =	vmul.f32 v42, v27;
	v46 =	vmul.f32 $7.037683580e-02, v28  }
0xdd: {  	v36 =	vmul.f32 $5.000000000e-01, v44;
	v24 =	vmul.f32 v24, v29;
	v38 =	vmax.f32 v25, $1.000000000e-30  }
0xde: {  	v32 =	vmul.f32 v32, v44;
	v47 =	vadd.f32 $-1.151461010e-01, v46;
	v48 =	vand.u32 $0x7FFFFF, v38  }
0xdf: {  	v34 =	vadd.s32 $0xFFFFFF81, v34;
	v24 =	vadd.f32 $2.000071410e-01, v24;
	v39 =	vor.u32 $0x3F800000, v48  }
0xe0: {  	v32 =	vsub.f32 v32, v36;
	v37 =	vmul.f32 v47, v28;
	v49 =	vmul.f32 $5.000000000e-01, v39  }
0xe1: {  	v34 =	vcvt.s32.f32 v34;
	v24 =	vmul.f32 v24, v29;
	vm2 =	vgt.f32 v39, $1.414213540e+00  }
0xe2: {  	v63 =	vld [tilespmem:$0x1FFA0];
	v27 =	vadd.f32 v32, v27;
	v37 =	vadd.f32 $1.167699840e-01, v37;
	v50 =	vsel vm2, v49, v39  }
0xe3: {  	v60 =	vcvt.s32.f32 v35;
	v24 =	vadd.f32 $-2.499999400e-01, v24;
	v32 =	vadd.f32 $-1.000000000e+00, v50  }
0xe4: {  	v26 =	vnsel vm15, $0x0, v26;
	v34 =	vmul.f32 $6.931471820e-01, v34;
	v51 =	vmul.f32 v37, v28  }
0xe5: {  	vm15 =	vgt.f32 v23, $0.0e+00;
	v24 =	vmul.f32 v24, v29;
	v54 =	vmul.f32 $7.037683580e-02, v32  }
0xe6: {  	v33 =	vadd.f32 v26, v52;
	v52 =	vnsel vm4, $0x0, v10;
	v53 =	vadd.f32 $-1.242014100e-01, v51  }
0xe7: {  	v40 =	vld [tilespmem:$0x1500];
	vm14 =	vnez.u8 v63;
	v24 =	vadd.f32 $3.333333130e-01, v24;
	v56 =	vadd.f32 $-1.151461010e-01, v54  }
0xe8: {  	v31 =	vadd.f32 v52, v59;
	vm4 =	vmand vm0, vm14;
	v55 =	vmul.f32 v53, v28  }
0xe9: {  	v27 =	vadd.f32 v27, v34;
	v24 =	vmul.f32 v24, v29;
	v34 =	vmul.f32 v56, v32  }
0xea: {  	v52 =	vnsel vm15, $0x0, v12;
	v38 =	vshra.s32 v38, $0x17;
	v26 =	vadd.f32 $1.424932330e-01, v55  }
0xeb: {  	v36 =	vmul.f32 $5.000000000e-01, v57;
	v24 =	vmul.f32 v24, v57;
	v34 =	vadd.f32 $1.167699840e-01, v34  }
0xec: {  	v48 =	vsel vm3, $0x1, v1;
	v27 =	vsub.f32 v27, v40;
	v59 =	vmul.f32 v26, v28;
	v26 =	vld [tilespmem:$0x700]  }
0xed: {  	v45 =	vld [tilespmem:$0x1FFB0];
	v31 =	vadd.f32 v41, v31;
	v17 =	vsub.f32 v24, v36;
	v34 =	vmul.f32 v34, v32  }
0xee: {  	v61 =	vld [tilespmem:$0x1580];
	v49 =	vmul.f32 v28, v28;
	v19 =	vmul.f32 v27, v19;
	v62 =	vadd.f32 $-1.666805740e-01, v59  }
0xef: {  	v24 =	vmul.f32 $6.931471820e-01, v60;
	v17 =	vadd.f32 v17, v29;
	v34 =	vadd.f32 $-1.242014100e-01, v34  }
0xf0: {  	v31 =	vadd.f32 v52, v31;
	v19 =	vnsel vm4, $0x0, v19;
	v40 =	vmul.f32 v62, v28  }
0xf1: {  	v17 =	vadd.f32 v17, v24;
	v24 =	vmul.f32 $6.103515630e-05, v26;
	v34 =	vmul.f32 v34, v32  }
0xf2: {  	vm4 =	vnez.u8 v45;
	v19 =	vadd.f32 v19, v33;
	v29 =	vadd.f32 $2.000071410e-01, v40  }
0xf3: {  	v17 =	vsub.f32 v17, v61;
	v27 =	vmax.f32 v24, $1.000000000e-30;
	v43 =	vadd.f32 $1.424932330e-01, v34  }
0xf4: {  	vm0 =	vmand vm15, vm4;
	v42 =	vmul.f32 v29, v28;
	v44 =	vand.u32 $0x7FFFFF, v27  }
0xf5: {  	v17 =	vmul.f32 v17, v21;
	v34 =	vor.u32 $0x3F800000, v44;
	v29 =	vmul.f32 v43, v32  }
0xf6: {  	v60 =	vsel vm2, $0x1, v1;
	v23 =	vadd.f32 $-2.499999400e-01, v42;
	v46 =	vmul.f32 $5.000000000e-01, v34  }
0xf7: {  	v21 =	vld [tilespmem:$0x780];
	v17 =	vnsel vm0, $0x0, v17;
	vm0 =	vgt.f32 v34, $1.414213540e+00;
	v29 =	vadd.f32 $-1.666805740e-01, v29  }
0xf8: {  	v59 =	vmul.f32 v32, v32;
	v23 =	vmul.f32 v23, v28;
	v47 =	vsel vm0, v46, v34  }
0xf9: {  	vm2 =	vgt.f32 v18, $0.0e+00;
	v33 =	vadd.f32 $-1.000000000e+00, v47;
	v29 =	vmul.f32 v29, v32  }
0xfa: {  	v62 =	vmul.f32 $5.000000000e-01, v59;
	v61 =	vadd.s32 v60, v38;
	v23 =	vadd.f32 $3.333333130e-01, v23  }
0xfb: {  	v27 =	vshra.s32 v27, $0x17;
	v50 =	vmul.f32 $7.037683580e-02, v33;
	v29 =	vadd.f32 $2.000071410e-01, v29  }
0xfc: {  	v19 =	vadd.f32 v17, v19;
	v51 =	vmul.f32 v23, v28;
	v23 =	vmul.f32 $6.103515630e-05, v21  }
0xfd: {  	v17 =	vshra.s32 v30, $0x17;
	v53 =	vadd.f32 $-1.151461010e-01, v50;
	v29 =	vmul.f32 v29, v32  }
0xfe: {  	v17 =	vadd.s32 v48, v17;
	v34 =	vmul.f32 $5.000000000e-01, v49;
	v36 =	vmax.f32 v23, $1.000000000e-30  }
0xff: {  	v30 =	vmul.f32 v53, v33;
	v55 =	vand.u32 $0x7FFFFF, v36;
	v29 =	vadd.f32 $-2.499999400e-01, v29  }
0x100: {  	v17 =	vadd.s32 $0xFFFFFF81, v17;
	v54 =	vmul.f32 v51, v49;
	v39 =	vor.u32 $0x3F800000, v55  }
0x101: {  	v44 =	vld [tilespmem:$0x1FFC0];
	v30 =	vadd.f32 $1.167699840e-01, v30;
	v56 =	vmul.f32 $5.000000000e-01, v39;
	v29 =	vmul.f32 v29, v32  }
0x102: {  	v17 =	vcvt.s32.f32 v17;
	v34 =	vsub.f32 v54, v34;
	vm1 =	vgt.f32 v39, $1.414213540e+00  }
0x103: {  	v58 =	vld [tilespmem:$0x1600];
	v30 =	vmul.f32 v30, v33;
	v57 =	vsel vm1, v56, v39;
	v29 =	vadd.f32 $3.333333130e-01, v29  }
0x104: {  	v17 =	vmul.f32 $6.931471820e-01, v17;
	v28 =	vadd.f32 v34, v28;
	v34 =	vadd.f32 $-1.000000000e+00, v57  }
0x105: {  	v46 =	vnsel vm2, $0x0, v13;
	v30 =	vadd.f32 $-1.242014100e-01, v30;
	v29 =	vmul.f32 v29, v32  }
0x106: {  	vm15 =	vnez.u8 v44;
	v17 =	vadd.f32 v28, v17;
	v41 =	vmul.f32 $7.037683580e-02, v34  }
0x107: {  	vm3 =	vmand vm2, vm15;
	v30 =	vmul.f32 v30, v33;
	v29 =	vmul.f32 v29, v59  }
0x108: {  	v28 =	vadd.s32 $0xFFFFFF81, v61;
	v17 =	vsub.f32 v17, v58;
	v63 =	vadd.f32 $-1.151461010e-01, v41  }
0x109: {  	v40 =	vld [tilespmem:$0x1680];
	v28 =	vcvt.s32.f32 v28;
	v30 =	vadd.f32 $1.424932330e-01, v30;
	v29 =	vsub.f32 v29, v62  }
0x10a: {  	vm2 =	vgt.f32 v20, $0.0e+00;
	v18 =	vmul.f32 v17, v22;
	v17 =	vld [tilespmem:$0x800];
	v41 =	vmul.f32 v63, v34  }
0x10b: {  	v50 =	vld [tilespmem:$0x1FFD0];
	v28 =	vmul.f32 $6.931471820e-01, v28;
	v42 =	vmul.f32 v30, v33;
	v29 =	vadd.f32 v29, v32  }
0x10c: {  	v53 =	vnsel vm2, $0x0, v14;
	v55 =	vsel vm0, $0x1, v1;
	v43 =	vadd.f32 $1.167699840e-01, v41  }
0x10d: {  	v18 =	vnsel vm3, $0x0, v18;
	v22 =	vadd.f32 $-1.666805740e-01, v42;
	v28 =	vadd.f32 v29, v28  }
0x10e: {  	v27 =	vadd.s32 v55, v27;
	v19 =	vadd.f32 v18, v19;
	v45 =	vmul.f32 v43, v34  }
0x10f: {  	v18 =	vmul.f32 $6.103515630e-05, v17;
	v22 =	vmul.f32 v22, v33;
	v28 =	vsub.f32 v28, v40  }
0x110: {  	vm15 =	vnez.u8 v50;
	v27 =	vadd.s32 $0xFFFFFF81, v27;
	v29 =	vadd.f32 $-1.242014100e-01, v45  }
0x111: {  	v47 =	vadd.f32 $2.000071410e-01, v22;
	v48 =	vmul.f32 v28, v25;
	v28 =	vmax.f32 v18, $1.000000000e-30  }
0x112: {  	v27 =	vcvt.s32.f32 v27;
	v49 =	vmul.f32 v29, v34;
	v51 =	vand.u32 $0x7FFFFF, v28  }
0x113: {  	vm3 =	vmand vm2, vm15;
	v20 =	vmul.f32 v47, v33;
	v29 =	vor.u32 $0x3F800000, v51  }
0x114: {  	v22 =	vnsel vm3, $0x0, v48;
	v25 =	vadd.f32 $1.424932330e-01, v49;
	v52 =	vmul.f32 $5.000000000e-01, v29  }
0x115: {  	v22 =	vadd.f32 v22, v19;
	vm2 =	vgt.f32 v29, $1.414213540e+00;
	v19 =	vld [tilespmem:$0x880];
	v20 =	vadd.f32 $-2.499999400e-01, v20  }
0x116: {  	v54 =	vmul.f32 v33, v33;
	v25 =	vmul.f32 v25, v34;
	v29 =	vsel vm2, v52, v29  }
0x117: {  	v27 =	vmul.f32 $6.931471820e-01, v27;
	v20 =	vmul.f32 v20, v33;
	v29 =	vadd.f32 $-1.000000000e+00, v29  }
0x118: {  	v44 =	vmul.f32 v34, v34;
	v30 =	vadd.f32 v46, v31;
	v25 =	vadd.f32 $-1.666805740e-01, v25  }
0x119: {  	v31 =	vmul.f32 $5.000000000e-01, v54;
	v20 =	vadd.f32 $3.333333130e-01, v20;
	v57 =	vmul.f32 $7.037683580e-02, v29  }
0x11a: {  	v56 =	vmul.f32 v25, v34;
	v25 =	vmul.f32 $6.103515630e-05, v19  }
0x11b: {  	v46 =	vsel vm1, $0x1, v1;
	v20 =	vmul.f32 v20, v33;
	v59 =	vadd.f32 $-1.151461010e-01, v57  }
0x11c: {  	vm1 =	vgt.f32 v21, $0.0e+00;
	v58 =	vadd.f32 $2.000071410e-01, v56;
	v37 =	vmax.f32 v25, $1.000000000e-30  }
0x11d: {  	v20 =	vmul.f32 v20, v54;
	v35 =	vmul.f32 v59, v29;
	v60 =	vand.u32 $0x7FFFFF, v37  }
0x11e: {  	v30 =	vadd.f32 v53, v30;
	v40 =	vld [tilespmem:$0x1FFE0];
	v32 =	vmul.f32 v58, v34;
	v61 =	vor.u32 $0x3F800000, v60  }
0x11f: {  	v20 =	vsub.f32 v20, v31;
	v35 =	vadd.f32 $1.167699840e-01, v35;
	v38 =	vmul.f32 $5.000000000e-01, v61  }
0x120: {  	v62 =	vld [tilespmem:$0x1700];
	v43 =	vshra.s32 v36, $0x17;
	vm0 =	vgt.f32 v61, $1.414213540e+00;
	v32 =	vadd.f32 $-2.499999400e-01, v32  }
0x121: {  	v20 =	vadd.f32 v20, v33;
	v35 =	vmul.f32 v35, v29;
	v31 =	vsel vm0, v38, v61  }
0x122: {  	vm3 =	vgt.f32 v26, $0.0e+00;
	v32 =	vmul.f32 v32, v34;
	v31 =	vadd.f32 $-1.000000000e+00, v31  }
0x123: {  	vm15 =	vnez.u8 v40;
	v63 =	vadd.f32 v20, v27;
	v42 =	vadd.f32 $-1.242014100e-01, v35  }
0x124: {  	vm4 =	vmand vm3, vm15;
	v41 =	vadd.f32 $3.333333130e-01, v32;
	v45 =	vmul.f32 $7.037683580e-02, v31  }
0x125: {  	v20 =	vld [tilespmem:$0x890];
	v32 =	vadd.s32 v46, v43;
	v27 =	vmul.f32 v42, v29;
	v26 =	vsub.f32 v63, v62  }
0x126: {  	v35 =	vmul.f32 $5.000000000e-01, v44;
	v50 =	vadd.s32 $0xFFFFFF81, v32;
	v47 =	vmul.f32 v41, v34  }
0x127: {  	v48 =	vadd.f32 $-1.151461010e-01, v45;
	v27 =	vadd.f32 $1.424932330e-01, v27;
	v24 =	vmul.f32 v26, v24  }
0x128: {  	v56 =	vnsel vm3, $0x0, v15;
	v26 =	vcvt.s32.f32 v50;
	v49 =	vmul.f32 v47, v44  }
0x129: {  	v37 =	vshra.s32 v37, $0x17;
	v51 =	vmul.f32 v48, v31;
	v27 =	vmul.f32 v27, v29  }
0x12a: {  	v53 =	vnsel vm4, $0x0, v24;
	v24 =	vmul.f32 $6.103515630e-05, v20;
	v52 =	vsub.f32 v49, v35  }
0x12b: {  	v54 =	vld [tilespmem:$0x1780];
	v46 =	vmul.f32 v29, v29;
	v32 =	vadd.f32 $1.167699840e-01, v51;
	v27 =	vadd.f32 $-1.666805740e-01, v27  }
0x12c: {  	v26 =	vmul.f32 $6.931471820e-01, v26;
	v33 =	vadd.f32 v52, v34;
	v34 =	vmax.f32 v24, $1.000000000e-30  }
0x12d: {  	v61 =	vld [tilespmem:$0x1FFF0];
	v32 =	vmul.f32 v32, v31;
	v27 =	vmul.f32 v27, v29;
	v55 =	vand.u32 $0x7FFFFF, v34  }
0x12e: {  	v62 =	vadd.f32 v56, v30;
	v26 =	vadd.f32 v33, v26;
	v33 =	vor.u32 $0x3F800000, v55  }
0x12f: {  	v32 =	vadd.f32 $-1.242014100e-01, v32;
	v27 =	vadd.f32 $2.000071410e-01, v27;
	v57 =	vmul.f32 $5.000000000e-01, v33  }
0x130: {  	v63 =	vnsel vm1, $0x0, v16;
	vm15 =	vgt.f32 v33, $1.414213540e+00;
	v26 =	vsub.f32 v26, v54  }
0x131: {  	v58 =	vmul.f32 v32, v31;
	v59 =	vmul.f32 v27, v29;
	v60 =	vsel vm15, v57, v33  }
0x132: {  	v56 =	vmul.f32 v31, v31;
	vm3 =	vnez.u8 v61;
	v32 =	vadd.f32 $-1.000000000e+00, v60  }
0x133: {  	v23 =	vmul.f32 v26, v23;
	v21 =	vadd.f32 $1.424932330e-01, v58;
	v26 =	vadd.f32 $-2.499999400e-01, v59  }
0x134: {  	v45 =	vshra.s32 v28, $0x17;
	vm3 =	vmand vm1, vm3;
	v41 =	vmul.f32 $7.037683580e-02, v32  }
0x135: {  	v22 =	vadd.f32 v53, v22;
	v40 =	vmul.f32 v21, v31;
	v21 =	vld [tilespmem:$0x900];
	v42 =	vmul.f32 v26, v29  }
0x136: {  	v30 =	vadd.f32 v63, v62;
	v23 =	vnsel vm3, $0x0, v23;
	v44 =	vadd.f32 $-1.151461010e-01, v41  }
0x137: {  	v28 =	vmul.f32 $5.000000000e-01, v46;
	v36 =	vadd.f32 v23, v22;
	v22 =	vadd.f32 $3.333333130e-01, v42  }
0x138: {  	v38 =	vmul.f32 $5.000000000e-01, v56;
	v47 =	vsel vm2, $0x1, v1;
	v26 =	vmul.f32 v44, v32  }
0x139: {  	v27 =	vadd.s32 v47, v45;
	v43 =	vadd.f32 $-1.666805740e-01, v40;
	v22 =	vmul.f32 v22, v29  }
0x13a: {  	v27 =	vadd.s32 $0xFFFFFF81, v27;
	v23 =	vmul.f32 $6.103515630e-05, v21;
	v26 =	vadd.f32 $1.167699840e-01, v26  }
0x13b: {  	v58 =	vsel vm0, $0x1, v1;
	v48 =	vmul.f32 v43, v31;
	v22 =	vmul.f32 v22, v46  }
0x13c: {  	v27 =	vcvt.s32.f32 v27;
	v35 =	vmax.f32 v23, $1.000000000e-30;
	v26 =	vmul.f32 v26, v32  }
0x13d: {  	v49 =	vadd.f32 $2.000071410e-01, v48;
	v50 =	vand.u32 $0x7FFFFF, v35;
	v22 =	vsub.f32 v22, v28  }
0x13e: {  	v27 =	vmul.f32 $6.931471820e-01, v27;
	v51 =	vor.u32 $0x3F800000, v50;
	v26 =	vadd.f32 $-1.242014100e-01, v26  }
0x13f: {  	v52 =	vld [tilespmem:$0x1800];
	v33 =	vmul.f32 v49, v31;
	v53 =	vmul.f32 $5.000000000e-01, v51;
	v29 =	vadd.f32 v22, v29  }
0x140: {  	v37 =	vadd.s32 v58, v37;
	vm1 =	vgt.f32 v51, $1.414213540e+00;
	v22 =	vld [tilespmem:$0x910];
	v26 =	vmul.f32 v26, v32  }
0x141: {  	v33 =	vadd.f32 $-2.499999400e-01, v33;
	v28 =	vsel vm1, v53, v51;
	v27 =	vadd.f32 v29, v27  }
0x142: {  	v37 =	vadd.s32 $0xFFFFFF81, v37;
	v29 =	vadd.f32 $-1.000000000e+00, v28;
	v26 =	vadd.f32 $1.424932330e-01, v26  }
0x143: {  	vm2 =	vgt.f32 v20, $0.0e+00;
	v37 =	vcvt.s32.f32 v37;
	v33 =	vmul.f32 v33, v31  }
0x144: {  	vm4 =	vgt.f32 v17, $0.0e+00;
	v57 =	vmul.f32 $7.037683580e-02, v29;
	v26 =	vmul.f32 v26, v32  }
0x145: {  	v54 =	vadd.f32 $3.333333130e-01, v33;
	v55 =	vsub.f32 v27, v52;
	v27 =	vmul.f32 $6.103515630e-05, v22  }
0x146: {  	vm3 =	vmand vm2, vm5;
	v59 =	vadd.f32 $-1.151461010e-01, v57;
	v26 =	vadd.f32 $-1.666805740e-01, v26  }
0x147: {  	v37 =	vmul.f32 $6.931471820e-01, v37;
	v28 =	vmul.f32 v54, v31;
	v40 =	vmax.f32 v27, $1.000000000e-30  }
0x148: {  	v60 =	vmul.f32 v59, v29;
	v61 =	vand.u32 $0x7FFFFF, v40;
	v26 =	vmul.f32 v26, v32  }
0x149: {  	v48 =	vsel vm4, $0x3F800000, v0;
	v28 =	vmul.f32 v28, v56;
	v63 =	vor.u32 $0x3F800000, v61  }
0x14a: {  	v62 =	vadd.f32 $1.167699840e-01, v60;
	v41 =	vmul.f32 $5.000000000e-01, v63;
	v26 =	vadd.f32 $2.000071410e-01, v26  }
0x14b: {  	v30 =	vadd.f32 v48, v30;
	v28 =	vsub.f32 v28, v38;
	vm0 =	vgt.f32 v63, $1.414213540e+00  }
0x14c: {  	v42 =	vld [tilespmem:$0x1880];
	v44 =	vmul.f32 v62, v29;
	v45 =	vsel vm0, v41, v63;
	v26 =	vmul.f32 v26, v32  }
0x14d: {  	v35 =	vshra.s32 v35, $0x17;
	v28 =	vadd.f32 v28, v31;
	v33 =	vadd.f32 $-1.000000000e+00, v45  }
0x14e: {  	v53 =	vmul.f32 v32, v32;
	v31 =	vadd.f32 $-1.242014100e-01, v44;
	v26 =	vadd.f32 $-2.499999400e-01, v26  }
0x14f: {  	v18 =	vmul.f32 v55, v18;
	v17 =	vadd.f32 v28, v37;
	v47 =	vmul.f32 $7.037683580e-02, v33  }
0x150: {  	v52 =	vshra.s32 v34, $0x17;
	v46 =	vmul.f32 v31, v29;
	v26 =	vmul.f32 v26, v32  }
0x151: {  	v34 =	vmul.f32 $5.000000000e-01, v53;
	v17 =	vsub.f32 v17, v42;
	v31 =	vadd.f32 $-1.151461010e-01, v47  }
0x152: {  	v18 =	vnsel vm4, $0x0, v18;
	v28 =	vadd.f32 $1.424932330e-01, v46;
	v49 =	vadd.f32 $3.333333130e-01, v26  }
0x153: {  	vm4 =	vgt.f32 v19, $0.0e+00;
	v19 =	vld [tilespmem:$0x980];
	v17 =	vmul.f32 v17, v25;
	v51 =	vmul.f32 v31, v33  }
0x154: {  	v54 =	vsel vm15, $0x1, v1;
	v50 =	vmul.f32 v28, v29;
	v25 =	vmul.f32 v49, v32  }
0x155: {  	v18 =	vadd.f32 v18, v36;
	v59 =	vsel vm4, $0x3F800000, v0;
	v28 =	vadd.f32 $1.167699840e-01, v51  }
0x156: {  	v31 =	vadd.s32 v54, v52;
	v26 =	vadd.f32 $-1.666805740e-01, v50;
	v25 =	vmul.f32 v25, v53  }
0x157: {  	v30 =	vadd.f32 v59, v30;
	v31 =	vadd.s32 $0xFFFFFF81, v31;
	v28 =	vmul.f32 v28, v33  }
0x158: {  	v26 =	vmul.f32 v26, v29;
	v34 =	vsub.f32 v25, v34;
	v25 =	vmul.f32 $6.103515630e-05, v19  }
0x159: {  	v17 =	vnsel vm4, $0x0, v17;
	v31 =	vcvt.s32.f32 v31;
	v28 =	vadd.f32 $-1.242014100e-01, v28  }
0x15a: {  	v55 =	vld [tilespmem:$0x1890];
	v26 =	vadd.f32 $2.000071410e-01, v26;
	v32 =	vadd.f32 v34, v32;
	v34 =	vmax.f32 v25, $1.000000000e-30  }
0x15b: {  	v31 =	vmul.f32 $6.931471820e-01, v31;
	v28 =	vmul.f32 v28, v33;
	v56 =	vand.u32 $0x7FFFFF, v34  }
0x15c: {  	v17 =	vadd.f32 v17, v18;
	v26 =	vmul.f32 v26, v29;
	v57 =	vor.u32 $0x3F800000, v56  }
0x15d: {  	v18 =	vadd.f32 v32, v31;
	v28 =	vadd.f32 $1.424932330e-01, v28;
	v58 =	vmul.f32 $5.000000000e-01, v57  }
0x15e: {  	v42 =	vsel vm1, $0x1, v1;
	v26 =	vadd.f32 $-2.499999400e-01, v26;
	vm15 =	vgt.f32 v57, $1.414213540e+00  }
0x15f: {  	v36 =	vsub.f32 v18, v55;
	v38 =	vmul.f32 v28, v33;
	v18 =	vsel vm15, v58, v57  }
0x160: {  	v63 =	vmul.f32 v29, v29;
	v35 =	vadd.s32 v42, v35;
	v28 =	vadd.f32 $-1.000000000e+00, v18;
	v18 =	vld [tilespmem:$0x990]  }
0x161: {  	v35 =	vadd.s32 $0xFFFFFF81, v35;
	v26 =	vmul.f32 v26, v29;
	v62 =	vadd.f32 $-1.666805740e-01, v38  }
0x162: {  	v35 =	vcvt.s32.f32 v35;
	vm4 =	vgt.f32 v21, $0.0e+00;
	v41 =	vmul.f32 $7.037683580e-02, v28  }
0x163: {  	v54 =	vshra.s32 v40, $0x17;
	v61 =	vadd.f32 $3.333333130e-01, v26;
	v26 =	vmul.f32 v62, v33  }
0x164: {  	v35 =	vmul.f32 $6.931471820e-01, v35;
	v31 =	vmul.f32 $5.000000000e-01, v63;
	v32 =	vadd.f32 $-1.151461010e-01, v41  }
0x165: {  	v60 =	vmul.f32 v36, v24;
	v43 =	vadd.f32 $2.000071410e-01, v26;
	v26 =	vmul.f32 $6.103515630e-05, v18  }
0x166: {  	v50 =	vnsel vm2, $0x0, v2;
	v24 =	vmul.f32 v61, v29;
	v32 =	vmul.f32 v32, v28  }
0x167: {  	v20 =	vnsel vm3, $0x0, v60;
	v44 =	vmul.f32 v43, v33;
	v37 =	vmax.f32 v26, $1.000000000e-30  }
0x168: {  	v24 =	vmul.f32 v24, v63;
	v45 =	vadd.f32 $1.167699840e-01, v32;
	v46 =	vand.u32 $0x7FFFFF, v37  }
0x169: {  	v20 =	vadd.f32 v20, v17;
	v36 =	vadd.f32 $-2.499999400e-01, v44;
	v32 =	vor.u32 $0x3F800000, v46  }
0x16a: {  	v24 =	vsub.f32 v24, v31;
	v17 =	vmul.f32 v45, v28;
	v47 =	vmul.f32 $5.000000000e-01, v32  }
0x16b: {  	v48 =	vld [tilespmem:$0x1900];
	v30 =	vadd.f32 v50, v30;
	v49 =	vmul.f32 v36, v33;
	vm1 =	vgt.f32 v32, $1.414213540e+00  }
0x16c: {  	v24 =	vadd.f32 v24, v29;
	v17 =	vadd.f32 $-1.242014100e-01, v17;
	v31 =	vsel vm1, v47, v32  }
0x16d: {  	v51 =	vmul.f32 v33, v33;
	v29 =	vadd.f32 $3.333333130e-01, v49;
	v31 =	vadd.f32 $-1.000000000e+00, v31  }
0x16e: {  	v55 =	vsel vm0, $0x1, v1;
	v24 =	vadd.f32 v24, v35;
	v17 =	vmul.f32 v17, v28  }
0x16f: {  	vm3 =	vgt.f32 v22, $0.0e+00;
	v52 =	vmul.f32 v29, v33;
	v53 =	vmul.f32 $7.037683580e-02, v31  }
0x170: {  	v36 =	vadd.s32 v55, v54;
	v24 =	vsub.f32 v24, v48;
	v17 =	vadd.f32 $1.424932330e-01, v17  }
0x171: {  	v35 =	vmul.f32 $5.000000000e-01, v51;
	v21 =	vmul.f32 v52, v51;
	v29 =	vadd.f32 $-1.151461010e-01, v53  }
0x172: {  	v57 =	vadd.s32 $0xFFFFFF81, v36;
	v23 =	vmul.f32 v24, v23;
	v56 =	vmul.f32 v17, v28;
	v17 =	vld [tilespmem:$0xA00]  }
0x173: {  	v24 =	vcvt.s32.f32 v57;
	v21 =	vsub.f32 v21, v35;
	v29 =	vmul.f32 v29, v31  }
0x174: {  	v61 =	vsel vm4, $0x3F800000, v0;
	vm5 =	vmand vm3, vm6;
	v58 =	vadd.f32 $-1.666805740e-01, v56  }
0x175: {  	v24 =	vmul.f32 $6.931471820e-01, v24;
	v21 =	vadd.f32 v21, v33;
	v29 =	vadd.f32 $1.167699840e-01, v29  }
0x176: {  	vm6 =	vgt.f32 v19, $0.0e+00;
	v30 =	vadd.f32 v61, v30;
	v60 =	vmul.f32 v58, v28  }
0x177: {  	v59 =	vld [tilespmem:$0x1910];
	v21 =	vadd.f32 v21, v24;
	v29 =	vmul.f32 v29, v31;
	v24 =	vmul.f32 $6.103515630e-05, v17  }
0x178: {  	v43 =	vshra.s32 v34, $0x17;
	v46 =	vsel vm15, $0x1, v1;
	v33 =	vadd.f32 $2.000071410e-01, v60  }
0x179: {  	v45 =	vmul.f32 v28, v28;
	v62 =	vadd.f32 $-1.242014100e-01, v29;
	v32 =	vmax.f32 v24, $1.000000000e-30  }
0x17a: {  	v23 =	vnsel vm4, $0x0, v23;
	v63 =	vmul.f32 v33, v28;
	v38 =	vand.u32 $0x7FFFFF, v32  }
0x17b: {  	v23 =	vadd.f32 v23, v20;
	v36 =	vmul.f32 v62, v31;
	v40 =	vor.u32 $0x3F800000, v38  }
0x17c: {  	v20 =	vld [tilespmem:$0xA10];
	v21 =	vsub.f32 v21, v59;
	v39 =	vadd.f32 $-2.499999400e-01, v63;
	v41 =	vmul.f32 $5.000000000e-01, v40  }
0x17d: {  	v61 =	vsel vm1, $0x1, v1;
	vm2 =	vgt.f32 v40, $1.414213540e+00;
	v22 =	vadd.f32 $1.424932330e-01, v36  }
0x17e: {  	v21 =	vmul.f32 v21, v27;
	v27 =	vmul.f32 v39, v28;
	v42 =	vsel vm2, v41, v40  }
0x17f: {  	v52 =	vnsel vm3, $0x0, v3;
	v22 =	vmul.f32 v22, v31;
	v34 =	vadd.f32 $-1.000000000e+00, v42  }
0x180: {  	vm3 =	vgt.f32 v18, $0.0e+00;
	v21 =	vnsel vm5, $0x0, v21;
	v44 =	vadd.f32 $3.333333130e-01, v27  }
0x181: {  	v27 =	vmul.f32 $6.103515630e-05, v20;
	v22 =	vadd.f32 $-1.666805740e-01, v22;
	v47 =	vmul.f32 $7.037683580e-02, v34  }
0x182: {  	v30 =	vadd.f32 v52, v30;
	v29 =	vadd.s32 v46, v43;
	v21 =	vadd.f32 v21, v23  }
0x183: {  	v35 =	vmax.f32 v27, $1.000000000e-30;
	v22 =	vmul.f32 v22, v31;
	v36 =	vadd.f32 $-1.151461010e-01, v47  }
0x184: {  	v23 =	vmul.f32 $5.000000000e-01, v45;
	v33 =	vmul.f32 v44, v28;
	v48 =	vand.u32 $0x7FFFFF, v35  }
0x185: {  	v38 =	vor.u32 $0x3F800000, v48;
	v22 =	vadd.f32 $2.000071410e-01, v22;
	v36 =	vmul.f32 v36, v34  }
0x186: {  	v29 =	vadd.s32 $0xFFFFFF81, v29;
	v33 =	vmul.f32 v33, v45;
	v49 =	vmul.f32 $5.000000000e-01, v38  }
0x187: {  	vm0 =	vgt.f32 v38, $1.414213540e+00;
	v22 =	vmul.f32 v22, v31;
	v50 =	vadd.f32 $1.167699840e-01, v36  }
0x188: {  	v29 =	vcvt.s32.f32 v29;
	v23 =	vsub.f32 v33, v23;
	v51 =	vsel vm0, v49, v38  }
0x189: {  	v53 =	vld [tilespmem:$0x1980];
	v36 =	vadd.f32 $-1.000000000e+00, v51;
	v22 =	vadd.f32 $-2.499999400e-01, v22;
	v55 =	vmul.f32 v50, v34  }
0x18a: {  	vm15 =	vmand vm3, vm7;
	v54 =	vmul.f32 $6.931471820e-01, v29;
	v23 =	vadd.f32 v23, v28  }
0x18b: {  	v56 =	vmul.f32 $7.037683580e-02, v36;
	v22 =	vmul.f32 v22, v31;
	v57 =	vadd.f32 $-1.242014100e-01, v55  }
0x18c: {  	vm7 =	vgt.f32 v17, $0.0e+00;
	vm4 =	vgt.f32 v20, $0.0e+00;
	v23 =	vadd.f32 v23, v54  }
0x18d: {  	v58 =	vadd.f32 $-1.151461010e-01, v56;
	v22 =	vadd.f32 $3.333333130e-01, v22;
	v28 =	vmul.f32 v57, v34  }
0x18e: {  	v59 =	vmul.f32 v31, v31;
	v60 =	vshra.s32 v37, $0x17;
	v23 =	vsub.f32 v23, v53  }
0x18f: {  	v29 =	vmul.f32 v58, v36;
	v19 =	vmul.f32 v22, v31;
	v22 =	vld [tilespmem:$0xA80];
	v28 =	vadd.f32 $1.424932330e-01, v28  }
0x190: {  	v32 =	vshra.s32 v32, $0x17;
	vm5 =	vmand vm4, vm8;
	v23 =	vmul.f32 v23, v25  }
0x191: {  	v25 =	vadd.s32 v61, v60;
	v29 =	vadd.f32 $1.167699840e-01, v29;
	v28 =	vmul.f32 v28, v34  }
0x192: {  	v33 =	vmul.f32 $5.000000000e-01, v59;
	v25 =	vadd.s32 $0xFFFFFF81, v25;
	v19 =	vmul.f32 v19, v59  }
0x193: {  	v62 =	vnsel vm6, $0x0, v23;
	v29 =	vmul.f32 v29, v36;
	v28 =	vadd.f32 $-1.666805740e-01, v28  }
0x194: {  	v41 =	vcvt.s32.f32 v25;
	v19 =	vsub.f32 v19, v33;
	v23 =	vmul.f32 $6.103515630e-05, v22  }
0x195: {  	v43 =	vld [tilespmem:$0x1990];
	v63 =	vadd.f32 v62, v21;
	v42 =	vadd.f32 $-1.242014100e-01, v29;
	v28 =	vmul.f32 v28, v34  }
0x196: {  	v21 =	vmul.f32 $6.931471820e-01, v41;
	v19 =	vadd.f32 v19, v31;
	v31 =	vmax.f32 v23, $1.000000000e-30  }
0x197: {  	v25 =	vmul.f32 v42, v36;
	v44 =	vand.u32 $0x7FFFFF, v31;
	v28 =	vadd.f32 $2.000071410e-01, v28  }
0x198: {  	v52 =	vsel vm2, $0x1, v1;
	v19 =	vadd.f32 v19, v21;
	v37 =	vor.u32 $0x3F800000, v44  }
0x199: {  	v21 =	vld [tilespmem:$0xA90];
	v25 =	vadd.f32 $1.424932330e-01, v25;
	v46 =	vmul.f32 $5.000000000e-01, v37;
	v28 =	vmul.f32 v28, v34  }
0x19a: {  	v32 =	vadd.s32 v52, v32;
	vm1 =	vgt.f32 v37, $1.414213540e+00;
	v19 =	vsub.f32 v19, v43  }
0x19b: {  	v25 =	vmul.f32 v25, v36;
	v47 =	vsel vm1, v46, v37;
	v48 =	vadd.f32 $-2.499999400e-01, v28  }
0x19c: {  	v32 =	vadd.s32 $0xFFFFFF81, v32;
	v18 =	vmul.f32 v19, v26;
	v28 =	vadd.f32 $-1.000000000e+00, v47  }
0x19d: {  	v32 =	vcvt.s32.f32 v32;
	v19 =	vadd.f32 $-1.666805740e-01, v25;
	v49 =	vmul.f32 v48, v34  }
0x19e: {  	v51 =	vnsel vm15, $0x0, v18;
	v18 =	vmul.f32 $6.103515630e-05, v21;
	v50 =	vmul.f32 $7.037683580e-02, v28  }
0x19f: {  	v32 =	vmul.f32 $6.931471820e-01, v32;
	v45 =	vsel vm6, $0x3F800000, v0;
	v19 =	vmul.f32 v19, v36  }
0x1a0: {  	v25 =	vadd.f32 $3.333333130e-01, v49;
	v38 =	vmax.f32 v18, $1.000000000e-30;
	v26 =	vadd.f32 $-1.151461010e-01, v50  }
0x1a1: {  	v53 =	vmul.f32 v34, v34;
	v19 =	vadd.f32 $2.000071410e-01, v19;
	v54 =	vand.u32 $0x7FFFFF, v38  }
0x1a2: {  	v25 =	vmul.f32 v25, v34;
	v40 =	vor.u32 $0x3F800000, v54;
	v26 =	vmul.f32 v26, v28  }
0x1a3: {  	v30 =	vadd.f32 v45, v30;
	v19 =	vmul.f32 v19, v36;
	v55 =	vmul.f32 $5.000000000e-01, v40  }
0x1a4: {  	v39 =	vmul.f32 $5.000000000e-01, v53;
	vm15 =	vgt.f32 v40, $1.414213540e+00;
	v26 =	vadd.f32 $1.167699840e-01, v26  }
0x1a5: {  	v25 =	vmul.f32 v25, v53;
	v19 =	vadd.f32 $-2.499999400e-01, v19;
	v37 =	vsel vm15, v55, v40  }
0x1a6: {  	v58 =	vmul.f32 v36, v36;
	v37 =	vadd.f32 $-1.000000000e+00, v37;
	v26 =	vmul.f32 v26, v28  }
0x1a7: {  	v60 =	vsel vm0, $0x1, v1;
	v25 =	vsub.f32 v25, v39;
	v19 =	vmul.f32 v19, v36  }
0x1a8: {  	v59 =	vshra.s32 v35, $0x17;
	v56 =	vmul.f32 $7.037683580e-02, v37;
	v26 =	vadd.f32 $-1.242014100e-01, v26  }
0x1a9: {  	v57 =	vld [tilespmem:$0x1A00];
	v62 =	vnsel vm3, $0x0, v4;
	v25 =	vadd.f32 v25, v34;
	v19 =	vadd.f32 $3.333333130e-01, v19  }
0x1aa: {  	v30 =	vadd.f32 v62, v30;
	v33 =	vadd.f32 $-1.151461010e-01, v56;
	v26 =	vmul.f32 v26, v28  }
0x1ab: {  	v42 =	vsel vm7, $0x3F800000, v0;
	v25 =	vadd.f32 v25, v32;
	v19 =	vmul.f32 v19, v36  }
0x1ac: {  	v32 =	vadd.s32 v60, v59;
	v33 =	vmul.f32 v33, v37;
	v26 =	vadd.f32 $1.424932330e-01, v26  }
0x1ad: {  	v34 =	vmul.f32 $5.000000000e-01, v58;
	v32 =	vadd.s32 $0xFFFFFF81, v32;
	v19 =	vmul.f32 v19, v58  }
0x1ae: {  	v25 =	vsub.f32 v25, v57;
	v33 =	vadd.f32 $1.167699840e-01, v33;
	v26 =	vmul.f32 v26, v28  }
0x1af: {  	v29 =	vadd.f32 v51, v63;
	v32 =	vcvt.s32.f32 v32;
	v34 =	vsub.f32 v19, v34;
	v19 =	vld [tilespmem:$0xB00]  }
0x1b0: {  	v61 =	vld [tilespmem:$0x1A10];
	v24 =	vmul.f32 v25, v24;
	v63 =	vmul.f32 v33, v37;
	v26 =	vadd.f32 $-1.666805740e-01, v26  }
0x1b1: {  	v31 =	vshra.s32 v31, $0x17;
	v32 =	vmul.f32 $6.931471820e-01, v32;
	v40 =	vadd.f32 v34, v36  }
0x1b2: {  	v24 =	vnsel vm7, $0x0, v24;
	v17 =	vadd.f32 $-1.242014100e-01, v63;
	v26 =	vmul.f32 v26, v28  }
0x1b3: {  	v46 =	vsel vm1, $0x1, v1;
	v24 =	vadd.f32 v24, v29;
	v41 =	vadd.f32 v40, v32  }
0x1b4: {  	v17 =	vmul.f32 v17, v37;
	v25 =	vmul.f32 $6.103515630e-05, v19;
	v26 =	vadd.f32 $2.000071410e-01, v26  }
0x1b5: {  	v31 =	vadd.s32 v46, v31;
	v29 =	vadd.f32 v42, v30;
	v32 =	vsub.f32 v41, v61  }
0x1b6: {  	v43 =	vadd.f32 $1.424932330e-01, v17;
	v30 =	vmax.f32 v25, $1.000000000e-30;
	v26 =	vmul.f32 v26, v28  }
0x1b7: {  	v31 =	vadd.s32 $0xFFFFFF81, v31;
	v17 =	vld [tilespmem:$0xB10];
	v27 =	vmul.f32 v32, v27;
	v44 =	vand.u32 $0x7FFFFF, v30  }
0x1b8: {  	v20 =	vmul.f32 v43, v37;
	v32 =	vor.u32 $0x3F800000, v44;
	v26 =	vadd.f32 $-2.499999400e-01, v26  }
0x1b9: {  	vm6 =	vgt.f32 v22, $0.0e+00;
	v31 =	vcvt.s32.f32 v31;
	v45 =	vmul.f32 $5.000000000e-01, v32  }
0x1ba: {  	vm1 =	vgt.f32 v32, $1.414213540e+00;
	v20 =	vadd.f32 $-1.666805740e-01, v20;
	v26 =	vmul.f32 v26, v28  }
0x1bb: {  	v48 =	vmul.f32 v28, v28;
	v31 =	vmul.f32 $6.931471820e-01, v31;
	v32 =	vsel vm1, v45, v32  }
0x1bc: {  	v20 =	vmul.f32 v20, v37;
	v47 =	vadd.f32 $3.333333130e-01, v26;
	v26 =	vmul.f32 $6.103515630e-05, v17  }
0x1bd: {  	v62 =	vshra.s32 v38, $0x17;
	v56 =	vnsel vm4, $0x0, v5;
	v32 =	vadd.f32 $-1.000000000e+00, v32  }
0x1be: {  	v60 =	vmul.f32 v37, v37;
	v20 =	vadd.f32 $2.000071410e-01, v20;
	v34 =	vmax.f32 v26, $1.000000000e-30  }
0x1bf: {  	v49 =	vmul.f32 $7.037683580e-02, v32;
	v35 =	vmul.f32 v47, v28;
	v50 =	vand.u32 $0x7FFFFF, v34  }
0x1c0: {  	v33 =	vmul.f32 $5.000000000e-01, v48;
	v20 =	vmul.f32 v20, v37;
	v39 =	vor.u32 $0x3F800000, v50  }
0x1c1: {  	v36 =	vadd.f32 $-1.151461010e-01, v49;
	v35 =	vmul.f32 v35, v48;
	v51 =	vmul.f32 $5.000000000e-01, v39  }
0x1c2: {  	vm7 =	vgt.f32 v21, $0.0e+00;
	v20 =	vadd.f32 $-2.499999400e-01, v20;
	vm0 =	vgt.f32 v39, $1.414213540e+00  }
0x1c3: {  	v52 =	vmul.f32 v36, v32;
	v33 =	vsub.f32 v35, v33;
	v53 =	vsel vm0, v51, v39  }
0x1c4: {  	v54 =	vld [tilespmem:$0x1A80];
	v29 =	vadd.f32 v56, v29;
	v20 =	vmul.f32 v20, v37;
	v36 =	vadd.f32 $-1.000000000e+00, v53  }
0x1c5: {  	v63 =	vsel vm15, $0x1, v1;
	v55 =	vadd.f32 $1.167699840e-01, v52;
	v28 =	vadd.f32 v33, v28  }
0x1c6: {  	v41 =	vsel vm6, $0x3F800000, v0;
	v20 =	vadd.f32 $3.333333130e-01, v20;
	v57 =	vmul.f32 $7.037683580e-02, v36  }
0x1c7: {  	v27 =	vnsel vm5, $0x0, v27;
	v59 =	vmul.f32 v55, v32;
	v58 =	vadd.f32 v28, v31  }
0x1c8: {  	v27 =	vadd.f32 v27, v24;
	v20 =	vmul.f32 v20, v37;
	v61 =	vadd.f32 $-1.151461010e-01, v57  }
0x1c9: {  	v31 =	vmul.f32 $5.000000000e-01, v60;
	v28 =	vadd.f32 $-1.242014100e-01, v59;
	v22 =	vsub.f32 v58, v54  }
0x1ca: {  	v24 =	vadd.s32 v63, v62;
	v20 =	vmul.f32 v20, v60;
	v33 =	vmul.f32 v61, v36  }
0x1cb: {  	v38 =	vadd.s32 $0xFFFFFF81, v24;
	v28 =	vmul.f32 v28, v32;
	v22 =	vmul.f32 v22, v23  }
0x1cc: {  	v24 =	vld [tilespmem:$0xB80];
	v23 =	vcvt.s32.f32 v38;
	v20 =	vsub.f32 v20, v31;
	v33 =	vadd.f32 $1.167699840e-01, v33  }
0x1cd: {  	v46 =	vnsel vm7, $0x0, v6;
	v29 =	vadd.f32 v41, v29;
	v39 =	vld [tilespmem:$0x1A90];
	v28 =	vadd.f32 $1.424932330e-01, v28  }
0x1ce: {  	v23 =	vmul.f32 $6.931471820e-01, v23;
	v20 =	vadd.f32 v20, v37;
	v33 =	vmul.f32 v33, v36  }
0x1cf: {  	vm8 =	vmand vm7, vm9;
	v29 =	vadd.f32 v46, v29;
	v28 =	vmul.f32 v28, v32  }
0x1d0: {  	vm5 =	vgt.f32 v19, $0.0e+00;
	v23 =	vadd.f32 v20, v23;
	v40 =	vadd.f32 $-1.242014100e-01, v33  }
0x1d1: {  	v22 =	vnsel vm6, $0x0, v22;
	v28 =	vadd.f32 $-1.666805740e-01, v28;
	v20 =	vmul.f32 $6.103515630e-05, v24  }
0x1d2: {  	v22 =	vadd.f32 v22, v27;
	v23 =	vsub.f32 v23, v39;
	v27 =	vmul.f32 v40, v36  }
0x1d3: {  	v49 =	vshra.s32 v30, $0x17;
	v28 =	vmul.f32 v28, v32;
	v31 =	vmax.f32 v20, $1.000000000e-30  }
0x1d4: {  	v23 =	vmul.f32 v23, v18;
	v18 =	vand.u32 $0x7FFFFF, v31;
	v42 =	vadd.f32 $1.424932330e-01, v27  }
0x1d5: {  	v62 =	vshra.s32 v34, $0x17;
	v50 =	vsel vm1, $0x1, v1;
	v44 =	vor.u32 $0x3F800000, v18  }
0x1d6: {  	v43 =	vadd.f32 $2.000071410e-01, v28;
	v18 =	vld [tilespmem:$0xB90];
	v45 =	vmul.f32 $5.000000000e-01, v44;
	v21 =	vmul.f32 v42, v36  }
0x1d7: {  	v63 =	vsel vm0, $0x1, v1;
	v54 =	vmul.f32 v32, v32;
	vm9 =	vgt.f32 v44, $1.414213540e+00  }
0x1d8: {  	v27 =	vmul.f32 v43, v32;
	v48 =	vsel vm9, v45, v44;
	v21 =	vadd.f32 $-1.666805740e-01, v21  }
0x1d9: {  	v61 =	vmul.f32 v36, v36;
	vm6 =	vgt.f32 v17, $0.0e+00;
	v30 =	vadd.f32 $-1.000000000e+00, v48  }
0x1da: {  	v23 =	vnsel vm8, $0x0, v23;
	v47 =	vadd.f32 $-2.499999400e-01, v27;
	v21 =	vmul.f32 v21, v36  }
0x1db: {  	v35 =	vadd.f32 v23, v22;
	v23 =	vmul.f32 $6.103515630e-05, v18;
	v52 =	vmul.f32 $7.037683580e-02, v30  }
0x1dc: {  	vm7 =	vmand vm6, vm10;
	v51 =	vmul.f32 v47, v32;
	v21 =	vadd.f32 $2.000071410e-01, v21  }
0x1dd: {  	v39 =	vmul.f32 $5.000000000e-01, v54;
	v37 =	vmax.f32 v23, $1.000000000e-30;
	v28 =	vadd.f32 $-1.151461010e-01, v52  }
0x1de: {  	v33 =	vadd.f32 $3.333333130e-01, v51;
	v53 =	vand.u32 $0x7FFFFF, v37;
	v21 =	vmul.f32 v21, v36  }
0x1df: {  	v40 =	vmul.f32 $5.000000000e-01, v61;
	v38 =	vor.u32 $0x3F800000, v53;
	v28 =	vmul.f32 v28, v30  }
0x1e0: {  	v33 =	vmul.f32 v33, v32;
	v55 =	vmul.f32 $5.000000000e-01, v38;
	v21 =	vadd.f32 $-2.499999400e-01, v21  }
0x1e1: {  	v27 =	vadd.s32 v50, v49;
	vm4 =	vgt.f32 v38, $1.414213540e+00;
	v56 =	vadd.f32 $1.167699840e-01, v28  }
0x1e2: {  	v33 =	vmul.f32 v33, v54;
	v57 =	vsel vm4, v55, v38;
	v21 =	vmul.f32 v21, v36  }
0x1e3: {  	v27 =	vadd.s32 $0xFFFFFF81, v27;
	v28 =	vadd.f32 $-1.000000000e+00, v57;
	v58 =	vmul.f32 v56, v30  }
0x1e4: {  	v27 =	vcvt.s32.f32 v27;
	v33 =	vsub.f32 v33, v39;
	v21 =	vadd.f32 $3.333333130e-01, v21  }
0x1e5: {  	v44 =	vsel vm5, $0x3F800000, v0;
	v60 =	vmul.f32 $7.037683580e-02, v28;
	v22 =	vadd.f32 $-1.242014100e-01, v58  }
0x1e6: {  	v59 =	vld [tilespmem:$0x1B00];
	v27 =	vmul.f32 $6.931471820e-01, v27;
	v32 =	vadd.f32 v33, v32;
	v21 =	vmul.f32 v21, v36  }
0x1e7: {  	v29 =	vadd.f32 v44, v29;
	v33 =	vadd.f32 $-1.151461010e-01, v60;
	v22 =	vmul.f32 v22, v30  }
0x1e8: {  	v27 =	vadd.f32 v32, v27;
	v32 =	vadd.s32 v63, v62;
	v21 =	vmul.f32 v21, v61  }
0x1e9: {  	v32 =	vadd.s32 $0xFFFFFF81, v32;
	v33 =	vmul.f32 v33, v28;
	v41 =	vadd.f32 $1.424932330e-01, v22;
	v22 =	vld [tilespmem:$0xC00]  }
0x1ea: {  	v44 =	vshra.s32 v37, $0x17;
	v32 =	vcvt.s32.f32 v32;
	v21 =	vsub.f32 v21, v40  }
0x1eb: {  	v42 =	vld [tilespmem:$0x1B10];
	v54 =	vnsel vm6, $0x0, v7;
	v27 =	vsub.f32 v27, v59;
	v33 =	vadd.f32 $1.167699840e-01, v33  }
0x1ec: {  	v32 =	vmul.f32 $6.931471820e-01, v32;
	v43 =	vmul.f32 v41, v30;
	v21 =	vadd.f32 v21, v36  }
0x1ed: {  	vm6 =	vgt.f32 v18, $0.0e+00;
	v19 =	vmul.f32 v27, v25;
	v33 =	vmul.f32 v33, v28  }
0x1ee: {  	v45 =	vadd.f32 $-1.666805740e-01, v43;
	v27 =	vmul.f32 $6.103515630e-05, v22;
	v21 =	vadd.f32 v21, v32  }
0x1ef: {  	v55 =	vshra.s32 v31, $0x17;
	v58 =	vmul.f32 v30, v30;
	v46 =	vadd.f32 $-1.242014100e-01, v33  }
0x1f0: {  	v47 =	vmul.f32 v45, v30;
	v32 =	vmax.f32 v27, $1.000000000e-30;
	v21 =	vsub.f32 v21, v42  }
0x1f1: {  	v19 =	vnsel vm5, $0x0, v19;
	v48 =	vmul.f32 v46, v28;
	v49 =	vand.u32 $0x7FFFFF, v32  }
0x1f2: {  	v17 =	vadd.f32 $2.000071410e-01, v47;
	v50 =	vor.u32 $0x3F800000, v49;
	v21 =	vmul.f32 v21, v26  }
0x1f3: {  	v19 =	vadd.f32 v19, v35;
	v25 =	vadd.f32 $1.424932330e-01, v48;
	v52 =	vmul.f32 $5.000000000e-01, v50  }
0x1f4: {  	v51 =	vmul.f32 v17, v30;
	vm8 =	vgt.f32 v50, $1.414213540e+00;
	v17 =	vld [tilespmem:$0xC10];
	v21 =	vnsel vm7, $0x0, v21  }
0x1f5: {  	v25 =	vmul.f32 v25, v28;
	v53 =	vsel vm8, v52, v50;
	v35 =	vadd.f32 v21, v19  }
0x1f6: {  	v56 =	vsel vm9, $0x1, v1;
	v19 =	vadd.f32 $-2.499999400e-01, v51;
	v33 =	vadd.f32 $-1.000000000e+00, v53  }
0x1f7: {  	v62 =	vmul.f32 v28, v28;
	v34 =	vmul.f32 $5.000000000e-01, v58;
	v25 =	vadd.f32 $-1.666805740e-01, v25  }
0x1f8: {  	vm9 =	vgt.f32 v24, $0.0e+00;
	v19 =	vmul.f32 v19, v30;
	v57 =	vmul.f32 $7.037683580e-02, v33  }
0x1f9: {  	v26 =	vadd.f32 v54, v29;
	v25 =	vmul.f32 v25, v28;
	v21 =	vmul.f32 $6.103515630e-05, v17  }
0x1fa: {  	v46 =	vsel vm4, $0x1, v1;
	v19 =	vadd.f32 $3.333333130e-01, v19;
	v31 =	vadd.f32 $-1.151461010e-01, v57  }
0x1fb: {  	v29 =	vadd.s32 v56, v55;
	v25 =	vadd.f32 $2.000071410e-01, v25;
	v36 =	vmax.f32 v21, $1.000000000e-30  }
0x1fc: {  	v59 =	vand.u32 $0x7FFFFF, v36;
	v19 =	vmul.f32 v19, v30;
	v31 =	vmul.f32 v31, v33  }
0x1fd: {  	v29 =	vadd.s32 $0xFFFFFF81, v29;
	v25 =	vmul.f32 v25, v28;
	v38 =	vor.u32 $0x3F800000, v59  }
0x1fe: {  	v60 =	vmul.f32 $5.000000000e-01, v38;
	v19 =	vmul.f32 v19, v58;
	v31 =	vadd.f32 $1.167699840e-01, v31  }
0x1ff: {  	v40 =	vsel vm8, $0x1, v1;
	vm0 =	vgt.f32 v38, $1.414213540e+00;
	v25 =	vadd.f32 $-2.499999400e-01, v25  }
0x200: {  	v38 =	vsel vm0, v60, v38;
	v19 =	vsub.f32 v19, v34;
	v31 =	vmul.f32 v31, v33  }
0x201: {  	v29 =	vcvt.s32.f32 v29;
	vm7 =	vmand vm6, vm11;
	v38 =	vadd.f32 $-1.000000000e+00, v38  }
0x202: {  	v25 =	vmul.f32 v25, v28;
	v30 =	vadd.f32 v19, v30;
	v31 =	vadd.f32 $-1.242014100e-01, v31;
	v19 =	vld [tilespmem:$0xC80]  }
0x203: {  	vm8 =	vgt.f32 v22, $0.0e+00;
	v29 =	vmul.f32 $6.931471820e-01, v29;
	v63 =	vmul.f32 $7.037683580e-02, v38  }
0x204: {  	v61 =	vld [tilespmem:$0x1B80];
	v58 =	vsel vm9, $0x3F800000, v0;
	v25 =	vadd.f32 $3.333333130e-01, v25;
	v43 =	vmul.f32 v31, v33  }
0x205: {  	v41 =	vmul.f32 v33, v33;
	v26 =	vadd.f32 v58, v26;
	v45 =	vadd.f32 $-1.151461010e-01, v63  }
0x206: {  	v29 =	vadd.f32 v30, v29;
	v42 =	vmul.f32 v25, v28;
	v47 =	vadd.f32 $1.424932330e-01, v43  }
0x207: {  	v31 =	vadd.s32 v46, v44;
	v34 =	vmul.f32 v45, v38;
	v25 =	vmul.f32 $6.103515630e-05, v19  }
0x208: {  	v30 =	vmul.f32 $5.000000000e-01, v62;
	v31 =	vadd.s32 $0xFFFFFF81, v31;
	v48 =	vmul.f32 v47, v33  }
0x209: {  	v29 =	vsub.f32 v29, v61;
	v34 =	vadd.f32 $1.167699840e-01, v34;
	v39 =	vmax.f32 v25, $1.000000000e-30  }
0x20a: {  	v24 =	vmul.f32 v42, v62;
	v49 =	vadd.f32 $-1.666805740e-01, v48;
	v50 =	vand.u32 $0x7FFFFF, v39  }
0x20b: {  	v31 =	vcvt.s32.f32 v31;
	v34 =	vmul.f32 v34, v38;
	v37 =	vor.u32 $0x3F800000, v50  }
0x20c: {  	v51 =	vld [tilespmem:$0x1B90];
	v24 =	vsub.f32 v24, v30;
	v52 =	vmul.f32 v49, v33;
	v53 =	vmul.f32 $5.000000000e-01, v37  }
0x20d: {  	v31 =	vmul.f32 $6.931471820e-01, v31;
	v54 =	vadd.f32 $-1.242014100e-01, v34;
	vm10 =	vgt.f32 v37, $1.414213540e+00  }
0x20e: {  	v24 =	vadd.f32 v24, v28;
	v28 =	vadd.f32 $2.000071410e-01, v52;
	v30 =	vsel vm10, v53, v37  }
0x20f: {  	v20 =	vmul.f32 v29, v20;
	v29 =	vmul.f32 v54, v38;
	v30 =	vadd.f32 $-1.000000000e+00, v30  }
0x210: {  	v47 =	vnsel vm6, $0x0, v8;
	v24 =	vadd.f32 v24, v31;
	v57 =	vmul.f32 v28, v33  }
0x211: {  	v48 =	vadd.f32 v47, v26;
	v29 =	vadd.f32 $1.424932330e-01, v29;
	v59 =	vmul.f32 $7.037683580e-02, v30  }
0x212: {  	v20 =	vnsel vm9, $0x0, v20;
	v56 =	vsub.f32 v24, v51;
	v60 =	vadd.f32 $-2.499999400e-01, v57  }
0x213: {  	v55 =	vadd.f32 v20, v35;
	v20 =	vld [tilespmem:$0xC90];
	v61 =	vmul.f32 v29, v38;
	v62 =	vadd.f32 $-1.151461010e-01, v59  }
0x214: {  	vm9 =	vgt.f32 v17, $0.0e+00;
	v18 =	vmul.f32 v56, v23;
	v23 =	vmul.f32 v60, v33  }
0x215: {  	v37 =	vshra.s32 v32, $0x17;
	v24 =	vadd.f32 $-1.666805740e-01, v61;
	v63 =	vmul.f32 v62, v30  }
0x216: {  	v32 =	vmul.f32 $5.000000000e-01, v41;
	v52 =	vmul.f32 v38, v38;
	v23 =	vadd.f32 $3.333333130e-01, v23  }
0x217: {  	v54 =	vshra.s32 v36, $0x17;
	v24 =	vmul.f32 v24, v38;
	v28 =	vadd.f32 $1.167699840e-01, v63  }
0x218: {  	vm15 =	vgt.f32 v20, $0.0e+00;
	v42 =	vmul.f32 v23, v33;
	v23 =	vmul.f32 $6.103515630e-05, v20  }
0x219: {  	v29 =	vadd.s32 v40, v37;
	v24 =	vadd.f32 $2.000071410e-01, v24;
	v28 =	vmul.f32 v28, v30  }
0x21a: {  	v29 =	vadd.s32 $0xFFFFFF81, v29;
	v31 =	vmul.f32 v42, v41;
	v34 =	vmax.f32 v23, $1.000000000e-30  }
0x21b: {  	v24 =	vmul.f32 v24, v38;
	v28 =	vadd.f32 $-1.242014100e-01, v28;
	v43 =	vand.u32 $0x7FFFFF, v34  }
0x21c: {  	v29 =	vcvt.s32.f32 v29;
	v31 =	vsub.f32 v31, v32;
	v44 =	vor.u32 $0x3F800000, v43  }
0x21d: {  	v24 =	vadd.f32 $-2.499999400e-01, v24;
	v28 =	vmul.f32 v28, v30;
	v46 =	vmul.f32 $5.000000000e-01, v44  }
0x21e: {  	v29 =	vmul.f32 $6.931471820e-01, v29;
	vm1 =	vgt.f32 v44, $1.414213540e+00;
	v31 =	vadd.f32 v31, v33  }
0x21f: {  	v45 =	vld [tilespmem:$0x1C00];
	v24 =	vmul.f32 v24, v38;
	v28 =	vadd.f32 $1.424932330e-01, v28;
	v32 =	vsel vm1, v46, v44  }
0x220: {  	v18 =	vnsel vm7, $0x0, v18;
	v29 =	vadd.f32 v31, v29;
	v31 =	vadd.f32 $-1.000000000e+00, v32  }
0x221: {  	v40 =	vnsel vm15, $0x0, v10;
	v24 =	vadd.f32 $3.333333130e-01, v24;
	v49 =	vmul.f32 v28, v30  }
0x222: {  	v18 =	vadd.f32 v18, v55;
	v55 =	vsel vm0, $0x1, v1;
	v51 =	vmul.f32 $7.037683580e-02, v31  }
0x223: {  	v60 =	vsel vm8, $0x3F800000, v0;
	v53 =	vmul.f32 v24, v38;
	v24 =	vld [tilespmem:$0xD00];
	v26 =	vadd.f32 $-1.666805740e-01, v49  }
0x224: {  	v63 =	vmul.f32 v30, v30;
	v50 =	vsub.f32 v29, v45;
	v28 =	vadd.f32 $-1.151461010e-01, v51  }
0x225: {  	v62 =	vshra.s32 v39, $0x17;
	v29 =	vmul.f32 $5.000000000e-01, v52;
	v26 =	vmul.f32 v26, v30  }
0x226: {  	v42 =	vsel vm10, $0x1, v1;
	v22 =	vmul.f32 v50, v27;
	v28 =	vmul.f32 v28, v31  }
0x227: {  	v33 =	vmul.f32 v53, v52;
	v27 =	vadd.s32 v55, v54;
	v56 =	vadd.f32 $2.000071410e-01, v26  }
0x228: {  	v22 =	vnsel vm8, $0x0, v22;
	v26 =	vmul.f32 $6.103515630e-05, v24;
	v28 =	vadd.f32 $1.167699840e-01, v28  }
0x229: {  	v27 =	vadd.s32 $0xFFFFFF81, v27;
	v22 =	vadd.f32 v22, v18;
	v57 =	vmul.f32 v56, v30  }
0x22a: {  	v18 =	vcvt.s32.f32 v27;
	v35 =	vmax.f32 v26, $1.000000000e-30;
	v28 =	vmul.f32 v28, v31  }
0x22b: {  	v29 =	vsub.f32 v33, v29;
	v59 =	vand.u32 $0x7FFFFF, v35;
	v27 =	vadd.f32 $-2.499999400e-01, v57  }
0x22c: {  	v18 =	vmul.f32 $6.931471820e-01, v18;
	v36 =	vor.u32 $0x3F800000, v59;
	v28 =	vadd.f32 $-1.242014100e-01, v28  }
0x22d: {  	v29 =	vadd.f32 v29, v38;
	v61 =	vmul.f32 $5.000000000e-01, v36;
	v27 =	vmul.f32 v27, v30  }
0x22e: {  	v58 =	vld [tilespmem:$0x1C10];
	vm10 =	vmand vm9, vm12;
	vm2 =	vgt.f32 v36, $1.414213540e+00;
	v28 =	vmul.f32 v28, v31  }
0x22f: {  	v18 =	vadd.f32 v29, v18;
	v29 =	vsel vm2, v61, v36;
	v27 =	vadd.f32 $3.333333130e-01, v27  }
0x230: {  	vm12 =	vgt.f32 v19, $0.0e+00;
	v29 =	vadd.f32 $-1.000000000e+00, v29;
	v28 =	vadd.f32 $1.424932330e-01, v28  }
0x231: {  	v34 =	vshra.s32 v34, $0x17;
	v32 =	vadd.f32 v60, v48;
	v27 =	vmul.f32 v27, v30  }
0x232: {  	v33 =	vadd.s32 v42, v62;
	v44 =	vmul.f32 $7.037683580e-02, v29;
	v43 =	vmul.f32 v28, v31;
	v28 =	vld [tilespmem:$0xD10]  }
0x233: {  	v18 =	vsub.f32 v18, v58;
	v36 =	vmul.f32 $5.000000000e-01, v63;
	v27 =	vmul.f32 v27, v63  }
0x234: {  	v55 =	vnsel vm9, $0x0, v9;
	v33 =	vadd.s32 $0xFFFFFF81, v33;
	v46 =	vadd.f32 $-1.151461010e-01, v44  }
0x235: {  	v47 =	vcvt.s32.f32 v33;
	v21 =	vmul.f32 v18, v21;
	v18 =	vsub.f32 v27, v36  }
0x236: {  	v32 =	vadd.f32 v55, v32;
	v45 =	vadd.f32 $-1.666805740e-01, v43;
	v49 =	vmul.f32 v46, v29  }
0x237: {  	v27 =	vmul.f32 $6.931471820e-01, v47;
	v30 =	vadd.f32 v18, v30;
	v18 =	vmul.f32 $6.103515630e-05, v28  }
0x238: {  	v17 =	vld [tilespmem:$0x1C80];
	vm8 =	vmand vm15, vm13;
	v48 =	vmul.f32 v45, v31;
	v36 =	vadd.f32 $1.167699840e-01, v49  }
0x239: {  	vm9 =	vgt.f32 v24, $0.0e+00;
	v27 =	vadd.f32 v30, v27;
	v30 =	vmax.f32 v18, $1.000000000e-30  }
0x23a: {  	v33 =	vadd.f32 $2.000071410e-01, v48;
	v36 =	vmul.f32 v36, v29;
	v50 =	vand.u32 $0x7FFFFF, v30  }
0x23b: {  	v59 =	vmul.f32 v31, v31;
	v21 =	vnsel vm10, $0x0, v21;
	v51 =	vor.u32 $0x3F800000, v50  }
0x23c: {  	v33 =	vmul.f32 v33, v31;
	v53 =	vadd.f32 $-1.242014100e-01, v36;
	v54 =	vmul.f32 $5.000000000e-01, v51  }
0x23d: {  	v21 =	vadd.f32 v21, v22;
	v22 =	vld [tilespmem:$0xD80];
	v17 =	vsub.f32 v27, v17;
	vm11 =	vgt.f32 v51, $1.414213540e+00  }
0x23e: {  	v52 =	vadd.f32 $-2.499999400e-01, v33;
	v57 =	vmul.f32 v53, v29;
	v58 =	vsel vm11, v54, v51  }
0x23f: {  	v61 =	vsel vm1, $0x1, v1;
	v17 =	vmul.f32 v17, v25;
	v19 =	vadd.f32 $-1.000000000e+00, v58  }
0x240: {  	v34 =	vadd.s32 v61, v34;
	v56 =	vmul.f32 v52, v31;
	v27 =	vadd.f32 $1.424932330e-01, v57  }
0x241: {  	v34 =	vadd.s32 $0xFFFFFF81, v34;
	v17 =	vnsel vm12, $0x0, v17;
	v33 =	vmul.f32 $7.037683580e-02, v19  }
0x242: {  	v25 =	vadd.f32 $3.333333130e-01, v56;
	v60 =	vmul.f32 v27, v29;
	v27 =	vmul.f32 $6.103515630e-05, v22  }
0x243: {  	v34 =	vcvt.s32.f32 v34;
	v17 =	vadd.f32 v17, v21;
	v33 =	vadd.f32 $-1.151461010e-01, v33  }
0x244: {  	v25 =	vmul.f32 v25, v31;
	v36 =	vadd.f32 $-1.666805740e-01, v60;
	v37 =	vmax.f32 v27, $1.000000000e-30  }
0x245: {  	v21 =	vmul.f32 $5.000000000e-01, v59;
	v62 =	vand.u32 $0x7FFFFF, v37;
	v33 =	vmul.f32 v33, v19  }
0x246: {  	v25 =	vmul.f32 v25, v59;
	v36 =	vmul.f32 v36, v29;
	v42 =	vor.u32 $0x3F800000, v62  }
0x247: {  	v44 =	vmul.f32 $6.931471820e-01, v34;
	v38 =	vmul.f32 $5.000000000e-01, v42;
	v63 =	vadd.f32 $1.167699840e-01, v33  }
0x248: {  	v21 =	vsub.f32 v25, v21;
	vm3 =	vgt.f32 v42, $1.414213540e+00;
	v36 =	vadd.f32 $2.000071410e-01, v36  }
0x249: {  	v43 =	vld [tilespmem:$0x1C90];
	v47 =	vsel vm12, $0x3F800000, v0;
	v33 =	vsel vm3, v38, v42;
	v25 =	vmul.f32 v63, v19  }
0x24a: {  	v21 =	vadd.f32 v21, v31;
	v45 =	vmul.f32 v36, v29;
	v36 =	vadd.f32 $-1.000000000e+00, v33  }
0x24b: {  	v55 =	vsel vm2, $0x1, v1;
	v32 =	vadd.f32 v47, v32;
	v25 =	vadd.f32 $-1.242014100e-01, v25  }
0x24c: {  	v21 =	vadd.f32 v21, v44;
	v46 =	vadd.f32 $-2.499999400e-01, v45;
	v48 =	vmul.f32 $7.037683580e-02, v36  }
0x24d: {  	vm10 =	vgt.f32 v28, $0.0e+00;
	v32 =	vadd.f32 v40, v32;
	v25 =	vmul.f32 v25, v19  }
0x24e: {  	v21 =	vsub.f32 v21, v43;
	v31 =	vmul.f32 v46, v29;
	v49 =	vadd.f32 $-1.151461010e-01, v48  }
0x24f: {  	v53 =	vshra.s32 v35, $0x17;
	v54 =	vmul.f32 v29, v29;
	v25 =	vadd.f32 $1.424932330e-01, v25  }
0x250: {  	v50 =	vmul.f32 v21, v23;
	v23 =	vld [tilespmem:$0xD90];
	v51 =	vadd.f32 $3.333333130e-01, v31;
	v52 =	vmul.f32 v49, v36  }
0x251: {  	v34 =	vmul.f32 $5.000000000e-01, v54;
	v33 =	vadd.s32 v55, v53;
	v25 =	vmul.f32 v25, v19  }
0x252: {  	v33 =	vadd.s32 $0xFFFFFF81, v33;
	v21 =	vmul.f32 v51, v29;
	v31 =	vadd.f32 $1.167699840e-01, v52  }
0x253: {  	v33 =	vcvt.s32.f32 v33;
	v55 =	vmul.f32 v36, v36;
	v25 =	vadd.f32 $-1.666805740e-01, v25  }
0x254: {  	v47 =	vshra.s32 v30, $0x17;
	v21 =	vmul.f32 v21, v54;
	v31 =	vmul.f32 v31, v36  }
0x255: {  	v53 =	vshra.s32 v37, $0x17;
	v56 =	vmul.f32 v25, v19;
	v25 =	vmul.f32 $6.103515630e-05, v23  }
0x256: {  	v43 =	vmul.f32 v19, v19;
	v58 =	vmul.f32 $6.931471820e-01, v33;
	v31 =	vadd.f32 $-1.242014100e-01, v31  }
0x257: {  	v33 =	vsel vm9, $0x3F800000, v0;
	v21 =	vsub.f32 v21, v34;
	v38 =	vmax.f32 v25, $1.000000000e-30  }
0x258: {  	v35 =	vadd.f32 $2.000071410e-01, v56;
	v31 =	vmul.f32 v31, v36;
	v60 =	vand.u32 $0x7FFFFF, v38  }
0x259: {  	v57 =	vld [tilespmem:$0x1D00];
	v33 =	vadd.f32 v33, v32;
	v21 =	vadd.f32 v21, v29;
	v62 =	vor.u32 $0x3F800000, v60  }
0x25a: {  	v59 =	vmul.f32 v35, v19;
	v31 =	vadd.f32 $1.424932330e-01, v31;
	v39 =	vmul.f32 $5.000000000e-01, v62  }
0x25b: {  	v20 =	vnsel vm8, $0x0, v50;
	v61 =	vadd.f32 v21, v58;
	vm1 =	vgt.f32 v62, $1.414213540e+00  }
0x25c: {  	v63 =	vadd.f32 $-2.499999400e-01, v59;
	v31 =	vmul.f32 v31, v36;
	v21 =	vsel vm1, v39, v62  }
0x25d: {  	v24 =	vmul.f32 $5.000000000e-01, v43;
	v17 =	vadd.f32 v20, v17;
	v39 =	vadd.f32 $-1.000000000e+00, v21  }
0x25e: {  	v20 =	vsub.f32 v61, v57;
	v29 =	vmul.f32 v63, v19;
	v42 =	vadd.f32 $-1.666805740e-01, v31  }
0x25f: {  	v49 =	vsel vm11, $0x1, v1;
	vm11 =	vmand vm10, vm14;
	v44 =	vmul.f32 $7.037683580e-02, v39  }
0x260: {  	v20 =	vmul.f32 v20, v26;
	v41 =	vadd.f32 $3.333333130e-01, v29;
	v26 =	vmul.f32 v42, v36  }
0x261: {  	vm12 =	vgt.f32 v23, $0.0e+00;
	v56 =	vsel vm3, $0x1, v1;
	v21 =	vld [tilespmem:$0xE00];
	v46 =	vadd.f32 $-1.151461010e-01, v44  }
0x262: {  	v20 =	vnsel vm9, $0x0, v20;
	v45 =	vmul.f32 v41, v19;
	v26 =	vadd.f32 $2.000071410e-01, v26  }
0x263: {  	v29 =	vadd.s32 v49, v47;
	v17 =	vadd.f32 v20, v17;
	v20 =	vmul.f32 v46, v39  }
0x264: {  	v29 =	vadd.s32 $0xFFFFFF81, v29;
	v48 =	vmul.f32 v45, v43;
	v26 =	vmul.f32 v26, v36  }
0x265: {  	v38 =	vshra.s32 v38, $0x17;
	v29 =	vcvt.s32.f32 v29;
	v20 =	vadd.f32 $1.167699840e-01, v20  }
0x266: {  	v30 =	vsub.f32 v48, v24;
	v26 =	vadd.f32 $-2.499999400e-01, v26;
	v24 =	vmul.f32 $6.103515630e-05, v21  }
0x267: {  	v57 =	vmul.f32 $5.000000000e-01, v55;
	vm9 =	vgt.f32 v22, $0.0e+00;
	v20 =	vmul.f32 v20, v39  }
0x268: {  	v50 =	vmul.f32 $6.931471820e-01, v29;
	v26 =	vmul.f32 v26, v36;
	v34 =	vmax.f32 v24, $1.000000000e-30  }
0x269: {  	v19 =	vadd.f32 v30, v19;
	v51 =	vand.u32 $0x7FFFFF, v34;
	v20 =	vadd.f32 $-1.242014100e-01, v20  }
0x26a: {  	v30 =	vadd.s32 v56, v53;
	v52 =	vadd.f32 $3.333333130e-01, v26;
	v29 =	vor.u32 $0x3F800000, v51;
	v26 =	vld [tilespmem:$0xE10]  }
0x26b: {  	v58 =	vld [tilespmem:$0x1D10];
	v30 =	vadd.s32 $0xFFFFFF81, v30;
	v54 =	vmul.f32 $5.000000000e-01, v29;
	v20 =	vmul.f32 v20, v39  }
0x26c: {  	v19 =	vadd.f32 v19, v50;
	vm15 =	vgt.f32 v29, $1.414213540e+00;
	v28 =	vmul.f32 v52, v36  }
0x26d: {  	v30 =	vcvt.s32.f32 v30;
	v29 =	vsel vm15, v54, v29;
	v20 =	vadd.f32 $1.424932330e-01, v20  }
0x26e: {  	v51 =	vmul.f32 v39, v39;
	v28 =	vmul.f32 v28, v55;
	v35 =	vadd.f32 $-1.000000000e+00, v29  }
0x26f: {  	vm14 =	vgt.f32 v21, $0.0e+00;
	v29 =	vmul.f32 $6.103515630e-05, v26;
	v20 =	vmul.f32 v20, v39  }
0x270: {  	v30 =	vmul.f32 $6.931471820e-01, v30;
	v19 =	vsub.f32 v19, v58;
	v59 =	vmul.f32 $7.037683580e-02, v35  }
0x271: {  	v28 =	vsub.f32 v28, v57;
	v37 =	vmax.f32 v29, $1.000000000e-30;
	v20 =	vadd.f32 $-1.666805740e-01, v20  }
0x272: {  	v60 =	vld [tilespmem:$0x1D80];
	v42 =	vmul.f32 $5.000000000e-01, v51;
	v31 =	vadd.f32 $-1.151461010e-01, v59;
	v61 =	vand.u32 $0x7FFFFF, v37  }
0x273: {  	v28 =	vadd.f32 v28, v36;
	v36 =	vor.u32 $0x3F800000, v61;
	v20 =	vmul.f32 v20, v39  }
0x274: {  	v34 =	vshra.s32 v34, $0x17;
	v62 =	vmul.f32 v31, v35;
	v63 =	vmul.f32 $5.000000000e-01, v36  }
0x275: {  	v18 =	vmul.f32 v19, v18;
	v28 =	vadd.f32 v28, v30;
	vm8 =	vgt.f32 v36, $1.414213540e+00;
	v31 =	vld [tilespmem:$0xE80]  }
0x276: {  	v20 =	vadd.f32 $2.000071410e-01, v20;
	v44 =	vadd.f32 $1.167699840e-01, v62;
	v19 =	vsel vm8, v63, v36  }
0x277: {  	v37 =	vshra.s32 v37, $0x17;
	v28 =	vsub.f32 v28, v60;
	v36 =	vadd.f32 $-1.000000000e+00, v19  }
0x278: {  	v62 =	vld [tilespmem:$0x1FFB0];
	v19 =	vnsel vm11, $0x0, v18;
	v18 =	vnsel vm10, $0x0, v11;
	v20 =	vmul.f32 v20, v39  }
0x279: {  	v30 =	vmul.f32 v44, v35;
	v28 =	vmul.f32 v28, v27;
	v17 =	vadd.f32 v19, v17  }
0x27a: {  	v18 =	vadd.f32 v18, v33;
	v46 =	vmul.f32 $7.037683580e-02, v36;
	v27 =	vmul.f32 $6.103515630e-05, v31  }
0x27b: {  	v63 =	vmul.f32 v35, v35;
	v45 =	vadd.f32 $-2.499999400e-01, v20;
	v47 =	vadd.f32 $-1.242014100e-01, v30  }
0x27c: {  	v20 =	vnsel vm9, $0x0, v28;
	v49 =	vadd.f32 $-1.151461010e-01, v46;
	v40 =	vmax.f32 v27, $1.000000000e-30  }
0x27d: {  	vm13 =	vnez.u8 v62;
	v17 =	vadd.f32 v20, v17;
	v48 =	vmul.f32 v45, v39  }
0x27e: {  	v22 =	vmul.f32 v47, v35;
	v50 =	vand.u32 $0x7FFFFF, v40;
	v45 =	vsel vm1, $0x1, v1  }
0x27f: {  	vm4 =	vmand vm12, vm13;
	v30 =	vmul.f32 v49, v36;
	v41 =	vor.u32 $0x3F800000, v50  }
0x280: {  	v38 =	vadd.s32 v45, v38;
	v28 =	vadd.f32 $3.333333130e-01, v48;
	v22 =	vadd.f32 $1.424932330e-01, v22  }
0x281: {  	v44 =	vmul.f32 $5.000000000e-01, v41;
	v38 =	vadd.s32 $0xFFFFFF81, v38;
	v43 =	vadd.f32 $1.167699840e-01, v30;
	v30 =	vld [tilespmem:$0xE90]  }
0x282: {  	vm10 =	vgt.f32 v41, $1.414213540e+00;
	v38 =	vcvt.s32.f32 v38;
	v28 =	vmul.f32 v28, v39  }
0x283: {  	v22 =	vmul.f32 v22, v35;
	v41 =	vsel vm10, v44, v41;
	v43 =	vmul.f32 v43, v36  }
0x284: {  	v41 =	vadd.f32 $-1.000000000e+00, v41;
	v38 =	vmul.f32 $6.931471820e-01, v38;
	v28 =	vmul.f32 v28, v51  }
0x285: {  	v52 =	vadd.f32 $-1.666805740e-01, v22;
	v22 =	vsel vm9, $0x3F800000, v0;
	v43 =	vadd.f32 $-1.242014100e-01, v43  }
0x286: {  	v53 =	vmul.f32 $7.037683580e-02, v41;
	v42 =	vsub.f32 v28, v42;
	v28 =	vmul.f32 $6.103515630e-05, v30  }
0x287: {  	vm9 =	vgt.f32 v31, $0.0e+00;
	v18 =	vadd.f32 v22, v18;
	v44 =	vmul.f32 v52, v35  }
0x288: {  	v43 =	vmul.f32 v43, v36;
	v54 =	vadd.f32 $-1.151461010e-01, v53;
	v45 =	vmax.f32 v28, $1.000000000e-30  }
0x289: {  	v52 =	vmul.f32 $5.000000000e-01, v63;
	v39 =	vadd.f32 v42, v39;
	v47 =	vand.u32 $0x7FFFFF, v45  }
0x28a: {  	v46 =	vld [tilespmem:$0x1D90];
	v43 =	vadd.f32 $1.424932330e-01, v43;
	v42 =	vmul.f32 v54, v41;
	v47 =	vor.u32 $0x3F800000, v47  }
0x28b: {  	v53 =	vsel vm15, $0x1, v1;
	v44 =	vadd.f32 $2.000071410e-01, v44;
	v56 =	vmul.f32 $5.000000000e-01, v47  }
0x28c: {  	v43 =	vmul.f32 v43, v36;
	v55 =	vadd.f32 $1.167699840e-01, v42;
	vm11 =	vgt.f32 v47, $1.414213540e+00  }
0x28d: {  	v34 =	vadd.s32 v53, v34;
	v38 =	vadd.f32 v39, v38;
	v42 =	vsel vm11, v56, v47  }
0x28e: {  	v43 =	vadd.f32 $-1.666805740e-01, v43;
	v39 =	vmul.f32 v55, v41;
	v42 =	vadd.f32 $-1.000000000e+00, v42  }
0x28f: {  	v34 =	vadd.s32 $0xFFFFFF81, v34;
	v44 =	vmul.f32 v44, v35;
	v38 =	vsub.f32 v38, v46  }
0x290: {  	v43 =	vmul.f32 v43, v36;
	v58 =	vadd.f32 $-1.242014100e-01, v39;
	v61 =	vmul.f32 $7.037683580e-02, v42  }
0x291: {  	v54 =	vmul.f32 v36, v36;
	v44 =	vadd.f32 $-2.499999400e-01, v44;
	v57 =	vmul.f32 v38, v25  }
0x292: {  	v60 =	vadd.f32 $2.000071410e-01, v43;
	v25 =	vmul.f32 v58, v41;
	v43 =	vadd.f32 $-1.151461010e-01, v61  }
0x293: {  	vm15 =	vgt.f32 v26, $0.0e+00;
	v34 =	vcvt.s32.f32 v34;
	v44 =	vmul.f32 v44, v35  }
0x294: {  	v39 =	vmul.f32 v60, v36;
	v48 =	vadd.f32 $1.424932330e-01, v25;
	v51 =	vmul.f32 v43, v42  }
0x295: {  	v34 =	vmul.f32 $6.931471820e-01, v34;
	v46 =	vshra.s32 v40, $0x17;
	v59 =	vadd.f32 $3.333333130e-01, v44  }
0x296: {  	v50 =	vadd.f32 $-2.499999400e-01, v39;
	v23 =	vmul.f32 v48, v41;
	v39 =	vadd.f32 $1.167699840e-01, v51  }
0x297: {  	v56 =	vsel vm8, $0x1, v1;
	v47 =	vsel vm10, $0x1, v1;
	v38 =	vmul.f32 v59, v35  }
0x298: {  	v37 =	vadd.s32 v56, v37;
	v23 =	vadd.f32 $-1.666805740e-01, v23;
	v39 =	vmul.f32 v39, v42  }
0x299: {  	v56 =	vshra.s32 v45, $0x17;
	v49 =	vmul.f32 v38, v63;
	v38 =	vmul.f32 v50, v36  }
0x29a: {  	v32 =	vnsel vm4, $0x0, v57;
	v23 =	vmul.f32 v23, v41;
	v39 =	vadd.f32 $-1.242014100e-01, v39  }
0x29b: {  	v57 =	vadd.s32 $0xFFFFFF81, v37;
	v44 =	vmul.f32 v41, v41;
	v38 =	vadd.f32 $3.333333130e-01, v38  }
0x29c: {  	v25 =	vsub.f32 v49, v52;
	v23 =	vadd.f32 $2.000071410e-01, v23;
	v39 =	vmul.f32 v39, v42  }
0x29d: {  	v55 =	vld [tilespmem:$0x1E00];
	v17 =	vadd.f32 v32, v17;
	v59 =	vcvt.s32.f32 v57;
	v38 =	vmul.f32 v38, v36  }
0x29e: {  	v25 =	vadd.f32 v25, v35;
	v23 =	vmul.f32 v23, v41;
	v58 =	vadd.f32 $1.424932330e-01, v39  }
0x29f: {  	v57 =	vsel vm11, $0x1, v1;
	v35 =	vmul.f32 $5.000000000e-01, v54;
	v38 =	vmul.f32 v38, v54  }
0x2a0: {  	v43 =	vld [tilespmem:$0x1FFC0];
	v25 =	vadd.f32 v25, v34;
	v23 =	vadd.f32 $-2.499999400e-01, v23;
	v37 =	vmul.f32 v58, v42  }
0x2a1: {  	v26 =	vmul.f32 $5.000000000e-01, v44;
	v31 =	vadd.s32 v57, v56;
	v35 =	vsub.f32 v38, v35  }
0x2a2: {  	v60 =	vld [tilespmem:$0x1E10];
	v25 =	vsub.f32 v25, v55;
	v23 =	vmul.f32 v23, v41;
	v63 =	vadd.f32 $-1.666805740e-01, v37  }
0x2a3: {  	v61 =	vmul.f32 $6.931471820e-01, v59;
	v31 =	vadd.s32 $0xFFFFFF81, v31;
	v35 =	vadd.f32 v35, v36  }
0x2a4: {  	v21 =	vld [tilespmem:$0xF00];
	v62 =	vmul.f32 v25, v24;
	v23 =	vadd.f32 $3.333333130e-01, v23;
	v24 =	vmul.f32 v63, v42  }
0x2a5: {  	v31 =	vcvt.s32.f32 v31;
	vm8 =	vnez.u8 v43;
	v35 =	vadd.f32 v35, v61  }
0x2a6: {  	v34 =	vnsel vm12, $0x0, v12;
	v23 =	vmul.f32 v23, v41;
	v24 =	vadd.f32 $2.000071410e-01, v24  }
0x2a7: {  	vm4 =	vmand vm15, vm8;
	v18 =	vadd.f32 v34, v18;
	v25 =	vsub.f32 v35, v60  }
0x2a8: {  	v38 =	vsel vm14, $0x3F800000, v0;
	v23 =	vmul.f32 v23, v44;
	v49 =	vmul.f32 v24, v42  }
0x2a9: {  	v35 =	vadd.s32 v47, v46;
	v25 =	vmul.f32 v25, v29;
	v24 =	vmul.f32 $6.103515630e-05, v21  }
0x2aa: {  	v48 =	vadd.s32 $0xFFFFFF81, v35;
	v23 =	vsub.f32 v23, v26;
	v51 =	vadd.f32 $-2.499999400e-01, v49  }
0x2ab: {  	v53 =	vld [tilespmem:$0x1E80];
	v50 =	vcvt.s32.f32 v48;
	v39 =	vnsel vm4, $0x0, v25;
	v40 =	vmax.f32 v24, $1.000000000e-30  }
0x2ac: {  	v52 =	vadd.f32 v23, v41;
	v23 =	vld [tilespmem:$0xF10];
	v54 =	vand.u32 $0x7FFFFF, v40;
	v25 =	vmul.f32 v51, v42  }
0x2ad: {  	v58 =	vmul.f32 v42, v42;
	v26 =	vmul.f32 $6.931471820e-01, v50;
	v55 =	vor.u32 $0x3F800000, v54  }
0x2ae: {  	v18 =	vadd.f32 v38, v18;
	v36 =	vmul.f32 $5.000000000e-01, v55;
	v25 =	vadd.f32 $3.333333130e-01, v25  }
0x2af: {  	v37 =	vnsel vm14, $0x0, v62;
	v29 =	vadd.f32 v52, v26;
	vm2 =	vgt.f32 v55, $1.414213540e+00  }
0x2b0: {  	v17 =	vadd.f32 v37, v17;
	v36 =	vsel vm2, v36, v55;
	v25 =	vmul.f32 v25, v42  }
0x2b1: {  	v29 =	vsub.f32 v29, v53;
	v26 =	vmul.f32 $6.103515630e-05, v23;
	v35 =	vadd.f32 $-1.000000000e+00, v36  }
0x2b2: {  	v44 =	vmul.f32 $5.000000000e-01, v58;
	vm4 =	vgt.f32 v30, $0.0e+00;
	v59 =	vmul.f32 v25, v58;
	v25 =	vld [tilespmem:$0xF80]  }
0x2b3: {  	v29 =	vmul.f32 v29, v27;
	v27 =	vld [tilespmem:$0xF90];
	v36 =	vmax.f32 v26, $1.000000000e-30;
	v60 =	vmul.f32 $7.037683580e-02, v35  }
0x2b4: {  	v17 =	vadd.f32 v39, v17;
	v41 =	vnsel vm15, $0x0, v13;
	v61 =	vand.u32 $0x7FFFFF, v36  }
0x2b5: {  	v43 =	vsub.f32 v59, v44;
	v62 =	vor.u32 $0x3F800000, v61;
	v45 =	vadd.f32 $-1.151461010e-01, v60  }
0x2b6: {  	v63 =	vld [tilespmem:$0x1E90];
	v52 =	vmul.f32 $6.931471820e-01, v31;
	v46 =	vmul.f32 $5.000000000e-01, v62;
	vm3 =	vgt.f32 v62, $1.414213540e+00  }
0x2b7: {  	v42 =	vadd.f32 v43, v42;
	v45 =	vmul.f32 v45, v35;
	v31 =	vmul.f32 $6.103515630e-05, v25  }
0x2b8: {  	v44 =	vsel vm3, v46, v62;
	v46 =	vnsel vm9, $0x0, v29;
	v29 =	vmul.f32 $6.103515630e-05, v27  }
0x2b9: {  	v30 =	vadd.f32 $-1.000000000e+00, v44;
	v42 =	vadd.f32 v42, v52;
	v44 =	vmax.f32 v31, $1.000000000e-30  }
0x2ba: {  	v53 =	vadd.f32 $1.167699840e-01, v45;
	v49 =	vmax.f32 v29, $1.000000000e-30;
	v48 =	vand.u32 $0x7FFFFF, v44  }
0x2bb: {  	v54 =	vmul.f32 $7.037683580e-02, v30;
	v42 =	vsub.f32 v42, v63;
	v55 =	vor.u32 $0x3F800000, v48  }
0x2bc: {  	v43 =	vmul.f32 v53, v35;
	v50 =	vand.u32 $0x7FFFFF, v49;
	v48 =	vmul.f32 $5.000000000e-01, v55  }
0x2bd: {  	v51 =	vld [tilespmem:$0x1FFD0];
	v56 =	vor.u32 $0x3F800000, v50;
	v45 =	vadd.f32 $-1.151461010e-01, v54;
	vm10 =	vgt.f32 v55, $1.414213540e+00  }
0x2be: {  	v28 =	vmul.f32 v42, v28;
	v57 =	vmul.f32 $5.000000000e-01, v56;
	v47 =	vsel vm10, v48, v55  }
0x2bf: {  	vm11 =	vgt.f32 v56, $1.414213540e+00;
	v45 =	vmul.f32 v45, v30;
	v42 =	vadd.f32 $-1.000000000e+00, v47  }
0x2c0: {  	v18 =	vadd.f32 v41, v18;
	v43 =	vadd.f32 $-1.242014100e-01, v43;
	v47 =	vsel vm11, v57, v56  }
0x2c1: {  	v45 =	vadd.f32 $1.167699840e-01, v45;
	v47 =	vadd.f32 $-1.000000000e+00, v47;
	v59 =	vmul.f32 $7.037683580e-02, v42  }
0x2c2: {  	vm8 =	vnez.u8 v51;
	v58 =	vsel vm9, $0x3F800000, v0;
	v43 =	vmul.f32 v43, v35  }
0x2c3: {  	v45 =	vmul.f32 v45, v30;
	v62 =	vmul.f32 $7.037683580e-02, v47;
	v48 =	vadd.f32 $-1.151461010e-01, v59  }
0x2c4: {  	v18 =	vadd.f32 v58, v18;
	vm14 =	vgt.f32 v27, $0.0e+00;
	v43 =	vadd.f32 $1.424932330e-01, v43  }
0x2c5: {  	v60 =	vadd.f32 $-1.242014100e-01, v45;
	v45 =	vadd.f32 $-1.151461010e-01, v62;
	v61 =	vmul.f32 v48, v42  }
0x2c6: {  	vm9 =	vmand vm4, vm8;
	v17 =	vadd.f32 v46, v17;
	v19 =	vmul.f32 v43, v35  }
0x2c7: {  	v53 =	vsel vm2, $0x1, v1;
	v52 =	vmul.f32 v45, v47;
	v33 =	vadd.f32 $1.167699840e-01, v61  }
0x2c8: {  	v49 =	vshra.s32 v49, $0x17;
	v19 =	vadd.f32 $-1.666805740e-01, v19;
	v63 =	vmul.f32 v60, v30  }
0x2c9: {  	v54 =	vsel vm3, $0x1, v1;
	v32 =	vadd.f32 $1.167699840e-01, v52;
	v51 =	vmul.f32 v33, v42  }
0x2ca: {  	v41 =	vsel vm10, $0x1, v1;
	v19 =	vmul.f32 v19, v35;
	v20 =	vadd.f32 $1.424932330e-01, v63  }
0x2cb: {  	v50 =	vsel vm11, $0x1, v1;
	v32 =	vmul.f32 v32, v47;
	v22 =	vadd.f32 $-1.242014100e-01, v51  }
0x2cc: {  	v28 =	vnsel vm9, $0x0, v28;
	v19 =	vadd.f32 $2.000071410e-01, v19;
	v20 =	vmul.f32 v20, v30  }
0x2cd: {  	v55 =	vshra.s32 v40, $0x17;
	v32 =	vadd.f32 $-1.242014100e-01, v32;
	v22 =	vmul.f32 v22, v42  }
0x2ce: {  	v34 =	vadd.s32 v50, v49;
	v19 =	vmul.f32 v19, v35;
	v20 =	vadd.f32 $-1.666805740e-01, v20  }
0x2cf: {  	v56 =	vmul.f32 v35, v35;
	v32 =	vmul.f32 v32, v47;
	v22 =	vadd.f32 $1.424932330e-01, v22  }
0x2d0: {  	v17 =	vadd.f32 v28, v17;
	v19 =	vadd.f32 $-2.499999400e-01, v19;
	v20 =	vmul.f32 v20, v30  }
0x2d1: {  	v34 =	vadd.s32 $0xFFFFFF81, v34;
	v32 =	vadd.f32 $1.424932330e-01, v32;
	v22 =	vmul.f32 v22, v42  }
0x2d2: {  	v58 =	vmul.f32 $5.000000000e-01, v56;
	v19 =	vmul.f32 v19, v35;
	v20 =	vadd.f32 $2.000071410e-01, v20  }
0x2d3: {  	v40 =	vmul.f32 v42, v42;
	v32 =	vmul.f32 v32, v47;
	v22 =	vadd.f32 $-1.666805740e-01, v22  }
0x2d4: {  	v59 =	vmul.f32 v30, v30;
	v19 =	vadd.f32 $3.333333130e-01, v19;
	v20 =	vmul.f32 v20, v30  }
0x2d5: {  	v48 =	vnsel vm4, $0x0, v14;
	v32 =	vadd.f32 $-1.666805740e-01, v32;
	v22 =	vmul.f32 v22, v42  }
0x2d6: {  	v18 =	vadd.f32 v48, v18;
	v19 =	vmul.f32 v19, v35;
	v20 =	vadd.f32 $-2.499999400e-01, v20  }
0x2d7: {  	v60 =	vshra.s32 v36, $0x17;
	v32 =	vmul.f32 v32, v47;
	v22 =	vadd.f32 $2.000071410e-01, v22  }
0x2d8: {  	v33 =	vadd.s32 v53, v55;
	v19 =	vmul.f32 v19, v56;
	v20 =	vmul.f32 v20, v30  }
0x2d9: {  	v57 =	vadd.s32 $0xFFFFFF81, v33;
	v32 =	vadd.f32 $2.000071410e-01, v32;
	v22 =	vmul.f32 v22, v42  }
0x2da: {  	v28 =	vcvt.s32.f32 v57;
	v19 =	vsub.f32 v19, v58;
	v20 =	vadd.f32 $3.333333130e-01, v20  }
0x2db: {  	v48 =	vmul.f32 v47, v47;
	v32 =	vmul.f32 v32, v47;
	v22 =	vadd.f32 $-2.499999400e-01, v22  }
0x2dc: {  	v28 =	vmul.f32 $6.931471820e-01, v28;
	v19 =	vadd.f32 v19, v35;
	v20 =	vmul.f32 v20, v30  }
0x2dd: {  	v61 =	vadd.s32 v54, v60;
	v32 =	vadd.f32 $-2.499999400e-01, v32;
	v22 =	vmul.f32 v22, v42  }
0x2de: {  	v33 =	vmul.f32 $5.000000000e-01, v59;
	v19 =	vadd.f32 v19, v28;
	v20 =	vmul.f32 v20, v59  }
0x2df: {  	v62 =	vld [tilespmem:$0x1F00];
	v28 =	vadd.s32 $0xFFFFFF81, v61;
	v32 =	vmul.f32 v32, v47;
	v22 =	vadd.f32 $3.333333130e-01, v22  }
0x2e0: {  	v63 =	vshra.s32 v44, $0x17;
	v28 =	vcvt.s32.f32 v28;
	v20 =	vsub.f32 v20, v33  }
0x2e1: {  	v44 =	vmul.f32 $5.000000000e-01, v40;
	v32 =	vadd.f32 $3.333333130e-01, v32;
	v22 =	vmul.f32 v22, v42  }
0x2e2: {  	v43 =	vadd.s32 v41, v63;
	v28 =	vmul.f32 $6.931471820e-01, v28;
	v20 =	vadd.f32 v20, v30  }
0x2e3: {  	v46 =	vld [tilespmem:$0x1F10];
	v45 =	vadd.s32 $0xFFFFFF81, v43;
	v32 =	vmul.f32 v32, v47;
	v22 =	vmul.f32 v22, v40  }
0x2e4: {  	v19 =	vsub.f32 v19, v62;
	v33 =	vmul.f32 $5.000000000e-01, v48;
	v20 =	vadd.f32 v20, v28  }
0x2e5: {  	v60 =	vld [tilespmem:$0x1FFE0];
	v28 =	vcvt.s32.f32 v45;
	v32 =	vmul.f32 v32, v48;
	v22 =	vsub.f32 v22, v44  }
0x2e6: {  	vm10 =	vgt.f32 v21, $0.0e+00;
	v53 =	vcvt.s32.f32 v34;
	v51 =	vld [tilespmem:$0x1F80];
	v19 =	vmul.f32 v19, v24  }
0x2e7: {  	v28 =	vmul.f32 $6.931471820e-01, v28;
	v52 =	vsub.f32 v32, v33;
	v22 =	vadd.f32 v22, v42  }
0x2e8: {  	vm11 =	vgt.f32 v23, $0.0e+00;
	v55 =	vld [tilespmem:$0x1F90];
	v56 =	vmul.f32 $6.931471820e-01, v53;
	v20 =	vsub.f32 v20, v46  }
0x2e9: {  	v63 =	vld [tilespmem:$0x1FFF0];
	v19 =	vnsel vm10, $0x0, v19;
	v24 =	vadd.f32 v52, v47;
	v54 =	vadd.f32 v22, v28  }
0x2ea: {  	vm12 =	vnez.u8 v60;
	v59 =	vsel vm10, $0x3F800000, v0;
	v17 =	vadd.f32 v19, v17  }
0x2eb: {  	v19 =	vmul.f32 v20, v26;
	v58 =	vadd.f32 v24, v56;
	v57 =	vsub.f32 v54, v51  }
0x2ec: {  	vm13 =	vgt.f32 v25, $0.0e+00;
	vm0 =	vmand vm11, vm12;
	v18 =	vadd.f32 v59, v18  }
0x2ed: {  	v19 =	vnsel vm0, $0x0, v19;
	v21 =	vsub.f32 v58, v55;
	v20 =	vmul.f32 v57, v31  }
0x2ee: {  	vm15 =	vnez.u8 v63;
	v61 =	vnsel vm11, $0x0, v15;
	v17 =	vadd.f32 v19, v17  }
0x2ef: {  	v18 =	vadd.f32 v61, v18;
	v62 =	vmul.f32 v21, v29;
	v19 =	vnsel vm13, $0x0, v20  }
0x2f0: {  	vm0 =	vmand vm14, vm15;
	v17 =	vadd.f32 v19, v17;
	v19 =	vsel vm13, $0x3F800000, v0  }
0x2f1: {  	v20 =	vnsel vm0, $0x0, v62;
	v18 =	vadd.f32 v19, v18  }
0x2f2: {  	v19 =	vnsel vm14, $0x0, v16;
	v17 =	vadd.f32 v20, v17  }
0x2f3: {  	v18 =	vadd.f32 v19, v18  }
0x2f4: {  	(xrf2) =	vadd.scan.msk.f32 $0xffff, v17  }
0x2f5: {  	(xrf2) =	vadd.scan.msk.f32 $0xffff, v18;
	_ =	sdelay $0x8  }
0x2f6: {  	v17, _, _ =	vpop (xrf2)  }
0x2f7: {  	v18, _, _ =	vpop (xrf2)  }
0x2f8: {  	v18 =	vbroadcast v18, $0xF;
	_ =	sdelay $0x1  }
0x2f9: {  	(erf) = vrcp.f32 v18;
	_ =	sdelay $0x7  }
0x2fa: {  	v17 =	vbroadcast v17, $0xF  }
0x2fb: {  	v18 =	vpop (erf)  }
0x2fc: {  	v17 =	vmul.f32 v17, v18  }
0x2fd: {  	p0 =	sne.s32 s5, $0x1  }
.Ltmp1:
0x2fe: {  	[tilespmem:$0x2000] =	vst v17;
	(pc) =	sbr.rel @p0 .LBB2_2-.Ltmp1, $4  }
0x2ff: {  	[hbm4b:s2+s6] =	stream.linear.scatter [tilespmem:s9], [sflag:$0x1], $0x80, $0x38;
	[tilespmem:$0x2080] =	vst v63  }
0x300: {  	_ =	swait.ge [sflag:s7], $0x80  }
0x301: {  	[sflag:s7] =	ssyncset.done $0x0  }
0x302: {  	s5 =	sadd.s32 $0xFFFFFFFF, s5;
	[sflag:s7] =	ssyncadd.s32 $0xFFFFFF80  }
.LBB2_3:
0x303: {  	_ =	sfence.sel $0x180000  }
0x304: {  	[bflag:$0x0] =	sbarrier.arrive $0xFFFF  }
0x305: {  	p0 =	sne.s32 s0, $0x0;
	_ =	strace $0x90000047  }
0x306: {  	s0 =	sadd.s32 @!p0 $0x100000, s1;
	[bflag:$0x2] =	sbarrier.arrive $0xFFFF  }
0x307: {  	[sflag:s0] =	ssyncadd.tile.s32 @!p0 $0x1;
	_ =	shalt  }
.Lfunc_end2:
_tile_overlayer_lowered:
.L_overlay_start_2:
0x308: {  	(tag) =	ssettag $0x2  }
0x309: {  	s0 =	rddreg [dreg:$0x0];
	s2 =	stileid.u32  }
0x30a: {  	s1 =	rddreg [dreg:$0x1];
	p0 =	sne.s32 s2, $0x0  }
0x30b: {  	s3 =	rddreg [dreg:$0x2];
	[bflag:$0x3] =	sbarrier.arrive $0xFFFF;
	s2 =	simm.s32 @!p0 $0x1C01  }
0x30c: {  	[timem:s3], [sflag:s2] =	dma.local @!p0 [hbm:s0], s1  }
0x30d: {  	s0 =	simm.s32 @!p0 $0x1  }
0x30e: {  	_ =	swait.ge @!p0 [sflag:s0], s1  }
0x30f: {  	s1 =	ssub.s32 @!p0 $0x0, s1;
	[sflag:s0] =	ssyncset.done @!p0 $0x0  }
0x310: {  	[sflag:s0] =	ssyncadd.s32 @!p0 s1  }
0x311: {  	[bflag:$0x3] =	sbarrier.arrive $0xFFFF  }
0x312: {  	_ =	shalt  }

</sc_bundles>
